<compile_context>
chip_gen: v7x
topology: tpu7x:2x2x1
jax: 0.10.2.dev20260603
libtpu: 0.0.44.dev20260713+nightly
codegen_flags: <defaults>
</compile_context>

<pallas_src>
import functools

import jax
import jax.numpy as jnp
from jax import lax
from jax.experimental import pallas as pl
from jax.experimental.pallas import tpu as pltpu
from jax.experimental.pallas import tpu_sc as plsc

N = 10000
E = 320000
DF = 128
H = 64
G = 64
P = 0.3

NC = 2
NS = 16
NW = NC * NS

CH = 128
EPT = E // NW
KB = 10
KCH = 80
KBCH = KB * CH
EPT_PAD = KCH * CH
NJ = EPT_PAD // KBCH
ACC_ROWS = 10240
ZROWS = ACC_ROWS // NS
PAD_DST = N

_mesh = plsc.VectorSubcoreMesh(core_axis_name="c", subcore_axis_name="s")
_sc_params = pltpu.CompilerParams(use_tc_tiling_on_sc=False)


@functools.partial(
    pl.kernel,
    out_type=jax.ShapeDtypeStruct((NC, ACC_ROWS, 16), jnp.float32),
    mesh=_mesh,
    scratch_types=[
        pltpu.VMEM((NJ, KBCH), jnp.int32),
        pltpu.VMEM((KBCH, 16), jnp.float32),
        pltpu.VMEM_SHARED((ACC_ROWS, 16), jnp.float32),
    ],
    compiler_params=_sc_params,
)
def _sc_deg(dst_hbm, ones_hbm, zeros16_hbm, out_hbm, idx_v, ones_v, acc):
    c = lax.axis_index("c")
    s = lax.axis_index("s")
    wid = c * NS + s
    pltpu.sync_copy(zeros16_hbm, acc.at[pl.ds(s * ZROWS, ZROWS)])
    pltpu.sync_copy(ones_hbm, ones_v)
    pltpu.sync_copy(dst_hbm.at[wid], idx_v)
    plsc.subcore_barrier()

    for j in range(NJ):
        pltpu.sync_copy(ones_v, acc.at[idx_v.at[j]], add=True)
    plsc.subcore_barrier()
    pltpu.sync_copy(acc.at[pl.ds(s * ZROWS, ZROWS)],
                    out_hbm.at[c, pl.ds(s * ZROWS, ZROWS)])


@functools.partial(
    pl.kernel,
    out_type=jax.ShapeDtypeStruct((NC, ACC_ROWS, H), jnp.bfloat16),
    mesh=_mesh,
    scratch_types=[
        pltpu.VMEM((NJ, KBCH), jnp.int32),
        pltpu.VMEM((NJ, KBCH), jnp.int32),
        pltpu.VMEM((2, KBCH, H), jnp.bfloat16),
        pltpu.VMEM_SHARED((ACC_ROWS, H), jnp.bfloat16),
        pltpu.SemaphoreType.DMA((2,)),
        pltpu.SemaphoreType.DMA((2,)),
    ],
    compiler_params=_sc_params,
)
def _sc_edge(hp_hbm, src_hbm, dst_hbm, zeros_hbm, out_hbm,
             sidx_v, didx_v, rows_v, acc, gsem, ssem):
    c = lax.axis_index("c")
    s = lax.axis_index("s")
    wid = c * NS + s
    pltpu.sync_copy(zeros_hbm, acc.at[pl.ds(s * ZROWS, ZROWS)])
    pltpu.sync_copy(src_hbm.at[wid], sidx_v)
    pltpu.sync_copy(dst_hbm.at[wid], didx_v)
    plsc.subcore_barrier()

    pltpu.async_copy(hp_hbm.at[sidx_v.at[0]], rows_v.at[0], gsem.at[0])
    for j in range(NJ):
        b = j % 2
        pltpu.make_async_copy(hp_hbm.at[pl.ds(0, KBCH)], rows_v.at[b],
                              gsem.at[b]).wait()
        if j + 1 < NJ:
            if j >= 1:
                pltpu.make_async_copy(rows_v.at[1 - b], acc.at[pl.ds(0, KBCH)],
                                      ssem.at[1 - b]).wait()
            pltpu.async_copy(hp_hbm.at[sidx_v.at[j + 1]], rows_v.at[1 - b],
                             gsem.at[1 - b])
        pltpu.async_copy(rows_v.at[b], acc.at[didx_v.at[j]], ssem.at[b],
                         add=True)
    pltpu.make_async_copy(rows_v.at[0], acc.at[pl.ds(0, KBCH)],
                          ssem.at[0]).wait()
    pltpu.make_async_copy(rows_v.at[1], acc.at[pl.ds(0, KBCH)],
                          ssem.at[1]).wait()
    plsc.subcore_barrier()
    pltpu.sync_copy(acc.at[pl.ds(s * ZROWS, ZROWS)],
                    out_hbm.at[c, pl.ds(s * ZROWS, ZROWS)])


_BR = 1000


def _tc_pre_body(x_ref, w_ref, d0_ref, d1_ref, hp_ref, hpb_ref, dinv_ref):
    deg = d0_ref[0, :, 0] + d1_ref[0, :, 0] + 1.0
    dinv = lax.rsqrt(deg)
    h = jnp.dot(x_ref[...], w_ref[...], preferred_element_type=jnp.float32)
    hp = h * dinv[:, None]
    hp_ref[...] = hp
    hpb_ref[...] = hp.astype(jnp.bfloat16)
    dinv_ref[...] = dinv[:, None]


def _tc_pre(x, w1, deg_out):
    return pl.pallas_call(
        _tc_pre_body,
        grid=(N // _BR,),
        in_specs=[
            pl.BlockSpec((_BR, DF), lambda i: (i, 0)),
            pl.BlockSpec((DF, H), lambda i: (0, 0)),
            pl.BlockSpec((1, _BR, 16), lambda i: (0, i, 0)),
            pl.BlockSpec((1, _BR, 16), lambda i: (1, i, 0)),
        ],
        out_specs=[
            pl.BlockSpec((_BR, H), lambda i: (i, 0)),
            pl.BlockSpec((_BR, H), lambda i: (i, 0)),
            pl.BlockSpec((_BR, 1), lambda i: (i, 0)),
        ],
        out_shape=[
            jax.ShapeDtypeStruct((N, H), jnp.float32),
            jax.ShapeDtypeStruct((N, H), jnp.bfloat16),
            jax.ShapeDtypeStruct((N, 1), jnp.float32),
        ],
    )(x, w1, deg_out, deg_out)


def _tc_epi_body(a0_ref, a1_ref, hp_ref, dinv_ref, b_ref, m_ref, w_ref,
                 hpn_ref, hpnb_ref):
    dinv = dinv_ref[...]
    a = a0_ref[0].astype(jnp.float32) + a1_ref[0].astype(jnp.float32)
    h = (a + hp_ref[...]) * dinv + b_ref[...]
    h = jnp.maximum(h, 0.0) * m_ref[...]
    hpn = jnp.dot(h, w_ref[...], preferred_element_type=jnp.float32) * dinv
    hpn_ref[...] = hpn
    hpnb_ref[...] = hpn.astype(jnp.bfloat16)


def _tc_epi(acc, hp, dinv, b, m, wn):
    return pl.pallas_call(
        _tc_epi_body,
        grid=(N // _BR,),
        in_specs=[
            pl.BlockSpec((1, _BR, H), lambda i: (0, i, 0)),
            pl.BlockSpec((1, _BR, H), lambda i: (1, i, 0)),
            pl.BlockSpec((_BR, H), lambda i: (i, 0)),
            pl.BlockSpec((_BR, 1), lambda i: (i, 0)),
            pl.BlockSpec((1, H), lambda i: (0, 0)),
            pl.BlockSpec((_BR, H), lambda i: (i, 0)),
            pl.BlockSpec((H, H), lambda i: (0, 0)),
        ],
        out_specs=[
            pl.BlockSpec((_BR, H), lambda i: (i, 0)),
            pl.BlockSpec((_BR, H), lambda i: (i, 0)),
        ],
        out_shape=[
            jax.ShapeDtypeStruct((N, H), jnp.float32),
            jax.ShapeDtypeStruct((N, H), jnp.bfloat16),
        ],
    )(acc, acc, hp, dinv, b, m, wn)


def _tc_tail_body(a0_ref, a1_ref, hp_ref, dinv_ref, b_ref, m_ref,
                  batch_ref, wm1_ref, bm1_ref, wm2t_ref, bm2_ref, m4_ref,
                  out_ref, sums_ref, cnt_ref):
    i = pl.program_id(0)
    dinv = dinv_ref[...]
    a = a0_ref[0].astype(jnp.float32) + a1_ref[0].astype(jnp.float32)
    h = (a + hp_ref[...]) * dinv + b_ref[...]
    h3 = jnp.maximum(h, 0.0) * m_ref[...]

    oh_t = (lax.broadcasted_iota(jnp.int32, (_BR, G), 1)
            == batch_ref[...]).astype(jnp.float32)

    @pl.when(i == 0)
    def _():
        sums_ref[...] = jnp.zeros((G, H), jnp.float32)
        cnt_ref[...] = jnp.zeros((G, 128), jnp.float32)

    sums_ref[...] += lax.dot_general(oh_t, h3, (((0,), (0,)), ((), ())),
                                     preferred_element_type=jnp.float32)
    cnt_ref[...] += jnp.sum(oh_t, axis=0)[:, None]

    @pl.when(i == N // _BR - 1)
    def _():
        pooled = sums_ref[...] / jnp.maximum(cnt_ref[:, :1], 1.0)
        z = jnp.maximum(
            jnp.dot(pooled, wm1_ref[...], preferred_element_type=jnp.float32)
            + bm1_ref[...], 0.0) * m4_ref[...]
        out_ref[...] = jnp.sum(z * wm2t_ref[...], axis=1,
                               keepdims=True) + bm2_ref[...]


def _tc_tail(acc, hp, dinv, b, m, batch2, wm1, bm1, wm2t, bm2, m4):
    return pl.pallas_call(
        _tc_tail_body,
        grid=(N // _BR,),
        in_specs=[
            pl.BlockSpec((1, _BR, H), lambda i: (0, i, 0)),
            pl.BlockSpec((1, _BR, H), lambda i: (1, i, 0)),
            pl.BlockSpec((_BR, H), lambda i: (i, 0)),
            pl.BlockSpec((_BR, 1), lambda i: (i, 0)),
            pl.BlockSpec((1, H), lambda i: (0, 0)),
            pl.BlockSpec((_BR, H), lambda i: (i, 0)),
            pl.BlockSpec((_BR, 1), lambda i: (i, 0)),
            pl.BlockSpec((H, H), lambda i: (0, 0)),
            pl.BlockSpec((1, H), lambda i: (0, 0)),
            pl.BlockSpec((1, H), lambda i: (0, 0)),
            pl.BlockSpec((1, 1), lambda i: (0, 0)),
            pl.BlockSpec((G, H), lambda i: (0, 0)),
        ],
        out_specs=pl.BlockSpec((G, 1), lambda i: (0, 0)),
        out_shape=jax.ShapeDtypeStruct((G, 1), jnp.float32),
        scratch_shapes=[
            pltpu.VMEM((G, H), jnp.float32),
            pltpu.VMEM((G, 128), jnp.float32),
        ],
    )(acc, acc, hp, dinv, b, m, batch2, wm1, bm1, wm2t, bm2, m4)


def kernel(x, edge_index, batch, W1, b1, W2, b2, W3, b3, Wm1, bm1, Wm2, bm2):
    src = edge_index[0]
    dst = edge_index[1]

    pad = EPT_PAD - EPT
    src_r = jnp.concatenate(
        [src.reshape(NW, EPT),
         jnp.zeros((NW, pad), jnp.int32)], axis=1).reshape(NW, NJ, KBCH)
    dst_r = jnp.concatenate(
        [dst.reshape(NW, EPT),
         jnp.full((NW, pad), PAD_DST, jnp.int32)], axis=1).reshape(NW, NJ, KBCH)

    ones16 = jnp.ones((KBCH, 16), jnp.float32)
    zeros16 = jnp.zeros((ZROWS, 16), jnp.float32)
    zerosH = jnp.zeros((ZROWS, H), jnp.bfloat16)

    dk = jax.random.split(jax.random.key(42), 4)
    inv_keep = 1.0 / (1.0 - P)
    m1 = jax.random.bernoulli(dk[0], 1.0 - P, (N, H)).astype(jnp.float32) * inv_keep
    m2 = jax.random.bernoulli(dk[1], 1.0 - P, (N, H)).astype(jnp.float32) * inv_keep
    m3 = jax.random.bernoulli(dk[2], 1.0 - P, (N, H)).astype(jnp.float32) * inv_keep
    m4 = jax.random.bernoulli(dk[3], 1.0 - P, (G, H)).astype(jnp.float32) * inv_keep

    deg_out = _sc_deg(dst_r, ones16, zeros16)
    hp1, hp1b, dinv = _tc_pre(x, W1, deg_out)

    acc1 = _sc_edge(hp1b, src_r, dst_r, zerosH)
    hp2, hp2b = _tc_epi(acc1, hp1, dinv, b1.reshape(1, H), m1, W2)

    acc2 = _sc_edge(hp2b, src_r, dst_r, zerosH)
    hp3, hp3b = _tc_epi(acc2, hp2, dinv, b2.reshape(1, H), m2, W3)

    acc3 = _sc_edge(hp3b, src_r, dst_r, zerosH)
    return _tc_tail(acc3, hp3, dinv, b3.reshape(1, H), m3,
                    batch.reshape(N, 1), Wm1, bm1.reshape(1, H),
                    Wm2.reshape(1, H), bm2.reshape(1, 1), m4)

# --- scband reference (transcript-rebuilt; emitter-appended) ---
"""Pipeline reference for scband-gnnregressor-50079318671678 (READ-ONLY COPY).

The authoritative reference and input builder live on the scoring server;
editing this copy changes nothing except your own understanding.
"""

import jax, jax.numpy as jnp
import numpy as np

N = 10000
E = 320000
DF = 128
H = 64
G = 64
P = 0.3

def _gcn_conv(x, src, dst, W, b, n):
    h = x @ W
    loop = jnp.arange(n, dtype=src.dtype)
    s = jnp.concatenate([src, loop])
    d = jnp.concatenate([dst, loop])
    deg = jnp.zeros((n,), jnp.float32).at[d].add(1.0)
    dinv = jax.lax.rsqrt(jnp.maximum(deg, 1.0))
    norm = dinv[s] * dinv[d]
    msg = h[s] * norm[:, None]
    out = jnp.zeros((n, h.shape[1]), jnp.float32).at[d].add(msg)
    return out + b

def _dropout(x, p, key):
    keep = jax.random.bernoulli(key, 1.0 - p, x.shape)
    return jnp.where(keep, x / (1.0 - p), 0.0)

def _global_mean_pool(x, batch, g):
    sums = jax.ops.segment_sum(x, batch, num_segments=g)
    cnt = jax.ops.segment_sum(jnp.ones((x.shape[0],), jnp.float32), batch, num_segments=g)
    return sums / jnp.maximum(cnt, 1.0)[:, None]

def setup_inputs(seed: int = 0):
    key = jax.random.key(seed)
    ks = jax.random.split(key, 16)
    x = jax.random.normal(ks[0], (N, DF), jnp.float32)
    edge_index = jax.random.randint(ks[1], (2, E), 0, N, dtype=jnp.int32)
    batch = jnp.sort(jax.random.randint(ks[2], (N,), 0, G, dtype=jnp.int32))
    def lin(k, fi, fo):
        return jax.random.normal(k, (fi, fo), jnp.float32) / np.sqrt(fi)
    W1 = lin(ks[3], DF, H); b1 = jnp.zeros((H,), jnp.float32)
    W2 = lin(ks[4], H, H); b2 = jnp.zeros((H,), jnp.float32)
    W3 = lin(ks[5], H, H); b3 = jnp.zeros((H,), jnp.float32)
    Wm1 = lin(ks[6], H, H); bm1 = jnp.zeros((H,), jnp.float32)
    Wm2 = lin(ks[7], H, 1); bm2 = jnp.zeros((1,), jnp.float32)
    return {"x": x, "edge_index": edge_index, "batch": batch,
            "W1": W1, "b1": b1, "W2": W2, "b2": b2, "W3": W3, "b3": b3,
            "Wm1": Wm1, "bm1": bm1, "Wm2": Wm2, "bm2": bm2}

def reference(x, edge_index, batch, W1, b1, W2, b2, W3, b3, Wm1, bm1, Wm2, bm2):
    src = edge_index[0]
    dst = edge_index[1]
    dk = jax.random.split(jax.random.key(42), 4)
    h = _gcn_conv(x, src, dst, W1, b1, N)
    h = jax.nn.relu(h)
    h = _dropout(h, P, dk[0])
    h = _gcn_conv(h, src, dst, W2, b2, N)
    h = jax.nn.relu(h)
    h = _dropout(h, P, dk[1])
    h = _gcn_conv(h, src, dst, W3, b3, N)
    h = jax.nn.relu(h)
    h = _dropout(h, P, dk[2])
    h = _global_mean_pool(h, batch, G)
    h = jax.nn.relu(h @ Wm1 + bm1)
    h = _dropout(h, P, dk[3])
    return h @ Wm2 + bm2

if __name__ == "__main__":
    import jax
    _d = setup_inputs()
    print(jax.jit(kernel)(*tuple(_d.values())))

</pallas_src>

<mosaic_0001>
#map = affine_map<(d0, d1) -> (0, 0)>
#map1 = affine_map<(d0, d1) -> (0, 0, 0)>
module attributes {stable_mosaic.version = 14 : i64} {
  func.func @_sc_edge(%arg0: i32, %arg1: i32, %arg2: memref<10000x64xbf16, #tpu.memory_space<hbm>>, %arg3: memref<32x8x1280xi32, #tpu.memory_space<hbm>>, %arg4: memref<32x8x1280xi32, #tpu.memory_space<hbm>>, %arg5: memref<640x64xbf16, #tpu.memory_space<hbm>>, %arg6: memref<2x10240x64xbf16, #tpu.memory_space<hbm>>, %arg7: memref<8x1280xi32, #tpu.memory_space<vmem>>, %arg8: memref<8x1280xi32, #tpu.memory_space<vmem>>, %arg9: memref<2x1280x64xbf16, #tpu.memory_space<vmem>>, %arg10: memref<10240x64xbf16, #tpu.memory_space<vmem_shared>>, %arg11: memref<2x!tpu.dma_semaphore, #tpu.memory_space<semaphore_mem>>, %arg12: memref<2x!tpu.dma_semaphore, #tpu.memory_space<semaphore_mem>>) attributes {dimension_semantics = [#tpu.dimension_semantics<core_parallel>, #tpu.dimension_semantics<subcore_parallel>], iteration_bounds = array<i64: 2, 16>, scalar_prefetch = 0 : i64, scratch_operands = 6 : i64, tpu.core_type = #tpu.core_type<sc_vector_subcore>, window_params = [{transform_indices = #map}, {transform_indices = #map1}, {transform_indices = #map1}, {transform_indices = #map}, {transform_indices = #map1}]} {
    %mul3A = arith.constant 16 : i32
    %mul3A_0 = arith.muli %arg0, %mul3A : i32
    %add3A = arith.addi %mul3A_0, %arg1 : i32
    %mul3A_1 = arith.constant 640 : i32
    %mul3A_2 = arith.muli %arg1, %mul3A_1 : i32
    "tpu.region"() ({
      %run_scoped3A = tpu.sem_alloc : memref<!tpu.dma_semaphore, #tpu.memory_space<semaphore_mem>>
      %dma_start3A_534 = arith.constant 0 : i32
      %dma_start3A_535 = tpu.memref_slice %arg10[%mul3A_2, %dma_start3A_534] : memref<10240x64xbf16, #tpu.memory_space<vmem_shared>> -> memref<640x64xbf16, #tpu.memory_space<vmem_shared>>
      tpu.enqueue_dma source(%arg5 : memref<640x64xbf16, #tpu.memory_space<hbm>>) target(%dma_start3A_535 : memref<640x64xbf16, #tpu.memory_space<vmem_shared>>) target_semaphore(%run_scoped3A : memref<!tpu.dma_semaphore, #tpu.memory_space<semaphore_mem>>)
      %dma_wait3A_536 = arith.constant 0 : i32
      %dma_wait3A_537 = tpu.memref_slice %arg10[%mul3A_2, %dma_wait3A_536] : memref<10240x64xbf16, #tpu.memory_space<vmem_shared>> -> memref<640x64xbf16, #tpu.memory_space<vmem_shared>>
      tpu.wait_dma2 semaphore(%run_scoped3A : memref<!tpu.dma_semaphore, #tpu.memory_space<semaphore_mem>>) src(%arg5 : memref<640x64xbf16, #tpu.memory_space<hbm>>) dst(%dma_wait3A_537 : memref<640x64xbf16, #tpu.memory_space<vmem_shared>>)
      tpu.yield
    }) : () -> ()
    "tpu.region"() ({
      %run_scoped3A = tpu.sem_alloc : memref<!tpu.dma_semaphore, #tpu.memory_space<semaphore_mem>>
      %dma_start3A_534 = arith.constant 0 : i32
      %dma_start3A_535 = arith.constant 0 : i32
      %dma_start3A_536 = tpu.memref_slice %arg3[%add3A, %dma_start3A_534, %dma_start3A_535] : memref<32x8x1280xi32, #tpu.memory_space<hbm>> -> memref<1x8x1280xi32, #tpu.memory_space<hbm>>
      %dma_start3A_537 = tpu.memref_squeeze %dma_start3A_536 : memref<1x8x1280xi32, #tpu.memory_space<hbm>> -> memref<8x1280xi32, #tpu.memory_space<hbm>>
      %dma_start3A_538 = arith.constant 0 : i32
      %dma_start3A_539 = arith.constant 0 : i32
      %dma_start3A_540 = tpu.memref_slice %arg3[%add3A, %dma_start3A_538, %dma_start3A_539] : memref<32x8x1280xi32, #tpu.memory_space<hbm>> -> memref<1x8x1280xi32, #tpu.memory_space<hbm>>
      %dma_start3A_541 = tpu.memref_squeeze %dma_start3A_540 : memref<1x8x1280xi32, #tpu.memory_space<hbm>> -> memref<8x1280xi32, #tpu.memory_space<hbm>>
      tpu.enqueue_dma source(%dma_start3A_541 : memref<8x1280xi32, #tpu.memory_space<hbm>>) target(%arg7 : memref<8x1280xi32, #tpu.memory_space<vmem>>) target_semaphore(%run_scoped3A : memref<!tpu.dma_semaphore, #tpu.memory_space<semaphore_mem>>)
      %dma_wait3A_542 = arith.constant 0 : i32
      %dma_wait3A_543 = arith.constant 0 : i32
      %dma_wait3A_544 = tpu.memref_slice %arg3[%add3A, %dma_wait3A_542, %dma_wait3A_543] : memref<32x8x1280xi32, #tpu.memory_space<hbm>> -> memref<1x8x1280xi32, #tpu.memory_space<hbm>>
      %dma_wait3A_545 = tpu.memref_squeeze %dma_wait3A_544 : memref<1x8x1280xi32, #tpu.memory_space<hbm>> -> memref<8x1280xi32, #tpu.memory_space<hbm>>
      %dma_wait3A_546 = arith.constant 0 : i32
      %dma_wait3A_547 = arith.constant 0 : i32
      %dma_wait3A_548 = tpu.memref_slice %arg3[%add3A, %dma_wait3A_546, %dma_wait3A_547] : memref<32x8x1280xi32, #tpu.memory_space<hbm>> -> memref<1x8x1280xi32, #tpu.memory_space<hbm>>
      %dma_wait3A_549 = tpu.memref_squeeze %dma_wait3A_548 : memref<1x8x1280xi32, #tpu.memory_space<hbm>> -> memref<8x1280xi32, #tpu.memory_space<hbm>>
      tpu.wait_dma2 semaphore(%run_scoped3A : memref<!tpu.dma_semaphore, #tpu.memory_space<semaphore_mem>>) src(%dma_wait3A_549 : memref<8x1280xi32, #tpu.memory_space<hbm>>) dst(%arg7 : memref<8x1280xi32, #tpu.memory_space<vmem>>)
      tpu.yield
    }) : () -> ()
    "tpu.region"() ({
      %run_scoped3A = tpu.sem_alloc : memref<!tpu.dma_semaphore, #tpu.memory_space<semaphore_mem>>
      %dma_start3A_534 = arith.constant 0 : i32
      %dma_start3A_535 = arith.constant 0 : i32
      %dma_start3A_536 = tpu.memref_slice %arg4[%add3A, %dma_start3A_534, %dma_start3A_535] : memref<32x8x1280xi32, #tpu.memory_space<hbm>> -> memref<1x8x1280xi32, #tpu.memory_space<hbm>>
      %dma_start3A_537 = tpu.memref_squeeze %dma_start3A_536 : memref<1x8x1280xi32, #tpu.memory_space<hbm>> -> memref<8x1280xi32, #tpu.memory_space<hbm>>
      %dma_start3A_538 = arith.constant 0 : i32
      %dma_start3A_539 = arith.constant 0 : i32
      %dma_start3A_540 = tpu.memref_slice %arg4[%add3A, %dma_start3A_538, %dma_start3A_539] : memref<32x8x1280xi32, #tpu.memory_space<hbm>> -> memref<1x8x1280xi32, #tpu.memory_space<hbm>>
      %dma_start3A_541 = tpu.memref_squeeze %dma_start3A_540 : memref<1x8x1280xi32, #tpu.memory_space<hbm>> -> memref<8x1280xi32, #tpu.memory_space<hbm>>
      tpu.enqueue_dma source(%dma_start3A_541 : memref<8x1280xi32, #tpu.memory_space<hbm>>) target(%arg8 : memref<8x1280xi32, #tpu.memory_space<vmem>>) target_semaphore(%run_scoped3A : memref<!tpu.dma_semaphore, #tpu.memory_space<semaphore_mem>>)
      %dma_wait3A_542 = arith.constant 0 : i32
      %dma_wait3A_543 = arith.constant 0 : i32
      %dma_wait3A_544 = tpu.memref_slice %arg4[%add3A, %dma_wait3A_542, %dma_wait3A_543] : memref<32x8x1280xi32, #tpu.memory_space<hbm>> -> memref<1x8x1280xi32, #tpu.memory_space<hbm>>
      %dma_wait3A_545 = tpu.memref_squeeze %dma_wait3A_544 : memref<1x8x1280xi32, #tpu.memory_space<hbm>> -> memref<8x1280xi32, #tpu.memory_space<hbm>>
      %dma_wait3A_546 = arith.constant 0 : i32
      %dma_wait3A_547 = arith.constant 0 : i32
      %dma_wait3A_548 = tpu.memref_slice %arg4[%add3A, %dma_wait3A_546, %dma_wait3A_547] : memref<32x8x1280xi32, #tpu.memory_space<hbm>> -> memref<1x8x1280xi32, #tpu.memory_space<hbm>>
      %dma_wait3A_549 = tpu.memref_squeeze %dma_wait3A_548 : memref<1x8x1280xi32, #tpu.memory_space<hbm>> -> memref<8x1280xi32, #tpu.memory_space<hbm>>
      tpu.wait_dma2 semaphore(%run_scoped3A : memref<!tpu.dma_semaphore, #tpu.memory_space<semaphore_mem>>) src(%dma_wait3A_549 : memref<8x1280xi32, #tpu.memory_space<hbm>>) dst(%arg8 : memref<8x1280xi32, #tpu.memory_space<vmem>>)
      tpu.yield
    }) : () -> ()
    %barrier3A = arith.constant 0 : index
    tpu.barrier barrier_id(%barrier3A)
    %dma_start3A = arith.constant 0 : i32
    %dma_start3A_3 = arith.constant 0 : i32
    %dma_start3A_4 = arith.constant 0 : i32
    %dma_start3A_5 = arith.constant 0 : i32
    %dma_start3A_6 = arith.constant 0 : i32
    %dma_start3A_7 = tpu.memref_slice %arg9[%dma_start3A_3, %dma_start3A_5, %dma_start3A_6] : memref<2x1280x64xbf16, #tpu.memory_space<vmem>> -> memref<1x1280x64xbf16, #tpu.memory_space<vmem>>
    %dma_start3A_8 = tpu.memref_squeeze %dma_start3A_7 : memref<1x1280x64xbf16, #tpu.memory_space<vmem>> -> memref<1280x64xbf16, #tpu.memory_space<vmem>>
    %dma_start3A_9 = arith.constant 0 : i32
    %dma_start3A_10 = tpu.memref_slice %arg7[%dma_start3A, %dma_start3A_9] : memref<8x1280xi32, #tpu.memory_space<vmem>> -> memref<1x1280xi32, #tpu.memory_space<vmem>>
    %dma_start3A_11 = tpu.memref_squeeze %dma_start3A_10 : memref<1x1280xi32, #tpu.memory_space<vmem>> -> memref<1280xi32, #tpu.memory_space<vmem>>
    %dma_start3A_12 = arith.constant 0 : i32
    %dma_start3A_13 = arith.constant 0 : i32
    %dma_start3A_14 = tpu.memref_slice %arg2[%dma_start3A_12, %dma_start3A_13] : memref<10000x64xbf16, #tpu.memory_space<hbm>> -> memref<10000x64xbf16, #tpu.memory_space<hbm>>
    %dma_start3A_15 = tpu.memref_slice %arg11[%dma_start3A_4] : memref<2x!tpu.dma_semaphore, #tpu.memory_space<semaphore_mem>> -> memref<1x!tpu.dma_semaphore, #tpu.memory_space<semaphore_mem>>
    %dma_start3A_16 = tpu.memref_squeeze %dma_start3A_15 : memref<1x!tpu.dma_semaphore, #tpu.memory_space<semaphore_mem>> -> memref<!tpu.dma_semaphore, #tpu.memory_space<semaphore_mem>>
    tpu.enqueue_indirect_dma source(%dma_start3A_14 : memref<10000x64xbf16, #tpu.memory_space<hbm>>) target(%dma_start3A_8 : memref<1280x64xbf16, #tpu.memory_space<vmem>>) offsets(%dma_start3A_11 : memref<1280xi32, #tpu.memory_space<vmem>>) semaphore(%dma_start3A_16 : memref<!tpu.dma_semaphore, #tpu.memory_space<semaphore_mem>>)
    %dma_wait3A = arith.constant 0 : i32
    %dma_wait3A_17 = arith.constant 0 : i32
    %dma_wait3A_18 = arith.constant 0 : i32
    %dma_wait3A_19 = arith.constant 0 : i32
    %dma_wait3A_20 = tpu.memref_slice %arg9[%dma_wait3A, %dma_wait3A_18, %dma_wait3A_19] : memref<2x1280x64xbf16, #tpu.memory_space<vmem>> -> memref<1x1280x64xbf16, #tpu.memory_space<vmem>>
    %dma_wait3A_21 = tpu.memref_squeeze %dma_wait3A_20 : memref<1x1280x64xbf16, #tpu.memory_space<vmem>> -> memref<1280x64xbf16, #tpu.memory_space<vmem>>
    %dma_wait3A_22 = arith.constant 0 : i32
    %dma_wait3A_23 = arith.constant 0 : i32
    %dma_wait3A_24 = tpu.memref_slice %arg2[%dma_wait3A_22, %dma_wait3A_23] : memref<10000x64xbf16, #tpu.memory_space<hbm>> -> memref<1280x64xbf16, #tpu.memory_space<hbm>>
    %dma_wait3A_25 = tpu.memref_slice %arg11[%dma_wait3A_17] : memref<2x!tpu.dma_semaphore, #tpu.memory_space<semaphore_mem>> -> memref<1x!tpu.dma_semaphore, #tpu.memory_space<semaphore_mem>>
    %dma_wait3A_26 = tpu.memref_squeeze %dma_wait3A_25 : memref<1x!tpu.dma_semaphore, #tpu.memory_space<semaphore_mem>> -> memref<!tpu.dma_semaphore, #tpu.memory_space<semaphore_mem>>
    %dma_wait3A_27 = arith.constant 0 : i32
    %dma_wait3A_28 = arith.constant 0 : i32
    %dma_wait3A_29 = tpu.memref_slice %arg9[%dma_wait3A, %dma_wait3A_27, %dma_wait3A_28] : memref<2x1280x64xbf16, #tpu.memory_space<vmem>> -> memref<1x1280x64xbf16, #tpu.memory_space<vmem>>
    %dma_wait3A_30 = tpu.memref_squeeze %dma_wait3A_29 : memref<1x1280x64xbf16, #tpu.memory_space<vmem>> -> memref<1280x64xbf16, #tpu.memory_space<vmem>>
    %dma_wait3A_31 = arith.constant 0 : i32
    %dma_wait3A_32 = arith.constant 0 : i32
    %dma_wait3A_33 = tpu.memref_slice %arg2[%dma_wait3A_31, %dma_wait3A_32] : memref<10000x64xbf16, #tpu.memory_space<hbm>> -> memref<1280x64xbf16, #tpu.memory_space<hbm>>
    tpu.wait_dma2 semaphore(%dma_wait3A_26 : memref<!tpu.dma_semaphore, #tpu.memory_space<semaphore_mem>>) src(%dma_wait3A_33 : memref<1280x64xbf16, #tpu.memory_space<hbm>>) dst(%dma_wait3A_30 : memref<1280x64xbf16, #tpu.memory_space<vmem>>)
    %dma_start3A_34 = arith.constant 1 : i32
    %dma_start3A_35 = arith.constant 1 : i32
    %dma_start3A_36 = arith.constant 1 : i32
    %dma_start3A_37 = arith.constant 0 : i32
    %dma_start3A_38 = arith.constant 0 : i32
    %dma_start3A_39 = tpu.memref_slice %arg9[%dma_start3A_35, %dma_start3A_37, %dma_start3A_38] : memref<2x1280x64xbf16, #tpu.memory_space<vmem>> -> memref<1x1280x64xbf16, #tpu.memory_space<vmem>>
    %dma_start3A_40 = tpu.memref_squeeze %dma_start3A_39 : memref<1x1280x64xbf16, #tpu.memory_space<vmem>> -> memref<1280x64xbf16, #tpu.memory_space<vmem>>
    %dma_start3A_41 = arith.constant 0 : i32
    %dma_start3A_42 = tpu.memref_slice %arg7[%dma_start3A_34, %dma_start3A_41] : memref<8x1280xi32, #tpu.memory_space<vmem>> -> memref<1x1280xi32, #tpu.memory_space<vmem>>
    %dma_start3A_43 = tpu.memref_squeeze %dma_start3A_42 : memref<1x1280xi32, #tpu.memory_space<vmem>> -> memref<1280xi32, #tpu.memory_space<vmem>>
    %dma_start3A_44 = arith.constant 0 : i32
    %dma_start3A_45 = arith.constant 0 : i32
    %dma_start3A_46 = tpu.memref_slice %arg2[%dma_start3A_44, %dma_start3A_45] : memref<10000x64xbf16, #tpu.memory_space<hbm>> -> memref<10000x64xbf16, #tpu.memory_space<hbm>>
    %dma_start3A_47 = tpu.memref_slice %arg11[%dma_start3A_36] : memref<2x!tpu.dma_semaphore, #tpu.memory_space<semaphore_mem>> -> memref<1x!tpu.dma_semaphore, #tpu.memory_space<semaphore_mem>>
    %dma_start3A_48 = tpu.memref_squeeze %dma_start3A_47 : memref<1x!tpu.dma_semaphore, #tpu.memory_space<semaphore_mem>> -> memref<!tpu.dma_semaphore, #tpu.memory_space<semaphore_mem>>
    tpu.enqueue_indirect_dma source(%dma_start3A_46 : memref<10000x64xbf16, #tpu.memory_space<hbm>>) target(%dma_start3A_40 : memref<1280x64xbf16, #tpu.memory_space<vmem>>) offsets(%dma_start3A_43 : memref<1280xi32, #tpu.memory_space<vmem>>) semaphore(%dma_start3A_48 : memref<!tpu.dma_semaphore, #tpu.memory_space<semaphore_mem>>)
    %dma_start3A_49 = arith.constant 0 : i32
    %dma_start3A_50 = arith.constant 0 : i32
    %dma_start3A_51 = arith.constant 0 : i32
    %dma_start3A_52 = arith.constant 0 : i32
    %dma_start3A_53 = arith.constant 0 : i32
    %dma_start3A_54 = tpu.memref_slice %arg9[%dma_start3A_49, %dma_start3A_52, %dma_start3A_53] : memref<2x1280x64xbf16, #tpu.memory_space<vmem>> -> memref<1x1280x64xbf16, #tpu.memory_space<vmem>>
    %dma_start3A_55 = tpu.memref_squeeze %dma_start3A_54 : memref<1x1280x64xbf16, #tpu.memory_space<vmem>> -> memref<1280x64xbf16, #tpu.memory_space<vmem>>
    %dma_start3A_56 = arith.constant 0 : i32
    %dma_start3A_57 = tpu.memref_slice %arg8[%dma_start3A_50, %dma_start3A_56] : memref<8x1280xi32, #tpu.memory_space<vmem>> -> memref<1x1280xi32, #tpu.memory_space<vmem>>
    %dma_start3A_58 = tpu.memref_squeeze %dma_start3A_57 : memref<1x1280xi32, #tpu.memory_space<vmem>> -> memref<1280xi32, #tpu.memory_space<vmem>>
    %dma_start3A_59 = arith.constant 0 : i32
    %dma_start3A_60 = arith.constant 0 : i32
    %dma_start3A_61 = tpu.memref_slice %arg10[%dma_start3A_59, %dma_start3A_60] : memref<10240x64xbf16, #tpu.memory_space<vmem_shared>> -> memref<10240x64xbf16, #tpu.memory_space<vmem_shared>>
    %dma_start3A_62 = tpu.memref_slice %arg12[%dma_start3A_51] : memref<2x!tpu.dma_semaphore, #tpu.memory_space<semaphore_mem>> -> memref<1x!tpu.dma_semaphore, #tpu.memory_space<semaphore_mem>>
    %dma_start3A_63 = tpu.memref_squeeze %dma_start3A_62 : memref<1x!tpu.dma_semaphore, #tpu.memory_space<semaphore_mem>> -> memref<!tpu.dma_semaphore, #tpu.memory_space<semaphore_mem>>
    tpu.enqueue_indirect_dma source(%dma_start3A_55 : memref<1280x64xbf16, #tpu.memory_space<vmem>>) target(%dma_start3A_61 : memref<10240x64xbf16, #tpu.memory_space<vmem_shared>>) offsets(%dma_start3A_58 : memref<1280xi32, #tpu.memory_space<vmem>>) semaphore(%dma_start3A_63 : memref<!tpu.dma_semaphore, #tpu.memory_space<semaphore_mem>>) {add = true}
    %dma_wait3A_64 = arith.constant 1 : i32
    %dma_wait3A_65 = arith.constant 1 : i32
    %dma_wait3A_66 = arith.constant 0 : i32
    %dma_wait3A_67 = arith.constant 0 : i32
    %dma_wait3A_68 = tpu.memref_slice %arg9[%dma_wait3A_64, %dma_wait3A_66, %dma_wait3A_67] : memref<2x1280x64xbf16, #tpu.memory_space<vmem>> -> memref<1x1280x64xbf16, #tpu.memory_space<vmem>>
    %dma_wait3A_69 = tpu.memref_squeeze %dma_wait3A_68 : memref<1x1280x64xbf16, #tpu.memory_space<vmem>> -> memref<1280x64xbf16, #tpu.memory_space<vmem>>
    %dma_wait3A_70 = arith.constant 0 : i32
    %dma_wait3A_71 = arith.constant 0 : i32
    %dma_wait3A_72 = tpu.memref_slice %arg2[%dma_wait3A_70, %dma_wait3A_71] : memref<10000x64xbf16, #tpu.memory_space<hbm>> -> memref<1280x64xbf16, #tpu.memory_space<hbm>>
    %dma_wait3A_73 = tpu.memref_slice %arg11[%dma_wait3A_65] : memref<2x!tpu.dma_semaphore, #tpu.memory_space<semaphore_mem>> -> memref<1x!tpu.dma_semaphore, #tpu.memory_space<semaphore_mem>>
    %dma_wait3A_74 = tpu.memref_squeeze %dma_wait3A_73 : memref<1x!tpu.dma_semaphore, #tpu.memory_space<semaphore_mem>> -> memref<!tpu.dma_semaphore, #tpu.memory_space<semaphore_mem>>
    %dma_wait3A_75 = arith.constant 0 : i32
    %dma_wait3A_76 = arith.constant 0 : i32
    %dma_wait3A_77 = tpu.memref_slice %arg9[%dma_wait3A_64, %dma_wait3A_75, %dma_wait3A_76] : memref<2x1280x64xbf16, #tpu.memory_space<vmem>> -> memref<1x1280x64xbf16, #tpu.memory_space<vmem>>
    %dma_wait3A_78 = tpu.memref_squeeze %dma_wait3A_77 : memref<1x1280x64xbf16, #tpu.memory_space<vmem>> -> memref<1280x64xbf16, #tpu.memory_space<vmem>>
    %dma_wait3A_79 = arith.constant 0 : i32
    %dma_wait3A_80 = arith.constant 0 : i32
    %dma_wait3A_81 = tpu.memref_slice %arg2[%dma_wait3A_79, %dma_wait3A_80] : memref<10000x64xbf16, #tpu.memory_space<hbm>> -> memref<1280x64xbf16, #tpu.memory_space<hbm>>
    tpu.wait_dma2 semaphore(%dma_wait3A_74 : memref<!tpu.dma_semaphore, #tpu.memory_space<semaphore_mem>>) src(%dma_wait3A_81 : memref<1280x64xbf16, #tpu.memory_space<hbm>>) dst(%dma_wait3A_78 : memref<1280x64xbf16, #tpu.memory_space<vmem>>)
    %dma_wait3A_82 = arith.constant 0 : i32
    %dma_wait3A_83 = arith.constant 0 : i32
    %dma_wait3A_84 = arith.constant 0 : i32
    %dma_wait3A_85 = arith.constant 0 : i32
    %dma_wait3A_86 = tpu.memref_slice %arg9[%dma_wait3A_82, %dma_wait3A_84, %dma_wait3A_85] : memref<2x1280x64xbf16, #tpu.memory_space<vmem>> -> memref<1x1280x64xbf16, #tpu.memory_space<vmem>>
    %dma_wait3A_87 = tpu.memref_squeeze %dma_wait3A_86 : memref<1x1280x64xbf16, #tpu.memory_space<vmem>> -> memref<1280x64xbf16, #tpu.memory_space<vmem>>
    %dma_wait3A_88 = arith.constant 0 : i32
    %dma_wait3A_89 = arith.constant 0 : i32
    %dma_wait3A_90 = tpu.memref_slice %arg10[%dma_wait3A_88, %dma_wait3A_89] : memref<10240x64xbf16, #tpu.memory_space<vmem_shared>> -> memref<1280x64xbf16, #tpu.memory_space<vmem_shared>>
    %dma_wait3A_91 = tpu.memref_slice %arg12[%dma_wait3A_83] : memref<2x!tpu.dma_semaphore, #tpu.memory_space<semaphore_mem>> -> memref<1x!tpu.dma_semaphore, #tpu.memory_space<semaphore_mem>>
    %dma_wait3A_92 = tpu.memref_squeeze %dma_wait3A_91 : memref<1x!tpu.dma_semaphore, #tpu.memory_space<semaphore_mem>> -> memref<!tpu.dma_semaphore, #tpu.memory_space<semaphore_mem>>
    %dma_wait3A_93 = arith.constant 0 : i32
    %dma_wait3A_94 = arith.constant 0 : i32
    %dma_wait3A_95 = tpu.memref_slice %arg10[%dma_wait3A_93, %dma_wait3A_94] : memref<10240x64xbf16, #tpu.memory_space<vmem_shared>> -> memref<1280x64xbf16, #tpu.memory_space<vmem_shared>>
    %dma_wait3A_96 = arith.constant 0 : i32
    %dma_wait3A_97 = arith.constant 0 : i32
    %dma_wait3A_98 = tpu.memref_slice %arg9[%dma_wait3A_82, %dma_wait3A_96, %dma_wait3A_97] : memref<2x1280x64xbf16, #tpu.memory_space<vmem>> -> memref<1x1280x64xbf16, #tpu.memory_space<vmem>>
    %dma_wait3A_99 = tpu.memref_squeeze %dma_wait3A_98 : memref<1x1280x64xbf16, #tpu.memory_space<vmem>> -> memref<1280x64xbf16, #tpu.memory_space<vmem>>
    tpu.wait_dma2 semaphore(%dma_wait3A_92 : memref<!tpu.dma_semaphore, #tpu.memory_space<semaphore_mem>>) src(%dma_wait3A_99 : memref<1280x64xbf16, #tpu.memory_space<vmem>>) dst(%dma_wait3A_95 : memref<1280x64xbf16, #tpu.memory_space<vmem_shared>>)
    %dma_start3A_100 = arith.constant 2 : i32
    %dma_start3A_101 = arith.constant 0 : i32
    %dma_start3A_102 = arith.constant 0 : i32
    %dma_start3A_103 = arith.constant 0 : i32
    %dma_start3A_104 = arith.constant 0 : i32
    %dma_start3A_105 = tpu.memref_slice %arg9[%dma_start3A_101, %dma_start3A_103, %dma_start3A_104] : memref<2x1280x64xbf16, #tpu.memory_space<vmem>> -> memref<1x1280x64xbf16, #tpu.memory_space<vmem>>
    %dma_start3A_106 = tpu.memref_squeeze %dma_start3A_105 : memref<1x1280x64xbf16, #tpu.memory_space<vmem>> -> memref<1280x64xbf16, #tpu.memory_space<vmem>>
    %dma_start3A_107 = arith.constant 0 : i32
    %dma_start3A_108 = tpu.memref_slice %arg7[%dma_start3A_100, %dma_start3A_107] : memref<8x1280xi32, #tpu.memory_space<vmem>> -> memref<1x1280xi32, #tpu.memory_space<vmem>>
    %dma_start3A_109 = tpu.memref_squeeze %dma_start3A_108 : memref<1x1280xi32, #tpu.memory_space<vmem>> -> memref<1280xi32, #tpu.memory_space<vmem>>
    %dma_start3A_110 = arith.constant 0 : i32
    %dma_start3A_111 = arith.constant 0 : i32
    %dma_start3A_112 = tpu.memref_slice %arg2[%dma_start3A_110, %dma_start3A_111] : memref<10000x64xbf16, #tpu.memory_space<hbm>> -> memref<10000x64xbf16, #tpu.memory_space<hbm>>
    %dma_start3A_113 = tpu.memref_slice %arg11[%dma_start3A_102] : memref<2x!tpu.dma_semaphore, #tpu.memory_space<semaphore_mem>> -> memref<1x!tpu.dma_semaphore, #tpu.memory_space<semaphore_mem>>
    %dma_start3A_114 = tpu.memref_squeeze %dma_start3A_113 : memref<1x!tpu.dma_semaphore, #tpu.memory_space<semaphore_mem>> -> memref<!tpu.dma_semaphore, #tpu.memory_space<semaphore_mem>>
    tpu.enqueue_indirect_dma source(%dma_start3A_112 : memref<10000x64xbf16, #tpu.memory_space<hbm>>) target(%dma_start3A_106 : memref<1280x64xbf16, #tpu.memory_space<vmem>>) offsets(%dma_start3A_109 : memref<1280xi32, #tpu.memory_space<vmem>>) semaphore(%dma_start3A_114 : memref<!tpu.dma_semaphore, #tpu.memory_space<semaphore_mem>>)
    %dma_start3A_115 = arith.constant 1 : i32
    %dma_start3A_116 = arith.constant 1 : i32
    %dma_start3A_117 = arith.constant 1 : i32
    %dma_start3A_118 = arith.constant 0 : i32
    %dma_start3A_119 = arith.constant 0 : i32
    %dma_start3A_120 = tpu.memref_slice %arg9[%dma_start3A_115, %dma_start3A_118, %dma_start3A_119] : memref<2x1280x64xbf16, #tpu.memory_space<vmem>> -> memref<1x1280x64xbf16, #tpu.memory_space<vmem>>
    %dma_start3A_121 = tpu.memref_squeeze %dma_start3A_120 : memref<1x1280x64xbf16, #tpu.memory_space<vmem>> -> memref<1280x64xbf16, #tpu.memory_space<vmem>>
    %dma_start3A_122 = arith.constant 0 : i32
    %dma_start3A_123 = tpu.memref_slice %arg8[%dma_start3A_116, %dma_start3A_122] : memref<8x1280xi32, #tpu.memory_space<vmem>> -> memref<1x1280xi32, #tpu.memory_space<vmem>>
    %dma_start3A_124 = tpu.memref_squeeze %dma_start3A_123 : memref<1x1280xi32, #tpu.memory_space<vmem>> -> memref<1280xi32, #tpu.memory_space<vmem>>
    %dma_start3A_125 = arith.constant 0 : i32
    %dma_start3A_126 = arith.constant 0 : i32
    %dma_start3A_127 = tpu.memref_slice %arg10[%dma_start3A_125, %dma_start3A_126] : memref<10240x64xbf16, #tpu.memory_space<vmem_shared>> -> memref<10240x64xbf16, #tpu.memory_space<vmem_shared>>
    %dma_start3A_128 = tpu.memref_slice %arg12[%dma_start3A_117] : memref<2x!tpu.dma_semaphore, #tpu.memory_space<semaphore_mem>> -> memref<1x!tpu.dma_semaphore, #tpu.memory_space<semaphore_mem>>
    %dma_start3A_129 = tpu.memref_squeeze %dma_start3A_128 : memref<1x!tpu.dma_semaphore, #tpu.memory_space<semaphore_mem>> -> memref<!tpu.dma_semaphore, #tpu.memory_space<semaphore_mem>>
    tpu.enqueue_indirect_dma source(%dma_start3A_121 : memref<1280x64xbf16, #tpu.memory_space<vmem>>) target(%dma_start3A_127 : memref<10240x64xbf16, #tpu.memory_space<vmem_shared>>) offsets(%dma_start3A_124 : memref<1280xi32, #tpu.memory_space<vmem>>) semaphore(%dma_start3A_129 : memref<!tpu.dma_semaphore, #tpu.memory_space<semaphore_mem>>) {add = true}
    %dma_wait3A_130 = arith.constant 0 : i32
    %dma_wait3A_131 = arith.constant 0 : i32
    %dma_wait3A_132 = arith.constant 0 : i32
    %dma_wait3A_133 = arith.constant 0 : i32
    %dma_wait3A_134 = tpu.memref_slice %arg9[%dma_wait3A_130, %dma_wait3A_132, %dma_wait3A_133] : memref<2x1280x64xbf16, #tpu.memory_space<vmem>> -> memref<1x1280x64xbf16, #tpu.memory_space<vmem>>
    %dma_wait3A_135 = tpu.memref_squeeze %dma_wait3A_134 : memref<1x1280x64xbf16, #tpu.memory_space<vmem>> -> memref<1280x64xbf16, #tpu.memory_space<vmem>>
    %dma_wait3A_136 = arith.constant 0 : i32
    %dma_wait3A_137 = arith.constant 0 : i32
    %dma_wait3A_138 = tpu.memref_slice %arg2[%dma_wait3A_136, %dma_wait3A_137] : memref<10000x64xbf16, #tpu.memory_space<hbm>> -> memref<1280x64xbf16, #tpu.memory_space<hbm>>
    %dma_wait3A_139 = tpu.memref_slice %arg11[%dma_wait3A_131] : memref<2x!tpu.dma_semaphore, #tpu.memory_space<semaphore_mem>> -> memref<1x!tpu.dma_semaphore, #tpu.memory_space<semaphore_mem>>
    %dma_wait3A_140 = tpu.memref_squeeze %dma_wait3A_139 : memref<1x!tpu.dma_semaphore, #tpu.memory_space<semaphore_mem>> -> memref<!tpu.dma_semaphore, #tpu.memory_space<semaphore_mem>>
    %dma_wait3A_141 = arith.constant 0 : i32
    %dma_wait3A_142 = arith.constant 0 : i32
    %dma_wait3A_143 = tpu.memref_slice %arg9[%dma_wait3A_130, %dma_wait3A_141, %dma_wait3A_142] : memref<2x1280x64xbf16, #tpu.memory_space<vmem>> -> memref<1x1280x64xbf16, #tpu.memory_space<vmem>>
    %dma_wait3A_144 = tpu.memref_squeeze %dma_wait3A_143 : memref<1x1280x64xbf16, #tpu.memory_space<vmem>> -> memref<1280x64xbf16, #tpu.memory_space<vmem>>
    %dma_wait3A_145 = arith.constant 0 : i32
    %dma_wait3A_146 = arith.constant 0 : i32
    %dma_wait3A_147 = tpu.memref_slice %arg2[%dma_wait3A_145, %dma_wait3A_146] : memref<10000x64xbf16, #tpu.memory_space<hbm>> -> memref<1280x64xbf16, #tpu.memory_space<hbm>>
    tpu.wait_dma2 semaphore(%dma_wait3A_140 : memref<!tpu.dma_semaphore, #tpu.memory_space<semaphore_mem>>) src(%dma_wait3A_147 : memref<1280x64xbf16, #tpu.memory_space<hbm>>) dst(%dma_wait3A_144 : memref<1280x64xbf16, #tpu.memory_space<vmem>>)
    %dma_wait3A_148 = arith.constant 1 : i32
    %dma_wait3A_149 = arith.constant 1 : i32
    %dma_wait3A_150 = arith.constant 0 : i32
    %dma_wait3A_151 = arith.constant 0 : i32
    %dma_wait3A_152 = tpu.memref_slice %arg9[%dma_wait3A_148, %dma_wait3A_150, %dma_wait3A_151] : memref<2x1280x64xbf16, #tpu.memory_space<vmem>> -> memref<1x1280x64xbf16, #tpu.memory_space<vmem>>
    %dma_wait3A_153 = tpu.memref_squeeze %dma_wait3A_152 : memref<1x1280x64xbf16, #tpu.memory_space<vmem>> -> memref<1280x64xbf16, #tpu.memory_space<vmem>>
    %dma_wait3A_154 = arith.constant 0 : i32
    %dma_wait3A_155 = arith.constant 0 : i32
    %dma_wait3A_156 = tpu.memref_slice %arg10[%dma_wait3A_154, %dma_wait3A_155] : memref<10240x64xbf16, #tpu.memory_space<vmem_shared>> -> memref<1280x64xbf16, #tpu.memory_space<vmem_shared>>
    %dma_wait3A_157 = tpu.memref_slice %arg12[%dma_wait3A_149] : memref<2x!tpu.dma_semaphore, #tpu.memory_space<semaphore_mem>> -> memref<1x!tpu.dma_semaphore, #tpu.memory_space<semaphore_mem>>
    %dma_wait3A_158 = tpu.memref_squeeze %dma_wait3A_157 : memref<1x!tpu.dma_semaphore, #tpu.memory_space<semaphore_mem>> -> memref<!tpu.dma_semaphore, #tpu.memory_space<semaphore_mem>>
    %dma_wait3A_159 = arith.constant 0 : i32
    %dma_wait3A_160 = arith.constant 0 : i32
    %dma_wait3A_161 = tpu.memref_slice %arg10[%dma_wait3A_159, %dma_wait3A_160] : memref<10240x64xbf16, #tpu.memory_space<vmem_shared>> -> memref<1280x64xbf16, #tpu.memory_space<vmem_shared>>
    %dma_wait3A_162 = arith.constant 0 : i32
    %dma_wait3A_163 = arith.constant 0 : i32
    %dma_wait3A_164 = tpu.memref_slice %arg9[%dma_wait3A_148, %dma_wait3A_162, %dma_wait3A_163] : memref<2x1280x64xbf16, #tpu.memory_space<vmem>> -> memref<1x1280x64xbf16, #tpu.memory_space<vmem>>
    %dma_wait3A_165 = tpu.memref_squeeze %dma_wait3A_164 : memref<1x1280x64xbf16, #tpu.memory_space<vmem>> -> memref<1280x64xbf16, #tpu.memory_space<vmem>>
    tpu.wait_dma2 semaphore(%dma_wait3A_158 : memref<!tpu.dma_semaphore, #tpu.memory_space<semaphore_mem>>) src(%dma_wait3A_165 : memref<1280x64xbf16, #tpu.memory_space<vmem>>) dst(%dma_wait3A_161 : memref<1280x64xbf16, #tpu.memory_space<vmem_shared>>)
    %dma_start3A_166 = arith.constant 3 : i32
    %dma_start3A_167 = arith.constant 1 : i32
    %dma_start3A_168 = arith.constant 1 : i32
    %dma_start3A_169 = arith.constant 0 : i32
    %dma_start3A_170 = arith.constant 0 : i32
    %dma_start3A_171 = tpu.memref_slice %arg9[%dma_start3A_167, %dma_start3A_169, %dma_start3A_170] : memref<2x1280x64xbf16, #tpu.memory_space<vmem>> -> memref<1x1280x64xbf16, #tpu.memory_space<vmem>>
    %dma_start3A_172 = tpu.memref_squeeze %dma_start3A_171 : memref<1x1280x64xbf16, #tpu.memory_space<vmem>> -> memref<1280x64xbf16, #tpu.memory_space<vmem>>
    %dma_start3A_173 = arith.constant 0 : i32
    %dma_start3A_174 = tpu.memref_slice %arg7[%dma_start3A_166, %dma_start3A_173] : memref<8x1280xi32, #tpu.memory_space<vmem>> -> memref<1x1280xi32, #tpu.memory_space<vmem>>
    %dma_start3A_175 = tpu.memref_squeeze %dma_start3A_174 : memref<1x1280xi32, #tpu.memory_space<vmem>> -> memref<1280xi32, #tpu.memory_space<vmem>>
    %dma_start3A_176 = arith.constant 0 : i32
    %dma_start3A_177 = arith.constant 0 : i32
    %dma_start3A_178 = tpu.memref_slice %arg2[%dma_start3A_176, %dma_start3A_177] : memref<10000x64xbf16, #tpu.memory_space<hbm>> -> memref<10000x64xbf16, #tpu.memory_space<hbm>>
    %dma_start3A_179 = tpu.memref_slice %arg11[%dma_start3A_168] : memref<2x!tpu.dma_semaphore, #tpu.memory_space<semaphore_mem>> -> memref<1x!tpu.dma_semaphore, #tpu.memory_space<semaphore_mem>>
    %dma_start3A_180 = tpu.memref_squeeze %dma_start3A_179 : memref<1x!tpu.dma_semaphore, #tpu.memory_space<semaphore_mem>> -> memref<!tpu.dma_semaphore, #tpu.memory_space<semaphore_mem>>
    tpu.enqueue_indirect_dma source(%dma_start3A_178 : memref<10000x64xbf16, #tpu.memory_space<hbm>>) target(%dma_start3A_172 : memref<1280x64xbf16, #tpu.memory_space<vmem>>) offsets(%dma_start3A_175 : memref<1280xi32, #tpu.memory_space<vmem>>) semaphore(%dma_start3A_180 : memref<!tpu.dma_semaphore, #tpu.memory_space<semaphore_mem>>)
    %dma_start3A_181 = arith.constant 0 : i32
    %dma_start3A_182 = arith.constant 2 : i32
    %dma_start3A_183 = arith.constant 0 : i32
    %dma_start3A_184 = arith.constant 0 : i32
    %dma_start3A_185 = arith.constant 0 : i32
    %dma_start3A_186 = tpu.memref_slice %arg9[%dma_start3A_181, %dma_start3A_184, %dma_start3A_185] : memref<2x1280x64xbf16, #tpu.memory_space<vmem>> -> memref<1x1280x64xbf16, #tpu.memory_space<vmem>>
    %dma_start3A_187 = tpu.memref_squeeze %dma_start3A_186 : memref<1x1280x64xbf16, #tpu.memory_space<vmem>> -> memref<1280x64xbf16, #tpu.memory_space<vmem>>
    %dma_start3A_188 = arith.constant 0 : i32
    %dma_start3A_189 = tpu.memref_slice %arg8[%dma_start3A_182, %dma_start3A_188] : memref<8x1280xi32, #tpu.memory_space<vmem>> -> memref<1x1280xi32, #tpu.memory_space<vmem>>
    %dma_start3A_190 = tpu.memref_squeeze %dma_start3A_189 : memref<1x1280xi32, #tpu.memory_space<vmem>> -> memref<1280xi32, #tpu.memory_space<vmem>>
    %dma_start3A_191 = arith.constant 0 : i32
    %dma_start3A_192 = arith.constant 0 : i32
    %dma_start3A_193 = tpu.memref_slice %arg10[%dma_start3A_191, %dma_start3A_192] : memref<10240x64xbf16, #tpu.memory_space<vmem_shared>> -> memref<10240x64xbf16, #tpu.memory_space<vmem_shared>>
    %dma_start3A_194 = tpu.memref_slice %arg12[%dma_start3A_183] : memref<2x!tpu.dma_semaphore, #tpu.memory_space<semaphore_mem>> -> memref<1x!tpu.dma_semaphore, #tpu.memory_space<semaphore_mem>>
    %dma_start3A_195 = tpu.memref_squeeze %dma_start3A_194 : memref<1x!tpu.dma_semaphore, #tpu.memory_space<semaphore_mem>> -> memref<!tpu.dma_semaphore, #tpu.memory_space<semaphore_mem>>
    tpu.enqueue_indirect_dma source(%dma_start3A_187 : memref<1280x64xbf16, #tpu.memory_space<vmem>>) target(%dma_start3A_193 : memref<10240x64xbf16, #tpu.memory_space<vmem_shared>>) offsets(%dma_start3A_190 : memref<1280xi32, #tpu.memory_space<vmem>>) semaphore(%dma_start3A_195 : memref<!tpu.dma_semaphore, #tpu.memory_space<semaphore_mem>>) {add = true}
    %dma_wait3A_196 = arith.constant 1 : i32
    %dma_wait3A_197 = arith.constant 1 : i32
    %dma_wait3A_198 = arith.constant 0 : i32
    %dma_wait3A_199 = arith.constant 0 : i32
    %dma_wait3A_200 = tpu.memref_slice %arg9[%dma_wait3A_196, %dma_wait3A_198, %dma_wait3A_199] : memref<2x1280x64xbf16, #tpu.memory_space<vmem>> -> memref<1x1280x64xbf16, #tpu.memory_space<vmem>>
    %dma_wait3A_201 = tpu.memref_squeeze %dma_wait3A_200 : memref<1x1280x64xbf16, #tpu.memory_space<vmem>> -> memref<1280x64xbf16, #tpu.memory_space<vmem>>
    %dma_wait3A_202 = arith.constant 0 : i32
    %dma_wait3A_203 = arith.constant 0 : i32
    %dma_wait3A_204 = tpu.memref_slice %arg2[%dma_wait3A_202, %dma_wait3A_203] : memref<10000x64xbf16, #tpu.memory_space<hbm>> -> memref<1280x64xbf16, #tpu.memory_space<hbm>>
    %dma_wait3A_205 = tpu.memref_slice %arg11[%dma_wait3A_197] : memref<2x!tpu.dma_semaphore, #tpu.memory_space<semaphore_mem>> -> memref<1x!tpu.dma_semaphore, #tpu.memory_space<semaphore_mem>>
    %dma_wait3A_206 = tpu.memref_squeeze %dma_wait3A_205 : memref<1x!tpu.dma_semaphore, #tpu.memory_space<semaphore_mem>> -> memref<!tpu.dma_semaphore, #tpu.memory_space<semaphore_mem>>
    %dma_wait3A_207 = arith.constant 0 : i32
    %dma_wait3A_208 = arith.constant 0 : i32
    %dma_wait3A_209 = tpu.memref_slice %arg9[%dma_wait3A_196, %dma_wait3A_207, %dma_wait3A_208] : memref<2x1280x64xbf16, #tpu.memory_space<vmem>> -> memref<1x1280x64xbf16, #tpu.memory_space<vmem>>
    %dma_wait3A_210 = tpu.memref_squeeze %dma_wait3A_209 : memref<1x1280x64xbf16, #tpu.memory_space<vmem>> -> memref<1280x64xbf16, #tpu.memory_space<vmem>>
    %dma_wait3A_211 = arith.constant 0 : i32
    %dma_wait3A_212 = arith.constant 0 : i32
    %dma_wait3A_213 = tpu.memref_slice %arg2[%dma_wait3A_211, %dma_wait3A_212] : memref<10000x64xbf16, #tpu.memory_space<hbm>> -> memref<1280x64xbf16, #tpu.memory_space<hbm>>
    tpu.wait_dma2 semaphore(%dma_wait3A_206 : memref<!tpu.dma_semaphore, #tpu.memory_space<semaphore_mem>>) src(%dma_wait3A_213 : memref<1280x64xbf16, #tpu.memory_space<hbm>>) dst(%dma_wait3A_210 : memref<1280x64xbf16, #tpu.memory_space<vmem>>)
    %dma_wait3A_214 = arith.constant 0 : i32
    %dma_wait3A_215 = arith.constant 0 : i32
    %dma_wait3A_216 = arith.constant 0 : i32
    %dma_wait3A_217 = arith.constant 0 : i32
    %dma_wait3A_218 = tpu.memref_slice %arg9[%dma_wait3A_214, %dma_wait3A_216, %dma_wait3A_217] : memref<2x1280x64xbf16, #tpu.memory_space<vmem>> -> memref<1x1280x64xbf16, #tpu.memory_space<vmem>>
    %dma_wait3A_219 = tpu.memref_squeeze %dma_wait3A_218 : memref<1x1280x64xbf16, #tpu.memory_space<vmem>> -> memref<1280x64xbf16, #tpu.memory_space<vmem>>
    %dma_wait3A_220 = arith.constant 0 : i32
    %dma_wait3A_221 = arith.constant 0 : i32
    %dma_wait3A_222 = tpu.memref_slice %arg10[%dma_wait3A_220, %dma_wait3A_221] : memref<10240x64xbf16, #tpu.memory_space<vmem_shared>> -> memref<1280x64xbf16, #tpu.memory_space<vmem_shared>>
    %dma_wait3A_223 = tpu.memref_slice %arg12[%dma_wait3A_215] : memref<2x!tpu.dma_semaphore, #tpu.memory_space<semaphore_mem>> -> memref<1x!tpu.dma_semaphore, #tpu.memory_space<semaphore_mem>>
    %dma_wait3A_224 = tpu.memref_squeeze %dma_wait3A_223 : memref<1x!tpu.dma_semaphore, #tpu.memory_space<semaphore_mem>> -> memref<!tpu.dma_semaphore, #tpu.memory_space<semaphore_mem>>
    %dma_wait3A_225 = arith.constant 0 : i32
    %dma_wait3A_226 = arith.constant 0 : i32
    %dma_wait3A_227 = tpu.memref_slice %arg10[%dma_wait3A_225, %dma_wait3A_226] : memref<10240x64xbf16, #tpu.memory_space<vmem_shared>> -> memref<1280x64xbf16, #tpu.memory_space<vmem_shared>>
    %dma_wait3A_228 = arith.constant 0 : i32
    %dma_wait3A_229 = arith.constant 0 : i32
    %dma_wait3A_230 = tpu.memref_slice %arg9[%dma_wait3A_214, %dma_wait3A_228, %dma_wait3A_229] : memref<2x1280x64xbf16, #tpu.memory_space<vmem>> -> memref<1x1280x64xbf16, #tpu.memory_space<vmem>>
    %dma_wait3A_231 = tpu.memref_squeeze %dma_wait3A_230 : memref<1x1280x64xbf16, #tpu.memory_space<vmem>> -> memref<1280x64xbf16, #tpu.memory_space<vmem>>
    tpu.wait_dma2 semaphore(%dma_wait3A_224 : memref<!tpu.dma_semaphore, #tpu.memory_space<semaphore_mem>>) src(%dma_wait3A_231 : memref<1280x64xbf16, #tpu.memory_space<vmem>>) dst(%dma_wait3A_227 : memref<1280x64xbf16, #tpu.memory_space<vmem_shared>>)
    %dma_start3A_232 = arith.constant 4 : i32
    %dma_start3A_233 = arith.constant 0 : i32
    %dma_start3A_234 = arith.constant 0 : i32
    %dma_start3A_235 = arith.constant 0 : i32
    %dma_start3A_236 = arith.constant 0 : i32
    %dma_start3A_237 = tpu.memref_slice %arg9[%dma_start3A_233, %dma_start3A_235, %dma_start3A_236] : memref<2x1280x64xbf16, #tpu.memory_space<vmem>> -> memref<1x1280x64xbf16, #tpu.memory_space<vmem>>
    %dma_start3A_238 = tpu.memref_squeeze %dma_start3A_237 : memref<1x1280x64xbf16, #tpu.memory_space<vmem>> -> memref<1280x64xbf16, #tpu.memory_space<vmem>>
    %dma_start3A_239 = arith.constant 0 : i32
    %dma_start3A_240 = tpu.memref_slice %arg7[%dma_start3A_232, %dma_start3A_239] : memref<8x1280xi32, #tpu.memory_space<vmem>> -> memref<1x1280xi32, #tpu.memory_space<vmem>>
    %dma_start3A_241 = tpu.memref_squeeze %dma_start3A_240 : memref<1x1280xi32, #tpu.memory_space<vmem>> -> memref<1280xi32, #tpu.memory_space<vmem>>
    %dma_start3A_242 = arith.constant 0 : i32
    %dma_start3A_243 = arith.constant 0 : i32
    %dma_start3A_244 = tpu.memref_slice %arg2[%dma_start3A_242, %dma_start3A_243] : memref<10000x64xbf16, #tpu.memory_space<hbm>> -> memref<10000x64xbf16, #tpu.memory_space<hbm>>
    %dma_start3A_245 = tpu.memref_slice %arg11[%dma_start3A_234] : memref<2x!tpu.dma_semaphore, #tpu.memory_space<semaphore_mem>> -> memref<1x!tpu.dma_semaphore, #tpu.memory_space<semaphore_mem>>
    %dma_start3A_246 = tpu.memref_squeeze %dma_start3A_245 : memref<1x!tpu.dma_semaphore, #tpu.memory_space<semaphore_mem>> -> memref<!tpu.dma_semaphore, #tpu.memory_space<semaphore_mem>>
    tpu.enqueue_indirect_dma source(%dma_start3A_244 : memref<10000x64xbf16, #tpu.memory_space<hbm>>) target(%dma_start3A_238 : memref<1280x64xbf16, #tpu.memory_space<vmem>>) offsets(%dma_start3A_241 : memref<1280xi32, #tpu.memory_space<vmem>>) semaphore(%dma_start3A_246 : memref<!tpu.dma_semaphore, #tpu.memory_space<semaphore_mem>>)
    %dma_start3A_247 = arith.constant 1 : i32
    %dma_start3A_248 = arith.constant 3 : i32
    %dma_start3A_249 = arith.constant 1 : i32
    %dma_start3A_250 = arith.constant 0 : i32
    %dma_start3A_251 = arith.constant 0 : i32
    %dma_start3A_252 = tpu.memref_slice %arg9[%dma_start3A_247, %dma_start3A_250, %dma_start3A_251] : memref<2x1280x64xbf16, #tpu.memory_space<vmem>> -> memref<1x1280x64xbf16, #tpu.memory_space<vmem>>
    %dma_start3A_253 = tpu.memref_squeeze %dma_start3A_252 : memref<1x1280x64xbf16, #tpu.memory_space<vmem>> -> memref<1280x64xbf16, #tpu.memory_space<vmem>>
    %dma_start3A_254 = arith.constant 0 : i32
    %dma_start3A_255 = tpu.memref_slice %arg8[%dma_start3A_248, %dma_start3A_254] : memref<8x1280xi32, #tpu.memory_space<vmem>> -> memref<1x1280xi32, #tpu.memory_space<vmem>>
    %dma_start3A_256 = tpu.memref_squeeze %dma_start3A_255 : memref<1x1280xi32, #tpu.memory_space<vmem>> -> memref<1280xi32, #tpu.memory_space<vmem>>
    %dma_start3A_257 = arith.constant 0 : i32
    %dma_start3A_258 = arith.constant 0 : i32
    %dma_start3A_259 = tpu.memref_slice %arg10[%dma_start3A_257, %dma_start3A_258] : memref<10240x64xbf16, #tpu.memory_space<vmem_shared>> -> memref<10240x64xbf16, #tpu.memory_space<vmem_shared>>
    %dma_start3A_260 = tpu.memref_slice %arg12[%dma_start3A_249] : memref<2x!tpu.dma_semaphore, #tpu.memory_space<semaphore_mem>> -> memref<1x!tpu.dma_semaphore, #tpu.memory_space<semaphore_mem>>
    %dma_start3A_261 = tpu.memref_squeeze %dma_start3A_260 : memref<1x!tpu.dma_semaphore, #tpu.memory_space<semaphore_mem>> -> memref<!tpu.dma_semaphore, #tpu.memory_space<semaphore_mem>>
    tpu.enqueue_indirect_dma source(%dma_start3A_253 : memref<1280x64xbf16, #tpu.memory_space<vmem>>) target(%dma_start3A_259 : memref<10240x64xbf16, #tpu.memory_space<vmem_shared>>) offsets(%dma_start3A_256 : memref<1280xi32, #tpu.memory_space<vmem>>) semaphore(%dma_start3A_261 : memref<!tpu.dma_semaphore, #tpu.memory_space<semaphore_mem>>) {add = true}
    %dma_wait3A_262 = arith.constant 0 : i32
    %dma_wait3A_263 = arith.constant 0 : i32
    %dma_wait3A_264 = arith.constant 0 : i32
    %dma_wait3A_265 = arith.constant 0 : i32
    %dma_wait3A_266 = tpu.memref_slice %arg9[%dma_wait3A_262, %dma_wait3A_264, %dma_wait3A_265] : memref<2x1280x64xbf16, #tpu.memory_space<vmem>> -> memref<1x1280x64xbf16, #tpu.memory_space<vmem>>
    %dma_wait3A_267 = tpu.memref_squeeze %dma_wait3A_266 : memref<1x1280x64xbf16, #tpu.memory_space<vmem>> -> memref<1280x64xbf16, #tpu.memory_space<vmem>>
    %dma_wait3A_268 = arith.constant 0 : i32
    %dma_wait3A_269 = arith.constant 0 : i32
    %dma_wait3A_270 = tpu.memref_slice %arg2[%dma_wait3A_268, %dma_wait3A_269] : memref<10000x64xbf16, #tpu.memory_space<hbm>> -> memref<1280x64xbf16, #tpu.memory_space<hbm>>
    %dma_wait3A_271 = tpu.memref_slice %arg11[%dma_wait3A_263] : memref<2x!tpu.dma_semaphore, #tpu.memory_space<semaphore_mem>> -> memref<1x!tpu.dma_semaphore, #tpu.memory_space<semaphore_mem>>
    %dma_wait3A_272 = tpu.memref_squeeze %dma_wait3A_271 : memref<1x!tpu.dma_semaphore, #tpu.memory_space<semaphore_mem>> -> memref<!tpu.dma_semaphore, #tpu.memory_space<semaphore_mem>>
    %dma_wait3A_273 = arith.constant 0 : i32
    %dma_wait3A_274 = arith.constant 0 : i32
    %dma_wait3A_275 = tpu.memref_slice %arg9[%dma_wait3A_262, %dma_wait3A_273, %dma_wait3A_274] : memref<2x1280x64xbf16, #tpu.memory_space<vmem>> -> memref<1x1280x64xbf16, #tpu.memory_space<vmem>>
    %dma_wait3A_276 = tpu.memref_squeeze %dma_wait3A_275 : memref<1x1280x64xbf16, #tpu.memory_space<vmem>> -> memref<1280x64xbf16, #tpu.memory_space<vmem>>
    %dma_wait3A_277 = arith.constant 0 : i32
    %dma_wait3A_278 = arith.constant 0 : i32
    %dma_wait3A_279 = tpu.memref_slice %arg2[%dma_wait3A_277, %dma_wait3A_278] : memref<10000x64xbf16, #tpu.memory_space<hbm>> -> memref<1280x64xbf16, #tpu.memory_space<hbm>>
    tpu.wait_dma2 semaphore(%dma_wait3A_272 : memref<!tpu.dma_semaphore, #tpu.memory_space<semaphore_mem>>) src(%dma_wait3A_279 : memref<1280x64xbf16, #tpu.memory_space<hbm>>) dst(%dma_wait3A_276 : memref<1280x64xbf16, #tpu.memory_space<vmem>>)
    %dma_wait3A_280 = arith.constant 1 : i32
    %dma_wait3A_281 = arith.constant 1 : i32
    %dma_wait3A_282 = arith.constant 0 : i32
    %dma_wait3A_283 = arith.constant 0 : i32
    %dma_wait3A_284 = tpu.memref_slice %arg9[%dma_wait3A_280, %dma_wait3A_282, %dma_wait3A_283] : memref<2x1280x64xbf16, #tpu.memory_space<vmem>> -> memref<1x1280x64xbf16, #tpu.memory_space<vmem>>
    %dma_wait3A_285 = tpu.memref_squeeze %dma_wait3A_284 : memref<1x1280x64xbf16, #tpu.memory_space<vmem>> -> memref<1280x64xbf16, #tpu.memory_space<vmem>>
    %dma_wait3A_286 = arith.constant 0 : i32
    %dma_wait3A_287 = arith.constant 0 : i32
    %dma_wait3A_288 = tpu.memref_slice %arg10[%dma_wait3A_286, %dma_wait3A_287] : memref<10240x64xbf16, #tpu.memory_space<vmem_shared>> -> memref<1280x64xbf16, #tpu.memory_space<vmem_shared>>
    %dma_wait3A_289 = tpu.memref_slice %arg12[%dma_wait3A_281] : memref<2x!tpu.dma_semaphore, #tpu.memory_space<semaphore_mem>> -> memref<1x!tpu.dma_semaphore, #tpu.memory_space<semaphore_mem>>
    %dma_wait3A_290 = tpu.memref_squeeze %dma_wait3A_289 : memref<1x!tpu.dma_semaphore, #tpu.memory_space<semaphore_mem>> -> memref<!tpu.dma_semaphore, #tpu.memory_space<semaphore_mem>>
    %dma_wait3A_291 = arith.constant 0 : i32
    %dma_wait3A_292 = arith.constant 0 : i32
    %dma_wait3A_293 = tpu.memref_slice %arg10[%dma_wait3A_291, %dma_wait3A_292] : memref<10240x64xbf16, #tpu.memory_space<vmem_shared>> -> memref<1280x64xbf16, #tpu.memory_space<vmem_shared>>
    %dma_wait3A_294 = arith.constant 0 : i32
    %dma_wait3A_295 = arith.constant 0 : i32
    %dma_wait3A_296 = tpu.memref_slice %arg9[%dma_wait3A_280, %dma_wait3A_294, %dma_wait3A_295] : memref<2x1280x64xbf16, #tpu.memory_space<vmem>> -> memref<1x1280x64xbf16, #tpu.memory_space<vmem>>
    %dma_wait3A_297 = tpu.memref_squeeze %dma_wait3A_296 : memref<1x1280x64xbf16, #tpu.memory_space<vmem>> -> memref<1280x64xbf16, #tpu.memory_space<vmem>>
    tpu.wait_dma2 semaphore(%dma_wait3A_290 : memref<!tpu.dma_semaphore, #tpu.memory_space<semaphore_mem>>) src(%dma_wait3A_297 : memref<1280x64xbf16, #tpu.memory_space<vmem>>) dst(%dma_wait3A_293 : memref<1280x64xbf16, #tpu.memory_space<vmem_shared>>)
    %dma_start3A_298 = arith.constant 5 : i32
    %dma_start3A_299 = arith.constant 1 : i32
    %dma_start3A_300 = arith.constant 1 : i32
    %dma_start3A_301 = arith.constant 0 : i32
    %dma_start3A_302 = arith.constant 0 : i32
    %dma_start3A_303 = tpu.memref_slice %arg9[%dma_start3A_299, %dma_start3A_301, %dma_start3A_302] : memref<2x1280x64xbf16, #tpu.memory_space<vmem>> -> memref<1x1280x64xbf16, #tpu.memory_space<vmem>>
    %dma_start3A_304 = tpu.memref_squeeze %dma_start3A_303 : memref<1x1280x64xbf16, #tpu.memory_space<vmem>> -> memref<1280x64xbf16, #tpu.memory_space<vmem>>
    %dma_start3A_305 = arith.constant 0 : i32
    %dma_start3A_306 = tpu.memref_slice %arg7[%dma_start3A_298, %dma_start3A_305] : memref<8x1280xi32, #tpu.memory_space<vmem>> -> memref<1x1280xi32, #tpu.memory_space<vmem>>
    %dma_start3A_307 = tpu.memref_squeeze %dma_start3A_306 : memref<1x1280xi32, #tpu.memory_space<vmem>> -> memref<1280xi32, #tpu.memory_space<vmem>>
    %dma_start3A_308 = arith.constant 0 : i32
    %dma_start3A_309 = arith.constant 0 : i32
    %dma_start3A_310 = tpu.memref_slice %arg2[%dma_start3A_308, %dma_start3A_309] : memref<10000x64xbf16, #tpu.memory_space<hbm>> -> memref<10000x64xbf16, #tpu.memory_space<hbm>>
    %dma_start3A_311 = tpu.memref_slice %arg11[%dma_start3A_300] : memref<2x!tpu.dma_semaphore, #tpu.memory_space<semaphore_mem>> -> memref<1x!tpu.dma_semaphore, #tpu.memory_space<semaphore_mem>>
    %dma_start3A_312 = tpu.memref_squeeze %dma_start3A_311 : memref<1x!tpu.dma_semaphore, #tpu.memory_space<semaphore_mem>> -> memref<!tpu.dma_semaphore, #tpu.memory_space<semaphore_mem>>
    tpu.enqueue_indirect_dma source(%dma_start3A_310 : memref<10000x64xbf16, #tpu.memory_space<hbm>>) target(%dma_start3A_304 : memref<1280x64xbf16, #tpu.memory_space<vmem>>) offsets(%dma_start3A_307 : memref<1280xi32, #tpu.memory_space<vmem>>) semaphore(%dma_start3A_312 : memref<!tpu.dma_semaphore, #tpu.memory_space<semaphore_mem>>)
    %dma_start3A_313 = arith.constant 0 : i32
    %dma_start3A_314 = arith.constant 4 : i32
    %dma_start3A_315 = arith.constant 0 : i32
    %dma_start3A_316 = arith.constant 0 : i32
    %dma_start3A_317 = arith.constant 0 : i32
    %dma_start3A_318 = tpu.memref_slice %arg9[%dma_start3A_313, %dma_start3A_316, %dma_start3A_317] : memref<2x1280x64xbf16, #tpu.memory_space<vmem>> -> memref<1x1280x64xbf16, #tpu.memory_space<vmem>>
    %dma_start3A_319 = tpu.memref_squeeze %dma_start3A_318 : memref<1x1280x64xbf16, #tpu.memory_space<vmem>> -> memref<1280x64xbf16, #tpu.memory_space<vmem>>
    %dma_start3A_320 = arith.constant 0 : i32
    %dma_start3A_321 = tpu.memref_slice %arg8[%dma_start3A_314, %dma_start3A_320] : memref<8x1280xi32, #tpu.memory_space<vmem>> -> memref<1x1280xi32, #tpu.memory_space<vmem>>
    %dma_start3A_322 = tpu.memref_squeeze %dma_start3A_321 : memref<1x1280xi32, #tpu.memory_space<vmem>> -> memref<1280xi32, #tpu.memory_space<vmem>>
    %dma_start3A_323 = arith.constant 0 : i32
    %dma_start3A_324 = arith.constant 0 : i32
    %dma_start3A_325 = tpu.memref_slice %arg10[%dma_start3A_323, %dma_start3A_324] : memref<10240x64xbf16, #tpu.memory_space<vmem_shared>> -> memref<10240x64xbf16, #tpu.memory_space<vmem_shared>>
    %dma_start3A_326 = tpu.memref_slice %arg12[%dma_start3A_315] : memref<2x!tpu.dma_semaphore, #tpu.memory_space<semaphore_mem>> -> memref<1x!tpu.dma_semaphore, #tpu.memory_space<semaphore_mem>>
    %dma_start3A_327 = tpu.memref_squeeze %dma_start3A_326 : memref<1x!tpu.dma_semaphore, #tpu.memory_space<semaphore_mem>> -> memref<!tpu.dma_semaphore, #tpu.memory_space<semaphore_mem>>
    tpu.enqueue_indirect_dma source(%dma_start3A_319 : memref<1280x64xbf16, #tpu.memory_space<vmem>>) target(%dma_start3A_325 : memref<10240x64xbf16, #tpu.memory_space<vmem_shared>>) offsets(%dma_start3A_322 : memref<1280xi32, #tpu.memory_space<vmem>>) semaphore(%dma_start3A_327 : memref<!tpu.dma_semaphore, #tpu.memory_space<semaphore_mem>>) {add = true}
    %dma_wait3A_328 = arith.constant 1 : i32
    %dma_wait3A_329 = arith.constant 1 : i32
    %dma_wait3A_330 = arith.constant 0 : i32
    %dma_wait3A_331 = arith.constant 0 : i32
    %dma_wait3A_332 = tpu.memref_slice %arg9[%dma_wait3A_328, %dma_wait3A_330, %dma_wait3A_331] : memref<2x1280x64xbf16, #tpu.memory_space<vmem>> -> memref<1x1280x64xbf16, #tpu.memory_space<vmem>>
    %dma_wait3A_333 = tpu.memref_squeeze %dma_wait3A_332 : memref<1x1280x64xbf16, #tpu.memory_space<vmem>> -> memref<1280x64xbf16, #tpu.memory_space<vmem>>
    %dma_wait3A_334 = arith.constant 0 : i32
    %dma_wait3A_335 = arith.constant 0 : i32
    %dma_wait3A_336 = tpu.memref_slice %arg2[%dma_wait3A_334, %dma_wait3A_335] : memref<10000x64xbf16, #tpu.memory_space<hbm>> -> memref<1280x64xbf16, #tpu.memory_space<hbm>>
    %dma_wait3A_337 = tpu.memref_slice %arg11[%dma_wait3A_329] : memref<2x!tpu.dma_semaphore, #tpu.memory_space<semaphore_mem>> -> memref<1x!tpu.dma_semaphore, #tpu.memory_space<semaphore_mem>>
    %dma_wait3A_338 = tpu.memref_squeeze %dma_wait3A_337 : memref<1x!tpu.dma_semaphore, #tpu.memory_space<semaphore_mem>> -> memref<!tpu.dma_semaphore, #tpu.memory_space<semaphore_mem>>
    %dma_wait3A_339 = arith.constant 0 : i32
    %dma_wait3A_340 = arith.constant 0 : i32
    %dma_wait3A_341 = tpu.memref_slice %arg9[%dma_wait3A_328, %dma_wait3A_339, %dma_wait3A_340] : memref<2x1280x64xbf16, #tpu.memory_space<vmem>> -> memref<1x1280x64xbf16, #tpu.memory_space<vmem>>
    %dma_wait3A_342 = tpu.memref_squeeze %dma_wait3A_341 : memref<1x1280x64xbf16, #tpu.memory_space<vmem>> -> memref<1280x64xbf16, #tpu.memory_space<vmem>>
    %dma_wait3A_343 = arith.constant 0 : i32
    %dma_wait3A_344 = arith.constant 0 : i32
    %dma_wait3A_345 = tpu.memref_slice %arg2[%dma_wait3A_343, %dma_wait3A_344] : memref<10000x64xbf16, #tpu.memory_space<hbm>> -> memref<1280x64xbf16, #tpu.memory_space<hbm>>
    tpu.wait_dma2 semaphore(%dma_wait3A_338 : memref<!tpu.dma_semaphore, #tpu.memory_space<semaphore_mem>>) src(%dma_wait3A_345 : memref<1280x64xbf16, #tpu.memory_space<hbm>>) dst(%dma_wait3A_342 : memref<1280x64xbf16, #tpu.memory_space<vmem>>)
    %dma_wait3A_346 = arith.constant 0 : i32
    %dma_wait3A_347 = arith.constant 0 : i32
    %dma_wait3A_348 = arith.constant 0 : i32
    %dma_wait3A_349 = arith.constant 0 : i32
    %dma_wait3A_350 = tpu.memref_slice %arg9[%dma_wait3A_346, %dma_wait3A_348, %dma_wait3A_349] : memref<2x1280x64xbf16, #tpu.memory_space<vmem>> -> memref<1x1280x64xbf16, #tpu.memory_space<vmem>>
    %dma_wait3A_351 = tpu.memref_squeeze %dma_wait3A_350 : memref<1x1280x64xbf16, #tpu.memory_space<vmem>> -> memref<1280x64xbf16, #tpu.memory_space<vmem>>
    %dma_wait3A_352 = arith.constant 0 : i32
    %dma_wait3A_353 = arith.constant 0 : i32
    %dma_wait3A_354 = tpu.memref_slice %arg10[%dma_wait3A_352, %dma_wait3A_353] : memref<10240x64xbf16, #tpu.memory_space<vmem_shared>> -> memref<1280x64xbf16, #tpu.memory_space<vmem_shared>>
    %dma_wait3A_355 = tpu.memref_slice %arg12[%dma_wait3A_347] : memref<2x!tpu.dma_semaphore, #tpu.memory_space<semaphore_mem>> -> memref<1x!tpu.dma_semaphore, #tpu.memory_space<semaphore_mem>>
    %dma_wait3A_356 = tpu.memref_squeeze %dma_wait3A_355 : memref<1x!tpu.dma_semaphore, #tpu.memory_space<semaphore_mem>> -> memref<!tpu.dma_semaphore, #tpu.memory_space<semaphore_mem>>
    %dma_wait3A_357 = arith.constant 0 : i32
    %dma_wait3A_358 = arith.constant 0 : i32
    %dma_wait3A_359 = tpu.memref_slice %arg10[%dma_wait3A_357, %dma_wait3A_358] : memref<10240x64xbf16, #tpu.memory_space<vmem_shared>> -> memref<1280x64xbf16, #tpu.memory_space<vmem_shared>>
    %dma_wait3A_360 = arith.constant 0 : i32
    %dma_wait3A_361 = arith.constant 0 : i32
    %dma_wait3A_362 = tpu.memref_slice %arg9[%dma_wait3A_346, %dma_wait3A_360, %dma_wait3A_361] : memref<2x1280x64xbf16, #tpu.memory_space<vmem>> -> memref<1x1280x64xbf16, #tpu.memory_space<vmem>>
    %dma_wait3A_363 = tpu.memref_squeeze %dma_wait3A_362 : memref<1x1280x64xbf16, #tpu.memory_space<vmem>> -> memref<1280x64xbf16, #tpu.memory_space<vmem>>
    tpu.wait_dma2 semaphore(%dma_wait3A_356 : memref<!tpu.dma_semaphore, #tpu.memory_space<semaphore_mem>>) src(%dma_wait3A_363 : memref<1280x64xbf16, #tpu.memory_space<vmem>>) dst(%dma_wait3A_359 : memref<1280x64xbf16, #tpu.memory_space<vmem_shared>>)
    %dma_start3A_364 = arith.constant 6 : i32
    %dma_start3A_365 = arith.constant 0 : i32
    %dma_start3A_366 = arith.constant 0 : i32
    %dma_start3A_367 = arith.constant 0 : i32
    %dma_start3A_368 = arith.constant 0 : i32
    %dma_start3A_369 = tpu.memref_slice %arg9[%dma_start3A_365, %dma_start3A_367, %dma_start3A_368] : memref<2x1280x64xbf16, #tpu.memory_space<vmem>> -> memref<1x1280x64xbf16, #tpu.memory_space<vmem>>
    %dma_start3A_370 = tpu.memref_squeeze %dma_start3A_369 : memref<1x1280x64xbf16, #tpu.memory_space<vmem>> -> memref<1280x64xbf16, #tpu.memory_space<vmem>>
    %dma_start3A_371 = arith.constant 0 : i32
    %dma_start3A_372 = tpu.memref_slice %arg7[%dma_start3A_364, %dma_start3A_371] : memref<8x1280xi32, #tpu.memory_space<vmem>> -> memref<1x1280xi32, #tpu.memory_space<vmem>>
    %dma_start3A_373 = tpu.memref_squeeze %dma_start3A_372 : memref<1x1280xi32, #tpu.memory_space<vmem>> -> memref<1280xi32, #tpu.memory_space<vmem>>
    %dma_start3A_374 = arith.constant 0 : i32
    %dma_start3A_375 = arith.constant 0 : i32
    %dma_start3A_376 = tpu.memref_slice %arg2[%dma_start3A_374, %dma_start3A_375] : memref<10000x64xbf16, #tpu.memory_space<hbm>> -> memref<10000x64xbf16, #tpu.memory_space<hbm>>
    %dma_start3A_377 = tpu.memref_slice %arg11[%dma_start3A_366] : memref<2x!tpu.dma_semaphore, #tpu.memory_space<semaphore_mem>> -> memref<1x!tpu.dma_semaphore, #tpu.memory_space<semaphore_mem>>
    %dma_start3A_378 = tpu.memref_squeeze %dma_start3A_377 : memref<1x!tpu.dma_semaphore, #tpu.memory_space<semaphore_mem>> -> memref<!tpu.dma_semaphore, #tpu.memory_space<semaphore_mem>>
    tpu.enqueue_indirect_dma source(%dma_start3A_376 : memref<10000x64xbf16, #tpu.memory_space<hbm>>) target(%dma_start3A_370 : memref<1280x64xbf16, #tpu.memory_space<vmem>>) offsets(%dma_start3A_373 : memref<1280xi32, #tpu.memory_space<vmem>>) semaphore(%dma_start3A_378 : memref<!tpu.dma_semaphore, #tpu.memory_space<semaphore_mem>>)
    %dma_start3A_379 = arith.constant 1 : i32
    %dma_start3A_380 = arith.constant 5 : i32
    %dma_start3A_381 = arith.constant 1 : i32
    %dma_start3A_382 = arith.constant 0 : i32
    %dma_start3A_383 = arith.constant 0 : i32
    %dma_start3A_384 = tpu.memref_slice %arg9[%dma_start3A_379, %dma_start3A_382, %dma_start3A_383] : memref<2x1280x64xbf16, #tpu.memory_space<vmem>> -> memref<1x1280x64xbf16, #tpu.memory_space<vmem>>
    %dma_start3A_385 = tpu.memref_squeeze %dma_start3A_384 : memref<1x1280x64xbf16, #tpu.memory_space<vmem>> -> memref<1280x64xbf16, #tpu.memory_space<vmem>>
    %dma_start3A_386 = arith.constant 0 : i32
    %dma_start3A_387 = tpu.memref_slice %arg8[%dma_start3A_380, %dma_start3A_386] : memref<8x1280xi32, #tpu.memory_space<vmem>> -> memref<1x1280xi32, #tpu.memory_space<vmem>>
    %dma_start3A_388 = tpu.memref_squeeze %dma_start3A_387 : memref<1x1280xi32, #tpu.memory_space<vmem>> -> memref<1280xi32, #tpu.memory_space<vmem>>
    %dma_start3A_389 = arith.constant 0 : i32
    %dma_start3A_390 = arith.constant 0 : i32
    %dma_start3A_391 = tpu.memref_slice %arg10[%dma_start3A_389, %dma_start3A_390] : memref<10240x64xbf16, #tpu.memory_space<vmem_shared>> -> memref<10240x64xbf16, #tpu.memory_space<vmem_shared>>
    %dma_start3A_392 = tpu.memref_slice %arg12[%dma_start3A_381] : memref<2x!tpu.dma_semaphore, #tpu.memory_space<semaphore_mem>> -> memref<1x!tpu.dma_semaphore, #tpu.memory_space<semaphore_mem>>
    %dma_start3A_393 = tpu.memref_squeeze %dma_start3A_392 : memref<1x!tpu.dma_semaphore, #tpu.memory_space<semaphore_mem>> -> memref<!tpu.dma_semaphore, #tpu.memory_space<semaphore_mem>>
    tpu.enqueue_indirect_dma source(%dma_start3A_385 : memref<1280x64xbf16, #tpu.memory_space<vmem>>) target(%dma_start3A_391 : memref<10240x64xbf16, #tpu.memory_space<vmem_shared>>) offsets(%dma_start3A_388 : memref<1280xi32, #tpu.memory_space<vmem>>) semaphore(%dma_start3A_393 : memref<!tpu.dma_semaphore, #tpu.memory_space<semaphore_mem>>) {add = true}
    %dma_wait3A_394 = arith.constant 0 : i32
    %dma_wait3A_395 = arith.constant 0 : i32
    %dma_wait3A_396 = arith.constant 0 : i32
    %dma_wait3A_397 = arith.constant 0 : i32
    %dma_wait3A_398 = tpu.memref_slice %arg9[%dma_wait3A_394, %dma_wait3A_396, %dma_wait3A_397] : memref<2x1280x64xbf16, #tpu.memory_space<vmem>> -> memref<1x1280x64xbf16, #tpu.memory_space<vmem>>
    %dma_wait3A_399 = tpu.memref_squeeze %dma_wait3A_398 : memref<1x1280x64xbf16, #tpu.memory_space<vmem>> -> memref<1280x64xbf16, #tpu.memory_space<vmem>>
    %dma_wait3A_400 = arith.constant 0 : i32
    %dma_wait3A_401 = arith.constant 0 : i32
    %dma_wait3A_402 = tpu.memref_slice %arg2[%dma_wait3A_400, %dma_wait3A_401] : memref<10000x64xbf16, #tpu.memory_space<hbm>> -> memref<1280x64xbf16, #tpu.memory_space<hbm>>
    %dma_wait3A_403 = tpu.memref_slice %arg11[%dma_wait3A_395] : memref<2x!tpu.dma_semaphore, #tpu.memory_space<semaphore_mem>> -> memref<1x!tpu.dma_semaphore, #tpu.memory_space<semaphore_mem>>
    %dma_wait3A_404 = tpu.memref_squeeze %dma_wait3A_403 : memref<1x!tpu.dma_semaphore, #tpu.memory_space<semaphore_mem>> -> memref<!tpu.dma_semaphore, #tpu.memory_space<semaphore_mem>>
    %dma_wait3A_405 = arith.constant 0 : i32
    %dma_wait3A_406 = arith.constant 0 : i32
    %dma_wait3A_407 = tpu.memref_slice %arg9[%dma_wait3A_394, %dma_wait3A_405, %dma_wait3A_406] : memref<2x1280x64xbf16, #tpu.memory_space<vmem>> -> memref<1x1280x64xbf16, #tpu.memory_space<vmem>>
    %dma_wait3A_408 = tpu.memref_squeeze %dma_wait3A_407 : memref<1x1280x64xbf16, #tpu.memory_space<vmem>> -> memref<1280x64xbf16, #tpu.memory_space<vmem>>
    %dma_wait3A_409 = arith.constant 0 : i32
    %dma_wait3A_410 = arith.constant 0 : i32
    %dma_wait3A_411 = tpu.memref_slice %arg2[%dma_wait3A_409, %dma_wait3A_410] : memref<10000x64xbf16, #tpu.memory_space<hbm>> -> memref<1280x64xbf16, #tpu.memory_space<hbm>>
    tpu.wait_dma2 semaphore(%dma_wait3A_404 : memref<!tpu.dma_semaphore, #tpu.memory_space<semaphore_mem>>) src(%dma_wait3A_411 : memref<1280x64xbf16, #tpu.memory_space<hbm>>) dst(%dma_wait3A_408 : memref<1280x64xbf16, #tpu.memory_space<vmem>>)
    %dma_wait3A_412 = arith.constant 1 : i32
    %dma_wait3A_413 = arith.constant 1 : i32
    %dma_wait3A_414 = arith.constant 0 : i32
    %dma_wait3A_415 = arith.constant 0 : i32
    %dma_wait3A_416 = tpu.memref_slice %arg9[%dma_wait3A_412, %dma_wait3A_414, %dma_wait3A_415] : memref<2x1280x64xbf16, #tpu.memory_space<vmem>> -> memref<1x1280x64xbf16, #tpu.memory_space<vmem>>
    %dma_wait3A_417 = tpu.memref_squeeze %dma_wait3A_416 : memref<1x1280x64xbf16, #tpu.memory_space<vmem>> -> memref<1280x64xbf16, #tpu.memory_space<vmem>>
    %dma_wait3A_418 = arith.constant 0 : i32
    %dma_wait3A_419 = arith.constant 0 : i32
    %dma_wait3A_420 = tpu.memref_slice %arg10[%dma_wait3A_418, %dma_wait3A_419] : memref<10240x64xbf16, #tpu.memory_space<vmem_shared>> -> memref<1280x64xbf16, #tpu.memory_space<vmem_shared>>
    %dma_wait3A_421 = tpu.memref_slice %arg12[%dma_wait3A_413] : memref<2x!tpu.dma_semaphore, #tpu.memory_space<semaphore_mem>> -> memref<1x!tpu.dma_semaphore, #tpu.memory_space<semaphore_mem>>
    %dma_wait3A_422 = tpu.memref_squeeze %dma_wait3A_421 : memref<1x!tpu.dma_semaphore, #tpu.memory_space<semaphore_mem>> -> memref<!tpu.dma_semaphore, #tpu.memory_space<semaphore_mem>>
    %dma_wait3A_423 = arith.constant 0 : i32
    %dma_wait3A_424 = arith.constant 0 : i32
    %dma_wait3A_425 = tpu.memref_slice %arg10[%dma_wait3A_423, %dma_wait3A_424] : memref<10240x64xbf16, #tpu.memory_space<vmem_shared>> -> memref<1280x64xbf16, #tpu.memory_space<vmem_shared>>
    %dma_wait3A_426 = arith.constant 0 : i32
    %dma_wait3A_427 = arith.constant 0 : i32
    %dma_wait3A_428 = tpu.memref_slice %arg9[%dma_wait3A_412, %dma_wait3A_426, %dma_wait3A_427] : memref<2x1280x64xbf16, #tpu.memory_space<vmem>> -> memref<1x1280x64xbf16, #tpu.memory_space<vmem>>
    %dma_wait3A_429 = tpu.memref_squeeze %dma_wait3A_428 : memref<1x1280x64xbf16, #tpu.memory_space<vmem>> -> memref<1280x64xbf16, #tpu.memory_space<vmem>>
    tpu.wait_dma2 semaphore(%dma_wait3A_422 : memref<!tpu.dma_semaphore, #tpu.memory_space<semaphore_mem>>) src(%dma_wait3A_429 : memref<1280x64xbf16, #tpu.memory_space<vmem>>) dst(%dma_wait3A_425 : memref<1280x64xbf16, #tpu.memory_space<vmem_shared>>)
    %dma_start3A_430 = arith.constant 7 : i32
    %dma_start3A_431 = arith.constant 1 : i32
    %dma_start3A_432 = arith.constant 1 : i32
    %dma_start3A_433 = arith.constant 0 : i32
    %dma_start3A_434 = arith.constant 0 : i32
    %dma_start3A_435 = tpu.memref_slice %arg9[%dma_start3A_431, %dma_start3A_433, %dma_start3A_434] : memref<2x1280x64xbf16, #tpu.memory_space<vmem>> -> memref<1x1280x64xbf16, #tpu.memory_space<vmem>>
    %dma_start3A_436 = tpu.memref_squeeze %dma_start3A_435 : memref<1x1280x64xbf16, #tpu.memory_space<vmem>> -> memref<1280x64xbf16, #tpu.memory_space<vmem>>
    %dma_start3A_437 = arith.constant 0 : i32
    %dma_start3A_438 = tpu.memref_slice %arg7[%dma_start3A_430, %dma_start3A_437] : memref<8x1280xi32, #tpu.memory_space<vmem>> -> memref<1x1280xi32, #tpu.memory_space<vmem>>
    %dma_start3A_439 = tpu.memref_squeeze %dma_start3A_438 : memref<1x1280xi32, #tpu.memory_space<vmem>> -> memref<1280xi32, #tpu.memory_space<vmem>>
    %dma_start3A_440 = arith.constant 0 : i32
    %dma_start3A_441 = arith.constant 0 : i32
    %dma_start3A_442 = tpu.memref_slice %arg2[%dma_start3A_440, %dma_start3A_441] : memref<10000x64xbf16, #tpu.memory_space<hbm>> -> memref<10000x64xbf16, #tpu.memory_space<hbm>>
    %dma_start3A_443 = tpu.memref_slice %arg11[%dma_start3A_432] : memref<2x!tpu.dma_semaphore, #tpu.memory_space<semaphore_mem>> -> memref<1x!tpu.dma_semaphore, #tpu.memory_space<semaphore_mem>>
    %dma_start3A_444 = tpu.memref_squeeze %dma_start3A_443 : memref<1x!tpu.dma_semaphore, #tpu.memory_space<semaphore_mem>> -> memref<!tpu.dma_semaphore, #tpu.memory_space<semaphore_mem>>
    tpu.enqueue_indirect_dma source(%dma_start3A_442 : memref<10000x64xbf16, #tpu.memory_space<hbm>>) target(%dma_start3A_436 : memref<1280x64xbf16, #tpu.memory_space<vmem>>) offsets(%dma_start3A_439 : memref<1280xi32, #tpu.memory_space<vmem>>) semaphore(%dma_start3A_444 : memref<!tpu.dma_semaphore, #tpu.memory_space<semaphore_mem>>)
    %dma_start3A_445 = arith.constant 0 : i32
    %dma_start3A_446 = arith.constant 6 : i32
    %dma_start3A_447 = arith.constant 0 : i32
    %dma_start3A_448 = arith.constant 0 : i32
    %dma_start3A_449 = arith.constant 0 : i32
    %dma_start3A_450 = tpu.memref_slice %arg9[%dma_start3A_445, %dma_start3A_448, %dma_start3A_449] : memref<2x1280x64xbf16, #tpu.memory_space<vmem>> -> memref<1x1280x64xbf16, #tpu.memory_space<vmem>>
    %dma_start3A_451 = tpu.memref_squeeze %dma_start3A_450 : memref<1x1280x64xbf16, #tpu.memory_space<vmem>> -> memref<1280x64xbf16, #tpu.memory_space<vmem>>
    %dma_start3A_452 = arith.constant 0 : i32
    %dma_start3A_453 = tpu.memref_slice %arg8[%dma_start3A_446, %dma_start3A_452] : memref<8x1280xi32, #tpu.memory_space<vmem>> -> memref<1x1280xi32, #tpu.memory_space<vmem>>
    %dma_start3A_454 = tpu.memref_squeeze %dma_start3A_453 : memref<1x1280xi32, #tpu.memory_space<vmem>> -> memref<1280xi32, #tpu.memory_space<vmem>>
    %dma_start3A_455 = arith.constant 0 : i32
    %dma_start3A_456 = arith.constant 0 : i32
    %dma_start3A_457 = tpu.memref_slice %arg10[%dma_start3A_455, %dma_start3A_456] : memref<10240x64xbf16, #tpu.memory_space<vmem_shared>> -> memref<10240x64xbf16, #tpu.memory_space<vmem_shared>>
    %dma_start3A_458 = tpu.memref_slice %arg12[%dma_start3A_447] : memref<2x!tpu.dma_semaphore, #tpu.memory_space<semaphore_mem>> -> memref<1x!tpu.dma_semaphore, #tpu.memory_space<semaphore_mem>>
    %dma_start3A_459 = tpu.memref_squeeze %dma_start3A_458 : memref<1x!tpu.dma_semaphore, #tpu.memory_space<semaphore_mem>> -> memref<!tpu.dma_semaphore, #tpu.memory_space<semaphore_mem>>
    tpu.enqueue_indirect_dma source(%dma_start3A_451 : memref<1280x64xbf16, #tpu.memory_space<vmem>>) target(%dma_start3A_457 : memref<10240x64xbf16, #tpu.memory_space<vmem_shared>>) offsets(%dma_start3A_454 : memref<1280xi32, #tpu.memory_space<vmem>>) semaphore(%dma_start3A_459 : memref<!tpu.dma_semaphore, #tpu.memory_space<semaphore_mem>>) {add = true}
    %dma_wait3A_460 = arith.constant 1 : i32
    %dma_wait3A_461 = arith.constant 1 : i32
    %dma_wait3A_462 = arith.constant 0 : i32
    %dma_wait3A_463 = arith.constant 0 : i32
    %dma_wait3A_464 = tpu.memref_slice %arg9[%dma_wait3A_460, %dma_wait3A_462, %dma_wait3A_463] : memref<2x1280x64xbf16, #tpu.memory_space<vmem>> -> memref<1x1280x64xbf16, #tpu.memory_space<vmem>>
    %dma_wait3A_465 = tpu.memref_squeeze %dma_wait3A_464 : memref<1x1280x64xbf16, #tpu.memory_space<vmem>> -> memref<1280x64xbf16, #tpu.memory_space<vmem>>
    %dma_wait3A_466 = arith.constant 0 : i32
    %dma_wait3A_467 = arith.constant 0 : i32
    %dma_wait3A_468 = tpu.memref_slice %arg2[%dma_wait3A_466, %dma_wait3A_467] : memref<10000x64xbf16, #tpu.memory_space<hbm>> -> memref<1280x64xbf16, #tpu.memory_space<hbm>>
    %dma_wait3A_469 = tpu.memref_slice %arg11[%dma_wait3A_461] : memref<2x!tpu.dma_semaphore, #tpu.memory_space<semaphore_mem>> -> memref<1x!tpu.dma_semaphore, #tpu.memory_space<semaphore_mem>>
    %dma_wait3A_470 = tpu.memref_squeeze %dma_wait3A_469 : memref<1x!tpu.dma_semaphore, #tpu.memory_space<semaphore_mem>> -> memref<!tpu.dma_semaphore, #tpu.memory_space<semaphore_mem>>
    %dma_wait3A_471 = arith.constant 0 : i32
    %dma_wait3A_472 = arith.constant 0 : i32
    %dma_wait3A_473 = tpu.memref_slice %arg9[%dma_wait3A_460, %dma_wait3A_471, %dma_wait3A_472] : memref<2x1280x64xbf16, #tpu.memory_space<vmem>> -> memref<1x1280x64xbf16, #tpu.memory_space<vmem>>
    %dma_wait3A_474 = tpu.memref_squeeze %dma_wait3A_473 : memref<1x1280x64xbf16, #tpu.memory_space<vmem>> -> memref<1280x64xbf16, #tpu.memory_space<vmem>>
    %dma_wait3A_475 = arith.constant 0 : i32
    %dma_wait3A_476 = arith.constant 0 : i32
    %dma_wait3A_477 = tpu.memref_slice %arg2[%dma_wait3A_475, %dma_wait3A_476] : memref<10000x64xbf16, #tpu.memory_space<hbm>> -> memref<1280x64xbf16, #tpu.memory_space<hbm>>
    tpu.wait_dma2 semaphore(%dma_wait3A_470 : memref<!tpu.dma_semaphore, #tpu.memory_space<semaphore_mem>>) src(%dma_wait3A_477 : memref<1280x64xbf16, #tpu.memory_space<hbm>>) dst(%dma_wait3A_474 : memref<1280x64xbf16, #tpu.memory_space<vmem>>)
    %dma_start3A_478 = arith.constant 1 : i32
    %dma_start3A_479 = arith.constant 7 : i32
    %dma_start3A_480 = arith.constant 1 : i32
    %dma_start3A_481 = arith.constant 0 : i32
    %dma_start3A_482 = arith.constant 0 : i32
    %dma_start3A_483 = tpu.memref_slice %arg9[%dma_start3A_478, %dma_start3A_481, %dma_start3A_482] : memref<2x1280x64xbf16, #tpu.memory_space<vmem>> -> memref<1x1280x64xbf16, #tpu.memory_space<vmem>>
    %dma_start3A_484 = tpu.memref_squeeze %dma_start3A_483 : memref<1x1280x64xbf16, #tpu.memory_space<vmem>> -> memref<1280x64xbf16, #tpu.memory_space<vmem>>
    %dma_start3A_485 = arith.constant 0 : i32
    %dma_start3A_486 = tpu.memref_slice %arg8[%dma_start3A_479, %dma_start3A_485] : memref<8x1280xi32, #tpu.memory_space<vmem>> -> memref<1x1280xi32, #tpu.memory_space<vmem>>
    %dma_start3A_487 = tpu.memref_squeeze %dma_start3A_486 : memref<1x1280xi32, #tpu.memory_space<vmem>> -> memref<1280xi32, #tpu.memory_space<vmem>>
    %dma_start3A_488 = arith.constant 0 : i32
    %dma_start3A_489 = arith.constant 0 : i32
    %dma_start3A_490 = tpu.memref_slice %arg10[%dma_start3A_488, %dma_start3A_489] : memref<10240x64xbf16, #tpu.memory_space<vmem_shared>> -> memref<10240x64xbf16, #tpu.memory_space<vmem_shared>>
    %dma_start3A_491 = tpu.memref_slice %arg12[%dma_start3A_480] : memref<2x!tpu.dma_semaphore, #tpu.memory_space<semaphore_mem>> -> memref<1x!tpu.dma_semaphore, #tpu.memory_space<semaphore_mem>>
    %dma_start3A_492 = tpu.memref_squeeze %dma_start3A_491 : memref<1x!tpu.dma_semaphore, #tpu.memory_space<semaphore_mem>> -> memref<!tpu.dma_semaphore, #tpu.memory_space<semaphore_mem>>
    tpu.enqueue_indirect_dma source(%dma_start3A_484 : memref<1280x64xbf16, #tpu.memory_space<vmem>>) target(%dma_start3A_490 : memref<10240x64xbf16, #tpu.memory_space<vmem_shared>>) offsets(%dma_start3A_487 : memref<1280xi32, #tpu.memory_space<vmem>>) semaphore(%dma_start3A_492 : memref<!tpu.dma_semaphore, #tpu.memory_space<semaphore_mem>>) {add = true}
    %dma_wait3A_493 = arith.constant 0 : i32
    %dma_wait3A_494 = arith.constant 0 : i32
    %dma_wait3A_495 = arith.constant 0 : i32
    %dma_wait3A_496 = arith.constant 0 : i32
    %dma_wait3A_497 = tpu.memref_slice %arg9[%dma_wait3A_493, %dma_wait3A_495, %dma_wait3A_496] : memref<2x1280x64xbf16, #tpu.memory_space<vmem>> -> memref<1x1280x64xbf16, #tpu.memory_space<vmem>>
    %dma_wait3A_498 = tpu.memref_squeeze %dma_wait3A_497 : memref<1x1280x64xbf16, #tpu.memory_space<vmem>> -> memref<1280x64xbf16, #tpu.memory_space<vmem>>
    %dma_wait3A_499 = arith.constant 0 : i32
    %dma_wait3A_500 = arith.constant 0 : i32
    %dma_wait3A_501 = tpu.memref_slice %arg10[%dma_wait3A_499, %dma_wait3A_500] : memref<10240x64xbf16, #tpu.memory_space<vmem_shared>> -> memref<1280x64xbf16, #tpu.memory_space<vmem_shared>>
    %dma_wait3A_502 = tpu.memref_slice %arg12[%dma_wait3A_494] : memref<2x!tpu.dma_semaphore, #tpu.memory_space<semaphore_mem>> -> memref<1x!tpu.dma_semaphore, #tpu.memory_space<semaphore_mem>>
    %dma_wait3A_503 = tpu.memref_squeeze %dma_wait3A_502 : memref<1x!tpu.dma_semaphore, #tpu.memory_space<semaphore_mem>> -> memref<!tpu.dma_semaphore, #tpu.memory_space<semaphore_mem>>
    %dma_wait3A_504 = arith.constant 0 : i32
    %dma_wait3A_505 = arith.constant 0 : i32
    %dma_wait3A_506 = tpu.memref_slice %arg10[%dma_wait3A_504, %dma_wait3A_505] : memref<10240x64xbf16, #tpu.memory_space<vmem_shared>> -> memref<1280x64xbf16, #tpu.memory_space<vmem_shared>>
    %dma_wait3A_507 = arith.constant 0 : i32
    %dma_wait3A_508 = arith.constant 0 : i32
    %dma_wait3A_509 = tpu.memref_slice %arg9[%dma_wait3A_493, %dma_wait3A_507, %dma_wait3A_508] : memref<2x1280x64xbf16, #tpu.memory_space<vmem>> -> memref<1x1280x64xbf16, #tpu.memory_space<vmem>>
    %dma_wait3A_510 = tpu.memref_squeeze %dma_wait3A_509 : memref<1x1280x64xbf16, #tpu.memory_space<vmem>> -> memref<1280x64xbf16, #tpu.memory_space<vmem>>
    tpu.wait_dma2 semaphore(%dma_wait3A_503 : memref<!tpu.dma_semaphore, #tpu.memory_space<semaphore_mem>>) src(%dma_wait3A_510 : memref<1280x64xbf16, #tpu.memory_space<vmem>>) dst(%dma_wait3A_506 : memref<1280x64xbf16, #tpu.memory_space<vmem_shared>>)
    %dma_wait3A_511 = arith.constant 1 : i32
    %dma_wait3A_512 = arith.constant 1 : i32
    %dma_wait3A_513 = arith.constant 0 : i32
    %dma_wait3A_514 = arith.constant 0 : i32
    %dma_wait3A_515 = tpu.memref_slice %arg9[%dma_wait3A_511, %dma_wait3A_513, %dma_wait3A_514] : memref<2x1280x64xbf16, #tpu.memory_space<vmem>> -> memref<1x1280x64xbf16, #tpu.memory_space<vmem>>
    %dma_wait3A_516 = tpu.memref_squeeze %dma_wait3A_515 : memref<1x1280x64xbf16, #tpu.memory_space<vmem>> -> memref<1280x64xbf16, #tpu.memory_space<vmem>>
    %dma_wait3A_517 = arith.constant 0 : i32
    %dma_wait3A_518 = arith.constant 0 : i32
    %dma_wait3A_519 = tpu.memref_slice %arg10[%dma_wait3A_517, %dma_wait3A_518] : memref<10240x64xbf16, #tpu.memory_space<vmem_shared>> -> memref<1280x64xbf16, #tpu.memory_space<vmem_shared>>
    %dma_wait3A_520 = tpu.memref_slice %arg12[%dma_wait3A_512] : memref<2x!tpu.dma_semaphore, #tpu.memory_space<semaphore_mem>> -> memref<1x!tpu.dma_semaphore, #tpu.memory_space<semaphore_mem>>
    %dma_wait3A_521 = tpu.memref_squeeze %dma_wait3A_520 : memref<1x!tpu.dma_semaphore, #tpu.memory_space<semaphore_mem>> -> memref<!tpu.dma_semaphore, #tpu.memory_space<semaphore_mem>>
    %dma_wait3A_522 = arith.constant 0 : i32
    %dma_wait3A_523 = arith.constant 0 : i32
    %dma_wait3A_524 = tpu.memref_slice %arg10[%dma_wait3A_522, %dma_wait3A_523] : memref<10240x64xbf16, #tpu.memory_space<vmem_shared>> -> memref<1280x64xbf16, #tpu.memory_space<vmem_shared>>
    %dma_wait3A_525 = arith.constant 0 : i32
    %dma_wait3A_526 = arith.constant 0 : i32
    %dma_wait3A_527 = tpu.memref_slice %arg9[%dma_wait3A_511, %dma_wait3A_525, %dma_wait3A_526] : memref<2x1280x64xbf16, #tpu.memory_space<vmem>> -> memref<1x1280x64xbf16, #tpu.memory_space<vmem>>
    %dma_wait3A_528 = tpu.memref_squeeze %dma_wait3A_527 : memref<1x1280x64xbf16, #tpu.memory_space<vmem>> -> memref<1280x64xbf16, #tpu.memory_space<vmem>>
    tpu.wait_dma2 semaphore(%dma_wait3A_521 : memref<!tpu.dma_semaphore, #tpu.memory_space<semaphore_mem>>) src(%dma_wait3A_528 : memref<1280x64xbf16, #tpu.memory_space<vmem>>) dst(%dma_wait3A_524 : memref<1280x64xbf16, #tpu.memory_space<vmem_shared>>)
    %barrier3A_529 = arith.constant 0 : index
    tpu.barrier barrier_id(%barrier3A_529)
    %mul3A_530 = arith.constant 640 : i32
    %mul3A_531 = arith.muli %arg1, %mul3A_530 : i32
    %mul3A_532 = arith.constant 640 : i32
    %mul3A_533 = arith.muli %arg1, %mul3A_532 : i32
    "tpu.region"() ({
      %run_scoped3A = tpu.sem_alloc : memref<!tpu.dma_semaphore, #tpu.memory_space<semaphore_mem>>
      %dma_start3A_534 = arith.constant 0 : i32
      %dma_start3A_535 = tpu.memref_slice %arg6[%arg0, %mul3A_533, %dma_start3A_534] : memref<2x10240x64xbf16, #tpu.memory_space<hbm>> -> memref<1x640x64xbf16, #tpu.memory_space<hbm>>
      %dma_start3A_536 = tpu.memref_squeeze %dma_start3A_535 : memref<1x640x64xbf16, #tpu.memory_space<hbm>> -> memref<640x64xbf16, #tpu.memory_space<hbm>>
      %dma_start3A_537 = arith.constant 0 : i32
      %dma_start3A_538 = tpu.memref_slice %arg10[%mul3A_531, %dma_start3A_537] : memref<10240x64xbf16, #tpu.memory_space<vmem_shared>> -> memref<640x64xbf16, #tpu.memory_space<vmem_shared>>
      tpu.enqueue_dma source(%dma_start3A_538 : memref<640x64xbf16, #tpu.memory_space<vmem_shared>>) target(%dma_start3A_536 : memref<640x64xbf16, #tpu.memory_space<hbm>>) target_semaphore(%run_scoped3A : memref<!tpu.dma_semaphore, #tpu.memory_space<semaphore_mem>>)
      %dma_wait3A_539 = arith.constant 0 : i32
      %dma_wait3A_540 = tpu.memref_slice %arg6[%arg0, %mul3A_533, %dma_wait3A_539] : memref<2x10240x64xbf16, #tpu.memory_space<hbm>> -> memref<1x640x64xbf16, #tpu.memory_space<hbm>>
      %dma_wait3A_541 = tpu.memref_squeeze %dma_wait3A_540 : memref<1x640x64xbf16, #tpu.memory_space<hbm>> -> memref<640x64xbf16, #tpu.memory_space<hbm>>
      %dma_wait3A_542 = arith.constant 0 : i32
      %dma_wait3A_543 = tpu.memref_slice %arg10[%mul3A_531, %dma_wait3A_542] : memref<10240x64xbf16, #tpu.memory_space<vmem_shared>> -> memref<640x64xbf16, #tpu.memory_space<vmem_shared>>
      tpu.wait_dma2 semaphore(%run_scoped3A : memref<!tpu.dma_semaphore, #tpu.memory_space<semaphore_mem>>) src(%dma_wait3A_543 : memref<640x64xbf16, #tpu.memory_space<vmem_shared>>) dst(%dma_wait3A_541 : memref<640x64xbf16, #tpu.memory_space<hbm>>)
      tpu.yield
    }) : () -> ()
    return
  }
}

#map = affine_map<(d0, d1) -> (0, 0, 0)>
#map1 = affine_map<(d0, d1) -> (0, 0)>
module attributes {stable_mosaic.version = 14 : i64} {
  func.func @_sc_deg(%arg0: i32, %arg1: i32, %arg2: memref<32x8x1280xi32, #tpu.memory_space<hbm>>, %arg3: memref<1280x16xf32, #tpu.memory_space<hbm>>, %arg4: memref<640x16xf32, #tpu.memory_space<hbm>>, %arg5: memref<2x10240x16xf32, #tpu.memory_space<hbm>>, %arg6: memref<8x1280xi32, #tpu.memory_space<vmem>>, %arg7: memref<1280x16xf32, #tpu.memory_space<vmem>>, %arg8: memref<10240x16xf32, #tpu.memory_space<vmem_shared>>) attributes {dimension_semantics = [#tpu.dimension_semantics<core_parallel>, #tpu.dimension_semantics<subcore_parallel>], iteration_bounds = array<i64: 2, 16>, scalar_prefetch = 0 : i64, scratch_operands = 3 : i64, tpu.core_type = #tpu.core_type<sc_vector_subcore>, window_params = [{transform_indices = #map}, {transform_indices = #map1}, {transform_indices = #map1}, {transform_indices = #map}]} {
    %mul3A = arith.constant 16 : i32
    %mul3A_0 = arith.muli %arg0, %mul3A : i32
    %add3A = arith.addi %mul3A_0, %arg1 : i32
    %mul3A_1 = arith.constant 640 : i32
    %mul3A_2 = arith.muli %arg1, %mul3A_1 : i32
    "tpu.region"() ({
      %run_scoped3A_15 = tpu.sem_alloc : memref<!tpu.dma_semaphore, #tpu.memory_space<semaphore_mem>>
      %dma_start3A = arith.constant 0 : i32
      %dma_start3A_16 = tpu.memref_slice %arg8[%mul3A_2, %dma_start3A] : memref<10240x16xf32, #tpu.memory_space<vmem_shared>> -> memref<640x16xf32, #tpu.memory_space<vmem_shared>>
      tpu.enqueue_dma source(%arg4 : memref<640x16xf32, #tpu.memory_space<hbm>>) target(%dma_start3A_16 : memref<640x16xf32, #tpu.memory_space<vmem_shared>>) target_semaphore(%run_scoped3A_15 : memref<!tpu.dma_semaphore, #tpu.memory_space<semaphore_mem>>)
      %dma_wait3A = arith.constant 0 : i32
      %dma_wait3A_17 = tpu.memref_slice %arg8[%mul3A_2, %dma_wait3A] : memref<10240x16xf32, #tpu.memory_space<vmem_shared>> -> memref<640x16xf32, #tpu.memory_space<vmem_shared>>
      tpu.wait_dma2 semaphore(%run_scoped3A_15 : memref<!tpu.dma_semaphore, #tpu.memory_space<semaphore_mem>>) src(%arg4 : memref<640x16xf32, #tpu.memory_space<hbm>>) dst(%dma_wait3A_17 : memref<640x16xf32, #tpu.memory_space<vmem_shared>>)
      tpu.yield
    }) : () -> ()
    "tpu.region"() ({
      %run_scoped3A_15 = tpu.sem_alloc : memref<!tpu.dma_semaphore, #tpu.memory_space<semaphore_mem>>
      tpu.enqueue_dma source(%arg3 : memref<1280x16xf32, #tpu.memory_space<hbm>>) target(%arg7 : memref<1280x16xf32, #tpu.memory_space<vmem>>) target_semaphore(%run_scoped3A_15 : memref<!tpu.dma_semaphore, #tpu.memory_space<semaphore_mem>>)
      tpu.wait_dma2 semaphore(%run_scoped3A_15 : memref<!tpu.dma_semaphore, #tpu.memory_space<semaphore_mem>>) src(%arg3 : memref<1280x16xf32, #tpu.memory_space<hbm>>) dst(%arg7 : memref<1280x16xf32, #tpu.memory_space<vmem>>)
      tpu.yield
    }) : () -> ()
    "tpu.region"() ({
      %run_scoped3A_15 = tpu.sem_alloc : memref<!tpu.dma_semaphore, #tpu.memory_space<semaphore_mem>>
      %dma_start3A = arith.constant 0 : i32
      %dma_start3A_16 = arith.constant 0 : i32
      %dma_start3A_17 = tpu.memref_slice %arg2[%add3A, %dma_start3A, %dma_start3A_16] : memref<32x8x1280xi32, #tpu.memory_space<hbm>> -> memref<1x8x1280xi32, #tpu.memory_space<hbm>>
      %dma_start3A_18 = tpu.memref_squeeze %dma_start3A_17 : memref<1x8x1280xi32, #tpu.memory_space<hbm>> -> memref<8x1280xi32, #tpu.memory_space<hbm>>
      %dma_start3A_19 = arith.constant 0 : i32
      %dma_start3A_20 = arith.constant 0 : i32
      %dma_start3A_21 = tpu.memref_slice %arg2[%add3A, %dma_start3A_19, %dma_start3A_20] : memref<32x8x1280xi32, #tpu.memory_space<hbm>> -> memref<1x8x1280xi32, #tpu.memory_space<hbm>>
      %dma_start3A_22 = tpu.memref_squeeze %dma_start3A_21 : memref<1x8x1280xi32, #tpu.memory_space<hbm>> -> memref<8x1280xi32, #tpu.memory_space<hbm>>
      tpu.enqueue_dma source(%dma_start3A_22 : memref<8x1280xi32, #tpu.memory_space<hbm>>) target(%arg6 : memref<8x1280xi32, #tpu.memory_space<vmem>>) target_semaphore(%run_scoped3A_15 : memref<!tpu.dma_semaphore, #tpu.memory_space<semaphore_mem>>)
      %dma_wait3A = arith.constant 0 : i32
      %dma_wait3A_23 = arith.constant 0 : i32
      %dma_wait3A_24 = tpu.memref_slice %arg2[%add3A, %dma_wait3A, %dma_wait3A_23] : memref<32x8x1280xi32, #tpu.memory_space<hbm>> -> memref<1x8x1280xi32, #tpu.memory_space<hbm>>
      %dma_wait3A_25 = tpu.memref_squeeze %dma_wait3A_24 : memref<1x8x1280xi32, #tpu.memory_space<hbm>> -> memref<8x1280xi32, #tpu.memory_space<hbm>>
      %dma_wait3A_26 = arith.constant 0 : i32
      %dma_wait3A_27 = arith.constant 0 : i32
      %dma_wait3A_28 = tpu.memref_slice %arg2[%add3A, %dma_wait3A_26, %dma_wait3A_27] : memref<32x8x1280xi32, #tpu.memory_space<hbm>> -> memref<1x8x1280xi32, #tpu.memory_space<hbm>>
      %dma_wait3A_29 = tpu.memref_squeeze %dma_wait3A_28 : memref<1x8x1280xi32, #tpu.memory_space<hbm>> -> memref<8x1280xi32, #tpu.memory_space<hbm>>
      tpu.wait_dma2 semaphore(%run_scoped3A_15 : memref<!tpu.dma_semaphore, #tpu.memory_space<semaphore_mem>>) src(%dma_wait3A_29 : memref<8x1280xi32, #tpu.memory_space<hbm>>) dst(%arg6 : memref<8x1280xi32, #tpu.memory_space<vmem>>)
      tpu.yield
    }) : () -> ()
    %barrier3A = arith.constant 0 : index
    tpu.barrier barrier_id(%barrier3A)
    %run_scoped3A = arith.constant 0 : i32
    "tpu.region"() ({
      %run_scoped3A_15 = tpu.sem_alloc : memref<!tpu.dma_semaphore, #tpu.memory_space<semaphore_mem>>
      %dma_start3A = arith.constant 0 : i32
      %dma_start3A_16 = tpu.memref_slice %arg6[%run_scoped3A, %dma_start3A] : memref<8x1280xi32, #tpu.memory_space<vmem>> -> memref<1x1280xi32, #tpu.memory_space<vmem>>
      %dma_start3A_17 = tpu.memref_squeeze %dma_start3A_16 : memref<1x1280xi32, #tpu.memory_space<vmem>> -> memref<1280xi32, #tpu.memory_space<vmem>>
      %dma_start3A_18 = arith.constant 0 : i32
      %dma_start3A_19 = arith.constant 0 : i32
      %dma_start3A_20 = tpu.memref_slice %arg8[%dma_start3A_18, %dma_start3A_19] : memref<10240x16xf32, #tpu.memory_space<vmem_shared>> -> memref<10240x16xf32, #tpu.memory_space<vmem_shared>>
      tpu.enqueue_indirect_dma source(%arg7 : memref<1280x16xf32, #tpu.memory_space<vmem>>) target(%dma_start3A_20 : memref<10240x16xf32, #tpu.memory_space<vmem_shared>>) offsets(%dma_start3A_17 : memref<1280xi32, #tpu.memory_space<vmem>>) semaphore(%run_scoped3A_15 : memref<!tpu.dma_semaphore, #tpu.memory_space<semaphore_mem>>) {add = true}
      %dma_wait3A = arith.constant 0 : i32
      %dma_wait3A_21 = tpu.memref_slice %arg6[%run_scoped3A, %dma_wait3A] : memref<8x1280xi32, #tpu.memory_space<vmem>> -> memref<1x1280xi32, #tpu.memory_space<vmem>>
      %dma_wait3A_22 = tpu.memref_squeeze %dma_wait3A_21 : memref<1x1280xi32, #tpu.memory_space<vmem>> -> memref<1280xi32, #tpu.memory_space<vmem>>
      %dma_wait3A_23 = arith.constant 0 : i32
      %dma_wait3A_24 = arith.constant 0 : i32
      %dma_wait3A_25 = tpu.memref_slice %arg8[%dma_wait3A_23, %dma_wait3A_24] : memref<10240x16xf32, #tpu.memory_space<vmem_shared>> -> memref<10240x16xf32, #tpu.memory_space<vmem_shared>>
      tpu.wait_indirect_dma semaphore(%run_scoped3A_15 : memref<!tpu.dma_semaphore, #tpu.memory_space<semaphore_mem>>) src(%arg7 : memref<1280x16xf32, #tpu.memory_space<vmem>>) dst(%dma_wait3A_25 : memref<10240x16xf32, #tpu.memory_space<vmem_shared>>)
      tpu.yield
    }) : () -> ()
    %run_scoped3A_3 = arith.constant 1 : i32
    "tpu.region"() ({
      %run_scoped3A_15 = tpu.sem_alloc : memref<!tpu.dma_semaphore, #tpu.memory_space<semaphore_mem>>
      %dma_start3A = arith.constant 0 : i32
      %dma_start3A_16 = tpu.memref_slice %arg6[%run_scoped3A_3, %dma_start3A] : memref<8x1280xi32, #tpu.memory_space<vmem>> -> memref<1x1280xi32, #tpu.memory_space<vmem>>
      %dma_start3A_17 = tpu.memref_squeeze %dma_start3A_16 : memref<1x1280xi32, #tpu.memory_space<vmem>> -> memref<1280xi32, #tpu.memory_space<vmem>>
      %dma_start3A_18 = arith.constant 0 : i32
      %dma_start3A_19 = arith.constant 0 : i32
      %dma_start3A_20 = tpu.memref_slice %arg8[%dma_start3A_18, %dma_start3A_19] : memref<10240x16xf32, #tpu.memory_space<vmem_shared>> -> memref<10240x16xf32, #tpu.memory_space<vmem_shared>>
      tpu.enqueue_indirect_dma source(%arg7 : memref<1280x16xf32, #tpu.memory_space<vmem>>) target(%dma_start3A_20 : memref<10240x16xf32, #tpu.memory_space<vmem_shared>>) offsets(%dma_start3A_17 : memref<1280xi32, #tpu.memory_space<vmem>>) semaphore(%run_scoped3A_15 : memref<!tpu.dma_semaphore, #tpu.memory_space<semaphore_mem>>) {add = true}
      %dma_wait3A = arith.constant 0 : i32
      %dma_wait3A_21 = tpu.memref_slice %arg6[%run_scoped3A_3, %dma_wait3A] : memref<8x1280xi32, #tpu.memory_space<vmem>> -> memref<1x1280xi32, #tpu.memory_space<vmem>>
      %dma_wait3A_22 = tpu.memref_squeeze %dma_wait3A_21 : memref<1x1280xi32, #tpu.memory_space<vmem>> -> memref<1280xi32, #tpu.memory_space<vmem>>
      %dma_wait3A_23 = arith.constant 0 : i32
      %dma_wait3A_24 = arith.constant 0 : i32
      %dma_wait3A_25 = tpu.memref_slice %arg8[%dma_wait3A_23, %dma_wait3A_24] : memref<10240x16xf32, #tpu.memory_space<vmem_shared>> -> memref<10240x16xf32, #tpu.memory_space<vmem_shared>>
      tpu.wait_indirect_dma semaphore(%run_scoped3A_15 : memref<!tpu.dma_semaphore, #tpu.memory_space<semaphore_mem>>) src(%arg7 : memref<1280x16xf32, #tpu.memory_space<vmem>>) dst(%dma_wait3A_25 : memref<10240x16xf32, #tpu.memory_space<vmem_shared>>)
      tpu.yield
    }) : () -> ()
    %run_scoped3A_4 = arith.constant 2 : i32
    "tpu.region"() ({
      %run_scoped3A_15 = tpu.sem_alloc : memref<!tpu.dma_semaphore, #tpu.memory_space<semaphore_mem>>
      %dma_start3A = arith.constant 0 : i32
      %dma_start3A_16 = tpu.memref_slice %arg6[%run_scoped3A_4, %dma_start3A] : memref<8x1280xi32, #tpu.memory_space<vmem>> -> memref<1x1280xi32, #tpu.memory_space<vmem>>
      %dma_start3A_17 = tpu.memref_squeeze %dma_start3A_16 : memref<1x1280xi32, #tpu.memory_space<vmem>> -> memref<1280xi32, #tpu.memory_space<vmem>>
      %dma_start3A_18 = arith.constant 0 : i32
      %dma_start3A_19 = arith.constant 0 : i32
      %dma_start3A_20 = tpu.memref_slice %arg8[%dma_start3A_18, %dma_start3A_19] : memref<10240x16xf32, #tpu.memory_space<vmem_shared>> -> memref<10240x16xf32, #tpu.memory_space<vmem_shared>>
      tpu.enqueue_indirect_dma source(%arg7 : memref<1280x16xf32, #tpu.memory_space<vmem>>) target(%dma_start3A_20 : memref<10240x16xf32, #tpu.memory_space<vmem_shared>>) offsets(%dma_start3A_17 : memref<1280xi32, #tpu.memory_space<vmem>>) semaphore(%run_scoped3A_15 : memref<!tpu.dma_semaphore, #tpu.memory_space<semaphore_mem>>) {add = true}
      %dma_wait3A = arith.constant 0 : i32
      %dma_wait3A_21 = tpu.memref_slice %arg6[%run_scoped3A_4, %dma_wait3A] : memref<8x1280xi32, #tpu.memory_space<vmem>> -> memref<1x1280xi32, #tpu.memory_space<vmem>>
      %dma_wait3A_22 = tpu.memref_squeeze %dma_wait3A_21 : memref<1x1280xi32, #tpu.memory_space<vmem>> -> memref<1280xi32, #tpu.memory_space<vmem>>
      %dma_wait3A_23 = arith.constant 0 : i32
      %dma_wait3A_24 = arith.constant 0 : i32
      %dma_wait3A_25 = tpu.memref_slice %arg8[%dma_wait3A_23, %dma_wait3A_24] : memref<10240x16xf32, #tpu.memory_space<vmem_shared>> -> memref<10240x16xf32, #tpu.memory_space<vmem_shared>>
      tpu.wait_indirect_dma semaphore(%run_scoped3A_15 : memref<!tpu.dma_semaphore, #tpu.memory_space<semaphore_mem>>) src(%arg7 : memref<1280x16xf32, #tpu.memory_space<vmem>>) dst(%dma_wait3A_25 : memref<10240x16xf32, #tpu.memory_space<vmem_shared>>)
      tpu.yield
    }) : () -> ()
    %run_scoped3A_5 = arith.constant 3 : i32
    "tpu.region"() ({
      %run_scoped3A_15 = tpu.sem_alloc : memref<!tpu.dma_semaphore, #tpu.memory_space<semaphore_mem>>
      %dma_start3A = arith.constant 0 : i32
      %dma_start3A_16 = tpu.memref_slice %arg6[%run_scoped3A_5, %dma_start3A] : memref<8x1280xi32, #tpu.memory_space<vmem>> -> memref<1x1280xi32, #tpu.memory_space<vmem>>
      %dma_start3A_17 = tpu.memref_squeeze %dma_start3A_16 : memref<1x1280xi32, #tpu.memory_space<vmem>> -> memref<1280xi32, #tpu.memory_space<vmem>>
      %dma_start3A_18 = arith.constant 0 : i32
      %dma_start3A_19 = arith.constant 0 : i32
      %dma_start3A_20 = tpu.memref_slice %arg8[%dma_start3A_18, %dma_start3A_19] : memref<10240x16xf32, #tpu.memory_space<vmem_shared>> -> memref<10240x16xf32, #tpu.memory_space<vmem_shared>>
      tpu.enqueue_indirect_dma source(%arg7 : memref<1280x16xf32, #tpu.memory_space<vmem>>) target(%dma_start3A_20 : memref<10240x16xf32, #tpu.memory_space<vmem_shared>>) offsets(%dma_start3A_17 : memref<1280xi32, #tpu.memory_space<vmem>>) semaphore(%run_scoped3A_15 : memref<!tpu.dma_semaphore, #tpu.memory_space<semaphore_mem>>) {add = true}
      %dma_wait3A = arith.constant 0 : i32
      %dma_wait3A_21 = tpu.memref_slice %arg6[%run_scoped3A_5, %dma_wait3A] : memref<8x1280xi32, #tpu.memory_space<vmem>> -> memref<1x1280xi32, #tpu.memory_space<vmem>>
      %dma_wait3A_22 = tpu.memref_squeeze %dma_wait3A_21 : memref<1x1280xi32, #tpu.memory_space<vmem>> -> memref<1280xi32, #tpu.memory_space<vmem>>
      %dma_wait3A_23 = arith.constant 0 : i32
      %dma_wait3A_24 = arith.constant 0 : i32
      %dma_wait3A_25 = tpu.memref_slice %arg8[%dma_wait3A_23, %dma_wait3A_24] : memref<10240x16xf32, #tpu.memory_space<vmem_shared>> -> memref<10240x16xf32, #tpu.memory_space<vmem_shared>>
      tpu.wait_indirect_dma semaphore(%run_scoped3A_15 : memref<!tpu.dma_semaphore, #tpu.memory_space<semaphore_mem>>) src(%arg7 : memref<1280x16xf32, #tpu.memory_space<vmem>>) dst(%dma_wait3A_25 : memref<10240x16xf32, #tpu.memory_space<vmem_shared>>)
      tpu.yield
    }) : () -> ()
    %run_scoped3A_6 = arith.constant 4 : i32
    "tpu.region"() ({
      %run_scoped3A_15 = tpu.sem_alloc : memref<!tpu.dma_semaphore, #tpu.memory_space<semaphore_mem>>
      %dma_start3A = arith.constant 0 : i32
      %dma_start3A_16 = tpu.memref_slice %arg6[%run_scoped3A_6, %dma_start3A] : memref<8x1280xi32, #tpu.memory_space<vmem>> -> memref<1x1280xi32, #tpu.memory_space<vmem>>
      %dma_start3A_17 = tpu.memref_squeeze %dma_start3A_16 : memref<1x1280xi32, #tpu.memory_space<vmem>> -> memref<1280xi32, #tpu.memory_space<vmem>>
      %dma_start3A_18 = arith.constant 0 : i32
      %dma_start3A_19 = arith.constant 0 : i32
      %dma_start3A_20 = tpu.memref_slice %arg8[%dma_start3A_18, %dma_start3A_19] : memref<10240x16xf32, #tpu.memory_space<vmem_shared>> -> memref<10240x16xf32, #tpu.memory_space<vmem_shared>>
      tpu.enqueue_indirect_dma source(%arg7 : memref<1280x16xf32, #tpu.memory_space<vmem>>) target(%dma_start3A_20 : memref<10240x16xf32, #tpu.memory_space<vmem_shared>>) offsets(%dma_start3A_17 : memref<1280xi32, #tpu.memory_space<vmem>>) semaphore(%run_scoped3A_15 : memref<!tpu.dma_semaphore, #tpu.memory_space<semaphore_mem>>) {add = true}
      %dma_wait3A = arith.constant 0 : i32
      %dma_wait3A_21 = tpu.memref_slice %arg6[%run_scoped3A_6, %dma_wait3A] : memref<8x1280xi32, #tpu.memory_space<vmem>> -> memref<1x1280xi32, #tpu.memory_space<vmem>>
      %dma_wait3A_22 = tpu.memref_squeeze %dma_wait3A_21 : memref<1x1280xi32, #tpu.memory_space<vmem>> -> memref<1280xi32, #tpu.memory_space<vmem>>
      %dma_wait3A_23 = arith.constant 0 : i32
      %dma_wait3A_24 = arith.constant 0 : i32
      %dma_wait3A_25 = tpu.memref_slice %arg8[%dma_wait3A_23, %dma_wait3A_24] : memref<10240x16xf32, #tpu.memory_space<vmem_shared>> -> memref<10240x16xf32, #tpu.memory_space<vmem_shared>>
      tpu.wait_indirect_dma semaphore(%run_scoped3A_15 : memref<!tpu.dma_semaphore, #tpu.memory_space<semaphore_mem>>) src(%arg7 : memref<1280x16xf32, #tpu.memory_space<vmem>>) dst(%dma_wait3A_25 : memref<10240x16xf32, #tpu.memory_space<vmem_shared>>)
      tpu.yield
    }) : () -> ()
    %run_scoped3A_7 = arith.constant 5 : i32
    "tpu.region"() ({
      %run_scoped3A_15 = tpu.sem_alloc : memref<!tpu.dma_semaphore, #tpu.memory_space<semaphore_mem>>
      %dma_start3A = arith.constant 0 : i32
      %dma_start3A_16 = tpu.memref_slice %arg6[%run_scoped3A_7, %dma_start3A] : memref<8x1280xi32, #tpu.memory_space<vmem>> -> memref<1x1280xi32, #tpu.memory_space<vmem>>
      %dma_start3A_17 = tpu.memref_squeeze %dma_start3A_16 : memref<1x1280xi32, #tpu.memory_space<vmem>> -> memref<1280xi32, #tpu.memory_space<vmem>>
      %dma_start3A_18 = arith.constant 0 : i32
      %dma_start3A_19 = arith.constant 0 : i32
      %dma_start3A_20 = tpu.memref_slice %arg8[%dma_start3A_18, %dma_start3A_19] : memref<10240x16xf32, #tpu.memory_space<vmem_shared>> -> memref<10240x16xf32, #tpu.memory_space<vmem_shared>>
      tpu.enqueue_indirect_dma source(%arg7 : memref<1280x16xf32, #tpu.memory_space<vmem>>) target(%dma_start3A_20 : memref<10240x16xf32, #tpu.memory_space<vmem_shared>>) offsets(%dma_start3A_17 : memref<1280xi32, #tpu.memory_space<vmem>>) semaphore(%run_scoped3A_15 : memref<!tpu.dma_semaphore, #tpu.memory_space<semaphore_mem>>) {add = true}
      %dma_wait3A = arith.constant 0 : i32
      %dma_wait3A_21 = tpu.memref_slice %arg6[%run_scoped3A_7, %dma_wait3A] : memref<8x1280xi32, #tpu.memory_space<vmem>> -> memref<1x1280xi32, #tpu.memory_space<vmem>>
      %dma_wait3A_22 = tpu.memref_squeeze %dma_wait3A_21 : memref<1x1280xi32, #tpu.memory_space<vmem>> -> memref<1280xi32, #tpu.memory_space<vmem>>
      %dma_wait3A_23 = arith.constant 0 : i32
      %dma_wait3A_24 = arith.constant 0 : i32
      %dma_wait3A_25 = tpu.memref_slice %arg8[%dma_wait3A_23, %dma_wait3A_24] : memref<10240x16xf32, #tpu.memory_space<vmem_shared>> -> memref<10240x16xf32, #tpu.memory_space<vmem_shared>>
      tpu.wait_indirect_dma semaphore(%run_scoped3A_15 : memref<!tpu.dma_semaphore, #tpu.memory_space<semaphore_mem>>) src(%arg7 : memref<1280x16xf32, #tpu.memory_space<vmem>>) dst(%dma_wait3A_25 : memref<10240x16xf32, #tpu.memory_space<vmem_shared>>)
      tpu.yield
    }) : () -> ()
    %run_scoped3A_8 = arith.constant 6 : i32
    "tpu.region"() ({
      %run_scoped3A_15 = tpu.sem_alloc : memref<!tpu.dma_semaphore, #tpu.memory_space<semaphore_mem>>
      %dma_start3A = arith.constant 0 : i32
      %dma_start3A_16 = tpu.memref_slice %arg6[%run_scoped3A_8, %dma_start3A] : memref<8x1280xi32, #tpu.memory_space<vmem>> -> memref<1x1280xi32, #tpu.memory_space<vmem>>
      %dma_start3A_17 = tpu.memref_squeeze %dma_start3A_16 : memref<1x1280xi32, #tpu.memory_space<vmem>> -> memref<1280xi32, #tpu.memory_space<vmem>>
      %dma_start3A_18 = arith.constant 0 : i32
      %dma_start3A_19 = arith.constant 0 : i32
      %dma_start3A_20 = tpu.memref_slice %arg8[%dma_start3A_18, %dma_start3A_19] : memref<10240x16xf32, #tpu.memory_space<vmem_shared>> -> memref<10240x16xf32, #tpu.memory_space<vmem_shared>>
      tpu.enqueue_indirect_dma source(%arg7 : memref<1280x16xf32, #tpu.memory_space<vmem>>) target(%dma_start3A_20 : memref<10240x16xf32, #tpu.memory_space<vmem_shared>>) offsets(%dma_start3A_17 : memref<1280xi32, #tpu.memory_space<vmem>>) semaphore(%run_scoped3A_15 : memref<!tpu.dma_semaphore, #tpu.memory_space<semaphore_mem>>) {add = true}
      %dma_wait3A = arith.constant 0 : i32
      %dma_wait3A_21 = tpu.memref_slice %arg6[%run_scoped3A_8, %dma_wait3A] : memref<8x1280xi32, #tpu.memory_space<vmem>> -> memref<1x1280xi32, #tpu.memory_space<vmem>>
      %dma_wait3A_22 = tpu.memref_squeeze %dma_wait3A_21 : memref<1x1280xi32, #tpu.memory_space<vmem>> -> memref<1280xi32, #tpu.memory_space<vmem>>
      %dma_wait3A_23 = arith.constant 0 : i32
      %dma_wait3A_24 = arith.constant 0 : i32
      %dma_wait3A_25 = tpu.memref_slice %arg8[%dma_wait3A_23, %dma_wait3A_24] : memref<10240x16xf32, #tpu.memory_space<vmem_shared>> -> memref<10240x16xf32, #tpu.memory_space<vmem_shared>>
      tpu.wait_indirect_dma semaphore(%run_scoped3A_15 : memref<!tpu.dma_semaphore, #tpu.memory_space<semaphore_mem>>) src(%arg7 : memref<1280x16xf32, #tpu.memory_space<vmem>>) dst(%dma_wait3A_25 : memref<10240x16xf32, #tpu.memory_space<vmem_shared>>)
      tpu.yield
    }) : () -> ()
    %run_scoped3A_9 = arith.constant 7 : i32
    "tpu.region"() ({
      %run_scoped3A_15 = tpu.sem_alloc : memref<!tpu.dma_semaphore, #tpu.memory_space<semaphore_mem>>
      %dma_start3A = arith.constant 0 : i32
      %dma_start3A_16 = tpu.memref_slice %arg6[%run_scoped3A_9, %dma_start3A] : memref<8x1280xi32, #tpu.memory_space<vmem>> -> memref<1x1280xi32, #tpu.memory_space<vmem>>
      %dma_start3A_17 = tpu.memref_squeeze %dma_start3A_16 : memref<1x1280xi32, #tpu.memory_space<vmem>> -> memref<1280xi32, #tpu.memory_space<vmem>>
      %dma_start3A_18 = arith.constant 0 : i32
      %dma_start3A_19 = arith.constant 0 : i32
      %dma_start3A_20 = tpu.memref_slice %arg8[%dma_start3A_18, %dma_start3A_19] : memref<10240x16xf32, #tpu.memory_space<vmem_shared>> -> memref<10240x16xf32, #tpu.memory_space<vmem_shared>>
      tpu.enqueue_indirect_dma source(%arg7 : memref<1280x16xf32, #tpu.memory_space<vmem>>) target(%dma_start3A_20 : memref<10240x16xf32, #tpu.memory_space<vmem_shared>>) offsets(%dma_start3A_17 : memref<1280xi32, #tpu.memory_space<vmem>>) semaphore(%run_scoped3A_15 : memref<!tpu.dma_semaphore, #tpu.memory_space<semaphore_mem>>) {add = true}
      %dma_wait3A = arith.constant 0 : i32
      %dma_wait3A_21 = tpu.memref_slice %arg6[%run_scoped3A_9, %dma_wait3A] : memref<8x1280xi32, #tpu.memory_space<vmem>> -> memref<1x1280xi32, #tpu.memory_space<vmem>>
      %dma_wait3A_22 = tpu.memref_squeeze %dma_wait3A_21 : memref<1x1280xi32, #tpu.memory_space<vmem>> -> memref<1280xi32, #tpu.memory_space<vmem>>
      %dma_wait3A_23 = arith.constant 0 : i32
      %dma_wait3A_24 = arith.constant 0 : i32
      %dma_wait3A_25 = tpu.memref_slice %arg8[%dma_wait3A_23, %dma_wait3A_24] : memref<10240x16xf32, #tpu.memory_space<vmem_shared>> -> memref<10240x16xf32, #tpu.memory_space<vmem_shared>>
      tpu.wait_indirect_dma semaphore(%run_scoped3A_15 : memref<!tpu.dma_semaphore, #tpu.memory_space<semaphore_mem>>) src(%arg7 : memref<1280x16xf32, #tpu.memory_space<vmem>>) dst(%dma_wait3A_25 : memref<10240x16xf32, #tpu.memory_space<vmem_shared>>)
      tpu.yield
    }) : () -> ()
    %barrier3A_10 = arith.constant 0 : index
    tpu.barrier barrier_id(%barrier3A_10)
    %mul3A_11 = arith.constant 640 : i32
    %mul3A_12 = arith.muli %arg1, %mul3A_11 : i32
    %mul3A_13 = arith.constant 640 : i32
    %mul3A_14 = arith.muli %arg1, %mul3A_13 : i32
    "tpu.region"() ({
      %run_scoped3A_15 = tpu.sem_alloc : memref<!tpu.dma_semaphore, #tpu.memory_space<semaphore_mem>>
      %dma_start3A = arith.constant 0 : i32
      %dma_start3A_16 = tpu.memref_slice %arg5[%arg0, %mul3A_14, %dma_start3A] : memref<2x10240x16xf32, #tpu.memory_space<hbm>> -> memref<1x640x16xf32, #tpu.memory_space<hbm>>
      %dma_start3A_17 = tpu.memref_squeeze %dma_start3A_16 : memref<1x640x16xf32, #tpu.memory_space<hbm>> -> memref<640x16xf32, #tpu.memory_space<hbm>>
      %dma_start3A_18 = arith.constant 0 : i32
      %dma_start3A_19 = tpu.memref_slice %arg8[%mul3A_12, %dma_start3A_18] : memref<10240x16xf32, #tpu.memory_space<vmem_shared>> -> memref<640x16xf32, #tpu.memory_space<vmem_shared>>
      tpu.enqueue_dma source(%dma_start3A_19 : memref<640x16xf32, #tpu.memory_space<vmem_shared>>) target(%dma_start3A_17 : memref<640x16xf32, #tpu.memory_space<hbm>>) target_semaphore(%run_scoped3A_15 : memref<!tpu.dma_semaphore, #tpu.memory_space<semaphore_mem>>)
      %dma_wait3A = arith.constant 0 : i32
      %dma_wait3A_20 = tpu.memref_slice %arg5[%arg0, %mul3A_14, %dma_wait3A] : memref<2x10240x16xf32, #tpu.memory_space<hbm>> -> memref<1x640x16xf32, #tpu.memory_space<hbm>>
      %dma_wait3A_21 = tpu.memref_squeeze %dma_wait3A_20 : memref<1x640x16xf32, #tpu.memory_space<hbm>> -> memref<640x16xf32, #tpu.memory_space<hbm>>
      %dma_wait3A_22 = arith.constant 0 : i32
      %dma_wait3A_23 = tpu.memref_slice %arg8[%mul3A_12, %dma_wait3A_22] : memref<10240x16xf32, #tpu.memory_space<vmem_shared>> -> memref<640x16xf32, #tpu.memory_space<vmem_shared>>
      tpu.wait_dma2 semaphore(%run_scoped3A_15 : memref<!tpu.dma_semaphore, #tpu.memory_space<semaphore_mem>>) src(%dma_wait3A_23 : memref<640x16xf32, #tpu.memory_space<vmem_shared>>) dst(%dma_wait3A_21 : memref<640x16xf32, #tpu.memory_space<hbm>>)
      tpu.yield
    }) : () -> ()
    return
  }
}

#map = affine_map<(d0, d1) -> (0, 0)>
#map1 = affine_map<(d0, d1) -> (0, 0, 0)>
module attributes {stable_mosaic.version = 14 : i64} {
  func.func @_sc_edge(%arg0: i32, %arg1: i32, %arg2: memref<10000x64xbf16, #tpu.memory_space<hbm>>, %arg3: memref<32x8x1280xi32, #tpu.memory_space<hbm>>, %arg4: memref<32x8x1280xi32, #tpu.memory_space<hbm>>, %arg5: memref<640x64xbf16, #tpu.memory_space<hbm>>, %arg6: memref<2x10240x64xbf16, #tpu.memory_space<hbm>>, %arg7: memref<8x1280xi32, #tpu.memory_space<vmem>>, %arg8: memref<8x1280xi32, #tpu.memory_space<vmem>>, %arg9: memref<2x1280x64xbf16, #tpu.memory_space<vmem>>, %arg10: memref<10240x64xbf16, #tpu.memory_space<vmem_shared>>, %arg11: memref<2x!tpu.dma_semaphore, #tpu.memory_space<semaphore_mem>>, %arg12: memref<2x!tpu.dma_semaphore, #tpu.memory_space<semaphore_mem>>) attributes {dimension_semantics = [#tpu.dimension_semantics<core_parallel>, #tpu.dimension_semantics<subcore_parallel>], iteration_bounds = array<i64: 2, 16>, scalar_prefetch = 0 : i64, scratch_operands = 6 : i64, tpu.core_type = #tpu.core_type<sc_vector_subcore>, window_params = [{transform_indices = #map}, {transform_indices = #map1}, {transform_indices = #map1}, {transform_indices = #map}, {transform_indices = #map1}]} {
    %mul3A = arith.constant 16 : i32
    %mul3A_0 = arith.muli %arg0, %mul3A : i32
    %add3A = arith.addi %mul3A_0, %arg1 : i32
    %mul3A_1 = arith.constant 640 : i32
    %mul3A_2 = arith.muli %arg1, %mul3A_1 : i32
    "tpu.region"() ({
      %run_scoped3A = tpu.sem_alloc : memref<!tpu.dma_semaphore, #tpu.memory_space<semaphore_mem>>
      %dma_start3A_534 = arith.constant 0 : i32
      %dma_start3A_535 = tpu.memref_slice %arg10[%mul3A_2, %dma_start3A_534] : memref<10240x64xbf16, #tpu.memory_space<vmem_shared>> -> memref<640x64xbf16, #tpu.memory_space<vmem_shared>>
      tpu.enqueue_dma source(%arg5 : memref<640x64xbf16, #tpu.memory_space<hbm>>) target(%dma_start3A_535 : memref<640x64xbf16, #tpu.memory_space<vmem_shared>>) target_semaphore(%run_scoped3A : memref<!tpu.dma_semaphore, #tpu.memory_space<semaphore_mem>>)
      %dma_wait3A_536 = arith.constant 0 : i32
      %dma_wait3A_537 = tpu.memref_slice %arg10[%mul3A_2, %dma_wait3A_536] : memref<10240x64xbf16, #tpu.memory_space<vmem_shared>> -> memref<640x64xbf16, #tpu.memory_space<vmem_shared>>
      tpu.wait_dma2 semaphore(%run_scoped3A : memref<!tpu.dma_semaphore, #tpu.memory_space<semaphore_mem>>) src(%arg5 : memref<640x64xbf16, #tpu.memory_space<hbm>>) dst(%dma_wait3A_537 : memref<640x64xbf16, #tpu.memory_space<vmem_shared>>)
      tpu.yield
    }) : () -> ()
    "tpu.region"() ({
      %run_scoped3A = tpu.sem_alloc : memref<!tpu.dma_semaphore, #tpu.memory_space<semaphore_mem>>
      %dma_start3A_534 = arith.constant 0 : i32
      %dma_start3A_535 = arith.constant 0 : i32
      %dma_start3A_536 = tpu.memref_slice %arg3[%add3A, %dma_start3A_534, %dma_start3A_535] : memref<32x8x1280xi32, #tpu.memory_space<hbm>> -> memref<1x8x1280xi32, #tpu.memory_space<hbm>>
      %dma_start3A_537 = tpu.memref_squeeze %dma_start3A_536 : memref<1x8x1280xi32, #tpu.memory_space<hbm>> -> memref<8x1280xi32, #tpu.memory_space<hbm>>
      %dma_start3A_538 = arith.constant 0 : i32
      %dma_start3A_539 = arith.constant 0 : i32
      %dma_start3A_540 = tpu.memref_slice %arg3[%add3A, %dma_start3A_538, %dma_start3A_539] : memref<32x8x1280xi32, #tpu.memory_space<hbm>> -> memref<1x8x1280xi32, #tpu.memory_space<hbm>>
      %dma_start3A_541 = tpu.memref_squeeze %dma_start3A_540 : memref<1x8x1280xi32, #tpu.memory_space<hbm>> -> memref<8x1280xi32, #tpu.memory_space<hbm>>
      tpu.enqueue_dma source(%dma_start3A_541 : memref<8x1280xi32, #tpu.memory_space<hbm>>) target(%arg7 : memref<8x1280xi32, #tpu.memory_space<vmem>>) target_semaphore(%run_scoped3A : memref<!tpu.dma_semaphore, #tpu.memory_space<semaphore_mem>>)
      %dma_wait3A_542 = arith.constant 0 : i32
      %dma_wait3A_543 = arith.constant 0 : i32
      %dma_wait3A_544 = tpu.memref_slice %arg3[%add3A, %dma_wait3A_542, %dma_wait3A_543] : memref<32x8x1280xi32, #tpu.memory_space<hbm>> -> memref<1x8x1280xi32, #tpu.memory_space<hbm>>
      %dma_wait3A_545 = tpu.memref_squeeze %dma_wait3A_544 : memref<1x8x1280xi32, #tpu.memory_space<hbm>> -> memref<8x1280xi32, #tpu.memory_space<hbm>>
      %dma_wait3A_546 = arith.constant 0 : i32
      %dma_wait3A_547 = arith.constant 0 : i32
      %dma_wait3A_548 = tpu.memref_slice %arg3[%add3A, %dma_wait3A_546, %dma_wait3A_547] : memref<32x8x1280xi32, #tpu.memory_space<hbm>> -> memref<1x8x1280xi32, #tpu.memory_space<hbm>>
      %dma_wait3A_549 = tpu.memref_squeeze %dma_wait3A_548 : memref<1x8x1280xi32, #tpu.memory_space<hbm>> -> memref<8x1280xi32, #tpu.memory_space<hbm>>
      tpu.wait_dma2 semaphore(%run_scoped3A : memref<!tpu.dma_semaphore, #tpu.memory_space<semaphore_mem>>) src(%dma_wait3A_549 : memref<8x1280xi32, #tpu.memory_space<hbm>>) dst(%arg7 : memref<8x1280xi32, #tpu.memory_space<vmem>>)
      tpu.yield
    }) : () -> ()
    "tpu.region"() ({
      %run_scoped3A = tpu.sem_alloc : memref<!tpu.dma_semaphore, #tpu.memory_space<semaphore_mem>>
      %dma_start3A_534 = arith.constant 0 : i32
      %dma_start3A_535 = arith.constant 0 : i32
      %dma_start3A_536 = tpu.memref_slice %arg4[%add3A, %dma_start3A_534, %dma_start3A_535] : memref<32x8x1280xi32, #tpu.memory_space<hbm>> -> memref<1x8x1280xi32, #tpu.memory_space<hbm>>
      %dma_start3A_537 = tpu.memref_squeeze %dma_start3A_536 : memref<1x8x1280xi32, #tpu.memory_space<hbm>> -> memref<8x1280xi32, #tpu.memory_space<hbm>>
      %dma_start3A_538 = arith.constant 0 : i32
      %dma_start3A_539 = arith.constant 0 : i32
      %dma_start3A_540 = tpu.memref_slice %arg4[%add3A, %dma_start3A_538, %dma_start3A_539] : memref<32x8x1280xi32, #tpu.memory_space<hbm>> -> memref<1x8x1280xi32, #tpu.memory_space<hbm>>
      %dma_start3A_541 = tpu.memref_squeeze %dma_start3A_540 : memref<1x8x1280xi32, #tpu.memory_space<hbm>> -> memref<8x1280xi32, #tpu.memory_space<hbm>>
      tpu.enqueue_dma source(%dma_start3A_541 : memref<8x1280xi32, #tpu.memory_space<hbm>>) target(%arg8 : memref<8x1280xi32, #tpu.memory_space<vmem>>) target_semaphore(%run_scoped3A : memref<!tpu.dma_semaphore, #tpu.memory_space<semaphore_mem>>)
      %dma_wait3A_542 = arith.constant 0 : i32
      %dma_wait3A_543 = arith.constant 0 : i32
      %dma_wait3A_544 = tpu.memref_slice %arg4[%add3A, %dma_wait3A_542, %dma_wait3A_543] : memref<32x8x1280xi32, #tpu.memory_space<hbm>> -> memref<1x8x1280xi32, #tpu.memory_space<hbm>>
      %dma_wait3A_545 = tpu.memref_squeeze %dma_wait3A_544 : memref<1x8x1280xi32, #tpu.memory_space<hbm>> -> memref<8x1280xi32, #tpu.memory_space<hbm>>
      %dma_wait3A_546 = arith.constant 0 : i32
      %dma_wait3A_547 = arith.constant 0 : i32
      %dma_wait3A_548 = tpu.memref_slice %arg4[%add3A, %dma_wait3A_546, %dma_wait3A_547] : memref<32x8x1280xi32, #tpu.memory_space<hbm>> -> memref<1x8x1280xi32, #tpu.memory_space<hbm>>
      %dma_wait3A_549 = tpu.memref_squeeze %dma_wait3A_548 : memref<1x8x1280xi32, #tpu.memory_space<hbm>> -> memref<8x1280xi32, #tpu.memory_space<hbm>>
      tpu.wait_dma2 semaphore(%run_scoped3A : memref<!tpu.dma_semaphore, #tpu.memory_space<semaphore_mem>>) src(%dma_wait3A_549 : memref<8x1280xi32, #tpu.memory_space<hbm>>) dst(%arg8 : memref<8x1280xi32, #tpu.memory_space<vmem>>)
      tpu.yield
    }) : () -> ()
    %barrier3A = arith.constant 0 : index
    tpu.barrier barrier_id(%barrier3A)
    %dma_start3A = arith.constant 0 : i32
    %dma_start3A_3 = arith.constant 0 : i32
    %dma_start3A_4 = arith.constant 0 : i32
    %dma_start3A_5 = arith.constant 0 : i32
    %dma_start3A_6 = arith.constant 0 : i32
    %dma_start3A_7 = tpu.memref_slice %arg9[%dma_start3A_3, %dma_start3A_5, %dma_start3A_6] : memref<2x1280x64xbf16, #tpu.memory_space<vmem>> -> memref<1x1280x64xbf16, #tpu.memory_space<vmem>>
    %dma_start3A_8 = tpu.memref_squeeze %dma_start3A_7 : memref<1x1280x64xbf16, #tpu.memory_space<vmem>> -> memref<1280x64xbf16, #tpu.memory_space<vmem>>
    %dma_start3A_9 = arith.constant 0 : i32
    %dma_start3A_10 = tpu.memref_slice %arg7[%dma_start3A, %dma_start3A_9] : memref<8x1280xi32, #tpu.memory_space<vmem>> -> memref<1x1280xi32, #tpu.memory_space<vmem>>
    %dma_start3A_11 = tpu.memref_squeeze %dma_start3A_10 : memref<1x1280xi32, #tpu.memory_space<vmem>> -> memref<1280xi32, #tpu.memory_space<vmem>>
    %dma_start3A_12 = arith.constant 0 : i32
    %dma_start3A_13 = arith.constant 0 : i32
    %dma_start3A_14 = tpu.memref_slice %arg2[%dma_start3A_12, %dma_start3A_13] : memref<10000x64xbf16, #tpu.memory_space<hbm>> -> memref<10000x64xbf16, #tpu.memory_space<hbm>>
    %dma_start3A_15 = tpu.memref_slice %arg11[%dma_start3A_4] : memref<2x!tpu.dma_semaphore, #tpu.memory_space<semaphore_mem>> -> memref<1x!tpu.dma_semaphore, #tpu.memory_space<semaphore_mem>>
    %dma_start3A_16 = tpu.memref_squeeze %dma_start3A_15 : memref<1x!tpu.dma_semaphore, #tpu.memory_space<semaphore_mem>> -> memref<!tpu.dma_semaphore, #tpu.memory_space<semaphore_mem>>
    tpu.enqueue_indirect_dma source(%dma_start3A_14 : memref<10000x64xbf16, #tpu.memory_space<hbm>>) target(%dma_start3A_8 : memref<1280x64xbf16, #tpu.memory_space<vmem>>) offsets(%dma_start3A_11 : memref<1280xi32, #tpu.memory_space<vmem>>) semaphore(%dma_start3A_16 : memref<!tpu.dma_semaphore, #tpu.memory_space<semaphore_mem>>)
    %dma_wait3A = arith.constant 0 : i32
    %dma_wait3A_17 = arith.constant 0 : i32
    %dma_wait3A_18 = arith.constant 0 : i32
    %dma_wait3A_19 = arith.constant 0 : i32
    %dma_wait3A_20 = tpu.memref_slice %arg9[%dma_wait3A, %dma_wait3A_18, %dma_wait3A_19] : memref<2x1280x64xbf16, #tpu.memory_space<vmem>> -> memref<1x1280x64xbf16, #tpu.memory_space<vmem>>
    %dma_wait3A_21 = tpu.memref_squeeze %dma_wait3A_20 : memref<1x1280x64xbf16, #tpu.memory_space<vmem>> -> memref<1280x64xbf16, #tpu.memory_space<vmem>>
    %dma_wait3A_22 = arith.constant 0 : i32
    %dma_wait3A_23 = arith.constant 0 : i32
    %dma_wait3A_24 = tpu.memref_slice %arg2[%dma_wait3A_22, %dma_wait3A_23] : memref<10000x64xbf16, #tpu.memory_space<hbm>> -> memref<1280x64xbf16, #tpu.memory_space<hbm>>
    %dma_wait3A_25 = tpu.memref_slice %arg11[%dma_wait3A_17] : memref<2x!tpu.dma_semaphore, #tpu.memory_space<semaphore_mem>> -> memref<1x!tpu.dma_semaphore, #tpu.memory_space<semaphore_mem>>
    %dma_wait3A_26 = tpu.memref_squeeze %dma_wait3A_25 : memref<1x!tpu.dma_semaphore, #tpu.memory_space<semaphore_mem>> -> memref<!tpu.dma_semaphore, #tpu.memory_space<semaphore_mem>>
    %dma_wait3A_27 = arith.constant 0 : i32
    %dma_wait3A_28 = arith.constant 0 : i32
    %dma_wait3A_29 = tpu.memref_slice %arg9[%dma_wait3A, %dma_wait3A_27, %dma_wait3A_28] : memref<2x1280x64xbf16, #tpu.memory_space<vmem>> -> memref<1x1280x64xbf16, #tpu.memory_space<vmem>>
    %dma_wait3A_30 = tpu.memref_squeeze %dma_wait3A_29 : memref<1x1280x64xbf16, #tpu.memory_space<vmem>> -> memref<1280x64xbf16, #tpu.memory_space<vmem>>
    %dma_wait3A_31 = arith.constant 0 : i32
    %dma_wait3A_32 = arith.constant 0 : i32
    %dma_wait3A_33 = tpu.memref_slice %arg2[%dma_wait3A_31, %dma_wait3A_32] : memref<10000x64xbf16, #tpu.memory_space<hbm>> -> memref<1280x64xbf16, #tpu.memory_space<hbm>>
    tpu.wait_dma2 semaphore(%dma_wait3A_26 : memref<!tpu.dma_semaphore, #tpu.memory_space<semaphore_mem>>) src(%dma_wait3A_33 : memref<1280x64xbf16, #tpu.memory_space<hbm>>) dst(%dma_wait3A_30 : memref<1280x64xbf16, #tpu.memory_space<vmem>>)
    %dma_start3A_34 = arith.constant 1 : i32
    %dma_start3A_35 = arith.constant 1 : i32
    %dma_start3A_36 = arith.constant 1 : i32
    %dma_start3A_37 = arith.constant 0 : i32
    %dma_start3A_38 = arith.constant 0 : i32
    %dma_start3A_39 = tpu.memref_slice %arg9[%dma_start3A_35, %dma_start3A_37, %dma_start3A_38] : memref<2x1280x64xbf16, #tpu.memory_space<vmem>> -> memref<1x1280x64xbf16, #tpu.memory_space<vmem>>
    %dma_start3A_40 = tpu.memref_squeeze %dma_start3A_39 : memref<1x1280x64xbf16, #tpu.memory_space<vmem>> -> memref<1280x64xbf16, #tpu.memory_space<vmem>>
    %dma_start3A_41 = arith.constant 0 : i32
    %dma_start3A_42 = tpu.memref_slice %arg7[%dma_start3A_34, %dma_start3A_41] : memref<8x1280xi32, #tpu.memory_space<vmem>> -> memref<1x1280xi32, #tpu.memory_space<vmem>>
    %dma_start3A_43 = tpu.memref_squeeze %dma_start3A_42 : memref<1x1280xi32, #tpu.memory_space<vmem>> -> memref<1280xi32, #tpu.memory_space<vmem>>
    %dma_start3A_44 = arith.constant 0 : i32
    %dma_start3A_45 = arith.constant 0 : i32
    %dma_start3A_46 = tpu.memref_slice %arg2[%dma_start3A_44, %dma_start3A_45] : memref<10000x64xbf16, #tpu.memory_space<hbm>> -> memref<10000x64xbf16, #tpu.memory_space<hbm>>
    %dma_start3A_47 = tpu.memref_slice %arg11[%dma_start3A_36] : memref<2x!tpu.dma_semaphore, #tpu.memory_space<semaphore_mem>> -> memref<1x!tpu.dma_semaphore, #tpu.memory_space<semaphore_mem>>
    %dma_start3A_48 = tpu.memref_squeeze %dma_start3A_47 : memref<1x!tpu.dma_semaphore, #tpu.memory_space<semaphore_mem>> -> memref<!tpu.dma_semaphore, #tpu.memory_space<semaphore_mem>>
    tpu.enqueue_indirect_dma source(%dma_start3A_46 : memref<10000x64xbf16, #tpu.memory_space<hbm>>) target(%dma_start3A_40 : memref<1280x64xbf16, #tpu.memory_space<vmem>>) offsets(%dma_start3A_43 : memref<1280xi32, #tpu.memory_space<vmem>>) semaphore(%dma_start3A_48 : memref<!tpu.dma_semaphore, #tpu.memory_space<semaphore_mem>>)
    %dma_start3A_49 = arith.constant 0 : i32
    %dma_start3A_50 = arith.constant 0 : i32
    %dma_start3A_51 = arith.constant 0 : i32
    %dma_start3A_52 = arith.constant 0 : i32
    %dma_start3A_53 = arith.constant 0 : i32
    %dma_start3A_54 = tpu.memref_slice %arg9[%dma_start3A_49, %dma_start3A_52, %dma_start3A_53] : memref<2x1280x64xbf16, #tpu.memory_space<vmem>> -> memref<1x1280x64xbf16, #tpu.memory_space<vmem>>
    %dma_start3A_55 = tpu.memref_squeeze %dma_start3A_54 : memref<1x1280x64xbf16, #tpu.memory_space<vmem>> -> memref<1280x64xbf16, #tpu.memory_space<vmem>>
    %dma_start3A_56 = arith.constant 0 : i32
    %dma_start3A_57 = tpu.memref_slice %arg8[%dma_start3A_50, %dma_start3A_56] : memref<8x1280xi32, #tpu.memory_space<vmem>> -> memref<1x1280xi32, #tpu.memory_space<vmem>>
    %dma_start3A_58 = tpu.memref_squeeze %dma_start3A_57 : memref<1x1280xi32, #tpu.memory_space<vmem>> -> memref<1280xi32, #tpu.memory_space<vmem>>
    %dma_start3A_59 = arith.constant 0 : i32
    %dma_start3A_60 = arith.constant 0 : i32
    %dma_start3A_61 = tpu.memref_slice %arg10[%dma_start3A_59, %dma_start3A_60] : memref<10240x64xbf16, #tpu.memory_space<vmem_shared>> -> memref<10240x64xbf16, #tpu.memory_space<vmem_shared>>
    %dma_start3A_62 = tpu.memref_slice %arg12[%dma_start3A_51] : memref<2x!tpu.dma_semaphore, #tpu.memory_space<semaphore_mem>> -> memref<1x!tpu.dma_semaphore, #tpu.memory_space<semaphore_mem>>
    %dma_start3A_63 = tpu.memref_squeeze %dma_start3A_62 : memref<1x!tpu.dma_semaphore, #tpu.memory_space<semaphore_mem>> -> memref<!tpu.dma_semaphore, #tpu.memory_space<semaphore_mem>>
    tpu.enqueue_indirect_dma source(%dma_start3A_55 : memref<1280x64xbf16, #tpu.memory_space<vmem>>) target(%dma_start3A_61 : memref<10240x64xbf16, #tpu.memory_space<vmem_shared>>) offsets(%dma_start3A_58 : memref<1280xi32, #tpu.memory_space<vmem>>) semaphore(%dma_start3A_63 : memref<!tpu.dma_semaphore, #tpu.memory_space<semaphore_mem>>) {add = true}
    %dma_wait3A_64 = arith.constant 1 : i32
    %dma_wait3A_65 = arith.constant 1 : i32
    %dma_wait3A_66 = arith.constant 0 : i32
    %dma_wait3A_67 = arith.constant 0 : i32
    %dma_wait3A_68 = tpu.memref_slice %arg9[%dma_wait3A_64, %dma_wait3A_66, %dma_wait3A_67] : memref<2x1280x64xbf16, #tpu.memory_space<vmem>> -> memref<1x1280x64xbf16, #tpu.memory_space<vmem>>
    %dma_wait3A_69 = tpu.memref_squeeze %dma_wait3A_68 : memref<1x1280x64xbf16, #tpu.memory_space<vmem>> -> memref<1280x64xbf16, #tpu.memory_space<vmem>>
    %dma_wait3A_70 = arith.constant 0 : i32
    %dma_wait3A_71 = arith.constant 0 : i32
    %dma_wait3A_72 = tpu.memref_slice %arg2[%dma_wait3A_70, %dma_wait3A_71] : memref<10000x64xbf16, #tpu.memory_space<hbm>> -> memref<1280x64xbf16, #tpu.memory_space<hbm>>
    %dma_wait3A_73 = tpu.memref_slice %arg11[%dma_wait3A_65] : memref<2x!tpu.dma_semaphore, #tpu.memory_space<semaphore_mem>> -> memref<1x!tpu.dma_semaphore, #tpu.memory_space<semaphore_mem>>
    %dma_wait3A_74 = tpu.memref_squeeze %dma_wait3A_73 : memref<1x!tpu.dma_semaphore, #tpu.memory_space<semaphore_mem>> -> memref<!tpu.dma_semaphore, #tpu.memory_space<semaphore_mem>>
    %dma_wait3A_75 = arith.constant 0 : i32
    %dma_wait3A_76 = arith.constant 0 : i32
    %dma_wait3A_77 = tpu.memref_slice %arg9[%dma_wait3A_64, %dma_wait3A_75, %dma_wait3A_76] : memref<2x1280x64xbf16, #tpu.memory_space<vmem>> -> memref<1x1280x64xbf16, #tpu.memory_space<vmem>>
    %dma_wait3A_78 = tpu.memref_squeeze %dma_wait3A_77 : memref<1x1280x64xbf16, #tpu.memory_space<vmem>> -> memref<1280x64xbf16, #tpu.memory_space<vmem>>
    %dma_wait3A_79 = arith.constant 0 : i32
    %dma_wait3A_80 = arith.constant 0 : i32
    %dma_wait3A_81 = tpu.memref_slice %arg2[%dma_wait3A_79, %dma_wait3A_80] : memref<10000x64xbf16, #tpu.memory_space<hbm>> -> memref<1280x64xbf16, #tpu.memory_space<hbm>>
    tpu.wait_dma2 semaphore(%dma_wait3A_74 : memref<!tpu.dma_semaphore, #tpu.memory_space<semaphore_mem>>) src(%dma_wait3A_81 : memref<1280x64xbf16, #tpu.memory_space<hbm>>) dst(%dma_wait3A_78 : memref<1280x64xbf16, #tpu.memory_space<vmem>>)
    %dma_wait3A_82 = arith.constant 0 : i32
    %dma_wait3A_83 = arith.constant 0 : i32
    %dma_wait3A_84 = arith.constant 0 : i32
    %dma_wait3A_85 = arith.constant 0 : i32
    %dma_wait3A_86 = tpu.memref_slice %arg9[%dma_wait3A_82, %dma_wait3A_84, %dma_wait3A_85] : memref<2x1280x64xbf16, #tpu.memory_space<vmem>> -> memref<1x1280x64xbf16, #tpu.memory_space<vmem>>
    %dma_wait3A_87 = tpu.memref_squeeze %dma_wait3A_86 : memref<1x1280x64xbf16, #tpu.memory_space<vmem>> -> memref<1280x64xbf16, #tpu.memory_space<vmem>>
    %dma_wait3A_88 = arith.constant 0 : i32
    %dma_wait3A_89 = arith.constant 0 : i32
    %dma_wait3A_90 = tpu.memref_slice %arg10[%dma_wait3A_88, %dma_wait3A_89] : memref<10240x64xbf16, #tpu.memory_space<vmem_shared>> -> memref<1280x64xbf16, #tpu.memory_space<vmem_shared>>
    %dma_wait3A_91 = tpu.memref_slice %arg12[%dma_wait3A_83] : memref<2x!tpu.dma_semaphore, #tpu.memory_space<semaphore_mem>> -> memref<1x!tpu.dma_semaphore, #tpu.memory_space<semaphore_mem>>
    %dma_wait3A_92 = tpu.memref_squeeze %dma_wait3A_91 : memref<1x!tpu.dma_semaphore, #tpu.memory_space<semaphore_mem>> -> memref<!tpu.dma_semaphore, #tpu.memory_space<semaphore_mem>>
    %dma_wait3A_93 = arith.constant 0 : i32
    %dma_wait3A_94 = arith.constant 0 : i32
    %dma_wait3A_95 = tpu.memref_slice %arg10[%dma_wait3A_93, %dma_wait3A_94] : memref<10240x64xbf16, #tpu.memory_space<vmem_shared>> -> memref<1280x64xbf16, #tpu.memory_space<vmem_shared>>
    %dma_wait3A_96 = arith.constant 0 : i32
    %dma_wait3A_97 = arith.constant 0 : i32
    %dma_wait3A_98 = tpu.memref_slice %arg9[%dma_wait3A_82, %dma_wait3A_96, %dma_wait3A_97] : memref<2x1280x64xbf16, #tpu.memory_space<vmem>> -> memref<1x1280x64xbf16, #tpu.memory_space<vmem>>
    %dma_wait3A_99 = tpu.memref_squeeze %dma_wait3A_98 : memref<1x1280x64xbf16, #tpu.memory_space<vmem>> -> memref<1280x64xbf16, #tpu.memory_space<vmem>>
    tpu.wait_dma2 semaphore(%dma_wait3A_92 : memref<!tpu.dma_semaphore, #tpu.memory_space<semaphore_mem>>) src(%dma_wait3A_99 : memref<1280x64xbf16, #tpu.memory_space<vmem>>) dst(%dma_wait3A_95 : memref<1280x64xbf16, #tpu.memory_space<vmem_shared>>)
    %dma_start3A_100 = arith.constant 2 : i32
    %dma_start3A_101 = arith.constant 0 : i32
    %dma_start3A_102 = arith.constant 0 : i32
    %dma_start3A_103 = arith.constant 0 : i32
    %dma_start3A_104 = arith.constant 0 : i32
    %dma_start3A_105 = tpu.memref_slice %arg9[%dma_start3A_101, %dma_start3A_103, %dma_start3A_104] : memref<2x1280x64xbf16, #tpu.memory_space<vmem>> -> memref<1x1280x64xbf16, #tpu.memory_space<vmem>>
    %dma_start3A_106 = tpu.memref_squeeze %dma_start3A_105 : memref<1x1280x64xbf16, #tpu.memory_space<vmem>> -> memref<1280x64xbf16, #tpu.memory_space<vmem>>
    %dma_start3A_107 = arith.constant 0 : i32
    %dma_start3A_108 = tpu.memref_slice %arg7[%dma_start3A_100, %dma_start3A_107] : memref<8x1280xi32, #tpu.memory_space<vmem>> -> memref<1x1280xi32, #tpu.memory_space<vmem>>
    %dma_start3A_109 = tpu.memref_squeeze %dma_start3A_108 : memref<1x1280xi32, #tpu.memory_space<vmem>> -> memref<1280xi32, #tpu.memory_space<vmem>>
    %dma_start3A_110 = arith.constant 0 : i32
    %dma_start3A_111 = arith.constant 0 : i32
    %dma_start3A_112 = tpu.memref_slice %arg2[%dma_start3A_110, %dma_start3A_111] : memref<10000x64xbf16, #tpu.memory_space<hbm>> -> memref<10000x64xbf16, #tpu.memory_space<hbm>>
    %dma_start3A_113 = tpu.memref_slice %arg11[%dma_start3A_102] : memref<2x!tpu.dma_semaphore, #tpu.memory_space<semaphore_mem>> -> memref<1x!tpu.dma_semaphore, #tpu.memory_space<semaphore_mem>>
    %dma_start3A_114 = tpu.memref_squeeze %dma_start3A_113 : memref<1x!tpu.dma_semaphore, #tpu.memory_space<semaphore_mem>> -> memref<!tpu.dma_semaphore, #tpu.memory_space<semaphore_mem>>
    tpu.enqueue_indirect_dma source(%dma_start3A_112 : memref<10000x64xbf16, #tpu.memory_space<hbm>>) target(%dma_start3A_106 : memref<1280x64xbf16, #tpu.memory_space<vmem>>) offsets(%dma_start3A_109 : memref<1280xi32, #tpu.memory_space<vmem>>) semaphore(%dma_start3A_114 : memref<!tpu.dma_semaphore, #tpu.memory_space<semaphore_mem>>)
    %dma_start3A_115 = arith.constant 1 : i32
    %dma_start3A_116 = arith.constant 1 : i32
    %dma_start3A_117 = arith.constant 1 : i32
    %dma_start3A_118 = arith.constant 0 : i32
    %dma_start3A_119 = arith.constant 0 : i32
    %dma_start3A_120 = tpu.memref_slice %arg9[%dma_start3A_115, %dma_start3A_118, %dma_start3A_119] : memref<2x1280x64xbf16, #tpu.memory_space<vmem>> -> memref<1x1280x64xbf16, #tpu.memory_space<vmem>>
    %dma_start3A_121 = tpu.memref_squeeze %dma_start3A_120 : memref<1x1280x64xbf16, #tpu.memory_space<vmem>> -> memref<1280x64xbf16, #tpu.memory_space<vmem>>
    %dma_start3A_122 = arith.constant 0 : i32
    %dma_start3A_123 = tpu.memref_slice %arg8[%dma_start3A_116, %dma_start3A_122] : memref<8x1280xi32, #tpu.memory_space<vmem>> -> memref<1x1280xi32, #tpu.memory_space<vmem>>
    %dma_start3A_124 = tpu.memref_squeeze %dma_start3A_123 : memref<1x1280xi32, #tpu.memory_space<vmem>> -> memref<1280xi32, #tpu.memory_space<vmem>>
    %dma_start3A_125 = arith.constant 0 : i32
    %dma_start3A_126 = arith.constant 0 : i32
    %dma_start3A_127 = tpu.memref_slice %arg10[%dma_start3A_125, %dma_start3A_126] : memref<10240x64xbf16, #tpu.memory_space<vmem_shared>> -> memref<10240x64xbf16, #tpu.memory_space<vmem_shared>>
    %dma_start3A_128 = tpu.memref_slice %arg12[%dma_start3A_117] : memref<2x!tpu.dma_semaphore, #tpu.memory_space<semaphore_mem>> -> memref<1x!tpu.dma_semaphore, #tpu.memory_space<semaphore_mem>>
    %dma_start3A_129 = tpu.memref_squeeze %dma_start3A_128 : memref<1x!tpu.dma_semaphore, #tpu.memory_space<semaphore_mem>> -> memref<!tpu.dma_semaphore, #tpu.memory_space<semaphore_mem>>
    tpu.enqueue_indirect_dma source(%dma_start3A_121 : memref<1280x64xbf16, #tpu.memory_space<vmem>>) target(%dma_start3A_127 : memref<10240x64xbf16, #tpu.memory_space<vmem_shared>>) offsets(%dma_start3A_124 : memref<1280xi32, #tpu.memory_space<vmem>>) semaphore(%dma_start3A_129 : memref<!tpu.dma_semaphore, #tpu.memory_space<semaphore_mem>>) {add = true}
    %dma_wait3A_130 = arith.constant 0 : i32
    %dma_wait3A_131 = arith.constant 0 : i32
    %dma_wait3A_132 = arith.constant 0 : i32
    %dma_wait3A_133 = arith.constant 0 : i32
    %dma_wait3A_134 = tpu.memref_slice %arg9[%dma_wait3A_130, %dma_wait3A_132, %dma_wait3A_133] : memref<2x1280x64xbf16, #tpu.memory_space<vmem>> -> memref<1x1280x64xbf16, #tpu.memory_space<vmem>>
    %dma_wait3A_135 = tpu.memref_squeeze %dma_wait3A_134 : memref<1x1280x64xbf16, #tpu.memory_space<vmem>> -> memref<1280x64xbf16, #tpu.memory_space<vmem>>
    %dma_wait3A_136 = arith.constant 0 : i32
    %dma_wait3A_137 = arith.constant 0 : i32
    %dma_wait3A_138 = tpu.memref_slice %arg2[%dma_wait3A_136, %dma_wait3A_137] : memref<10000x64xbf16, #tpu.memory_space<hbm>> -> memref<1280x64xbf16, #tpu.memory_space<hbm>>
    %dma_wait3A_139 = tpu.memref_slice %arg11[%dma_wait3A_131] : memref<2x!tpu.dma_semaphore, #tpu.memory_space<semaphore_mem>> -> memref<1x!tpu.dma_semaphore, #tpu.memory_space<semaphore_mem>>
    %dma_wait3A_140 = tpu.memref_squeeze %dma_wait3A_139 : memref<1x!tpu.dma_semaphore, #tpu.memory_space<semaphore_mem>> -> memref<!tpu.dma_semaphore, #tpu.memory_space<semaphore_mem>>
    %dma_wait3A_141 = arith.constant 0 : i32
    %dma_wait3A_142 = arith.constant 0 : i32
    %dma_wait3A_143 = tpu.memref_slice %arg9[%dma_wait3A_130, %dma_wait3A_141, %dma_wait3A_142] : memref<2x1280x64xbf16, #tpu.memory_space<vmem>> -> memref<1x1280x64xbf16, #tpu.memory_space<vmem>>
    %dma_wait3A_144 = tpu.memref_squeeze %dma_wait3A_143 : memref<1x1280x64xbf16, #tpu.memory_space<vmem>> -> memref<1280x64xbf16, #tpu.memory_space<vmem>>
    %dma_wait3A_145 = arith.constant 0 : i32
    %dma_wait3A_146 = arith.constant 0 : i32
    %dma_wait3A_147 = tpu.memref_slice %arg2[%dma_wait3A_145, %dma_wait3A_146] : memref<10000x64xbf16, #tpu.memory_space<hbm>> -> memref<1280x64xbf16, #tpu.memory_space<hbm>>
    tpu.wait_dma2 semaphore(%dma_wait3A_140 : memref<!tpu.dma_semaphore, #tpu.memory_space<semaphore_mem>>) src(%dma_wait3A_147 : memref<1280x64xbf16, #tpu.memory_space<hbm>>) dst(%dma_wait3A_144 : memref<1280x64xbf16, #tpu.memory_space<vmem>>)
    %dma_wait3A_148 = arith.constant 1 : i32
    %dma_wait3A_149 = arith.constant 1 : i32
    %dma_wait3A_150 = arith.constant 0 : i32
    %dma_wait3A_151 = arith.constant 0 : i32
    %dma_wait3A_152 = tpu.memref_slice %arg9[%dma_wait3A_148, %dma_wait3A_150, %dma_wait3A_151] : memref<2x1280x64xbf16, #tpu.memory_space<vmem>> -> memref<1x1280x64xbf16, #tpu.memory_space<vmem>>
    %dma_wait3A_153 = tpu.memref_squeeze %dma_wait3A_152 : memref<1x1280x64xbf16, #tpu.memory_space<vmem>> -> memref<1280x64xbf16, #tpu.memory_space<vmem>>
    %dma_wait3A_154 = arith.constant 0 : i32
    %dma_wait3A_155 = arith.constant 0 : i32
    %dma_wait3A_156 = tpu.memref_slice %arg10[%dma_wait3A_154, %dma_wait3A_155] : memref<10240x64xbf16, #tpu.memory_space<vmem_shared>> -> memref<1280x64xbf16, #tpu.memory_space<vmem_shared>>
    %dma_wait3A_157 = tpu.memref_slice %arg12[%dma_wait3A_149] : memref<2x!tpu.dma_semaphore, #tpu.memory_space<semaphore_mem>> -> memref<1x!tpu.dma_semaphore, #tpu.memory_space<semaphore_mem>>
    %dma_wait3A_158 = tpu.memref_squeeze %dma_wait3A_157 : memref<1x!tpu.dma_semaphore, #tpu.memory_space<semaphore_mem>> -> memref<!tpu.dma_semaphore, #tpu.memory_space<semaphore_mem>>
    %dma_wait3A_159 = arith.constant 0 : i32
    %dma_wait3A_160 = arith.constant 0 : i32
    %dma_wait3A_161 = tpu.memref_slice %arg10[%dma_wait3A_159, %dma_wait3A_160] : memref<10240x64xbf16, #tpu.memory_space<vmem_shared>> -> memref<1280x64xbf16, #tpu.memory_space<vmem_shared>>
    %dma_wait3A_162 = arith.constant 0 : i32
    %dma_wait3A_163 = arith.constant 0 : i32
    %dma_wait3A_164 = tpu.memref_slice %arg9[%dma_wait3A_148, %dma_wait3A_162, %dma_wait3A_163] : memref<2x1280x64xbf16, #tpu.memory_space<vmem>> -> memref<1x1280x64xbf16, #tpu.memory_space<vmem>>
    %dma_wait3A_165 = tpu.memref_squeeze %dma_wait3A_164 : memref<1x1280x64xbf16, #tpu.memory_space<vmem>> -> memref<1280x64xbf16, #tpu.memory_space<vmem>>
    tpu.wait_dma2 semaphore(%dma_wait3A_158 : memref<!tpu.dma_semaphore, #tpu.memory_space<semaphore_mem>>) src(%dma_wait3A_165 : memref<1280x64xbf16, #tpu.memory_space<vmem>>) dst(%dma_wait3A_161 : memref<1280x64xbf16, #tpu.memory_space<vmem_shared>>)
    %dma_start3A_166 = arith.constant 3 : i32
    %dma_start3A_167 = arith.constant 1 : i32
    %dma_start3A_168 = arith.constant 1 : i32
    %dma_start3A_169 = arith.constant 0 : i32
    %dma_start3A_170 = arith.constant 0 : i32
    %dma_start3A_171 = tpu.memref_slice %arg9[%dma_start3A_167, %dma_start3A_169, %dma_start3A_170] : memref<2x1280x64xbf16, #tpu.memory_space<vmem>> -> memref<1x1280x64xbf16, #tpu.memory_space<vmem>>
    %dma_start3A_172 = tpu.memref_squeeze %dma_start3A_171 : memref<1x1280x64xbf16, #tpu.memory_space<vmem>> -> memref<1280x64xbf16, #tpu.memory_space<vmem>>
    %dma_start3A_173 = arith.constant 0 : i32
    %dma_start3A_174 = tpu.memref_slice %arg7[%dma_start3A_166, %dma_start3A_173] : memref<8x1280xi32, #tpu.memory_space<vmem>> -> memref<1x1280xi32, #tpu.memory_space<vmem>>
    %dma_start3A_175 = tpu.memref_squeeze %dma_start3A_174 : memref<1x1280xi32, #tpu.memory_space<vmem>> -> memref<1280xi32, #tpu.memory_space<vmem>>
    %dma_start3A_176 = arith.constant 0 : i32
    %dma_start3A_177 = arith.constant 0 : i32
    %dma_start3A_178 = tpu.memref_slice %arg2[%dma_start3A_176, %dma_start3A_177] : memref<10000x64xbf16, #tpu.memory_space<hbm>> -> memref<10000x64xbf16, #tpu.memory_space<hbm>>
    %dma_start3A_179 = tpu.memref_slice %arg11[%dma_start3A_168] : memref<2x!tpu.dma_semaphore, #tpu.memory_space<semaphore_mem>> -> memref<1x!tpu.dma_semaphore, #tpu.memory_space<semaphore_mem>>
    %dma_start3A_180 = tpu.memref_squeeze %dma_start3A_179 : memref<1x!tpu.dma_semaphore, #tpu.memory_space<semaphore_mem>> -> memref<!tpu.dma_semaphore, #tpu.memory_space<semaphore_mem>>
    tpu.enqueue_indirect_dma source(%dma_start3A_178 : memref<10000x64xbf16, #tpu.memory_space<hbm>>) target(%dma_start3A_172 : memref<1280x64xbf16, #tpu.memory_space<vmem>>) offsets(%dma_start3A_175 : memref<1280xi32, #tpu.memory_space<vmem>>) semaphore(%dma_start3A_180 : memref<!tpu.dma_semaphore, #tpu.memory_space<semaphore_mem>>)
    %dma_start3A_181 = arith.constant 0 : i32
    %dma_start3A_182 = arith.constant 2 : i32
    %dma_start3A_183 = arith.constant 0 : i32
    %dma_start3A_184 = arith.constant 0 : i32
    %dma_start3A_185 = arith.constant 0 : i32
    %dma_start3A_186 = tpu.memref_slice %arg9[%dma_start3A_181, %dma_start3A_184, %dma_start3A_185] : memref<2x1280x64xbf16, #tpu.memory_space<vmem>> -> memref<1x1280x64xbf16, #tpu.memory_space<vmem>>
    %dma_start3A_187 = tpu.memref_squeeze %dma_start3A_186 : memref<1x1280x64xbf16, #tpu.memory_space<vmem>> -> memref<1280x64xbf16, #tpu.memory_space<vmem>>
    %dma_start3A_188 = arith.constant 0 : i32
    %dma_start3A_189 = tpu.memref_slice %arg8[%dma_start3A_182, %dma_start3A_188] : memref<8x1280xi32, #tpu.memory_space<vmem>> -> memref<1x1280xi32, #tpu.memory_space<vmem>>
    %dma_start3A_190 = tpu.memref_squeeze %dma_start3A_189 : memref<1x1280xi32, #tpu.memory_space<vmem>> -> memref<1280xi32, #tpu.memory_space<vmem>>
    %dma_start3A_191 = arith.constant 0 : i32
    %dma_start3A_192 = arith.constant 0 : i32
    %dma_start3A_193 = tpu.memref_slice %arg10[%dma_start3A_191, %dma_start3A_192] : memref<10240x64xbf16, #tpu.memory_space<vmem_shared>> -> memref<10240x64xbf16, #tpu.memory_space<vmem_shared>>
    %dma_start3A_194 = tpu.memref_slice %arg12[%dma_start3A_183] : memref<2x!tpu.dma_semaphore, #tpu.memory_space<semaphore_mem>> -> memref<1x!tpu.dma_semaphore, #tpu.memory_space<semaphore_mem>>
    %dma_start3A_195 = tpu.memref_squeeze %dma_start3A_194 : memref<1x!tpu.dma_semaphore, #tpu.memory_space<semaphore_mem>> -> memref<!tpu.dma_semaphore, #tpu.memory_space<semaphore_mem>>
    tpu.enqueue_indirect_dma source(%dma_start3A_187 : memref<1280x64xbf16, #tpu.memory_space<vmem>>) target(%dma_start3A_193 : memref<10240x64xbf16, #tpu.memory_space<vmem_shared>>) offsets(%dma_start3A_190 : memref<1280xi32, #tpu.memory_space<vmem>>) semaphore(%dma_start3A_195 : memref<!tpu.dma_semaphore, #tpu.memory_space<semaphore_mem>>) {add = true}
    %dma_wait3A_196 = arith.constant 1 : i32
    %dma_wait3A_197 = arith.constant 1 : i32
    %dma_wait3A_198 = arith.constant 0 : i32
    %dma_wait3A_199 = arith.constant 0 : i32
    %dma_wait3A_200 = tpu.memref_slice %arg9[%dma_wait3A_196, %dma_wait3A_198, %dma_wait3A_199] : memref<2x1280x64xbf16, #tpu.memory_space<vmem>> -> memref<1x1280x64xbf16, #tpu.memory_space<vmem>>
    %dma_wait3A_201 = tpu.memref_squeeze %dma_wait3A_200 : memref<1x1280x64xbf16, #tpu.memory_space<vmem>> -> memref<1280x64xbf16, #tpu.memory_space<vmem>>
    %dma_wait3A_202 = arith.constant 0 : i32
    %dma_wait3A_203 = arith.constant 0 : i32
    %dma_wait3A_204 = tpu.memref_slice %arg2[%dma_wait3A_202, %dma_wait3A_203] : memref<10000x64xbf16, #tpu.memory_space<hbm>> -> memref<1280x64xbf16, #tpu.memory_space<hbm>>
    %dma_wait3A_205 = tpu.memref_slice %arg11[%dma_wait3A_197] : memref<2x!tpu.dma_semaphore, #tpu.memory_space<semaphore_mem>> -> memref<1x!tpu.dma_semaphore, #tpu.memory_space<semaphore_mem>>
    %dma_wait3A_206 = tpu.memref_squeeze %dma_wait3A_205 : memref<1x!tpu.dma_semaphore, #tpu.memory_space<semaphore_mem>> -> memref<!tpu.dma_semaphore, #tpu.memory_space<semaphore_mem>>
    %dma_wait3A_207 = arith.constant 0 : i32
    %dma_wait3A_208 = arith.constant 0 : i32
    %dma_wait3A_209 = tpu.memref_slice %arg9[%dma_wait3A_196, %dma_wait3A_207, %dma_wait3A_208] : memref<2x1280x64xbf16, #tpu.memory_space<vmem>> -> memref<1x1280x64xbf16, #tpu.memory_space<vmem>>
    %dma_wait3A_210 = tpu.memref_squeeze %dma_wait3A_209 : memref<1x1280x64xbf16, #tpu.memory_space<vmem>> -> memref<1280x64xbf16, #tpu.memory_space<vmem>>
    %dma_wait3A_211 = arith.constant 0 : i32
    %dma_wait3A_212 = arith.constant 0 : i32
    %dma_wait3A_213 = tpu.memref_slice %arg2[%dma_wait3A_211, %dma_wait3A_212] : memref<10000x64xbf16, #tpu.memory_space<hbm>> -> memref<1280x64xbf16, #tpu.memory_space<hbm>>
    tpu.wait_dma2 semaphore(%dma_wait3A_206 : memref<!tpu.dma_semaphore, #tpu.memory_space<semaphore_mem>>) src(%dma_wait3A_213 : memref<1280x64xbf16, #tpu.memory_space<hbm>>) dst(%dma_wait3A_210 : memref<1280x64xbf16, #tpu.memory_space<vmem>>)
    %dma_wait3A_214 = arith.constant 0 : i32
    %dma_wait3A_215 = arith.constant 0 : i32
    %dma_wait3A_216 = arith.constant 0 : i32
    %dma_wait3A_217 = arith.constant 0 : i32
    %dma_wait3A_218 = tpu.memref_slice %arg9[%dma_wait3A_214, %dma_wait3A_216, %dma_wait3A_217] : memref<2x1280x64xbf16, #tpu.memory_space<vmem>> -> memref<1x1280x64xbf16, #tpu.memory_space<vmem>>
    %dma_wait3A_219 = tpu.memref_squeeze %dma_wait3A_218 : memref<1x1280x64xbf16, #tpu.memory_space<vmem>> -> memref<1280x64xbf16, #tpu.memory_space<vmem>>
    %dma_wait3A_220 = arith.constant 0 : i32
    %dma_wait3A_221 = arith.constant 0 : i32
    %dma_wait3A_222 = tpu.memref_slice %arg10[%dma_wait3A_220, %dma_wait3A_221] : memref<10240x64xbf16, #tpu.memory_space<vmem_shared>> -> memref<1280x64xbf16, #tpu.memory_space<vmem_shared>>
    %dma_wait3A_223 = tpu.memref_slice %arg12[%dma_wait3A_215] : memref<2x!tpu.dma_semaphore, #tpu.memory_space<semaphore_mem>> -> memref<1x!tpu.dma_semaphore, #tpu.memory_space<semaphore_mem>>
    %dma_wait3A_224 = tpu.memref_squeeze %dma_wait3A_223 : memref<1x!tpu.dma_semaphore, #tpu.memory_space<semaphore_mem>> -> memref<!tpu.dma_semaphore, #tpu.memory_space<semaphore_mem>>
    %dma_wait3A_225 = arith.constant 0 : i32
    %dma_wait3A_226 = arith.constant 0 : i32
    %dma_wait3A_227 = tpu.memref_slice %arg10[%dma_wait3A_225, %dma_wait3A_226] : memref<10240x64xbf16, #tpu.memory_space<vmem_shared>> -> memref<1280x64xbf16, #tpu.memory_space<vmem_shared>>
    %dma_wait3A_228 = arith.constant 0 : i32
    %dma_wait3A_229 = arith.constant 0 : i32
    %dma_wait3A_230 = tpu.memref_slice %arg9[%dma_wait3A_214, %dma_wait3A_228, %dma_wait3A_229] : memref<2x1280x64xbf16, #tpu.memory_space<vmem>> -> memref<1x1280x64xbf16, #tpu.memory_space<vmem>>
    %dma_wait3A_231 = tpu.memref_squeeze %dma_wait3A_230 : memref<1x1280x64xbf16, #tpu.memory_space<vmem>> -> memref<1280x64xbf16, #tpu.memory_space<vmem>>
    tpu.wait_dma2 semaphore(%dma_wait3A_224 : memref<!tpu.dma_semaphore, #tpu.memory_space<semaphore_mem>>) src(%dma_wait3A_231 : memref<1280x64xbf16, #tpu.memory_space<vmem>>) dst(%dma_wait3A_227 : memref<1280x64xbf16, #tpu.memory_space<vmem_shared>>)
    %dma_start3A_232 = arith.constant 4 : i32
    %dma_start3A_233 = arith.constant 0 : i32
    %dma_start3A_234 = arith.constant 0 : i32
    %dma_start3A_235 = arith.constant 0 : i32
    %dma_start3A_236 = arith.constant 0 : i32
    %dma_start3A_237 = tpu.memref_slice %arg9[%dma_start3A_233, %dma_start3A_235, %dma_start3A_236] : memref<2x1280x64xbf16, #tpu.memory_space<vmem>> -> memref<1x1280x64xbf16, #tpu.memory_space<vmem>>
    %dma_start3A_238 = tpu.memref_squeeze %dma_start3A_237 : memref<1x1280x64xbf16, #tpu.memory_space<vmem>> -> memref<1280x64xbf16, #tpu.memory_space<vmem>>
    %dma_start3A_239 = arith.constant 0 : i32
    %dma_start3A_240 = tpu.memref_slice %arg7[%dma_start3A_232, %dma_start3A_239] : memref<8x1280xi32, #tpu.memory_space<vmem>> -> memref<1x1280xi32, #tpu.memory_space<vmem>>
    %dma_start3A_241 = tpu.memref_squeeze %dma_start3A_240 : memref<1x1280xi32, #tpu.memory_space<vmem>> -> memref<1280xi32, #tpu.memory_space<vmem>>
    %dma_start3A_242 = arith.constant 0 : i32
    %dma_start3A_243 = arith.constant 0 : i32
    %dma_start3A_244 = tpu.memref_slice %arg2[%dma_start3A_242, %dma_start3A_243] : memref<10000x64xbf16, #tpu.memory_space<hbm>> -> memref<10000x64xbf16, #tpu.memory_space<hbm>>
    %dma_start3A_245 = tpu.memref_slice %arg11[%dma_start3A_234] : memref<2x!tpu.dma_semaphore, #tpu.memory_space<semaphore_mem>> -> memref<1x!tpu.dma_semaphore, #tpu.memory_space<semaphore_mem>>
    %dma_start3A_246 = tpu.memref_squeeze %dma_start3A_245 : memref<1x!tpu.dma_semaphore, #tpu.memory_space<semaphore_mem>> -> memref<!tpu.dma_semaphore, #tpu.memory_space<semaphore_mem>>
    tpu.enqueue_indirect_dma source(%dma_start3A_244 : memref<10000x64xbf16, #tpu.memory_space<hbm>>) target(%dma_start3A_238 : memref<1280x64xbf16, #tpu.memory_space<vmem>>) offsets(%dma_start3A_241 : memref<1280xi32, #tpu.memory_space<vmem>>) semaphore(%dma_start3A_246 : memref<!tpu.dma_semaphore, #tpu.memory_space<semaphore_mem>>)
    %dma_start3A_247 = arith.constant 1 : i32
    %dma_start3A_248 = arith.constant 3 : i32
    %dma_start3A_249 = arith.constant 1 : i32
    %dma_start3A_250 = arith.constant 0 : i32
    %dma_start3A_251 = arith.constant 0 : i32
    %dma_start3A_252 = tpu.memref_slice %arg9[%dma_start3A_247, %dma_start3A_250, %dma_start3A_251] : memref<2x1280x64xbf16, #tpu.memory_space<vmem>> -> memref<1x1280x64xbf16, #tpu.memory_space<vmem>>
    %dma_start3A_253 = tpu.memref_squeeze %dma_start3A_252 : memref<1x1280x64xbf16, #tpu.memory_space<vmem>> -> memref<1280x64xbf16, #tpu.memory_space<vmem>>
    %dma_start3A_254 = arith.constant 0 : i32
    %dma_start3A_255 = tpu.memref_slice %arg8[%dma_start3A_248, %dma_start3A_254] : memref<8x1280xi32, #tpu.memory_space<vmem>> -> memref<1x1280xi32, #tpu.memory_space<vmem>>
    %dma_start3A_256 = tpu.memref_squeeze %dma_start3A_255 : memref<1x1280xi32, #tpu.memory_space<vmem>> -> memref<1280xi32, #tpu.memory_space<vmem>>
    %dma_start3A_257 = arith.constant 0 : i32
    %dma_start3A_258 = arith.constant 0 : i32
    %dma_start3A_259 = tpu.memref_slice %arg10[%dma_start3A_257, %dma_start3A_258] : memref<10240x64xbf16, #tpu.memory_space<vmem_shared>> -> memref<10240x64xbf16, #tpu.memory_space<vmem_shared>>
    %dma_start3A_260 = tpu.memref_slice %arg12[%dma_start3A_249] : memref<2x!tpu.dma_semaphore, #tpu.memory_space<semaphore_mem>> -> memref<1x!tpu.dma_semaphore, #tpu.memory_space<semaphore_mem>>
    %dma_start3A_261 = tpu.memref_squeeze %dma_start3A_260 : memref<1x!tpu.dma_semaphore, #tpu.memory_space<semaphore_mem>> -> memref<!tpu.dma_semaphore, #tpu.memory_space<semaphore_mem>>
    tpu.enqueue_indirect_dma source(%dma_start3A_253 : memref<1280x64xbf16, #tpu.memory_space<vmem>>) target(%dma_start3A_259 : memref<10240x64xbf16, #tpu.memory_space<vmem_shared>>) offsets(%dma_start3A_256 : memref<1280xi32, #tpu.memory_space<vmem>>) semaphore(%dma_start3A_261 : memref<!tpu.dma_semaphore, #tpu.memory_space<semaphore_mem>>) {add = true}
    %dma_wait3A_262 = arith.constant 0 : i32
    %dma_wait3A_263 = arith.constant 0 : i32
    %dma_wait3A_264 = arith.constant 0 : i32
    %dma_wait3A_265 = arith.constant 0 : i32
    %dma_wait3A_266 = tpu.memref_slice %arg9[%dma_wait3A_262, %dma_wait3A_264, %dma_wait3A_265] : memref<2x1280x64xbf16, #tpu.memory_space<vmem>> -> memref<1x1280x64xbf16, #tpu.memory_space<vmem>>
    %dma_wait3A_267 = tpu.memref_squeeze %dma_wait3A_266 : memref<1x1280x64xbf16, #tpu.memory_space<vmem>> -> memref<1280x64xbf16, #tpu.memory_space<vmem>>
    %dma_wait3A_268 = arith.constant 0 : i32
    %dma_wait3A_269 = arith.constant 0 : i32
    %dma_wait3A_270 = tpu.memref_slice %arg2[%dma_wait3A_268, %dma_wait3A_269] : memref<10000x64xbf16, #tpu.memory_space<hbm>> -> memref<1280x64xbf16, #tpu.memory_space<hbm>>
    %dma_wait3A_271 = tpu.memref_slice %arg11[%dma_wait3A_263] : memref<2x!tpu.dma_semaphore, #tpu.memory_space<semaphore_mem>> -> memref<1x!tpu.dma_semaphore, #tpu.memory_space<semaphore_mem>>
    %dma_wait3A_272 = tpu.memref_squeeze %dma_wait3A_271 : memref<1x!tpu.dma_semaphore, #tpu.memory_space<semaphore_mem>> -> memref<!tpu.dma_semaphore, #tpu.memory_space<semaphore_mem>>
    %dma_wait3A_273 = arith.constant 0 : i32
    %dma_wait3A_274 = arith.constant 0 : i32
    %dma_wait3A_275 = tpu.memref_slice %arg9[%dma_wait3A_262, %dma_wait3A_273, %dma_wait3A_274] : memref<2x1280x64xbf16, #tpu.memory_space<vmem>> -> memref<1x1280x64xbf16, #tpu.memory_space<vmem>>
    %dma_wait3A_276 = tpu.memref_squeeze %dma_wait3A_275 : memref<1x1280x64xbf16, #tpu.memory_space<vmem>> -> memref<1280x64xbf16, #tpu.memory_space<vmem>>
    %dma_wait3A_277 = arith.constant 0 : i32
    %dma_wait3A_278 = arith.constant 0 : i32
    %dma_wait3A_279 = tpu.memref_slice %arg2[%dma_wait3A_277, %dma_wait3A_278] : memref<10000x64xbf16, #tpu.memory_space<hbm>> -> memref<1280x64xbf16, #tpu.memory_space<hbm>>
    tpu.wait_dma2 semaphore(%dma_wait3A_272 : memref<!tpu.dma_semaphore, #tpu.memory_space<semaphore_mem>>) src(%dma_wait3A_279 : memref<1280x64xbf16, #tpu.memory_space<hbm>>) dst(%dma_wait3A_276 : memref<1280x64xbf16, #tpu.memory_space<vmem>>)
    %dma_wait3A_280 = arith.constant 1 : i32
    %dma_wait3A_281 = arith.constant 1 : i32
    %dma_wait3A_282 = arith.constant 0 : i32
    %dma_wait3A_283 = arith.constant 0 : i32
    %dma_wait3A_284 = tpu.memref_slice %arg9[%dma_wait3A_280, %dma_wait3A_282, %dma_wait3A_283] : memref<2x1280x64xbf16, #tpu.memory_space<vmem>> -> memref<1x1280x64xbf16, #tpu.memory_space<vmem>>
    %dma_wait3A_285 = tpu.memref_squeeze %dma_wait3A_284 : memref<1x1280x64xbf16, #tpu.memory_space<vmem>> -> memref<1280x64xbf16, #tpu.memory_space<vmem>>
    %dma_wait3A_286 = arith.constant 0 : i32
    %dma_wait3A_287 = arith.constant 0 : i32
    %dma_wait3A_288 = tpu.memref_slice %arg10[%dma_wait3A_286, %dma_wait3A_287] : memref<10240x64xbf16, #tpu.memory_space<vmem_shared>> -> memref<1280x64xbf16, #tpu.memory_space<vmem_shared>>
    %dma_wait3A_289 = tpu.memref_slice %arg12[%dma_wait3A_281] : memref<2x!tpu.dma_semaphore, #tpu.memory_space<semaphore_mem>> -> memref<1x!tpu.dma_semaphore, #tpu.memory_space<semaphore_mem>>
    %dma_wait3A_290 = tpu.memref_squeeze %dma_wait3A_289 : memref<1x!tpu.dma_semaphore, #tpu.memory_space<semaphore_mem>> -> memref<!tpu.dma_semaphore, #tpu.memory_space<semaphore_mem>>
    %dma_wait3A_291 = arith.constant 0 : i32
    %dma_wait3A_292 = arith.constant 0 : i32
    %dma_wait3A_293 = tpu.memref_slice %arg10[%dma_wait3A_291, %dma_wait3A_292] : memref<10240x64xbf16, #tpu.memory_space<vmem_shared>> -> memref<1280x64xbf16, #tpu.memory_space<vmem_shared>>
    %dma_wait3A_294 = arith.constant 0 : i32
    %dma_wait3A_295 = arith.constant 0 : i32
    %dma_wait3A_296 = tpu.memref_slice %arg9[%dma_wait3A_280, %dma_wait3A_294, %dma_wait3A_295] : memref<2x1280x64xbf16, #tpu.memory_space<vmem>> -> memref<1x1280x64xbf16, #tpu.memory_space<vmem>>
    %dma_wait3A_297 = tpu.memref_squeeze %dma_wait3A_296 : memref<1x1280x64xbf16, #tpu.memory_space<vmem>> -> memref<1280x64xbf16, #tpu.memory_space<vmem>>
    tpu.wait_dma2 semaphore(%dma_wait3A_290 : memref<!tpu.dma_semaphore, #tpu.memory_space<semaphore_mem>>) src(%dma_wait3A_297 : memref<1280x64xbf16, #tpu.memory_space<vmem>>) dst(%dma_wait3A_293 : memref<1280x64xbf16, #tpu.memory_space<vmem_shared>>)
    %dma_start3A_298 = arith.constant 5 : i32
    %dma_start3A_299 = arith.constant 1 : i32
    %dma_start3A_300 = arith.constant 1 : i32
    %dma_start3A_301 = arith.constant 0 : i32
    %dma_start3A_302 = arith.constant 0 : i32
    %dma_start3A_303 = tpu.memref_slice %arg9[%dma_start3A_299, %dma_start3A_301, %dma_start3A_302] : memref<2x1280x64xbf16, #tpu.memory_space<vmem>> -> memref<1x1280x64xbf16, #tpu.memory_space<vmem>>
    %dma_start3A_304 = tpu.memref_squeeze %dma_start3A_303 : memref<1x1280x64xbf16, #tpu.memory_space<vmem>> -> memref<1280x64xbf16, #tpu.memory_space<vmem>>
    %dma_start3A_305 = arith.constant 0 : i32
    %dma_start3A_306 = tpu.memref_slice %arg7[%dma_start3A_298, %dma_start3A_305] : memref<8x1280xi32, #tpu.memory_space<vmem>> -> memref<1x1280xi32, #tpu.memory_space<vmem>>
    %dma_start3A_307 = tpu.memref_squeeze %dma_start3A_306 : memref<1x1280xi32, #tpu.memory_space<vmem>> -> memref<1280xi32, #tpu.memory_space<vmem>>
    %dma_start3A_308 = arith.constant 0 : i32
    %dma_start3A_309 = arith.constant 0 : i32
    %dma_start3A_310 = tpu.memref_slice %arg2[%dma_start3A_308, %dma_start3A_309] : memref<10000x64xbf16, #tpu.memory_space<hbm>> -> memref<10000x64xbf16, #tpu.memory_space<hbm>>
    %dma_start3A_311 = tpu.memref_slice %arg11[%dma_start3A_300] : memref<2x!tpu.dma_semaphore, #tpu.memory_space<semaphore_mem>> -> memref<1x!tpu.dma_semaphore, #tpu.memory_space<semaphore_mem>>
    %dma_start3A_312 = tpu.memref_squeeze %dma_start3A_311 : memref<1x!tpu.dma_semaphore, #tpu.memory_space<semaphore_mem>> -> memref<!tpu.dma_semaphore, #tpu.memory_space<semaphore_mem>>
    tpu.enqueue_indirect_dma source(%dma_start3A_310 : memref<10000x64xbf16, #tpu.memory_space<hbm>>) target(%dma_start3A_304 : memref<1280x64xbf16, #tpu.memory_space<vmem>>) offsets(%dma_start3A_307 : memref<1280xi32, #tpu.memory_space<vmem>>) semaphore(%dma_start3A_312 : memref<!tpu.dma_semaphore, #tpu.memory_space<semaphore_mem>>)
    %dma_start3A_313 = arith.constant 0 : i32
    %dma_start3A_314 = arith.constant 4 : i32
    %dma_start3A_315 = arith.constant 0 : i32
    %dma_start3A_316 = arith.constant 0 : i32
    %dma_start3A_317 = arith.constant 0 : i32
    %dma_start3A_318 = tpu.memref_slice %arg9[%dma_start3A_313, %dma_start3A_316, %dma_start3A_317] : memref<2x1280x64xbf16, #tpu.memory_space<vmem>> -> memref<1x1280x64xbf16, #tpu.memory_space<vmem>>
    %dma_start3A_319 = tpu.memref_squeeze %dma_start3A_318 : memref<1x1280x64xbf16, #tpu.memory_space<vmem>> -> memref<1280x64xbf16, #tpu.memory_space<vmem>>
    %dma_start3A_320 = arith.constant 0 : i32
    %dma_start3A_321 = tpu.memref_slice %arg8[%dma_start3A_314, %dma_start3A_320] : memref<8x1280xi32, #tpu.memory_space<vmem>> -> memref<1x1280xi32, #tpu.memory_space<vmem>>
    %dma_start3A_322 = tpu.memref_squeeze %dma_start3A_321 : memref<1x1280xi32, #tpu.memory_space<vmem>> -> memref<1280xi32, #tpu.memory_space<vmem>>
    %dma_start3A_323 = arith.constant 0 : i32
    %dma_start3A_324 = arith.constant 0 : i32
    %dma_start3A_325 = tpu.memref_slice %arg10[%dma_start3A_323, %dma_start3A_324] : memref<10240x64xbf16, #tpu.memory_space<vmem_shared>> -> memref<10240x64xbf16, #tpu.memory_space<vmem_shared>>
    %dma_start3A_326 = tpu.memref_slice %arg12[%dma_start3A_315] : memref<2x!tpu.dma_semaphore, #tpu.memory_space<semaphore_mem>> -> memref<1x!tpu.dma_semaphore, #tpu.memory_space<semaphore_mem>>
    %dma_start3A_327 = tpu.memref_squeeze %dma_start3A_326 : memref<1x!tpu.dma_semaphore, #tpu.memory_space<semaphore_mem>> -> memref<!tpu.dma_semaphore, #tpu.memory_space<semaphore_mem>>
    tpu.enqueue_indirect_dma source(%dma_start3A_319 : memref<1280x64xbf16, #tpu.memory_space<vmem>>) target(%dma_start3A_325 : memref<10240x64xbf16, #tpu.memory_space<vmem_shared>>) offsets(%dma_start3A_322 : memref<1280xi32, #tpu.memory_space<vmem>>) semaphore(%dma_start3A_327 : memref<!tpu.dma_semaphore, #tpu.memory_space<semaphore_mem>>) {add = true}
    %dma_wait3A_328 = arith.constant 1 : i32
    %dma_wait3A_329 = arith.constant 1 : i32
    %dma_wait3A_330 = arith.constant 0 : i32
    %dma_wait3A_331 = arith.constant 0 : i32
    %dma_wait3A_332 = tpu.memref_slice %arg9[%dma_wait3A_328, %dma_wait3A_330, %dma_wait3A_331] : memref<2x1280x64xbf16, #tpu.memory_space<vmem>> -> memref<1x1280x64xbf16, #tpu.memory_space<vmem>>
    %dma_wait3A_333 = tpu.memref_squeeze %dma_wait3A_332 : memref<1x1280x64xbf16, #tpu.memory_space<vmem>> -> memref<1280x64xbf16, #tpu.memory_space<vmem>>
    %dma_wait3A_334 = arith.constant 0 : i32
    %dma_wait3A_335 = arith.constant 0 : i32
    %dma_wait3A_336 = tpu.memref_slice %arg2[%dma_wait3A_334, %dma_wait3A_335] : memref<10000x64xbf16, #tpu.memory_space<hbm>> -> memref<1280x64xbf16, #tpu.memory_space<hbm>>
    %dma_wait3A_337 = tpu.memref_slice %arg11[%dma_wait3A_329] : memref<2x!tpu.dma_semaphore, #tpu.memory_space<semaphore_mem>> -> memref<1x!tpu.dma_semaphore, #tpu.memory_space<semaphore_mem>>
    %dma_wait3A_338 = tpu.memref_squeeze %dma_wait3A_337 : memref<1x!tpu.dma_semaphore, #tpu.memory_space<semaphore_mem>> -> memref<!tpu.dma_semaphore, #tpu.memory_space<semaphore_mem>>
    %dma_wait3A_339 = arith.constant 0 : i32
    %dma_wait3A_340 = arith.constant 0 : i32
    %dma_wait3A_341 = tpu.memref_slice %arg9[%dma_wait3A_328, %dma_wait3A_339, %dma_wait3A_340] : memref<2x1280x64xbf16, #tpu.memory_space<vmem>> -> memref<1x1280x64xbf16, #tpu.memory_space<vmem>>
    %dma_wait3A_342 = tpu.memref_squeeze %dma_wait3A_341 : memref<1x1280x64xbf16, #tpu.memory_space<vmem>> -> memref<1280x64xbf16, #tpu.memory_space<vmem>>
    %dma_wait3A_343 = arith.constant 0 : i32
    %dma_wait3A_344 = arith.constant 0 : i32
    %dma_wait3A_345 = tpu.memref_slice %arg2[%dma_wait3A_343, %dma_wait3A_344] : memref<10000x64xbf16, #tpu.memory_space<hbm>> -> memref<1280x64xbf16, #tpu.memory_space<hbm>>
    tpu.wait_dma2 semaphore(%dma_wait3A_338 : memref<!tpu.dma_semaphore, #tpu.memory_space<semaphore_mem>>) src(%dma_wait3A_345 : memref<1280x64xbf16, #tpu.memory_space<hbm>>) dst(%dma_wait3A_342 : memref<1280x64xbf16, #tpu.memory_space<vmem>>)
    %dma_wait3A_346 = arith.constant 0 : i32
    %dma_wait3A_347 = arith.constant 0 : i32
    %dma_wait3A_348 = arith.constant 0 : i32
    %dma_wait3A_349 = arith.constant 0 : i32
    %dma_wait3A_350 = tpu.memref_slice %arg9[%dma_wait3A_346, %dma_wait3A_348, %dma_wait3A_349] : memref<2x1280x64xbf16, #tpu.memory_space<vmem>> -> memref<1x1280x64xbf16, #tpu.memory_space<vmem>>
    %dma_wait3A_351 = tpu.memref_squeeze %dma_wait3A_350 : memref<1x1280x64xbf16, #tpu.memory_space<vmem>> -> memref<1280x64xbf16, #tpu.memory_space<vmem>>
    %dma_wait3A_352 = arith.constant 0 : i32
    %dma_wait3A_353 = arith.constant 0 : i32
    %dma_wait3A_354 = tpu.memref_slice %arg10[%dma_wait3A_352, %dma_wait3A_353] : memref<10240x64xbf16, #tpu.memory_space<vmem_shared>> -> memref<1280x64xbf16, #tpu.memory_space<vmem_shared>>
    %dma_wait3A_355 = tpu.memref_slice %arg12[%dma_wait3A_347] : memref<2x!tpu.dma_semaphore, #tpu.memory_space<semaphore_mem>> -> memref<1x!tpu.dma_semaphore, #tpu.memory_space<semaphore_mem>>
    %dma_wait3A_356 = tpu.memref_squeeze %dma_wait3A_355 : memref<1x!tpu.dma_semaphore, #tpu.memory_space<semaphore_mem>> -> memref<!tpu.dma_semaphore, #tpu.memory_space<semaphore_mem>>
    %dma_wait3A_357 = arith.constant 0 : i32
    %dma_wait3A_358 = arith.constant 0 : i32
    %dma_wait3A_359 = tpu.memref_slice %arg10[%dma_wait3A_357, %dma_wait3A_358] : memref<10240x64xbf16, #tpu.memory_space<vmem_shared>> -> memref<1280x64xbf16, #tpu.memory_space<vmem_shared>>
    %dma_wait3A_360 = arith.constant 0 : i32
    %dma_wait3A_361 = arith.constant 0 : i32
    %dma_wait3A_362 = tpu.memref_slice %arg9[%dma_wait3A_346, %dma_wait3A_360, %dma_wait3A_361] : memref<2x1280x64xbf16, #tpu.memory_space<vmem>> -> memref<1x1280x64xbf16, #tpu.memory_space<vmem>>
    %dma_wait3A_363 = tpu.memref_squeeze %dma_wait3A_362 : memref<1x1280x64xbf16, #tpu.memory_space<vmem>> -> memref<1280x64xbf16, #tpu.memory_space<vmem>>
    tpu.wait_dma2 semaphore(%dma_wait3A_356 : memref<!tpu.dma_semaphore, #tpu.memory_space<semaphore_mem>>) src(%dma_wait3A_363 : memref<1280x64xbf16, #tpu.memory_space<vmem>>) dst(%dma_wait3A_359 : memref<1280x64xbf16, #tpu.memory_space<vmem_shared>>)
    %dma_start3A_364 = arith.constant 6 : i32
    %dma_start3A_365 = arith.constant 0 : i32
    %dma_start3A_366 = arith.constant 0 : i32
    %dma_start3A_367 = arith.constant 0 : i32
    %dma_start3A_368 = arith.constant 0 : i32
    %dma_start3A_369 = tpu.memref_slice %arg9[%dma_start3A_365, %dma_start3A_367, %dma_start3A_368] : memref<2x1280x64xbf16, #tpu.memory_space<vmem>> -> memref<1x1280x64xbf16, #tpu.memory_space<vmem>>
    %dma_start3A_370 = tpu.memref_squeeze %dma_start3A_369 : memref<1x1280x64xbf16, #tpu.memory_space<vmem>> -> memref<1280x64xbf16, #tpu.memory_space<vmem>>
    %dma_start3A_371 = arith.constant 0 : i32
    %dma_start3A_372 = tpu.memref_slice %arg7[%dma_start3A_364, %dma_start3A_371] : memref<8x1280xi32, #tpu.memory_space<vmem>> -> memref<1x1280xi32, #tpu.memory_space<vmem>>
    %dma_start3A_373 = tpu.memref_squeeze %dma_start3A_372 : memref<1x1280xi32, #tpu.memory_space<vmem>> -> memref<1280xi32, #tpu.memory_space<vmem>>
    %dma_start3A_374 = arith.constant 0 : i32
    %dma_start3A_375 = arith.constant 0 : i32
    %dma_start3A_376 = tpu.memref_slice %arg2[%dma_start3A_374, %dma_start3A_375] : memref<10000x64xbf16, #tpu.memory_space<hbm>> -> memref<10000x64xbf16, #tpu.memory_space<hbm>>
    %dma_start3A_377 = tpu.memref_slice %arg11[%dma_start3A_366] : memref<2x!tpu.dma_semaphore, #tpu.memory_space<semaphore_mem>> -> memref<1x!tpu.dma_semaphore, #tpu.memory_space<semaphore_mem>>
    %dma_start3A_378 = tpu.memref_squeeze %dma_start3A_377 : memref<1x!tpu.dma_semaphore, #tpu.memory_space<semaphore_mem>> -> memref<!tpu.dma_semaphore, #tpu.memory_space<semaphore_mem>>
    tpu.enqueue_indirect_dma source(%dma_start3A_376 : memref<10000x64xbf16, #tpu.memory_space<hbm>>) target(%dma_start3A_370 : memref<1280x64xbf16, #tpu.memory_space<vmem>>) offsets(%dma_start3A_373 : memref<1280xi32, #tpu.memory_space<vmem>>) semaphore(%dma_start3A_378 : memref<!tpu.dma_semaphore, #tpu.memory_space<semaphore_mem>>)
    %dma_start3A_379 = arith.constant 1 : i32
    %dma_start3A_380 = arith.constant 5 : i32
    %dma_start3A_381 = arith.constant 1 : i32
    %dma_start3A_382 = arith.constant 0 : i32
    %dma_start3A_383 = arith.constant 0 : i32
    %dma_start3A_384 = tpu.memref_slice %arg9[%dma_start3A_379, %dma_start3A_382, %dma_start3A_383] : memref<2x1280x64xbf16, #tpu.memory_space<vmem>> -> memref<1x1280x64xbf16, #tpu.memory_space<vmem>>
    %dma_start3A_385 = tpu.memref_squeeze %dma_start3A_384 : memref<1x1280x64xbf16, #tpu.memory_space<vmem>> -> memref<1280x64xbf16, #tpu.memory_space<vmem>>
    %dma_start3A_386 = arith.constant 0 : i32
    %dma_start3A_387 = tpu.memref_slice %arg8[%dma_start3A_380, %dma_start3A_386] : memref<8x1280xi32, #tpu.memory_space<vmem>> -> memref<1x1280xi32, #tpu.memory_space<vmem>>
    %dma_start3A_388 = tpu.memref_squeeze %dma_start3A_387 : memref<1x1280xi32, #tpu.memory_space<vmem>> -> memref<1280xi32, #tpu.memory_space<vmem>>
    %dma_start3A_389 = arith.constant 0 : i32
    %dma_start3A_390 = arith.constant 0 : i32
    %dma_start3A_391 = tpu.memref_slice %arg10[%dma_start3A_389, %dma_start3A_390] : memref<10240x64xbf16, #tpu.memory_space<vmem_shared>> -> memref<10240x64xbf16, #tpu.memory_space<vmem_shared>>
    %dma_start3A_392 = tpu.memref_slice %arg12[%dma_start3A_381] : memref<2x!tpu.dma_semaphore, #tpu.memory_space<semaphore_mem>> -> memref<1x!tpu.dma_semaphore, #tpu.memory_space<semaphore_mem>>
    %dma_start3A_393 = tpu.memref_squeeze %dma_start3A_392 : memref<1x!tpu.dma_semaphore, #tpu.memory_space<semaphore_mem>> -> memref<!tpu.dma_semaphore, #tpu.memory_space<semaphore_mem>>
    tpu.enqueue_indirect_dma source(%dma_start3A_385 : memref<1280x64xbf16, #tpu.memory_space<vmem>>) target(%dma_start3A_391 : memref<10240x64xbf16, #tpu.memory_space<vmem_shared>>) offsets(%dma_start3A_388 : memref<1280xi32, #tpu.memory_space<vmem>>) semaphore(%dma_start3A_393 : memref<!tpu.dma_semaphore, #tpu.memory_space<semaphore_mem>>) {add = true}
    %dma_wait3A_394 = arith.constant 0 : i32
    %dma_wait3A_395 = arith.constant 0 : i32
    %dma_wait3A_396 = arith.constant 0 : i32
    %dma_wait3A_397 = arith.constant 0 : i32
    %dma_wait3A_398 = tpu.memref_slice %arg9[%dma_wait3A_394, %dma_wait3A_396, %dma_wait3A_397] : memref<2x1280x64xbf16, #tpu.memory_space<vmem>> -> memref<1x1280x64xbf16, #tpu.memory_space<vmem>>
    %dma_wait3A_399 = tpu.memref_squeeze %dma_wait3A_398 : memref<1x1280x64xbf16, #tpu.memory_space<vmem>> -> memref<1280x64xbf16, #tpu.memory_space<vmem>>
    %dma_wait3A_400 = arith.constant 0 : i32
    %dma_wait3A_401 = arith.constant 0 : i32
    %dma_wait3A_402 = tpu.memref_slice %arg2[%dma_wait3A_400, %dma_wait3A_401] : memref<10000x64xbf16, #tpu.memory_space<hbm>> -> memref<1280x64xbf16, #tpu.memory_space<hbm>>
    %dma_wait3A_403 = tpu.memref_slice %arg11[%dma_wait3A_395] : memref<2x!tpu.dma_semaphore, #tpu.memory_space<semaphore_mem>> -> memref<1x!tpu.dma_semaphore, #tpu.memory_space<semaphore_mem>>
    %dma_wait3A_404 = tpu.memref_squeeze %dma_wait3A_403 : memref<1x!tpu.dma_semaphore, #tpu.memory_space<semaphore_mem>> -> memref<!tpu.dma_semaphore, #tpu.memory_space<semaphore_mem>>
    %dma_wait3A_405 = arith.constant 0 : i32
    %dma_wait3A_406 = arith.constant 0 : i32
    %dma_wait3A_407 = tpu.memref_slice %arg9[%dma_wait3A_394, %dma_wait3A_405, %dma_wait3A_406] : memref<2x1280x64xbf16, #tpu.memory_space<vmem>> -> memref<1x1280x64xbf16, #tpu.memory_space<vmem>>
    %dma_wait3A_408 = tpu.memref_squeeze %dma_wait3A_407 : memref<1x1280x64xbf16, #tpu.memory_space<vmem>> -> memref<1280x64xbf16, #tpu.memory_space<vmem>>
    %dma_wait3A_409 = arith.constant 0 : i32
    %dma_wait3A_410 = arith.constant 0 : i32
    %dma_wait3A_411 = tpu.memref_slice %arg2[%dma_wait3A_409, %dma_wait3A_410] : memref<10000x64xbf16, #tpu.memory_space<hbm>> -> memref<1280x64xbf16, #tpu.memory_space<hbm>>
    tpu.wait_dma2 semaphore(%dma_wait3A_404 : memref<!tpu.dma_semaphore, #tpu.memory_space<semaphore_mem>>) src(%dma_wait3A_411 : memref<1280x64xbf16, #tpu.memory_space<hbm>>) dst(%dma_wait3A_408 : memref<1280x64xbf16, #tpu.memory_space<vmem>>)
    %dma_wait3A_412 = arith.constant 1 : i32
    %dma_wait3A_413 = arith.constant 1 : i32
    %dma_wait3A_414 = arith.constant 0 : i32
    %dma_wait3A_415 = arith.constant 0 : i32
    %dma_wait3A_416 = tpu.memref_slice %arg9[%dma_wait3A_412, %dma_wait3A_414, %dma_wait3A_415] : memref<2x1280x64xbf16, #tpu.memory_space<vmem>> -> memref<1x1280x64xbf16, #tpu.memory_space<vmem>>
    %dma_wait3A_417 = tpu.memref_squeeze %dma_wait3A_416 : memref<1x1280x64xbf16, #tpu.memory_space<vmem>> -> memref<1280x64xbf16, #tpu.memory_space<vmem>>
    %dma_wait3A_418 = arith.constant 0 : i32
    %dma_wait3A_419 = arith.constant 0 : i32
    %dma_wait3A_420 = tpu.memref_slice %arg10[%dma_wait3A_418, %dma_wait3A_419] : memref<10240x64xbf16, #tpu.memory_space<vmem_shared>> -> memref<1280x64xbf16, #tpu.memory_space<vmem_shared>>
    %dma_wait3A_421 = tpu.memref_slice %arg12[%dma_wait3A_413] : memref<2x!tpu.dma_semaphore, #tpu.memory_space<semaphore_mem>> -> memref<1x!tpu.dma_semaphore, #tpu.memory_space<semaphore_mem>>
    %dma_wait3A_422 = tpu.memref_squeeze %dma_wait3A_421 : memref<1x!tpu.dma_semaphore, #tpu.memory_space<semaphore_mem>> -> memref<!tpu.dma_semaphore, #tpu.memory_space<semaphore_mem>>
    %dma_wait3A_423 = arith.constant 0 : i32
    %dma_wait3A_424 = arith.constant 0 : i32
    %dma_wait3A_425 = tpu.memref_slice %arg10[%dma_wait3A_423, %dma_wait3A_424] : memref<10240x64xbf16, #tpu.memory_space<vmem_shared>> -> memref<1280x64xbf16, #tpu.memory_space<vmem_shared>>
    %dma_wait3A_426 = arith.constant 0 : i32
    %dma_wait3A_427 = arith.constant 0 : i32
    %dma_wait3A_428 = tpu.memref_slice %arg9[%dma_wait3A_412, %dma_wait3A_426, %dma_wait3A_427] : memref<2x1280x64xbf16, #tpu.memory_space<vmem>> -> memref<1x1280x64xbf16, #tpu.memory_space<vmem>>
    %dma_wait3A_429 = tpu.memref_squeeze %dma_wait3A_428 : memref<1x1280x64xbf16, #tpu.memory_space<vmem>> -> memref<1280x64xbf16, #tpu.memory_space<vmem>>
    tpu.wait_dma2 semaphore(%dma_wait3A_422 : memref<!tpu.dma_semaphore, #tpu.memory_space<semaphore_mem>>) src(%dma_wait3A_429 : memref<1280x64xbf16, #tpu.memory_space<vmem>>) dst(%dma_wait3A_425 : memref<1280x64xbf16, #tpu.memory_space<vmem_shared>>)
    %dma_start3A_430 = arith.constant 7 : i32
    %dma_start3A_431 = arith.constant 1 : i32
    %dma_start3A_432 = arith.constant 1 : i32
    %dma_start3A_433 = arith.constant 0 : i32
    %dma_start3A_434 = arith.constant 0 : i32
    %dma_start3A_435 = tpu.memref_slice %arg9[%dma_start3A_431, %dma_start3A_433, %dma_start3A_434] : memref<2x1280x64xbf16, #tpu.memory_space<vmem>> -> memref<1x1280x64xbf16, #tpu.memory_space<vmem>>
    %dma_start3A_436 = tpu.memref_squeeze %dma_start3A_435 : memref<1x1280x64xbf16, #tpu.memory_space<vmem>> -> memref<1280x64xbf16, #tpu.memory_space<vmem>>
    %dma_start3A_437 = arith.constant 0 : i32
    %dma_start3A_438 = tpu.memref_slice %arg7[%dma_start3A_430, %dma_start3A_437] : memref<8x1280xi32, #tpu.memory_space<vmem>> -> memref<1x1280xi32, #tpu.memory_space<vmem>>
    %dma_start3A_439 = tpu.memref_squeeze %dma_start3A_438 : memref<1x1280xi32, #tpu.memory_space<vmem>> -> memref<1280xi32, #tpu.memory_space<vmem>>
    %dma_start3A_440 = arith.constant 0 : i32
    %dma_start3A_441 = arith.constant 0 : i32
    %dma_start3A_442 = tpu.memref_slice %arg2[%dma_start3A_440, %dma_start3A_441] : memref<10000x64xbf16, #tpu.memory_space<hbm>> -> memref<10000x64xbf16, #tpu.memory_space<hbm>>
    %dma_start3A_443 = tpu.memref_slice %arg11[%dma_start3A_432] : memref<2x!tpu.dma_semaphore, #tpu.memory_space<semaphore_mem>> -> memref<1x!tpu.dma_semaphore, #tpu.memory_space<semaphore_mem>>
    %dma_start3A_444 = tpu.memref_squeeze %dma_start3A_443 : memref<1x!tpu.dma_semaphore, #tpu.memory_space<semaphore_mem>> -> memref<!tpu.dma_semaphore, #tpu.memory_space<semaphore_mem>>
    tpu.enqueue_indirect_dma source(%dma_start3A_442 : memref<10000x64xbf16, #tpu.memory_space<hbm>>) target(%dma_start3A_436 : memref<1280x64xbf16, #tpu.memory_space<vmem>>) offsets(%dma_start3A_439 : memref<1280xi32, #tpu.memory_space<vmem>>) semaphore(%dma_start3A_444 : memref<!tpu.dma_semaphore, #tpu.memory_space<semaphore_mem>>)
    %dma_start3A_445 = arith.constant 0 : i32
    %dma_start3A_446 = arith.constant 6 : i32
    %dma_start3A_447 = arith.constant 0 : i32
    %dma_start3A_448 = arith.constant 0 : i32
    %dma_start3A_449 = arith.constant 0 : i32
    %dma_start3A_450 = tpu.memref_slice %arg9[%dma_start3A_445, %dma_start3A_448, %dma_start3A_449] : memref<2x1280x64xbf16, #tpu.memory_space<vmem>> -> memref<1x1280x64xbf16, #tpu.memory_space<vmem>>
    %dma_start3A_451 = tpu.memref_squeeze %dma_start3A_450 : memref<1x1280x64xbf16, #tpu.memory_space<vmem>> -> memref<1280x64xbf16, #tpu.memory_space<vmem>>
    %dma_start3A_452 = arith.constant 0 : i32
    %dma_start3A_453 = tpu.memref_slice %arg8[%dma_start3A_446, %dma_start3A_452] : memref<8x1280xi32, #tpu.memory_space<vmem>> -> memref<1x1280xi32, #tpu.memory_space<vmem>>
    %dma_start3A_454 = tpu.memref_squeeze %dma_start3A_453 : memref<1x1280xi32, #tpu.memory_space<vmem>> -> memref<1280xi32, #tpu.memory_space<vmem>>
    %dma_start3A_455 = arith.constant 0 : i32
    %dma_start3A_456 = arith.constant 0 : i32
    %dma_start3A_457 = tpu.memref_slice %arg10[%dma_start3A_455, %dma_start3A_456] : memref<10240x64xbf16, #tpu.memory_space<vmem_shared>> -> memref<10240x64xbf16, #tpu.memory_space<vmem_shared>>
    %dma_start3A_458 = tpu.memref_slice %arg12[%dma_start3A_447] : memref<2x!tpu.dma_semaphore, #tpu.memory_space<semaphore_mem>> -> memref<1x!tpu.dma_semaphore, #tpu.memory_space<semaphore_mem>>
    %dma_start3A_459 = tpu.memref_squeeze %dma_start3A_458 : memref<1x!tpu.dma_semaphore, #tpu.memory_space<semaphore_mem>> -> memref<!tpu.dma_semaphore, #tpu.memory_space<semaphore_mem>>
    tpu.enqueue_indirect_dma source(%dma_start3A_451 : memref<1280x64xbf16, #tpu.memory_space<vmem>>) target(%dma_start3A_457 : memref<10240x64xbf16, #tpu.memory_space<vmem_shared>>) offsets(%dma_start3A_454 : memref<1280xi32, #tpu.memory_space<vmem>>) semaphore(%dma_start3A_459 : memref<!tpu.dma_semaphore, #tpu.memory_space<semaphore_mem>>) {add = true}
    %dma_wait3A_460 = arith.constant 1 : i32
    %dma_wait3A_461 = arith.constant 1 : i32
    %dma_wait3A_462 = arith.constant 0 : i32
    %dma_wait3A_463 = arith.constant 0 : i32
    %dma_wait3A_464 = tpu.memref_slice %arg9[%dma_wait3A_460, %dma_wait3A_462, %dma_wait3A_463] : memref<2x1280x64xbf16, #tpu.memory_space<vmem>> -> memref<1x1280x64xbf16, #tpu.memory_space<vmem>>
    %dma_wait3A_465 = tpu.memref_squeeze %dma_wait3A_464 : memref<1x1280x64xbf16, #tpu.memory_space<vmem>> -> memref<1280x64xbf16, #tpu.memory_space<vmem>>
    %dma_wait3A_466 = arith.constant 0 : i32
    %dma_wait3A_467 = arith.constant 0 : i32
    %dma_wait3A_468 = tpu.memref_slice %arg2[%dma_wait3A_466, %dma_wait3A_467] : memref<10000x64xbf16, #tpu.memory_space<hbm>> -> memref<1280x64xbf16, #tpu.memory_space<hbm>>
    %dma_wait3A_469 = tpu.memref_slice %arg11[%dma_wait3A_461] : memref<2x!tpu.dma_semaphore, #tpu.memory_space<semaphore_mem>> -> memref<1x!tpu.dma_semaphore, #tpu.memory_space<semaphore_mem>>
    %dma_wait3A_470 = tpu.memref_squeeze %dma_wait3A_469 : memref<1x!tpu.dma_semaphore, #tpu.memory_space<semaphore_mem>> -> memref<!tpu.dma_semaphore, #tpu.memory_space<semaphore_mem>>
    %dma_wait3A_471 = arith.constant 0 : i32
    %dma_wait3A_472 = arith.constant 0 : i32
    %dma_wait3A_473 = tpu.memref_slice %arg9[%dma_wait3A_460, %dma_wait3A_471, %dma_wait3A_472] : memref<2x1280x64xbf16, #tpu.memory_space<vmem>> -> memref<1x1280x64xbf16, #tpu.memory_space<vmem>>
    %dma_wait3A_474 = tpu.memref_squeeze %dma_wait3A_473 : memref<1x1280x64xbf16, #tpu.memory_space<vmem>> -> memref<1280x64xbf16, #tpu.memory_space<vmem>>
    %dma_wait3A_475 = arith.constant 0 : i32
    %dma_wait3A_476 = arith.constant 0 : i32
    %dma_wait3A_477 = tpu.memref_slice %arg2[%dma_wait3A_475, %dma_wait3A_476] : memref<10000x64xbf16, #tpu.memory_space<hbm>> -> memref<1280x64xbf16, #tpu.memory_space<hbm>>
    tpu.wait_dma2 semaphore(%dma_wait3A_470 : memref<!tpu.dma_semaphore, #tpu.memory_space<semaphore_mem>>) src(%dma_wait3A_477 : memref<1280x64xbf16, #tpu.memory_space<hbm>>) dst(%dma_wait3A_474 : memref<1280x64xbf16, #tpu.memory_space<vmem>>)
    %dma_start3A_478 = arith.constant 1 : i32
    %dma_start3A_479 = arith.constant 7 : i32
    %dma_start3A_480 = arith.constant 1 : i32
    %dma_start3A_481 = arith.constant 0 : i32
    %dma_start3A_482 = arith.constant 0 : i32
    %dma_start3A_483 = tpu.memref_slice %arg9[%dma_start3A_478, %dma_start3A_481, %dma_start3A_482] : memref<2x1280x64xbf16, #tpu.memory_space<vmem>> -> memref<1x1280x64xbf16, #tpu.memory_space<vmem>>
    %dma_start3A_484 = tpu.memref_squeeze %dma_start3A_483 : memref<1x1280x64xbf16, #tpu.memory_space<vmem>> -> memref<1280x64xbf16, #tpu.memory_space<vmem>>
    %dma_start3A_485 = arith.constant 0 : i32
    %dma_start3A_486 = tpu.memref_slice %arg8[%dma_start3A_479, %dma_start3A_485] : memref<8x1280xi32, #tpu.memory_space<vmem>> -> memref<1x1280xi32, #tpu.memory_space<vmem>>
    %dma_start3A_487 = tpu.memref_squeeze %dma_start3A_486 : memref<1x1280xi32, #tpu.memory_space<vmem>> -> memref<1280xi32, #tpu.memory_space<vmem>>
    %dma_start3A_488 = arith.constant 0 : i32
    %dma_start3A_489 = arith.constant 0 : i32
    %dma_start3A_490 = tpu.memref_slice %arg10[%dma_start3A_488, %dma_start3A_489] : memref<10240x64xbf16, #tpu.memory_space<vmem_shared>> -> memref<10240x64xbf16, #tpu.memory_space<vmem_shared>>
    %dma_start3A_491 = tpu.memref_slice %arg12[%dma_start3A_480] : memref<2x!tpu.dma_semaphore, #tpu.memory_space<semaphore_mem>> -> memref<1x!tpu.dma_semaphore, #tpu.memory_space<semaphore_mem>>
    %dma_start3A_492 = tpu.memref_squeeze %dma_start3A_491 : memref<1x!tpu.dma_semaphore, #tpu.memory_space<semaphore_mem>> -> memref<!tpu.dma_semaphore, #tpu.memory_space<semaphore_mem>>
    tpu.enqueue_indirect_dma source(%dma_start3A_484 : memref<1280x64xbf16, #tpu.memory_space<vmem>>) target(%dma_start3A_490 : memref<10240x64xbf16, #tpu.memory_space<vmem_shared>>) offsets(%dma_start3A_487 : memref<1280xi32, #tpu.memory_space<vmem>>) semaphore(%dma_start3A_492 : memref<!tpu.dma_semaphore, #tpu.memory_space<semaphore_mem>>) {add = true}
    %dma_wait3A_493 = arith.constant 0 : i32
    %dma_wait3A_494 = arith.constant 0 : i32
    %dma_wait3A_495 = arith.constant 0 : i32
    %dma_wait3A_496 = arith.constant 0 : i32
    %dma_wait3A_497 = tpu.memref_slice %arg9[%dma_wait3A_493, %dma_wait3A_495, %dma_wait3A_496] : memref<2x1280x64xbf16, #tpu.memory_space<vmem>> -> memref<1x1280x64xbf16, #tpu.memory_space<vmem>>
    %dma_wait3A_498 = tpu.memref_squeeze %dma_wait3A_497 : memref<1x1280x64xbf16, #tpu.memory_space<vmem>> -> memref<1280x64xbf16, #tpu.memory_space<vmem>>
    %dma_wait3A_499 = arith.constant 0 : i32
    %dma_wait3A_500 = arith.constant 0 : i32
    %dma_wait3A_501 = tpu.memref_slice %arg10[%dma_wait3A_499, %dma_wait3A_500] : memref<10240x64xbf16, #tpu.memory_space<vmem_shared>> -> memref<1280x64xbf16, #tpu.memory_space<vmem_shared>>
    %dma_wait3A_502 = tpu.memref_slice %arg12[%dma_wait3A_494] : memref<2x!tpu.dma_semaphore, #tpu.memory_space<semaphore_mem>> -> memref<1x!tpu.dma_semaphore, #tpu.memory_space<semaphore_mem>>
    %dma_wait3A_503 = tpu.memref_squeeze %dma_wait3A_502 : memref<1x!tpu.dma_semaphore, #tpu.memory_space<semaphore_mem>> -> memref<!tpu.dma_semaphore, #tpu.memory_space<semaphore_mem>>
    %dma_wait3A_504 = arith.constant 0 : i32
    %dma_wait3A_505 = arith.constant 0 : i32
    %dma_wait3A_506 = tpu.memref_slice %arg10[%dma_wait3A_504, %dma_wait3A_505] : memref<10240x64xbf16, #tpu.memory_space<vmem_shared>> -> memref<1280x64xbf16, #tpu.memory_space<vmem_shared>>
    %dma_wait3A_507 = arith.constant 0 : i32
    %dma_wait3A_508 = arith.constant 0 : i32
    %dma_wait3A_509 = tpu.memref_slice %arg9[%dma_wait3A_493, %dma_wait3A_507, %dma_wait3A_508] : memref<2x1280x64xbf16, #tpu.memory_space<vmem>> -> memref<1x1280x64xbf16, #tpu.memory_space<vmem>>
    %dma_wait3A_510 = tpu.memref_squeeze %dma_wait3A_509 : memref<1x1280x64xbf16, #tpu.memory_space<vmem>> -> memref<1280x64xbf16, #tpu.memory_space<vmem>>
    tpu.wait_dma2 semaphore(%dma_wait3A_503 : memref<!tpu.dma_semaphore, #tpu.memory_space<semaphore_mem>>) src(%dma_wait3A_510 : memref<1280x64xbf16, #tpu.memory_space<vmem>>) dst(%dma_wait3A_506 : memref<1280x64xbf16, #tpu.memory_space<vmem_shared>>)
    %dma_wait3A_511 = arith.constant 1 : i32
    %dma_wait3A_512 = arith.constant 1 : i32
    %dma_wait3A_513 = arith.constant 0 : i32
    %dma_wait3A_514 = arith.constant 0 : i32
    %dma_wait3A_515 = tpu.memref_slice %arg9[%dma_wait3A_511, %dma_wait3A_513, %dma_wait3A_514] : memref<2x1280x64xbf16, #tpu.memory_space<vmem>> -> memref<1x1280x64xbf16, #tpu.memory_space<vmem>>
    %dma_wait3A_516 = tpu.memref_squeeze %dma_wait3A_515 : memref<1x1280x64xbf16, #tpu.memory_space<vmem>> -> memref<1280x64xbf16, #tpu.memory_space<vmem>>
    %dma_wait3A_517 = arith.constant 0 : i32
    %dma_wait3A_518 = arith.constant 0 : i32
    %dma_wait3A_519 = tpu.memref_slice %arg10[%dma_wait3A_517, %dma_wait3A_518] : memref<10240x64xbf16, #tpu.memory_space<vmem_shared>> -> memref<1280x64xbf16, #tpu.memory_space<vmem_shared>>
    %dma_wait3A_520 = tpu.memref_slice %arg12[%dma_wait3A_512] : memref<2x!tpu.dma_semaphore, #tpu.memory_space<semaphore_mem>> -> memref<1x!tpu.dma_semaphore, #tpu.memory_space<semaphore_mem>>
    %dma_wait3A_521 = tpu.memref_squeeze %dma_wait3A_520 : memref<1x!tpu.dma_semaphore, #tpu.memory_space<semaphore_mem>> -> memref<!tpu.dma_semaphore, #tpu.memory_space<semaphore_mem>>
    %dma_wait3A_522 = arith.constant 0 : i32
    %dma_wait3A_523 = arith.constant 0 : i32
    %dma_wait3A_524 = tpu.memref_slice %arg10[%dma_wait3A_522, %dma_wait3A_523] : memref<10240x64xbf16, #tpu.memory_space<vmem_shared>> -> memref<1280x64xbf16, #tpu.memory_space<vmem_shared>>
    %dma_wait3A_525 = arith.constant 0 : i32
    %dma_wait3A_526 = arith.constant 0 : i32
    %dma_wait3A_527 = tpu.memref_slice %arg9[%dma_wait3A_511, %dma_wait3A_525, %dma_wait3A_526] : memref<2x1280x64xbf16, #tpu.memory_space<vmem>> -> memref<1x1280x64xbf16, #tpu.memory_space<vmem>>
    %dma_wait3A_528 = tpu.memref_squeeze %dma_wait3A_527 : memref<1x1280x64xbf16, #tpu.memory_space<vmem>> -> memref<1280x64xbf16, #tpu.memory_space<vmem>>
    tpu.wait_dma2 semaphore(%dma_wait3A_521 : memref<!tpu.dma_semaphore, #tpu.memory_space<semaphore_mem>>) src(%dma_wait3A_528 : memref<1280x64xbf16, #tpu.memory_space<vmem>>) dst(%dma_wait3A_524 : memref<1280x64xbf16, #tpu.memory_space<vmem_shared>>)
    %barrier3A_529 = arith.constant 0 : index
    tpu.barrier barrier_id(%barrier3A_529)
    %mul3A_530 = arith.constant 640 : i32
    %mul3A_531 = arith.muli %arg1, %mul3A_530 : i32
    %mul3A_532 = arith.constant 640 : i32
    %mul3A_533 = arith.muli %arg1, %mul3A_532 : i32
    "tpu.region"() ({
      %run_scoped3A = tpu.sem_alloc : memref<!tpu.dma_semaphore, #tpu.memory_space<semaphore_mem>>
      %dma_start3A_534 = arith.constant 0 : i32
      %dma_start3A_535 = tpu.memref_slice %arg6[%arg0, %mul3A_533, %dma_start3A_534] : memref<2x10240x64xbf16, #tpu.memory_space<hbm>> -> memref<1x640x64xbf16, #tpu.memory_space<hbm>>
      %dma_start3A_536 = tpu.memref_squeeze %dma_start3A_535 : memref<1x640x64xbf16, #tpu.memory_space<hbm>> -> memref<640x64xbf16, #tpu.memory_space<hbm>>
      %dma_start3A_537 = arith.constant 0 : i32
      %dma_start3A_538 = tpu.memref_slice %arg10[%mul3A_531, %dma_start3A_537] : memref<10240x64xbf16, #tpu.memory_space<vmem_shared>> -> memref<640x64xbf16, #tpu.memory_space<vmem_shared>>
      tpu.enqueue_dma source(%dma_start3A_538 : memref<640x64xbf16, #tpu.memory_space<vmem_shared>>) target(%dma_start3A_536 : memref<640x64xbf16, #tpu.memory_space<hbm>>) target_semaphore(%run_scoped3A : memref<!tpu.dma_semaphore, #tpu.memory_space<semaphore_mem>>)
      %dma_wait3A_539 = arith.constant 0 : i32
      %dma_wait3A_540 = tpu.memref_slice %arg6[%arg0, %mul3A_533, %dma_wait3A_539] : memref<2x10240x64xbf16, #tpu.memory_space<hbm>> -> memref<1x640x64xbf16, #tpu.memory_space<hbm>>
      %dma_wait3A_541 = tpu.memref_squeeze %dma_wait3A_540 : memref<1x640x64xbf16, #tpu.memory_space<hbm>> -> memref<640x64xbf16, #tpu.memory_space<hbm>>
      %dma_wait3A_542 = arith.constant 0 : i32
      %dma_wait3A_543 = tpu.memref_slice %arg10[%mul3A_531, %dma_wait3A_542] : memref<10240x64xbf16, #tpu.memory_space<vmem_shared>> -> memref<640x64xbf16, #tpu.memory_space<vmem_shared>>
      tpu.wait_dma2 semaphore(%run_scoped3A : memref<!tpu.dma_semaphore, #tpu.memory_space<semaphore_mem>>) src(%dma_wait3A_543 : memref<640x64xbf16, #tpu.memory_space<vmem_shared>>) dst(%dma_wait3A_541 : memref<640x64xbf16, #tpu.memory_space<hbm>>)
      tpu.yield
    }) : () -> ()
    return
  }
}

#map = affine_map<(d0, d1) -> (0, 0)>
#map1 = affine_map<(d0, d1) -> (0, 0, 0)>
module attributes {stable_mosaic.version = 14 : i64} {
  func.func @_sc_edge(%arg0: i32, %arg1: i32, %arg2: memref<10000x64xbf16, #tpu.memory_space<hbm>>, %arg3: memref<32x8x1280xi32, #tpu.memory_space<hbm>>, %arg4: memref<32x8x1280xi32, #tpu.memory_space<hbm>>, %arg5: memref<640x64xbf16, #tpu.memory_space<hbm>>, %arg6: memref<2x10240x64xbf16, #tpu.memory_space<hbm>>, %arg7: memref<8x1280xi32, #tpu.memory_space<vmem>>, %arg8: memref<8x1280xi32, #tpu.memory_space<vmem>>, %arg9: memref<2x1280x64xbf16, #tpu.memory_space<vmem>>, %arg10: memref<10240x64xbf16, #tpu.memory_space<vmem_shared>>, %arg11: memref<2x!tpu.dma_semaphore, #tpu.memory_space<semaphore_mem>>, %arg12: memref<2x!tpu.dma_semaphore, #tpu.memory_space<semaphore_mem>>) attributes {dimension_semantics = [#tpu.dimension_semantics<core_parallel>, #tpu.dimension_semantics<subcore_parallel>], iteration_bounds = array<i64: 2, 16>, scalar_prefetch = 0 : i64, scratch_operands = 6 : i64, tpu.core_type = #tpu.core_type<sc_vector_subcore>, window_params = [{transform_indices = #map}, {transform_indices = #map1}, {transform_indices = #map1}, {transform_indices = #map}, {transform_indices = #map1}]} {
    %mul3A = arith.constant 16 : i32
    %mul3A_0 = arith.muli %arg0, %mul3A : i32
    %add3A = arith.addi %mul3A_0, %arg1 : i32
    %mul3A_1 = arith.constant 640 : i32
    %mul3A_2 = arith.muli %arg1, %mul3A_1 : i32
    "tpu.region"() ({
      %run_scoped3A = tpu.sem_alloc : memref<!tpu.dma_semaphore, #tpu.memory_space<semaphore_mem>>
      %dma_start3A_534 = arith.constant 0 : i32
      %dma_start3A_535 = tpu.memref_slice %arg10[%mul3A_2, %dma_start3A_534] : memref<10240x64xbf16, #tpu.memory_space<vmem_shared>> -> memref<640x64xbf16, #tpu.memory_space<vmem_shared>>
      tpu.enqueue_dma source(%arg5 : memref<640x64xbf16, #tpu.memory_space<hbm>>) target(%dma_start3A_535 : memref<640x64xbf16, #tpu.memory_space<vmem_shared>>) target_semaphore(%run_scoped3A : memref<!tpu.dma_semaphore, #tpu.memory_space<semaphore_mem>>)
      %dma_wait3A_536 = arith.constant 0 : i32
      %dma_wait3A_537 = tpu.memref_slice %arg10[%mul3A_2, %dma_wait3A_536] : memref<10240x64xbf16, #tpu.memory_space<vmem_shared>> -> memref<640x64xbf16, #tpu.memory_space<vmem_shared>>
      tpu.wait_dma2 semaphore(%run_scoped3A : memref<!tpu.dma_semaphore, #tpu.memory_space<semaphore_mem>>) src(%arg5 : memref<640x64xbf16, #tpu.memory_space<hbm>>) dst(%dma_wait3A_537 : memref<640x64xbf16, #tpu.memory_space<vmem_shared>>)
      tpu.yield
    }) : () -> ()
    "tpu.region"() ({
      %run_scoped3A = tpu.sem_alloc : memref<!tpu.dma_semaphore, #tpu.memory_space<semaphore_mem>>
      %dma_start3A_534 = arith.constant 0 : i32
      %dma_start3A_535 = arith.constant 0 : i32
      %dma_start3A_536 = tpu.memref_slice %arg3[%add3A, %dma_start3A_534, %dma_start3A_535] : memref<32x8x1280xi32, #tpu.memory_space<hbm>> -> memref<1x8x1280xi32, #tpu.memory_space<hbm>>
      %dma_start3A_537 = tpu.memref_squeeze %dma_start3A_536 : memref<1x8x1280xi32, #tpu.memory_space<hbm>> -> memref<8x1280xi32, #tpu.memory_space<hbm>>
      %dma_start3A_538 = arith.constant 0 : i32
      %dma_start3A_539 = arith.constant 0 : i32
      %dma_start3A_540 = tpu.memref_slice %arg3[%add3A, %dma_start3A_538, %dma_start3A_539] : memref<32x8x1280xi32, #tpu.memory_space<hbm>> -> memref<1x8x1280xi32, #tpu.memory_space<hbm>>
      %dma_start3A_541 = tpu.memref_squeeze %dma_start3A_540 : memref<1x8x1280xi32, #tpu.memory_space<hbm>> -> memref<8x1280xi32, #tpu.memory_space<hbm>>
      tpu.enqueue_dma source(%dma_start3A_541 : memref<8x1280xi32, #tpu.memory_space<hbm>>) target(%arg7 : memref<8x1280xi32, #tpu.memory_space<vmem>>) target_semaphore(%run_scoped3A : memref<!tpu.dma_semaphore, #tpu.memory_space<semaphore_mem>>)
      %dma_wait3A_542 = arith.constant 0 : i32
      %dma_wait3A_543 = arith.constant 0 : i32
      %dma_wait3A_544 = tpu.memref_slice %arg3[%add3A, %dma_wait3A_542, %dma_wait3A_543] : memref<32x8x1280xi32, #tpu.memory_space<hbm>> -> memref<1x8x1280xi32, #tpu.memory_space<hbm>>
      %dma_wait3A_545 = tpu.memref_squeeze %dma_wait3A_544 : memref<1x8x1280xi32, #tpu.memory_space<hbm>> -> memref<8x1280xi32, #tpu.memory_space<hbm>>
      %dma_wait3A_546 = arith.constant 0 : i32
      %dma_wait3A_547 = arith.constant 0 : i32
      %dma_wait3A_548 = tpu.memref_slice %arg3[%add3A, %dma_wait3A_546, %dma_wait3A_547] : memref<32x8x1280xi32, #tpu.memory_space<hbm>> -> memref<1x8x1280xi32, #tpu.memory_space<hbm>>
      %dma_wait3A_549 = tpu.memref_squeeze %dma_wait3A_548 : memref<1x8x1280xi32, #tpu.memory_space<hbm>> -> memref<8x1280xi32, #tpu.memory_space<hbm>>
      tpu.wait_dma2 semaphore(%run_scoped3A : memref<!tpu.dma_semaphore, #tpu.memory_space<semaphore_mem>>) src(%dma_wait3A_549 : memref<8x1280xi32, #tpu.memory_space<hbm>>) dst(%arg7 : memref<8x1280xi32, #tpu.memory_space<vmem>>)
      tpu.yield
    }) : () -> ()
    "tpu.region"() ({
      %run_scoped3A = tpu.sem_alloc : memref<!tpu.dma_semaphore, #tpu.memory_space<semaphore_mem>>
      %dma_start3A_534 = arith.constant 0 : i32
      %dma_start3A_535 = arith.constant 0 : i32
      %dma_start3A_536 = tpu.memref_slice %arg4[%add3A, %dma_start3A_534, %dma_start3A_535] : memref<32x8x1280xi32, #tpu.memory_space<hbm>> -> memref<1x8x1280xi32, #tpu.memory_space<hbm>>
      %dma_start3A_537 = tpu.memref_squeeze %dma_start3A_536 : memref<1x8x1280xi32, #tpu.memory_space<hbm>> -> memref<8x1280xi32, #tpu.memory_space<hbm>>
      %dma_start3A_538 = arith.constant 0 : i32
      %dma_start3A_539 = arith.constant 0 : i32
      %dma_start3A_540 = tpu.memref_slice %arg4[%add3A, %dma_start3A_538, %dma_start3A_539] : memref<32x8x1280xi32, #tpu.memory_space<hbm>> -> memref<1x8x1280xi32, #tpu.memory_space<hbm>>
      %dma_start3A_541 = tpu.memref_squeeze %dma_start3A_540 : memref<1x8x1280xi32, #tpu.memory_space<hbm>> -> memref<8x1280xi32, #tpu.memory_space<hbm>>
      tpu.enqueue_dma source(%dma_start3A_541 : memref<8x1280xi32, #tpu.memory_space<hbm>>) target(%arg8 : memref<8x1280xi32, #tpu.memory_space<vmem>>) target_semaphore(%run_scoped3A : memref<!tpu.dma_semaphore, #tpu.memory_space<semaphore_mem>>)
      %dma_wait3A_542 = arith.constant 0 : i32
      %dma_wait3A_543 = arith.constant 0 : i32
      %dma_wait3A_544 = tpu.memref_slice %arg4[%add3A, %dma_wait3A_542, %dma_wait3A_543] : memref<32x8x1280xi32, #tpu.memory_space<hbm>> -> memref<1x8x1280xi32, #tpu.memory_space<hbm>>
      %dma_wait3A_545 = tpu.memref_squeeze %dma_wait3A_544 : memref<1x8x1280xi32, #tpu.memory_space<hbm>> -> memref<8x1280xi32, #tpu.memory_space<hbm>>
      %dma_wait3A_546 = arith.constant 0 : i32
      %dma_wait3A_547 = arith.constant 0 : i32
      %dma_wait3A_548 = tpu.memref_slice %arg4[%add3A, %dma_wait3A_546, %dma_wait3A_547] : memref<32x8x1280xi32, #tpu.memory_space<hbm>> -> memref<1x8x1280xi32, #tpu.memory_space<hbm>>
      %dma_wait3A_549 = tpu.memref_squeeze %dma_wait3A_548 : memref<1x8x1280xi32, #tpu.memory_space<hbm>> -> memref<8x1280xi32, #tpu.memory_space<hbm>>
      tpu.wait_dma2 semaphore(%run_scoped3A : memref<!tpu.dma_semaphore, #tpu.memory_space<semaphore_mem>>) src(%dma_wait3A_549 : memref<8x1280xi32, #tpu.memory_space<hbm>>) dst(%arg8 : memref<8x1280xi32, #tpu.memory_space<vmem>>)
      tpu.yield
    }) : () -> ()
    %barrier3A = arith.constant 0 : index
    tpu.barrier barrier_id(%barrier3A)
    %dma_start3A = arith.constant 0 : i32
    %dma_start3A_3 = arith.constant 0 : i32
    %dma_start3A_4 = arith.constant 0 : i32
    %dma_start3A_5 = arith.constant 0 : i32
    %dma_start3A_6 = arith.constant 0 : i32
    %dma_start3A_7 = tpu.memref_slice %arg9[%dma_start3A_3, %dma_start3A_5, %dma_start3A_6] : memref<2x1280x64xbf16, #tpu.memory_space<vmem>> -> memref<1x1280x64xbf16, #tpu.memory_space<vmem>>
    %dma_start3A_8 = tpu.memref_squeeze %dma_start3A_7 : memref<1x1280x64xbf16, #tpu.memory_space<vmem>> -> memref<1280x64xbf16, #tpu.memory_space<vmem>>
    %dma_start3A_9 = arith.constant 0 : i32
    %dma_start3A_10 = tpu.memref_slice %arg7[%dma_start3A, %dma_start3A_9] : memref<8x1280xi32, #tpu.memory_space<vmem>> -> memref<1x1280xi32, #tpu.memory_space<vmem>>
    %dma_start3A_11 = tpu.memref_squeeze %dma_start3A_10 : memref<1x1280xi32, #tpu.memory_space<vmem>> -> memref<1280xi32, #tpu.memory_space<vmem>>
    %dma_start3A_12 = arith.constant 0 : i32
    %dma_start3A_13 = arith.constant 0 : i32
    %dma_start3A_14 = tpu.memref_slice %arg2[%dma_start3A_12, %dma_start3A_13] : memref<10000x64xbf16, #tpu.memory_space<hbm>> -> memref<10000x64xbf16, #tpu.memory_space<hbm>>
    %dma_start3A_15 = tpu.memref_slice %arg11[%dma_start3A_4] : memref<2x!tpu.dma_semaphore, #tpu.memory_space<semaphore_mem>> -> memref<1x!tpu.dma_semaphore, #tpu.memory_space<semaphore_mem>>
    %dma_start3A_16 = tpu.memref_squeeze %dma_start3A_15 : memref<1x!tpu.dma_semaphore, #tpu.memory_space<semaphore_mem>> -> memref<!tpu.dma_semaphore, #tpu.memory_space<semaphore_mem>>
    tpu.enqueue_indirect_dma source(%dma_start3A_14 : memref<10000x64xbf16, #tpu.memory_space<hbm>>) target(%dma_start3A_8 : memref<1280x64xbf16, #tpu.memory_space<vmem>>) offsets(%dma_start3A_11 : memref<1280xi32, #tpu.memory_space<vmem>>) semaphore(%dma_start3A_16 : memref<!tpu.dma_semaphore, #tpu.memory_space<semaphore_mem>>)
    %dma_wait3A = arith.constant 0 : i32
    %dma_wait3A_17 = arith.constant 0 : i32
    %dma_wait3A_18 = arith.constant 0 : i32
    %dma_wait3A_19 = arith.constant 0 : i32
    %dma_wait3A_20 = tpu.memref_slice %arg9[%dma_wait3A, %dma_wait3A_18, %dma_wait3A_19] : memref<2x1280x64xbf16, #tpu.memory_space<vmem>> -> memref<1x1280x64xbf16, #tpu.memory_space<vmem>>
    %dma_wait3A_21 = tpu.memref_squeeze %dma_wait3A_20 : memref<1x1280x64xbf16, #tpu.memory_space<vmem>> -> memref<1280x64xbf16, #tpu.memory_space<vmem>>
    %dma_wait3A_22 = arith.constant 0 : i32
    %dma_wait3A_23 = arith.constant 0 : i32
    %dma_wait3A_24 = tpu.memref_slice %arg2[%dma_wait3A_22, %dma_wait3A_23] : memref<10000x64xbf16, #tpu.memory_space<hbm>> -> memref<1280x64xbf16, #tpu.memory_space<hbm>>
    %dma_wait3A_25 = tpu.memref_slice %arg11[%dma_wait3A_17] : memref<2x!tpu.dma_semaphore, #tpu.memory_space<semaphore_mem>> -> memref<1x!tpu.dma_semaphore, #tpu.memory_space<semaphore_mem>>
    %dma_wait3A_26 = tpu.memref_squeeze %dma_wait3A_25 : memref<1x!tpu.dma_semaphore, #tpu.memory_space<semaphore_mem>> -> memref<!tpu.dma_semaphore, #tpu.memory_space<semaphore_mem>>
    %dma_wait3A_27 = arith.constant 0 : i32
    %dma_wait3A_28 = arith.constant 0 : i32
    %dma_wait3A_29 = tpu.memref_slice %arg9[%dma_wait3A, %dma_wait3A_27, %dma_wait3A_28] : memref<2x1280x64xbf16, #tpu.memory_space<vmem>> -> memref<1x1280x64xbf16, #tpu.memory_space<vmem>>
    %dma_wait3A_30 = tpu.memref_squeeze %dma_wait3A_29 : memref<1x1280x64xbf16, #tpu.memory_space<vmem>> -> memref<1280x64xbf16, #tpu.memory_space<vmem>>
    %dma_wait3A_31 = arith.constant 0 : i32
    %dma_wait3A_32 = arith.constant 0 : i32
    %dma_wait3A_33 = tpu.memref_slice %arg2[%dma_wait3A_31, %dma_wait3A_32] : memref<10000x64xbf16, #tpu.memory_space<hbm>> -> memref<1280x64xbf16, #tpu.memory_space<hbm>>
    tpu.wait_dma2 semaphore(%dma_wait3A_26 : memref<!tpu.dma_semaphore, #tpu.memory_space<semaphore_mem>>) src(%dma_wait3A_33 : memref<1280x64xbf16, #tpu.memory_space<hbm>>) dst(%dma_wait3A_30 : memref<1280x64xbf16, #tpu.memory_space<vmem>>)
    %dma_start3A_34 = arith.constant 1 : i32
    %dma_start3A_35 = arith.constant 1 : i32
    %dma_start3A_36 = arith.constant 1 : i32
    %dma_start3A_37 = arith.constant 0 : i32
    %dma_start3A_38 = arith.constant 0 : i32
    %dma_start3A_39 = tpu.memref_slice %arg9[%dma_start3A_35, %dma_start3A_37, %dma_start3A_38] : memref<2x1280x64xbf16, #tpu.memory_space<vmem>> -> memref<1x1280x64xbf16, #tpu.memory_space<vmem>>
    %dma_start3A_40 = tpu.memref_squeeze %dma_start3A_39 : memref<1x1280x64xbf16, #tpu.memory_space<vmem>> -> memref<1280x64xbf16, #tpu.memory_space<vmem>>
    %dma_start3A_41 = arith.constant 0 : i32
    %dma_start3A_42 = tpu.memref_slice %arg7[%dma_start3A_34, %dma_start3A_41] : memref<8x1280xi32, #tpu.memory_space<vmem>> -> memref<1x1280xi32, #tpu.memory_space<vmem>>
    %dma_start3A_43 = tpu.memref_squeeze %dma_start3A_42 : memref<1x1280xi32, #tpu.memory_space<vmem>> -> memref<1280xi32, #tpu.memory_space<vmem>>
    %dma_start3A_44 = arith.constant 0 : i32
    %dma_start3A_45 = arith.constant 0 : i32
    %dma_start3A_46 = tpu.memref_slice %arg2[%dma_start3A_44, %dma_start3A_45] : memref<10000x64xbf16, #tpu.memory_space<hbm>> -> memref<10000x64xbf16, #tpu.memory_space<hbm>>
    %dma_start3A_47 = tpu.memref_slice %arg11[%dma_start3A_36] : memref<2x!tpu.dma_semaphore, #tpu.memory_space<semaphore_mem>> -> memref<1x!tpu.dma_semaphore, #tpu.memory_space<semaphore_mem>>
    %dma_start3A_48 = tpu.memref_squeeze %dma_start3A_47 : memref<1x!tpu.dma_semaphore, #tpu.memory_space<semaphore_mem>> -> memref<!tpu.dma_semaphore, #tpu.memory_space<semaphore_mem>>
    tpu.enqueue_indirect_dma source(%dma_start3A_46 : memref<10000x64xbf16, #tpu.memory_space<hbm>>) target(%dma_start3A_40 : memref<1280x64xbf16, #tpu.memory_space<vmem>>) offsets(%dma_start3A_43 : memref<1280xi32, #tpu.memory_space<vmem>>) semaphore(%dma_start3A_48 : memref<!tpu.dma_semaphore, #tpu.memory_space<semaphore_mem>>)
    %dma_start3A_49 = arith.constant 0 : i32
    %dma_start3A_50 = arith.constant 0 : i32
    %dma_start3A_51 = arith.constant 0 : i32
    %dma_start3A_52 = arith.constant 0 : i32
    %dma_start3A_53 = arith.constant 0 : i32
    %dma_start3A_54 = tpu.memref_slice %arg9[%dma_start3A_49, %dma_start3A_52, %dma_start3A_53] : memref<2x1280x64xbf16, #tpu.memory_space<vmem>> -> memref<1x1280x64xbf16, #tpu.memory_space<vmem>>
    %dma_start3A_55 = tpu.memref_squeeze %dma_start3A_54 : memref<1x1280x64xbf16, #tpu.memory_space<vmem>> -> memref<1280x64xbf16, #tpu.memory_space<vmem>>
    %dma_start3A_56 = arith.constant 0 : i32
    %dma_start3A_57 = tpu.memref_slice %arg8[%dma_start3A_50, %dma_start3A_56] : memref<8x1280xi32, #tpu.memory_space<vmem>> -> memref<1x1280xi32, #tpu.memory_space<vmem>>
    %dma_start3A_58 = tpu.memref_squeeze %dma_start3A_57 : memref<1x1280xi32, #tpu.memory_space<vmem>> -> memref<1280xi32, #tpu.memory_space<vmem>>
    %dma_start3A_59 = arith.constant 0 : i32
    %dma_start3A_60 = arith.constant 0 : i32
    %dma_start3A_61 = tpu.memref_slice %arg10[%dma_start3A_59, %dma_start3A_60] : memref<10240x64xbf16, #tpu.memory_space<vmem_shared>> -> memref<10240x64xbf16, #tpu.memory_space<vmem_shared>>
    %dma_start3A_62 = tpu.memref_slice %arg12[%dma_start3A_51] : memref<2x!tpu.dma_semaphore, #tpu.memory_space<semaphore_mem>> -> memref<1x!tpu.dma_semaphore, #tpu.memory_space<semaphore_mem>>
    %dma_start3A_63 = tpu.memref_squeeze %dma_start3A_62 : memref<1x!tpu.dma_semaphore, #tpu.memory_space<semaphore_mem>> -> memref<!tpu.dma_semaphore, #tpu.memory_space<semaphore_mem>>
    tpu.enqueue_indirect_dma source(%dma_start3A_55 : memref<1280x64xbf16, #tpu.memory_space<vmem>>) target(%dma_start3A_61 : memref<10240x64xbf16, #tpu.memory_space<vmem_shared>>) offsets(%dma_start3A_58 : memref<1280xi32, #tpu.memory_space<vmem>>) semaphore(%dma_start3A_63 : memref<!tpu.dma_semaphore, #tpu.memory_space<semaphore_mem>>) {add = true}
    %dma_wait3A_64 = arith.constant 1 : i32
    %dma_wait3A_65 = arith.constant 1 : i32
    %dma_wait3A_66 = arith.constant 0 : i32
    %dma_wait3A_67 = arith.constant 0 : i32
    %dma_wait3A_68 = tpu.memref_slice %arg9[%dma_wait3A_64, %dma_wait3A_66, %dma_wait3A_67] : memref<2x1280x64xbf16, #tpu.memory_space<vmem>> -> memref<1x1280x64xbf16, #tpu.memory_space<vmem>>
    %dma_wait3A_69 = tpu.memref_squeeze %dma_wait3A_68 : memref<1x1280x64xbf16, #tpu.memory_space<vmem>> -> memref<1280x64xbf16, #tpu.memory_space<vmem>>
    %dma_wait3A_70 = arith.constant 0 : i32
    %dma_wait3A_71 = arith.constant 0 : i32
    %dma_wait3A_72 = tpu.memref_slice %arg2[%dma_wait3A_70, %dma_wait3A_71] : memref<10000x64xbf16, #tpu.memory_space<hbm>> -> memref<1280x64xbf16, #tpu.memory_space<hbm>>
    %dma_wait3A_73 = tpu.memref_slice %arg11[%dma_wait3A_65] : memref<2x!tpu.dma_semaphore, #tpu.memory_space<semaphore_mem>> -> memref<1x!tpu.dma_semaphore, #tpu.memory_space<semaphore_mem>>
    %dma_wait3A_74 = tpu.memref_squeeze %dma_wait3A_73 : memref<1x!tpu.dma_semaphore, #tpu.memory_space<semaphore_mem>> -> memref<!tpu.dma_semaphore, #tpu.memory_space<semaphore_mem>>
    %dma_wait3A_75 = arith.constant 0 : i32
    %dma_wait3A_76 = arith.constant 0 : i32
    %dma_wait3A_77 = tpu.memref_slice %arg9[%dma_wait3A_64, %dma_wait3A_75, %dma_wait3A_76] : memref<2x1280x64xbf16, #tpu.memory_space<vmem>> -> memref<1x1280x64xbf16, #tpu.memory_space<vmem>>
    %dma_wait3A_78 = tpu.memref_squeeze %dma_wait3A_77 : memref<1x1280x64xbf16, #tpu.memory_space<vmem>> -> memref<1280x64xbf16, #tpu.memory_space<vmem>>
    %dma_wait3A_79 = arith.constant 0 : i32
    %dma_wait3A_80 = arith.constant 0 : i32
    %dma_wait3A_81 = tpu.memref_slice %arg2[%dma_wait3A_79, %dma_wait3A_80] : memref<10000x64xbf16, #tpu.memory_space<hbm>> -> memref<1280x64xbf16, #tpu.memory_space<hbm>>
    tpu.wait_dma2 semaphore(%dma_wait3A_74 : memref<!tpu.dma_semaphore, #tpu.memory_space<semaphore_mem>>) src(%dma_wait3A_81 : memref<1280x64xbf16, #tpu.memory_space<hbm>>) dst(%dma_wait3A_78 : memref<1280x64xbf16, #tpu.memory_space<vmem>>)
    %dma_wait3A_82 = arith.constant 0 : i32
    %dma_wait3A_83 = arith.constant 0 : i32
    %dma_wait3A_84 = arith.constant 0 : i32
    %dma_wait3A_85 = arith.constant 0 : i32
    %dma_wait3A_86 = tpu.memref_slice %arg9[%dma_wait3A_82, %dma_wait3A_84, %dma_wait3A_85] : memref<2x1280x64xbf16, #tpu.memory_space<vmem>> -> memref<1x1280x64xbf16, #tpu.memory_space<vmem>>
    %dma_wait3A_87 = tpu.memref_squeeze %dma_wait3A_86 : memref<1x1280x64xbf16, #tpu.memory_space<vmem>> -> memref<1280x64xbf16, #tpu.memory_space<vmem>>
    %dma_wait3A_88 = arith.constant 0 : i32
    %dma_wait3A_89 = arith.constant 0 : i32
    %dma_wait3A_90 = tpu.memref_slice %arg10[%dma_wait3A_88, %dma_wait3A_89] : memref<10240x64xbf16, #tpu.memory_space<vmem_shared>> -> memref<1280x64xbf16, #tpu.memory_space<vmem_shared>>
    %dma_wait3A_91 = tpu.memref_slice %arg12[%dma_wait3A_83] : memref<2x!tpu.dma_semaphore, #tpu.memory_space<semaphore_mem>> -> memref<1x!tpu.dma_semaphore, #tpu.memory_space<semaphore_mem>>
    %dma_wait3A_92 = tpu.memref_squeeze %dma_wait3A_91 : memref<1x!tpu.dma_semaphore, #tpu.memory_space<semaphore_mem>> -> memref<!tpu.dma_semaphore, #tpu.memory_space<semaphore_mem>>
    %dma_wait3A_93 = arith.constant 0 : i32
    %dma_wait3A_94 = arith.constant 0 : i32
    %dma_wait3A_95 = tpu.memref_slice %arg10[%dma_wait3A_93, %dma_wait3A_94] : memref<10240x64xbf16, #tpu.memory_space<vmem_shared>> -> memref<1280x64xbf16, #tpu.memory_space<vmem_shared>>
    %dma_wait3A_96 = arith.constant 0 : i32
    %dma_wait3A_97 = arith.constant 0 : i32
    %dma_wait3A_98 = tpu.memref_slice %arg9[%dma_wait3A_82, %dma_wait3A_96, %dma_wait3A_97] : memref<2x1280x64xbf16, #tpu.memory_space<vmem>> -> memref<1x1280x64xbf16, #tpu.memory_space<vmem>>
    %dma_wait3A_99 = tpu.memref_squeeze %dma_wait3A_98 : memref<1x1280x64xbf16, #tpu.memory_space<vmem>> -> memref<1280x64xbf16, #tpu.memory_space<vmem>>
    tpu.wait_dma2 semaphore(%dma_wait3A_92 : memref<!tpu.dma_semaphore, #tpu.memory_space<semaphore_mem>>) src(%dma_wait3A_99 : memref<1280x64xbf16, #tpu.memory_space<vmem>>) dst(%dma_wait3A_95 : memref<1280x64xbf16, #tpu.memory_space<vmem_shared>>)
    %dma_start3A_100 = arith.constant 2 : i32
    %dma_start3A_101 = arith.constant 0 : i32
    %dma_start3A_102 = arith.constant 0 : i32
    %dma_start3A_103 = arith.constant 0 : i32
    %dma_start3A_104 = arith.constant 0 : i32
    %dma_start3A_105 = tpu.memref_slice %arg9[%dma_start3A_101, %dma_start3A_103, %dma_start3A_104] : memref<2x1280x64xbf16, #tpu.memory_space<vmem>> -> memref<1x1280x64xbf16, #tpu.memory_space<vmem>>
    %dma_start3A_106 = tpu.memref_squeeze %dma_start3A_105 : memref<1x1280x64xbf16, #tpu.memory_space<vmem>> -> memref<1280x64xbf16, #tpu.memory_space<vmem>>
    %dma_start3A_107 = arith.constant 0 : i32
    %dma_start3A_108 = tpu.memref_slice %arg7[%dma_start3A_100, %dma_start3A_107] : memref<8x1280xi32, #tpu.memory_space<vmem>> -> memref<1x1280xi32, #tpu.memory_space<vmem>>
    %dma_start3A_109 = tpu.memref_squeeze %dma_start3A_108 : memref<1x1280xi32, #tpu.memory_space<vmem>> -> memref<1280xi32, #tpu.memory_space<vmem>>
    %dma_start3A_110 = arith.constant 0 : i32
    %dma_start3A_111 = arith.constant 0 : i32
    %dma_start3A_112 = tpu.memref_slice %arg2[%dma_start3A_110, %dma_start3A_111] : memref<10000x64xbf16, #tpu.memory_space<hbm>> -> memref<10000x64xbf16, #tpu.memory_space<hbm>>
    %dma_start3A_113 = tpu.memref_slice %arg11[%dma_start3A_102] : memref<2x!tpu.dma_semaphore, #tpu.memory_space<semaphore_mem>> -> memref<1x!tpu.dma_semaphore, #tpu.memory_space<semaphore_mem>>
    %dma_start3A_114 = tpu.memref_squeeze %dma_start3A_113 : memref<1x!tpu.dma_semaphore, #tpu.memory_space<semaphore_mem>> -> memref<!tpu.dma_semaphore, #tpu.memory_space<semaphore_mem>>
    tpu.enqueue_indirect_dma source(%dma_start3A_112 : memref<10000x64xbf16, #tpu.memory_space<hbm>>) target(%dma_start3A_106 : memref<1280x64xbf16, #tpu.memory_space<vmem>>) offsets(%dma_start3A_109 : memref<1280xi32, #tpu.memory_space<vmem>>) semaphore(%dma_start3A_114 : memref<!tpu.dma_semaphore, #tpu.memory_space<semaphore_mem>>)
    %dma_start3A_115 = arith.constant 1 : i32
    %dma_start3A_116 = arith.constant 1 : i32
    %dma_start3A_117 = arith.constant 1 : i32
    %dma_start3A_118 = arith.constant 0 : i32
    %dma_start3A_119 = arith.constant 0 : i32
    %dma_start3A_120 = tpu.memref_slice %arg9[%dma_start3A_115, %dma_start3A_118, %dma_start3A_119] : memref<2x1280x64xbf16, #tpu.memory_space<vmem>> -> memref<1x1280x64xbf16, #tpu.memory_space<vmem>>
    %dma_start3A_121 = tpu.memref_squeeze %dma_start3A_120 : memref<1x1280x64xbf16, #tpu.memory_space<vmem>> -> memref<1280x64xbf16, #tpu.memory_space<vmem>>
    %dma_start3A_122 = arith.constant 0 : i32
    %dma_start3A_123 = tpu.memref_slice %arg8[%dma_start3A_116, %dma_start3A_122] : memref<8x1280xi32, #tpu.memory_space<vmem>> -> memref<1x1280xi32, #tpu.memory_space<vmem>>
    %dma_start3A_124 = tpu.memref_squeeze %dma_start3A_123 : memref<1x1280xi32, #tpu.memory_space<vmem>> -> memref<1280xi32, #tpu.memory_space<vmem>>
    %dma_start3A_125 = arith.constant 0 : i32
    %dma_start3A_126 = arith.constant 0 : i32
    %dma_start3A_127 = tpu.memref_slice %arg10[%dma_start3A_125, %dma_start3A_126] : memref<10240x64xbf16, #tpu.memory_space<vmem_shared>> -> memref<10240x64xbf16, #tpu.memory_space<vmem_shared>>
    %dma_start3A_128 = tpu.memref_slice %arg12[%dma_start3A_117] : memref<2x!tpu.dma_semaphore, #tpu.memory_space<semaphore_mem>> -> memref<1x!tpu.dma_semaphore, #tpu.memory_space<semaphore_mem>>
    %dma_start3A_129 = tpu.memref_squeeze %dma_start3A_128 : memref<1x!tpu.dma_semaphore, #tpu.memory_space<semaphore_mem>> -> memref<!tpu.dma_semaphore, #tpu.memory_space<semaphore_mem>>
    tpu.enqueue_indirect_dma source(%dma_start3A_121 : memref<1280x64xbf16, #tpu.memory_space<vmem>>) target(%dma_start3A_127 : memref<10240x64xbf16, #tpu.memory_space<vmem_shared>>) offsets(%dma_start3A_124 : memref<1280xi32, #tpu.memory_space<vmem>>) semaphore(%dma_start3A_129 : memref<!tpu.dma_semaphore, #tpu.memory_space<semaphore_mem>>) {add = true}
    %dma_wait3A_130 = arith.constant 0 : i32
    %dma_wait3A_131 = arith.constant 0 : i32
    %dma_wait3A_132 = arith.constant 0 : i32
    %dma_wait3A_133 = arith.constant 0 : i32
    %dma_wait3A_134 = tpu.memref_slice %arg9[%dma_wait3A_130, %dma_wait3A_132, %dma_wait3A_133] : memref<2x1280x64xbf16, #tpu.memory_space<vmem>> -> memref<1x1280x64xbf16, #tpu.memory_space<vmem>>
    %dma_wait3A_135 = tpu.memref_squeeze %dma_wait3A_134 : memref<1x1280x64xbf16, #tpu.memory_space<vmem>> -> memref<1280x64xbf16, #tpu.memory_space<vmem>>
    %dma_wait3A_136 = arith.constant 0 : i32
    %dma_wait3A_137 = arith.constant 0 : i32
    %dma_wait3A_138 = tpu.memref_slice %arg2[%dma_wait3A_136, %dma_wait3A_137] : memref<10000x64xbf16, #tpu.memory_space<hbm>> -> memref<1280x64xbf16, #tpu.memory_space<hbm>>
    %dma_wait3A_139 = tpu.memref_slice %arg11[%dma_wait3A_131] : memref<2x!tpu.dma_semaphore, #tpu.memory_space<semaphore_mem>> -> memref<1x!tpu.dma_semaphore, #tpu.memory_space<semaphore_mem>>
    %dma_wait3A_140 = tpu.memref_squeeze %dma_wait3A_139 : memref<1x!tpu.dma_semaphore, #tpu.memory_space<semaphore_mem>> -> memref<!tpu.dma_semaphore, #tpu.memory_space<semaphore_mem>>
    %dma_wait3A_141 = arith.constant 0 : i32
    %dma_wait3A_142 = arith.constant 0 : i32
    %dma_wait3A_143 = tpu.memref_slice %arg9[%dma_wait3A_130, %dma_wait3A_141, %dma_wait3A_142] : memref<2x1280x64xbf16, #tpu.memory_space<vmem>> -> memref<1x1280x64xbf16, #tpu.memory_space<vmem>>
    %dma_wait3A_144 = tpu.memref_squeeze %dma_wait3A_143 : memref<1x1280x64xbf16, #tpu.memory_space<vmem>> -> memref<1280x64xbf16, #tpu.memory_space<vmem>>
    %dma_wait3A_145 = arith.constant 0 : i32
    %dma_wait3A_146 = arith.constant 0 : i32
    %dma_wait3A_147 = tpu.memref_slice %arg2[%dma_wait3A_145, %dma_wait3A_146] : memref<10000x64xbf16, #tpu.memory_space<hbm>> -> memref<1280x64xbf16, #tpu.memory_space<hbm>>
    tpu.wait_dma2 semaphore(%dma_wait3A_140 : memref<!tpu.dma_semaphore, #tpu.memory_space<semaphore_mem>>) src(%dma_wait3A_147 : memref<1280x64xbf16, #tpu.memory_space<hbm>>) dst(%dma_wait3A_144 : memref<1280x64xbf16, #tpu.memory_space<vmem>>)
    %dma_wait3A_148 = arith.constant 1 : i32
    %dma_wait3A_149 = arith.constant 1 : i32
    %dma_wait3A_150 = arith.constant 0 : i32
    %dma_wait3A_151 = arith.constant 0 : i32
    %dma_wait3A_152 = tpu.memref_slice %arg9[%dma_wait3A_148, %dma_wait3A_150, %dma_wait3A_151] : memref<2x1280x64xbf16, #tpu.memory_space<vmem>> -> memref<1x1280x64xbf16, #tpu.memory_space<vmem>>
    %dma_wait3A_153 = tpu.memref_squeeze %dma_wait3A_152 : memref<1x1280x64xbf16, #tpu.memory_space<vmem>> -> memref<1280x64xbf16, #tpu.memory_space<vmem>>
    %dma_wait3A_154 = arith.constant 0 : i32
    %dma_wait3A_155 = arith.constant 0 : i32
    %dma_wait3A_156 = tpu.memref_slice %arg10[%dma_wait3A_154, %dma_wait3A_155] : memref<10240x64xbf16, #tpu.memory_space<vmem_shared>> -> memref<1280x64xbf16, #tpu.memory_space<vmem_shared>>
    %dma_wait3A_157 = tpu.memref_slice %arg12[%dma_wait3A_149] : memref<2x!tpu.dma_semaphore, #tpu.memory_space<semaphore_mem>> -> memref<1x!tpu.dma_semaphore, #tpu.memory_space<semaphore_mem>>
    %dma_wait3A_158 = tpu.memref_squeeze %dma_wait3A_157 : memref<1x!tpu.dma_semaphore, #tpu.memory_space<semaphore_mem>> -> memref<!tpu.dma_semaphore, #tpu.memory_space<semaphore_mem>>
    %dma_wait3A_159 = arith.constant 0 : i32
    %dma_wait3A_160 = arith.constant 0 : i32
    %dma_wait3A_161 = tpu.memref_slice %arg10[%dma_wait3A_159, %dma_wait3A_160] : memref<10240x64xbf16, #tpu.memory_space<vmem_shared>> -> memref<1280x64xbf16, #tpu.memory_space<vmem_shared>>
    %dma_wait3A_162 = arith.constant 0 : i32
    %dma_wait3A_163 = arith.constant 0 : i32
    %dma_wait3A_164 = tpu.memref_slice %arg9[%dma_wait3A_148, %dma_wait3A_162, %dma_wait3A_163] : memref<2x1280x64xbf16, #tpu.memory_space<vmem>> -> memref<1x1280x64xbf16, #tpu.memory_space<vmem>>
    %dma_wait3A_165 = tpu.memref_squeeze %dma_wait3A_164 : memref<1x1280x64xbf16, #tpu.memory_space<vmem>> -> memref<1280x64xbf16, #tpu.memory_space<vmem>>
    tpu.wait_dma2 semaphore(%dma_wait3A_158 : memref<!tpu.dma_semaphore, #tpu.memory_space<semaphore_mem>>) src(%dma_wait3A_165 : memref<1280x64xbf16, #tpu.memory_space<vmem>>) dst(%dma_wait3A_161 : memref<1280x64xbf16, #tpu.memory_space<vmem_shared>>)
    %dma_start3A_166 = arith.constant 3 : i32
    %dma_start3A_167 = arith.constant 1 : i32
    %dma_start3A_168 = arith.constant 1 : i32
    %dma_start3A_169 = arith.constant 0 : i32
    %dma_start3A_170 = arith.constant 0 : i32
    %dma_start3A_171 = tpu.memref_slice %arg9[%dma_start3A_167, %dma_start3A_169, %dma_start3A_170] : memref<2x1280x64xbf16, #tpu.memory_space<vmem>> -> memref<1x1280x64xbf16, #tpu.memory_space<vmem>>
    %dma_start3A_172 = tpu.memref_squeeze %dma_start3A_171 : memref<1x1280x64xbf16, #tpu.memory_space<vmem>> -> memref<1280x64xbf16, #tpu.memory_space<vmem>>
    %dma_start3A_173 = arith.constant 0 : i32
    %dma_start3A_174 = tpu.memref_slice %arg7[%dma_start3A_166, %dma_start3A_173] : memref<8x1280xi32, #tpu.memory_space<vmem>> -> memref<1x1280xi32, #tpu.memory_space<vmem>>
    %dma_start3A_175 = tpu.memref_squeeze %dma_start3A_174 : memref<1x1280xi32, #tpu.memory_space<vmem>> -> memref<1280xi32, #tpu.memory_space<vmem>>
    %dma_start3A_176 = arith.constant 0 : i32
    %dma_start3A_177 = arith.constant 0 : i32
    %dma_start3A_178 = tpu.memref_slice %arg2[%dma_start3A_176, %dma_start3A_177] : memref<10000x64xbf16, #tpu.memory_space<hbm>> -> memref<10000x64xbf16, #tpu.memory_space<hbm>>
    %dma_start3A_179 = tpu.memref_slice %arg11[%dma_start3A_168] : memref<2x!tpu.dma_semaphore, #tpu.memory_space<semaphore_mem>> -> memref<1x!tpu.dma_semaphore, #tpu.memory_space<semaphore_mem>>
    %dma_start3A_180 = tpu.memref_squeeze %dma_start3A_179 : memref<1x!tpu.dma_semaphore, #tpu.memory_space<semaphore_mem>> -> memref<!tpu.dma_semaphore, #tpu.memory_space<semaphore_mem>>
    tpu.enqueue_indirect_dma source(%dma_start3A_178 : memref<10000x64xbf16, #tpu.memory_space<hbm>>) target(%dma_start3A_172 : memref<1280x64xbf16, #tpu.memory_space<vmem>>) offsets(%dma_start3A_175 : memref<1280xi32, #tpu.memory_space<vmem>>) semaphore(%dma_start3A_180 : memref<!tpu.dma_semaphore, #tpu.memory_space<semaphore_mem>>)
    %dma_start3A_181 = arith.constant 0 : i32
    %dma_start3A_182 = arith.constant 2 : i32
    %dma_start3A_183 = arith.constant 0 : i32
    %dma_start3A_184 = arith.constant 0 : i32
    %dma_start3A_185 = arith.constant 0 : i32
    %dma_start3A_186 = tpu.memref_slice %arg9[%dma_start3A_181, %dma_start3A_184, %dma_start3A_185] : memref<2x1280x64xbf16, #tpu.memory_space<vmem>> -> memref<1x1280x64xbf16, #tpu.memory_space<vmem>>
    %dma_start3A_187 = tpu.memref_squeeze %dma_start3A_186 : memref<1x1280x64xbf16, #tpu.memory_space<vmem>> -> memref<1280x64xbf16, #tpu.memory_space<vmem>>
    %dma_start3A_188 = arith.constant 0 : i32
    %dma_start3A_189 = tpu.memref_slice %arg8[%dma_start3A_182, %dma_start3A_188] : memref<8x1280xi32, #tpu.memory_space<vmem>> -> memref<1x1280xi32, #tpu.memory_space<vmem>>
    %dma_start3A_190 = tpu.memref_squeeze %dma_start3A_189 : memref<1x1280xi32, #tpu.memory_space<vmem>> -> memref<1280xi32, #tpu.memory_space<vmem>>
    %dma_start3A_191 = arith.constant 0 : i32
    %dma_start3A_192 = arith.constant 0 : i32
    %dma_start3A_193 = tpu.memref_slice %arg10[%dma_start3A_191, %dma_start3A_192] : memref<10240x64xbf16, #tpu.memory_space<vmem_shared>> -> memref<10240x64xbf16, #tpu.memory_space<vmem_shared>>
    %dma_start3A_194 = tpu.memref_slice %arg12[%dma_start3A_183] : memref<2x!tpu.dma_semaphore, #tpu.memory_space<semaphore_mem>> -> memref<1x!tpu.dma_semaphore, #tpu.memory_space<semaphore_mem>>
    %dma_start3A_195 = tpu.memref_squeeze %dma_start3A_194 : memref<1x!tpu.dma_semaphore, #tpu.memory_space<semaphore_mem>> -> memref<!tpu.dma_semaphore, #tpu.memory_space<semaphore_mem>>
    tpu.enqueue_indirect_dma source(%dma_start3A_187 : memref<1280x64xbf16, #tpu.memory_space<vmem>>) target(%dma_start3A_193 : memref<10240x64xbf16, #tpu.memory_space<vmem_shared>>) offsets(%dma_start3A_190 : memref<1280xi32, #tpu.memory_space<vmem>>) semaphore(%dma_start3A_195 : memref<!tpu.dma_semaphore, #tpu.memory_space<semaphore_mem>>) {add = true}
    %dma_wait3A_196 = arith.constant 1 : i32
    %dma_wait3A_197 = arith.constant 1 : i32
    %dma_wait3A_198 = arith.constant 0 : i32
    %dma_wait3A_199 = arith.constant 0 : i32
    %dma_wait3A_200 = tpu.memref_slice %arg9[%dma_wait3A_196, %dma_wait3A_198, %dma_wait3A_199] : memref<2x1280x64xbf16, #tpu.memory_space<vmem>> -> memref<1x1280x64xbf16, #tpu.memory_space<vmem>>
    %dma_wait3A_201 = tpu.memref_squeeze %dma_wait3A_200 : memref<1x1280x64xbf16, #tpu.memory_space<vmem>> -> memref<1280x64xbf16, #tpu.memory_space<vmem>>
    %dma_wait3A_202 = arith.constant 0 : i32
    %dma_wait3A_203 = arith.constant 0 : i32
    %dma_wait3A_204 = tpu.memref_slice %arg2[%dma_wait3A_202, %dma_wait3A_203] : memref<10000x64xbf16, #tpu.memory_space<hbm>> -> memref<1280x64xbf16, #tpu.memory_space<hbm>>
    %dma_wait3A_205 = tpu.memref_slice %arg11[%dma_wait3A_197] : memref<2x!tpu.dma_semaphore, #tpu.memory_space<semaphore_mem>> -> memref<1x!tpu.dma_semaphore, #tpu.memory_space<semaphore_mem>>
    %dma_wait3A_206 = tpu.memref_squeeze %dma_wait3A_205 : memref<1x!tpu.dma_semaphore, #tpu.memory_space<semaphore_mem>> -> memref<!tpu.dma_semaphore, #tpu.memory_space<semaphore_mem>>
    %dma_wait3A_207 = arith.constant 0 : i32
    %dma_wait3A_208 = arith.constant 0 : i32
    %dma_wait3A_209 = tpu.memref_slice %arg9[%dma_wait3A_196, %dma_wait3A_207, %dma_wait3A_208] : memref<2x1280x64xbf16, #tpu.memory_space<vmem>> -> memref<1x1280x64xbf16, #tpu.memory_space<vmem>>
    %dma_wait3A_210 = tpu.memref_squeeze %dma_wait3A_209 : memref<1x1280x64xbf16, #tpu.memory_space<vmem>> -> memref<1280x64xbf16, #tpu.memory_space<vmem>>
    %dma_wait3A_211 = arith.constant 0 : i32
    %dma_wait3A_212 = arith.constant 0 : i32
    %dma_wait3A_213 = tpu.memref_slice %arg2[%dma_wait3A_211, %dma_wait3A_212] : memref<10000x64xbf16, #tpu.memory_space<hbm>> -> memref<1280x64xbf16, #tpu.memory_space<hbm>>
    tpu.wait_dma2 semaphore(%dma_wait3A_206 : memref<!tpu.dma_semaphore, #tpu.memory_space<semaphore_mem>>) src(%dma_wait3A_213 : memref<1280x64xbf16, #tpu.memory_space<hbm>>) dst(%dma_wait3A_210 : memref<1280x64xbf16, #tpu.memory_space<vmem>>)
    %dma_wait3A_214 = arith.constant 0 : i32
    %dma_wait3A_215 = arith.constant 0 : i32
    %dma_wait3A_216 = arith.constant 0 : i32
    %dma_wait3A_217 = arith.constant 0 : i32
    %dma_wait3A_218 = tpu.memref_slice %arg9[%dma_wait3A_214, %dma_wait3A_216, %dma_wait3A_217] : memref<2x1280x64xbf16, #tpu.memory_space<vmem>> -> memref<1x1280x64xbf16, #tpu.memory_space<vmem>>
    %dma_wait3A_219 = tpu.memref_squeeze %dma_wait3A_218 : memref<1x1280x64xbf16, #tpu.memory_space<vmem>> -> memref<1280x64xbf16, #tpu.memory_space<vmem>>
    %dma_wait3A_220 = arith.constant 0 : i32
    %dma_wait3A_221 = arith.constant 0 : i32
    %dma_wait3A_222 = tpu.memref_slice %arg10[%dma_wait3A_220, %dma_wait3A_221] : memref<10240x64xbf16, #tpu.memory_space<vmem_shared>> -> memref<1280x64xbf16, #tpu.memory_space<vmem_shared>>
    %dma_wait3A_223 = tpu.memref_slice %arg12[%dma_wait3A_215] : memref<2x!tpu.dma_semaphore, #tpu.memory_space<semaphore_mem>> -> memref<1x!tpu.dma_semaphore, #tpu.memory_space<semaphore_mem>>
    %dma_wait3A_224 = tpu.memref_squeeze %dma_wait3A_223 : memref<1x!tpu.dma_semaphore, #tpu.memory_space<semaphore_mem>> -> memref<!tpu.dma_semaphore, #tpu.memory_space<semaphore_mem>>
    %dma_wait3A_225 = arith.constant 0 : i32
    %dma_wait3A_226 = arith.constant 0 : i32
    %dma_wait3A_227 = tpu.memref_slice %arg10[%dma_wait3A_225, %dma_wait3A_226] : memref<10240x64xbf16, #tpu.memory_space<vmem_shared>> -> memref<1280x64xbf16, #tpu.memory_space<vmem_shared>>
    %dma_wait3A_228 = arith.constant 0 : i32
    %dma_wait3A_229 = arith.constant 0 : i32
    %dma_wait3A_230 = tpu.memref_slice %arg9[%dma_wait3A_214, %dma_wait3A_228, %dma_wait3A_229] : memref<2x1280x64xbf16, #tpu.memory_space<vmem>> -> memref<1x1280x64xbf16, #tpu.memory_space<vmem>>
    %dma_wait3A_231 = tpu.memref_squeeze %dma_wait3A_230 : memref<1x1280x64xbf16, #tpu.memory_space<vmem>> -> memref<1280x64xbf16, #tpu.memory_space<vmem>>
    tpu.wait_dma2 semaphore(%dma_wait3A_224 : memref<!tpu.dma_semaphore, #tpu.memory_space<semaphore_mem>>) src(%dma_wait3A_231 : memref<1280x64xbf16, #tpu.memory_space<vmem>>) dst(%dma_wait3A_227 : memref<1280x64xbf16, #tpu.memory_space<vmem_shared>>)
    %dma_start3A_232 = arith.constant 4 : i32
    %dma_start3A_233 = arith.constant 0 : i32
    %dma_start3A_234 = arith.constant 0 : i32
    %dma_start3A_235 = arith.constant 0 : i32
    %dma_start3A_236 = arith.constant 0 : i32
    %dma_start3A_237 = tpu.memref_slice %arg9[%dma_start3A_233, %dma_start3A_235, %dma_start3A_236] : memref<2x1280x64xbf16, #tpu.memory_space<vmem>> -> memref<1x1280x64xbf16, #tpu.memory_space<vmem>>
    %dma_start3A_238 = tpu.memref_squeeze %dma_start3A_237 : memref<1x1280x64xbf16, #tpu.memory_space<vmem>> -> memref<1280x64xbf16, #tpu.memory_space<vmem>>
    %dma_start3A_239 = arith.constant 0 : i32
    %dma_start3A_240 = tpu.memref_slice %arg7[%dma_start3A_232, %dma_start3A_239] : memref<8x1280xi32, #tpu.memory_space<vmem>> -> memref<1x1280xi32, #tpu.memory_space<vmem>>
    %dma_start3A_241 = tpu.memref_squeeze %dma_start3A_240 : memref<1x1280xi32, #tpu.memory_space<vmem>> -> memref<1280xi32, #tpu.memory_space<vmem>>
    %dma_start3A_242 = arith.constant 0 : i32
    %dma_start3A_243 = arith.constant 0 : i32
    %dma_start3A_244 = tpu.memref_slice %arg2[%dma_start3A_242, %dma_start3A_243] : memref<10000x64xbf16, #tpu.memory_space<hbm>> -> memref<10000x64xbf16, #tpu.memory_space<hbm>>
    %dma_start3A_245 = tpu.memref_slice %arg11[%dma_start3A_234] : memref<2x!tpu.dma_semaphore, #tpu.memory_space<semaphore_mem>> -> memref<1x!tpu.dma_semaphore, #tpu.memory_space<semaphore_mem>>
    %dma_start3A_246 = tpu.memref_squeeze %dma_start3A_245 : memref<1x!tpu.dma_semaphore, #tpu.memory_space<semaphore_mem>> -> memref<!tpu.dma_semaphore, #tpu.memory_space<semaphore_mem>>
    tpu.enqueue_indirect_dma source(%dma_start3A_244 : memref<10000x64xbf16, #tpu.memory_space<hbm>>) target(%dma_start3A_238 : memref<1280x64xbf16, #tpu.memory_space<vmem>>) offsets(%dma_start3A_241 : memref<1280xi32, #tpu.memory_space<vmem>>) semaphore(%dma_start3A_246 : memref<!tpu.dma_semaphore, #tpu.memory_space<semaphore_mem>>)
    %dma_start3A_247 = arith.constant 1 : i32
    %dma_start3A_248 = arith.constant 3 : i32
    %dma_start3A_249 = arith.constant 1 : i32
    %dma_start3A_250 = arith.constant 0 : i32
    %dma_start3A_251 = arith.constant 0 : i32
    %dma_start3A_252 = tpu.memref_slice %arg9[%dma_start3A_247, %dma_start3A_250, %dma_start3A_251] : memref<2x1280x64xbf16, #tpu.memory_space<vmem>> -> memref<1x1280x64xbf16, #tpu.memory_space<vmem>>
    %dma_start3A_253 = tpu.memref_squeeze %dma_start3A_252 : memref<1x1280x64xbf16, #tpu.memory_space<vmem>> -> memref<1280x64xbf16, #tpu.memory_space<vmem>>
    %dma_start3A_254 = arith.constant 0 : i32
    %dma_start3A_255 = tpu.memref_slice %arg8[%dma_start3A_248, %dma_start3A_254] : memref<8x1280xi32, #tpu.memory_space<vmem>> -> memref<1x1280xi32, #tpu.memory_space<vmem>>
    %dma_start3A_256 = tpu.memref_squeeze %dma_start3A_255 : memref<1x1280xi32, #tpu.memory_space<vmem>> -> memref<1280xi32, #tpu.memory_space<vmem>>
    %dma_start3A_257 = arith.constant 0 : i32
    %dma_start3A_258 = arith.constant 0 : i32
    %dma_start3A_259 = tpu.memref_slice %arg10[%dma_start3A_257, %dma_start3A_258] : memref<10240x64xbf16, #tpu.memory_space<vmem_shared>> -> memref<10240x64xbf16, #tpu.memory_space<vmem_shared>>
    %dma_start3A_260 = tpu.memref_slice %arg12[%dma_start3A_249] : memref<2x!tpu.dma_semaphore, #tpu.memory_space<semaphore_mem>> -> memref<1x!tpu.dma_semaphore, #tpu.memory_space<semaphore_mem>>
    %dma_start3A_261 = tpu.memref_squeeze %dma_start3A_260 : memref<1x!tpu.dma_semaphore, #tpu.memory_space<semaphore_mem>> -> memref<!tpu.dma_semaphore, #tpu.memory_space<semaphore_mem>>
    tpu.enqueue_indirect_dma source(%dma_start3A_253 : memref<1280x64xbf16, #tpu.memory_space<vmem>>) target(%dma_start3A_259 : memref<10240x64xbf16, #tpu.memory_space<vmem_shared>>) offsets(%dma_start3A_256 : memref<1280xi32, #tpu.memory_space<vmem>>) semaphore(%dma_start3A_261 : memref<!tpu.dma_semaphore, #tpu.memory_space<semaphore_mem>>) {add = true}
    %dma_wait3A_262 = arith.constant 0 : i32
    %dma_wait3A_263 = arith.constant 0 : i32
    %dma_wait3A_264 = arith.constant 0 : i32
    %dma_wait3A_265 = arith.constant 0 : i32
    %dma_wait3A_266 = tpu.memref_slice %arg9[%dma_wait3A_262, %dma_wait3A_264, %dma_wait3A_265] : memref<2x1280x64xbf16, #tpu.memory_space<vmem>> -> memref<1x1280x64xbf16, #tpu.memory_space<vmem>>
    %dma_wait3A_267 = tpu.memref_squeeze %dma_wait3A_266 : memref<1x1280x64xbf16, #tpu.memory_space<vmem>> -> memref<1280x64xbf16, #tpu.memory_space<vmem>>
    %dma_wait3A_268 = arith.constant 0 : i32
    %dma_wait3A_269 = arith.constant 0 : i32
    %dma_wait3A_270 = tpu.memref_slice %arg2[%dma_wait3A_268, %dma_wait3A_269] : memref<10000x64xbf16, #tpu.memory_space<hbm>> -> memref<1280x64xbf16, #tpu.memory_space<hbm>>
    %dma_wait3A_271 = tpu.memref_slice %arg11[%dma_wait3A_263] : memref<2x!tpu.dma_semaphore, #tpu.memory_space<semaphore_mem>> -> memref<1x!tpu.dma_semaphore, #tpu.memory_space<semaphore_mem>>
    %dma_wait3A_272 = tpu.memref_squeeze %dma_wait3A_271 : memref<1x!tpu.dma_semaphore, #tpu.memory_space<semaphore_mem>> -> memref<!tpu.dma_semaphore, #tpu.memory_space<semaphore_mem>>
    %dma_wait3A_273 = arith.constant 0 : i32
    %dma_wait3A_274 = arith.constant 0 : i32
    %dma_wait3A_275 = tpu.memref_slice %arg9[%dma_wait3A_262, %dma_wait3A_273, %dma_wait3A_274] : memref<2x1280x64xbf16, #tpu.memory_space<vmem>> -> memref<1x1280x64xbf16, #tpu.memory_space<vmem>>
    %dma_wait3A_276 = tpu.memref_squeeze %dma_wait3A_275 : memref<1x1280x64xbf16, #tpu.memory_space<vmem>> -> memref<1280x64xbf16, #tpu.memory_space<vmem>>
    %dma_wait3A_277 = arith.constant 0 : i32
    %dma_wait3A_278 = arith.constant 0 : i32
    %dma_wait3A_279 = tpu.memref_slice %arg2[%dma_wait3A_277, %dma_wait3A_278] : memref<10000x64xbf16, #tpu.memory_space<hbm>> -> memref<1280x64xbf16, #tpu.memory_space<hbm>>
    tpu.wait_dma2 semaphore(%dma_wait3A_272 : memref<!tpu.dma_semaphore, #tpu.memory_space<semaphore_mem>>) src(%dma_wait3A_279 : memref<1280x64xbf16, #tpu.memory_space<hbm>>) dst(%dma_wait3A_276 : memref<1280x64xbf16, #tpu.memory_space<vmem>>)
    %dma_wait3A_280 = arith.constant 1 : i32
    %dma_wait3A_281 = arith.constant 1 : i32
    %dma_wait3A_282 = arith.constant 0 : i32
    %dma_wait3A_283 = arith.constant 0 : i32
    %dma_wait3A_284 = tpu.memref_slice %arg9[%dma_wait3A_280, %dma_wait3A_282, %dma_wait3A_283] : memref<2x1280x64xbf16, #tpu.memory_space<vmem>> -> memref<1x1280x64xbf16, #tpu.memory_space<vmem>>
    %dma_wait3A_285 = tpu.memref_squeeze %dma_wait3A_284 : memref<1x1280x64xbf16, #tpu.memory_space<vmem>> -> memref<1280x64xbf16, #tpu.memory_space<vmem>>
    %dma_wait3A_286 = arith.constant 0 : i32
    %dma_wait3A_287 = arith.constant 0 : i32
    %dma_wait3A_288 = tpu.memref_slice %arg10[%dma_wait3A_286, %dma_wait3A_287] : memref<10240x64xbf16, #tpu.memory_space<vmem_shared>> -> memref<1280x64xbf16, #tpu.memory_space<vmem_shared>>
    %dma_wait3A_289 = tpu.memref_slice %arg12[%dma_wait3A_281] : memref<2x!tpu.dma_semaphore, #tpu.memory_space<semaphore_mem>> -> memref<1x!tpu.dma_semaphore, #tpu.memory_space<semaphore_mem>>
    %dma_wait3A_290 = tpu.memref_squeeze %dma_wait3A_289 : memref<1x!tpu.dma_semaphore, #tpu.memory_space<semaphore_mem>> -> memref<!tpu.dma_semaphore, #tpu.memory_space<semaphore_mem>>
    %dma_wait3A_291 = arith.constant 0 : i32
    %dma_wait3A_292 = arith.constant 0 : i32
    %dma_wait3A_293 = tpu.memref_slice %arg10[%dma_wait3A_291, %dma_wait3A_292] : memref<10240x64xbf16, #tpu.memory_space<vmem_shared>> -> memref<1280x64xbf16, #tpu.memory_space<vmem_shared>>
    %dma_wait3A_294 = arith.constant 0 : i32
    %dma_wait3A_295 = arith.constant 0 : i32
    %dma_wait3A_296 = tpu.memref_slice %arg9[%dma_wait3A_280, %dma_wait3A_294, %dma_wait3A_295] : memref<2x1280x64xbf16, #tpu.memory_space<vmem>> -> memref<1x1280x64xbf16, #tpu.memory_space<vmem>>
    %dma_wait3A_297 = tpu.memref_squeeze %dma_wait3A_296 : memref<1x1280x64xbf16, #tpu.memory_space<vmem>> -> memref<1280x64xbf16, #tpu.memory_space<vmem>>
    tpu.wait_dma2 semaphore(%dma_wait3A_290 : memref<!tpu.dma_semaphore, #tpu.memory_space<semaphore_mem>>) src(%dma_wait3A_297 : memref<1280x64xbf16, #tpu.memory_space<vmem>>) dst(%dma_wait3A_293 : memref<1280x64xbf16, #tpu.memory_space<vmem_shared>>)
    %dma_start3A_298 = arith.constant 5 : i32
    %dma_start3A_299 = arith.constant 1 : i32
    %dma_start3A_300 = arith.constant 1 : i32
    %dma_start3A_301 = arith.constant 0 : i32
    %dma_start3A_302 = arith.constant 0 : i32
    %dma_start3A_303 = tpu.memref_slice %arg9[%dma_start3A_299, %dma_start3A_301, %dma_start3A_302] : memref<2x1280x64xbf16, #tpu.memory_space<vmem>> -> memref<1x1280x64xbf16, #tpu.memory_space<vmem>>
    %dma_start3A_304 = tpu.memref_squeeze %dma_start3A_303 : memref<1x1280x64xbf16, #tpu.memory_space<vmem>> -> memref<1280x64xbf16, #tpu.memory_space<vmem>>
    %dma_start3A_305 = arith.constant 0 : i32
    %dma_start3A_306 = tpu.memref_slice %arg7[%dma_start3A_298, %dma_start3A_305] : memref<8x1280xi32, #tpu.memory_space<vmem>> -> memref<1x1280xi32, #tpu.memory_space<vmem>>
    %dma_start3A_307 = tpu.memref_squeeze %dma_start3A_306 : memref<1x1280xi32, #tpu.memory_space<vmem>> -> memref<1280xi32, #tpu.memory_space<vmem>>
    %dma_start3A_308 = arith.constant 0 : i32
    %dma_start3A_309 = arith.constant 0 : i32
    %dma_start3A_310 = tpu.memref_slice %arg2[%dma_start3A_308, %dma_start3A_309] : memref<10000x64xbf16, #tpu.memory_space<hbm>> -> memref<10000x64xbf16, #tpu.memory_space<hbm>>
    %dma_start3A_311 = tpu.memref_slice %arg11[%dma_start3A_300] : memref<2x!tpu.dma_semaphore, #tpu.memory_space<semaphore_mem>> -> memref<1x!tpu.dma_semaphore, #tpu.memory_space<semaphore_mem>>
    %dma_start3A_312 = tpu.memref_squeeze %dma_start3A_311 : memref<1x!tpu.dma_semaphore, #tpu.memory_space<semaphore_mem>> -> memref<!tpu.dma_semaphore, #tpu.memory_space<semaphore_mem>>
    tpu.enqueue_indirect_dma source(%dma_start3A_310 : memref<10000x64xbf16, #tpu.memory_space<hbm>>) target(%dma_start3A_304 : memref<1280x64xbf16, #tpu.memory_space<vmem>>) offsets(%dma_start3A_307 : memref<1280xi32, #tpu.memory_space<vmem>>) semaphore(%dma_start3A_312 : memref<!tpu.dma_semaphore, #tpu.memory_space<semaphore_mem>>)
    %dma_start3A_313 = arith.constant 0 : i32
    %dma_start3A_314 = arith.constant 4 : i32
    %dma_start3A_315 = arith.constant 0 : i32
    %dma_start3A_316 = arith.constant 0 : i32
    %dma_start3A_317 = arith.constant 0 : i32
    %dma_start3A_318 = tpu.memref_slice %arg9[%dma_start3A_313, %dma_start3A_316, %dma_start3A_317] : memref<2x1280x64xbf16, #tpu.memory_space<vmem>> -> memref<1x1280x64xbf16, #tpu.memory_space<vmem>>
    %dma_start3A_319 = tpu.memref_squeeze %dma_start3A_318 : memref<1x1280x64xbf16, #tpu.memory_space<vmem>> -> memref<1280x64xbf16, #tpu.memory_space<vmem>>
    %dma_start3A_320 = arith.constant 0 : i32
    %dma_start3A_321 = tpu.memref_slice %arg8[%dma_start3A_314, %dma_start3A_320] : memref<8x1280xi32, #tpu.memory_space<vmem>> -> memref<1x1280xi32, #tpu.memory_space<vmem>>
    %dma_start3A_322 = tpu.memref_squeeze %dma_start3A_321 : memref<1x1280xi32, #tpu.memory_space<vmem>> -> memref<1280xi32, #tpu.memory_space<vmem>>
    %dma_start3A_323 = arith.constant 0 : i32
    %dma_start3A_324 = arith.constant 0 : i32
    %dma_start3A_325 = tpu.memref_slice %arg10[%dma_start3A_323, %dma_start3A_324] : memref<10240x64xbf16, #tpu.memory_space<vmem_shared>> -> memref<10240x64xbf16, #tpu.memory_space<vmem_shared>>
    %dma_start3A_326 = tpu.memref_slice %arg12[%dma_start3A_315] : memref<2x!tpu.dma_semaphore, #tpu.memory_space<semaphore_mem>> -> memref<1x!tpu.dma_semaphore, #tpu.memory_space<semaphore_mem>>
    %dma_start3A_327 = tpu.memref_squeeze %dma_start3A_326 : memref<1x!tpu.dma_semaphore, #tpu.memory_space<semaphore_mem>> -> memref<!tpu.dma_semaphore, #tpu.memory_space<semaphore_mem>>
    tpu.enqueue_indirect_dma source(%dma_start3A_319 : memref<1280x64xbf16, #tpu.memory_space<vmem>>) target(%dma_start3A_325 : memref<10240x64xbf16, #tpu.memory_space<vmem_shared>>) offsets(%dma_start3A_322 : memref<1280xi32, #tpu.memory_space<vmem>>) semaphore(%dma_start3A_327 : memref<!tpu.dma_semaphore, #tpu.memory_space<semaphore_mem>>) {add = true}
    %dma_wait3A_328 = arith.constant 1 : i32
    %dma_wait3A_329 = arith.constant 1 : i32
    %dma_wait3A_330 = arith.constant 0 : i32
    %dma_wait3A_331 = arith.constant 0 : i32
    %dma_wait3A_332 = tpu.memref_slice %arg9[%dma_wait3A_328, %dma_wait3A_330, %dma_wait3A_331] : memref<2x1280x64xbf16, #tpu.memory_space<vmem>> -> memref<1x1280x64xbf16, #tpu.memory_space<vmem>>
    %dma_wait3A_333 = tpu.memref_squeeze %dma_wait3A_332 : memref<1x1280x64xbf16, #tpu.memory_space<vmem>> -> memref<1280x64xbf16, #tpu.memory_space<vmem>>
    %dma_wait3A_334 = arith.constant 0 : i32
    %dma_wait3A_335 = arith.constant 0 : i32
    %dma_wait3A_336 = tpu.memref_slice %arg2[%dma_wait3A_334, %dma_wait3A_335] : memref<10000x64xbf16, #tpu.memory_space<hbm>> -> memref<1280x64xbf16, #tpu.memory_space<hbm>>
    %dma_wait3A_337 = tpu.memref_slice %arg11[%dma_wait3A_329] : memref<2x!tpu.dma_semaphore, #tpu.memory_space<semaphore_mem>> -> memref<1x!tpu.dma_semaphore, #tpu.memory_space<semaphore_mem>>
    %dma_wait3A_338 = tpu.memref_squeeze %dma_wait3A_337 : memref<1x!tpu.dma_semaphore, #tpu.memory_space<semaphore_mem>> -> memref<!tpu.dma_semaphore, #tpu.memory_space<semaphore_mem>>
    %dma_wait3A_339 = arith.constant 0 : i32
    %dma_wait3A_340 = arith.constant 0 : i32
    %dma_wait3A_341 = tpu.memref_slice %arg9[%dma_wait3A_328, %dma_wait3A_339, %dma_wait3A_340] : memref<2x1280x64xbf16, #tpu.memory_space<vmem>> -> memref<1x1280x64xbf16, #tpu.memory_space<vmem>>
    %dma_wait3A_342 = tpu.memref_squeeze %dma_wait3A_341 : memref<1x1280x64xbf16, #tpu.memory_space<vmem>> -> memref<1280x64xbf16, #tpu.memory_space<vmem>>
    %dma_wait3A_343 = arith.constant 0 : i32
    %dma_wait3A_344 = arith.constant 0 : i32
    %dma_wait3A_345 = tpu.memref_slice %arg2[%dma_wait3A_343, %dma_wait3A_344] : memref<10000x64xbf16, #tpu.memory_space<hbm>> -> memref<1280x64xbf16, #tpu.memory_space<hbm>>
    tpu.wait_dma2 semaphore(%dma_wait3A_338 : memref<!tpu.dma_semaphore, #tpu.memory_space<semaphore_mem>>) src(%dma_wait3A_345 : memref<1280x64xbf16, #tpu.memory_space<hbm>>) dst(%dma_wait3A_342 : memref<1280x64xbf16, #tpu.memory_space<vmem>>)
    %dma_wait3A_346 = arith.constant 0 : i32
    %dma_wait3A_347 = arith.constant 0 : i32
    %dma_wait3A_348 = arith.constant 0 : i32
    %dma_wait3A_349 = arith.constant 0 : i32
    %dma_wait3A_350 = tpu.memref_slice %arg9[%dma_wait3A_346, %dma_wait3A_348, %dma_wait3A_349] : memref<2x1280x64xbf16, #tpu.memory_space<vmem>> -> memref<1x1280x64xbf16, #tpu.memory_space<vmem>>
    %dma_wait3A_351 = tpu.memref_squeeze %dma_wait3A_350 : memref<1x1280x64xbf16, #tpu.memory_space<vmem>> -> memref<1280x64xbf16, #tpu.memory_space<vmem>>
    %dma_wait3A_352 = arith.constant 0 : i32
    %dma_wait3A_353 = arith.constant 0 : i32
    %dma_wait3A_354 = tpu.memref_slice %arg10[%dma_wait3A_352, %dma_wait3A_353] : memref<10240x64xbf16, #tpu.memory_space<vmem_shared>> -> memref<1280x64xbf16, #tpu.memory_space<vmem_shared>>
    %dma_wait3A_355 = tpu.memref_slice %arg12[%dma_wait3A_347] : memref<2x!tpu.dma_semaphore, #tpu.memory_space<semaphore_mem>> -> memref<1x!tpu.dma_semaphore, #tpu.memory_space<semaphore_mem>>
    %dma_wait3A_356 = tpu.memref_squeeze %dma_wait3A_355 : memref<1x!tpu.dma_semaphore, #tpu.memory_space<semaphore_mem>> -> memref<!tpu.dma_semaphore, #tpu.memory_space<semaphore_mem>>
    %dma_wait3A_357 = arith.constant 0 : i32
    %dma_wait3A_358 = arith.constant 0 : i32
    %dma_wait3A_359 = tpu.memref_slice %arg10[%dma_wait3A_357, %dma_wait3A_358] : memref<10240x64xbf16, #tpu.memory_space<vmem_shared>> -> memref<1280x64xbf16, #tpu.memory_space<vmem_shared>>
    %dma_wait3A_360 = arith.constant 0 : i32
    %dma_wait3A_361 = arith.constant 0 : i32
    %dma_wait3A_362 = tpu.memref_slice %arg9[%dma_wait3A_346, %dma_wait3A_360, %dma_wait3A_361] : memref<2x1280x64xbf16, #tpu.memory_space<vmem>> -> memref<1x1280x64xbf16, #tpu.memory_space<vmem>>
    %dma_wait3A_363 = tpu.memref_squeeze %dma_wait3A_362 : memref<1x1280x64xbf16, #tpu.memory_space<vmem>> -> memref<1280x64xbf16, #tpu.memory_space<vmem>>
    tpu.wait_dma2 semaphore(%dma_wait3A_356 : memref<!tpu.dma_semaphore, #tpu.memory_space<semaphore_mem>>) src(%dma_wait3A_363 : memref<1280x64xbf16, #tpu.memory_space<vmem>>) dst(%dma_wait3A_359 : memref<1280x64xbf16, #tpu.memory_space<vmem_shared>>)
    %dma_start3A_364 = arith.constant 6 : i32
    %dma_start3A_365 = arith.constant 0 : i32
    %dma_start3A_366 = arith.constant 0 : i32
    %dma_start3A_367 = arith.constant 0 : i32
    %dma_start3A_368 = arith.constant 0 : i32
    %dma_start3A_369 = tpu.memref_slice %arg9[%dma_start3A_365, %dma_start3A_367, %dma_start3A_368] : memref<2x1280x64xbf16, #tpu.memory_space<vmem>> -> memref<1x1280x64xbf16, #tpu.memory_space<vmem>>
    %dma_start3A_370 = tpu.memref_squeeze %dma_start3A_369 : memref<1x1280x64xbf16, #tpu.memory_space<vmem>> -> memref<1280x64xbf16, #tpu.memory_space<vmem>>
    %dma_start3A_371 = arith.constant 0 : i32
    %dma_start3A_372 = tpu.memref_slice %arg7[%dma_start3A_364, %dma_start3A_371] : memref<8x1280xi32, #tpu.memory_space<vmem>> -> memref<1x1280xi32, #tpu.memory_space<vmem>>
    %dma_start3A_373 = tpu.memref_squeeze %dma_start3A_372 : memref<1x1280xi32, #tpu.memory_space<vmem>> -> memref<1280xi32, #tpu.memory_space<vmem>>
    %dma_start3A_374 = arith.constant 0 : i32
    %dma_start3A_375 = arith.constant 0 : i32
    %dma_start3A_376 = tpu.memref_slice %arg2[%dma_start3A_374, %dma_start3A_375] : memref<10000x64xbf16, #tpu.memory_space<hbm>> -> memref<10000x64xbf16, #tpu.memory_space<hbm>>
    %dma_start3A_377 = tpu.memref_slice %arg11[%dma_start3A_366] : memref<2x!tpu.dma_semaphore, #tpu.memory_space<semaphore_mem>> -> memref<1x!tpu.dma_semaphore, #tpu.memory_space<semaphore_mem>>
    %dma_start3A_378 = tpu.memref_squeeze %dma_start3A_377 : memref<1x!tpu.dma_semaphore, #tpu.memory_space<semaphore_mem>> -> memref<!tpu.dma_semaphore, #tpu.memory_space<semaphore_mem>>
    tpu.enqueue_indirect_dma source(%dma_start3A_376 : memref<10000x64xbf16, #tpu.memory_space<hbm>>) target(%dma_start3A_370 : memref<1280x64xbf16, #tpu.memory_space<vmem>>) offsets(%dma_start3A_373 : memref<1280xi32, #tpu.memory_space<vmem>>) semaphore(%dma_start3A_378 : memref<!tpu.dma_semaphore, #tpu.memory_space<semaphore_mem>>)
    %dma_start3A_379 = arith.constant 1 : i32
    %dma_start3A_380 = arith.constant 5 : i32
    %dma_start3A_381 = arith.constant 1 : i32
    %dma_start3A_382 = arith.constant 0 : i32
    %dma_start3A_383 = arith.constant 0 : i32
    %dma_start3A_384 = tpu.memref_slice %arg9[%dma_start3A_379, %dma_start3A_382, %dma_start3A_383] : memref<2x1280x64xbf16, #tpu.memory_space<vmem>> -> memref<1x1280x64xbf16, #tpu.memory_space<vmem>>
    %dma_start3A_385 = tpu.memref_squeeze %dma_start3A_384 : memref<1x1280x64xbf16, #tpu.memory_space<vmem>> -> memref<1280x64xbf16, #tpu.memory_space<vmem>>
    %dma_start3A_386 = arith.constant 0 : i32
    %dma_start3A_387 = tpu.memref_slice %arg8[%dma_start3A_380, %dma_start3A_386] : memref<8x1280xi32, #tpu.memory_space<vmem>> -> memref<1x1280xi32, #tpu.memory_space<vmem>>
    %dma_start3A_388 = tpu.memref_squeeze %dma_start3A_387 : memref<1x1280xi32, #tpu.memory_space<vmem>> -> memref<1280xi32, #tpu.memory_space<vmem>>
    %dma_start3A_389 = arith.constant 0 : i32
    %dma_start3A_390 = arith.constant 0 : i32
    %dma_start3A_391 = tpu.memref_slice %arg10[%dma_start3A_389, %dma_start3A_390] : memref<10240x64xbf16, #tpu.memory_space<vmem_shared>> -> memref<10240x64xbf16, #tpu.memory_space<vmem_shared>>
    %dma_start3A_392 = tpu.memref_slice %arg12[%dma_start3A_381] : memref<2x!tpu.dma_semaphore, #tpu.memory_space<semaphore_mem>> -> memref<1x!tpu.dma_semaphore, #tpu.memory_space<semaphore_mem>>
    %dma_start3A_393 = tpu.memref_squeeze %dma_start3A_392 : memref<1x!tpu.dma_semaphore, #tpu.memory_space<semaphore_mem>> -> memref<!tpu.dma_semaphore, #tpu.memory_space<semaphore_mem>>
    tpu.enqueue_indirect_dma source(%dma_start3A_385 : memref<1280x64xbf16, #tpu.memory_space<vmem>>) target(%dma_start3A_391 : memref<10240x64xbf16, #tpu.memory_space<vmem_shared>>) offsets(%dma_start3A_388 : memref<1280xi32, #tpu.memory_space<vmem>>) semaphore(%dma_start3A_393 : memref<!tpu.dma_semaphore, #tpu.memory_space<semaphore_mem>>) {add = true}
    %dma_wait3A_394 = arith.constant 0 : i32
    %dma_wait3A_395 = arith.constant 0 : i32
    %dma_wait3A_396 = arith.constant 0 : i32
    %dma_wait3A_397 = arith.constant 0 : i32
    %dma_wait3A_398 = tpu.memref_slice %arg9[%dma_wait3A_394, %dma_wait3A_396, %dma_wait3A_397] : memref<2x1280x64xbf16, #tpu.memory_space<vmem>> -> memref<1x1280x64xbf16, #tpu.memory_space<vmem>>
    %dma_wait3A_399 = tpu.memref_squeeze %dma_wait3A_398 : memref<1x1280x64xbf16, #tpu.memory_space<vmem>> -> memref<1280x64xbf16, #tpu.memory_space<vmem>>
    %dma_wait3A_400 = arith.constant 0 : i32
    %dma_wait3A_401 = arith.constant 0 : i32
    %dma_wait3A_402 = tpu.memref_slice %arg2[%dma_wait3A_400, %dma_wait3A_401] : memref<10000x64xbf16, #tpu.memory_space<hbm>> -> memref<1280x64xbf16, #tpu.memory_space<hbm>>
    %dma_wait3A_403 = tpu.memref_slice %arg11[%dma_wait3A_395] : memref<2x!tpu.dma_semaphore, #tpu.memory_space<semaphore_mem>> -> memref<1x!tpu.dma_semaphore, #tpu.memory_space<semaphore_mem>>
    %dma_wait3A_404 = tpu.memref_squeeze %dma_wait3A_403 : memref<1x!tpu.dma_semaphore, #tpu.memory_space<semaphore_mem>> -> memref<!tpu.dma_semaphore, #tpu.memory_space<semaphore_mem>>
    %dma_wait3A_405 = arith.constant 0 : i32
    %dma_wait3A_406 = arith.constant 0 : i32
    %dma_wait3A_407 = tpu.memref_slice %arg9[%dma_wait3A_394, %dma_wait3A_405, %dma_wait3A_406] : memref<2x1280x64xbf16, #tpu.memory_space<vmem>> -> memref<1x1280x64xbf16, #tpu.memory_space<vmem>>
    %dma_wait3A_408 = tpu.memref_squeeze %dma_wait3A_407 : memref<1x1280x64xbf16, #tpu.memory_space<vmem>> -> memref<1280x64xbf16, #tpu.memory_space<vmem>>
    %dma_wait3A_409 = arith.constant 0 : i32
    %dma_wait3A_410 = arith.constant 0 : i32
    %dma_wait3A_411 = tpu.memref_slice %arg2[%dma_wait3A_409, %dma_wait3A_410] : memref<10000x64xbf16, #tpu.memory_space<hbm>> -> memref<1280x64xbf16, #tpu.memory_space<hbm>>
    tpu.wait_dma2 semaphore(%dma_wait3A_404 : memref<!tpu.dma_semaphore, #tpu.memory_space<semaphore_mem>>) src(%dma_wait3A_411 : memref<1280x64xbf16, #tpu.memory_space<hbm>>) dst(%dma_wait3A_408 : memref<1280x64xbf16, #tpu.memory_space<vmem>>)
    %dma_wait3A_412 = arith.constant 1 : i32
    %dma_wait3A_413 = arith.constant 1 : i32
    %dma_wait3A_414 = arith.constant 0 : i32
    %dma_wait3A_415 = arith.constant 0 : i32
    %dma_wait3A_416 = tpu.memref_slice %arg9[%dma_wait3A_412, %dma_wait3A_414, %dma_wait3A_415] : memref<2x1280x64xbf16, #tpu.memory_space<vmem>> -> memref<1x1280x64xbf16, #tpu.memory_space<vmem>>
    %dma_wait3A_417 = tpu.memref_squeeze %dma_wait3A_416 : memref<1x1280x64xbf16, #tpu.memory_space<vmem>> -> memref<1280x64xbf16, #tpu.memory_space<vmem>>
    %dma_wait3A_418 = arith.constant 0 : i32
    %dma_wait3A_419 = arith.constant 0 : i32
    %dma_wait3A_420 = tpu.memref_slice %arg10[%dma_wait3A_418, %dma_wait3A_419] : memref<10240x64xbf16, #tpu.memory_space<vmem_shared>> -> memref<1280x64xbf16, #tpu.memory_space<vmem_shared>>
    %dma_wait3A_421 = tpu.memref_slice %arg12[%dma_wait3A_413] : memref<2x!tpu.dma_semaphore, #tpu.memory_space<semaphore_mem>> -> memref<1x!tpu.dma_semaphore, #tpu.memory_space<semaphore_mem>>
    %dma_wait3A_422 = tpu.memref_squeeze %dma_wait3A_421 : memref<1x!tpu.dma_semaphore, #tpu.memory_space<semaphore_mem>> -> memref<!tpu.dma_semaphore, #tpu.memory_space<semaphore_mem>>
    %dma_wait3A_423 = arith.constant 0 : i32
    %dma_wait3A_424 = arith.constant 0 : i32
    %dma_wait3A_425 = tpu.memref_slice %arg10[%dma_wait3A_423, %dma_wait3A_424] : memref<10240x64xbf16, #tpu.memory_space<vmem_shared>> -> memref<1280x64xbf16, #tpu.memory_space<vmem_shared>>
    %dma_wait3A_426 = arith.constant 0 : i32
    %dma_wait3A_427 = arith.constant 0 : i32
    %dma_wait3A_428 = tpu.memref_slice %arg9[%dma_wait3A_412, %dma_wait3A_426, %dma_wait3A_427] : memref<2x1280x64xbf16, #tpu.memory_space<vmem>> -> memref<1x1280x64xbf16, #tpu.memory_space<vmem>>
    %dma_wait3A_429 = tpu.memref_squeeze %dma_wait3A_428 : memref<1x1280x64xbf16, #tpu.memory_space<vmem>> -> memref<1280x64xbf16, #tpu.memory_space<vmem>>
    tpu.wait_dma2 semaphore(%dma_wait3A_422 : memref<!tpu.dma_semaphore, #tpu.memory_space<semaphore_mem>>) src(%dma_wait3A_429 : memref<1280x64xbf16, #tpu.memory_space<vmem>>) dst(%dma_wait3A_425 : memref<1280x64xbf16, #tpu.memory_space<vmem_shared>>)
    %dma_start3A_430 = arith.constant 7 : i32
    %dma_start3A_431 = arith.constant 1 : i32
    %dma_start3A_432 = arith.constant 1 : i32
    %dma_start3A_433 = arith.constant 0 : i32
    %dma_start3A_434 = arith.constant 0 : i32
    %dma_start3A_435 = tpu.memref_slice %arg9[%dma_start3A_431, %dma_start3A_433, %dma_start3A_434] : memref<2x1280x64xbf16, #tpu.memory_space<vmem>> -> memref<1x1280x64xbf16, #tpu.memory_space<vmem>>
    %dma_start3A_436 = tpu.memref_squeeze %dma_start3A_435 : memref<1x1280x64xbf16, #tpu.memory_space<vmem>> -> memref<1280x64xbf16, #tpu.memory_space<vmem>>
    %dma_start3A_437 = arith.constant 0 : i32
    %dma_start3A_438 = tpu.memref_slice %arg7[%dma_start3A_430, %dma_start3A_437] : memref<8x1280xi32, #tpu.memory_space<vmem>> -> memref<1x1280xi32, #tpu.memory_space<vmem>>
    %dma_start3A_439 = tpu.memref_squeeze %dma_start3A_438 : memref<1x1280xi32, #tpu.memory_space<vmem>> -> memref<1280xi32, #tpu.memory_space<vmem>>
    %dma_start3A_440 = arith.constant 0 : i32
    %dma_start3A_441 = arith.constant 0 : i32
    %dma_start3A_442 = tpu.memref_slice %arg2[%dma_start3A_440, %dma_start3A_441] : memref<10000x64xbf16, #tpu.memory_space<hbm>> -> memref<10000x64xbf16, #tpu.memory_space<hbm>>
    %dma_start3A_443 = tpu.memref_slice %arg11[%dma_start3A_432] : memref<2x!tpu.dma_semaphore, #tpu.memory_space<semaphore_mem>> -> memref<1x!tpu.dma_semaphore, #tpu.memory_space<semaphore_mem>>
    %dma_start3A_444 = tpu.memref_squeeze %dma_start3A_443 : memref<1x!tpu.dma_semaphore, #tpu.memory_space<semaphore_mem>> -> memref<!tpu.dma_semaphore, #tpu.memory_space<semaphore_mem>>
    tpu.enqueue_indirect_dma source(%dma_start3A_442 : memref<10000x64xbf16, #tpu.memory_space<hbm>>) target(%dma_start3A_436 : memref<1280x64xbf16, #tpu.memory_space<vmem>>) offsets(%dma_start3A_439 : memref<1280xi32, #tpu.memory_space<vmem>>) semaphore(%dma_start3A_444 : memref<!tpu.dma_semaphore, #tpu.memory_space<semaphore_mem>>)
    %dma_start3A_445 = arith.constant 0 : i32
    %dma_start3A_446 = arith.constant 6 : i32
    %dma_start3A_447 = arith.constant 0 : i32
    %dma_start3A_448 = arith.constant 0 : i32
    %dma_start3A_449 = arith.constant 0 : i32
    %dma_start3A_450 = tpu.memref_slice %arg9[%dma_start3A_445, %dma_start3A_448, %dma_start3A_449] : memref<2x1280x64xbf16, #tpu.memory_space<vmem>> -> memref<1x1280x64xbf16, #tpu.memory_space<vmem>>
    %dma_start3A_451 = tpu.memref_squeeze %dma_start3A_450 : memref<1x1280x64xbf16, #tpu.memory_space<vmem>> -> memref<1280x64xbf16, #tpu.memory_space<vmem>>
    %dma_start3A_452 = arith.constant 0 : i32
    %dma_start3A_453 = tpu.memref_slice %arg8[%dma_start3A_446, %dma_start3A_452] : memref<8x1280xi32, #tpu.memory_space<vmem>> -> memref<1x1280xi32, #tpu.memory_space<vmem>>
    %dma_start3A_454 = tpu.memref_squeeze %dma_start3A_453 : memref<1x1280xi32, #tpu.memory_space<vmem>> -> memref<1280xi32, #tpu.memory_space<vmem>>
    %dma_start3A_455 = arith.constant 0 : i32
    %dma_start3A_456 = arith.constant 0 : i32
    %dma_start3A_457 = tpu.memref_slice %arg10[%dma_start3A_455, %dma_start3A_456] : memref<10240x64xbf16, #tpu.memory_space<vmem_shared>> -> memref<10240x64xbf16, #tpu.memory_space<vmem_shared>>
    %dma_start3A_458 = tpu.memref_slice %arg12[%dma_start3A_447] : memref<2x!tpu.dma_semaphore, #tpu.memory_space<semaphore_mem>> -> memref<1x!tpu.dma_semaphore, #tpu.memory_space<semaphore_mem>>
    %dma_start3A_459 = tpu.memref_squeeze %dma_start3A_458 : memref<1x!tpu.dma_semaphore, #tpu.memory_space<semaphore_mem>> -> memref<!tpu.dma_semaphore, #tpu.memory_space<semaphore_mem>>
    tpu.enqueue_indirect_dma source(%dma_start3A_451 : memref<1280x64xbf16, #tpu.memory_space<vmem>>) target(%dma_start3A_457 : memref<10240x64xbf16, #tpu.memory_space<vmem_shared>>) offsets(%dma_start3A_454 : memref<1280xi32, #tpu.memory_space<vmem>>) semaphore(%dma_start3A_459 : memref<!tpu.dma_semaphore, #tpu.memory_space<semaphore_mem>>) {add = true}
    %dma_wait3A_460 = arith.constant 1 : i32
    %dma_wait3A_461 = arith.constant 1 : i32
    %dma_wait3A_462 = arith.constant 0 : i32
    %dma_wait3A_463 = arith.constant 0 : i32
    %dma_wait3A_464 = tpu.memref_slice %arg9[%dma_wait3A_460, %dma_wait3A_462, %dma_wait3A_463] : memref<2x1280x64xbf16, #tpu.memory_space<vmem>> -> memref<1x1280x64xbf16, #tpu.memory_space<vmem>>
    %dma_wait3A_465 = tpu.memref_squeeze %dma_wait3A_464 : memref<1x1280x64xbf16, #tpu.memory_space<vmem>> -> memref<1280x64xbf16, #tpu.memory_space<vmem>>
    %dma_wait3A_466 = arith.constant 0 : i32
    %dma_wait3A_467 = arith.constant 0 : i32
    %dma_wait3A_468 = tpu.memref_slice %arg2[%dma_wait3A_466, %dma_wait3A_467] : memref<10000x64xbf16, #tpu.memory_space<hbm>> -> memref<1280x64xbf16, #tpu.memory_space<hbm>>
    %dma_wait3A_469 = tpu.memref_slice %arg11[%dma_wait3A_461] : memref<2x!tpu.dma_semaphore, #tpu.memory_space<semaphore_mem>> -> memref<1x!tpu.dma_semaphore, #tpu.memory_space<semaphore_mem>>
    %dma_wait3A_470 = tpu.memref_squeeze %dma_wait3A_469 : memref<1x!tpu.dma_semaphore, #tpu.memory_space<semaphore_mem>> -> memref<!tpu.dma_semaphore, #tpu.memory_space<semaphore_mem>>
    %dma_wait3A_471 = arith.constant 0 : i32
    %dma_wait3A_472 = arith.constant 0 : i32
    %dma_wait3A_473 = tpu.memref_slice %arg9[%dma_wait3A_460, %dma_wait3A_471, %dma_wait3A_472] : memref<2x1280x64xbf16, #tpu.memory_space<vmem>> -> memref<1x1280x64xbf16, #tpu.memory_space<vmem>>
    %dma_wait3A_474 = tpu.memref_squeeze %dma_wait3A_473 : memref<1x1280x64xbf16, #tpu.memory_space<vmem>> -> memref<1280x64xbf16, #tpu.memory_space<vmem>>
    %dma_wait3A_475 = arith.constant 0 : i32
    %dma_wait3A_476 = arith.constant 0 : i32
    %dma_wait3A_477 = tpu.memref_slice %arg2[%dma_wait3A_475, %dma_wait3A_476] : memref<10000x64xbf16, #tpu.memory_space<hbm>> -> memref<1280x64xbf16, #tpu.memory_space<hbm>>
    tpu.wait_dma2 semaphore(%dma_wait3A_470 : memref<!tpu.dma_semaphore, #tpu.memory_space<semaphore_mem>>) src(%dma_wait3A_477 : memref<1280x64xbf16, #tpu.memory_space<hbm>>) dst(%dma_wait3A_474 : memref<1280x64xbf16, #tpu.memory_space<vmem>>)
    %dma_start3A_478 = arith.constant 1 : i32
    %dma_start3A_479 = arith.constant 7 : i32
    %dma_start3A_480 = arith.constant 1 : i32
    %dma_start3A_481 = arith.constant 0 : i32
    %dma_start3A_482 = arith.constant 0 : i32
    %dma_start3A_483 = tpu.memref_slice %arg9[%dma_start3A_478, %dma_start3A_481, %dma_start3A_482] : memref<2x1280x64xbf16, #tpu.memory_space<vmem>> -> memref<1x1280x64xbf16, #tpu.memory_space<vmem>>
    %dma_start3A_484 = tpu.memref_squeeze %dma_start3A_483 : memref<1x1280x64xbf16, #tpu.memory_space<vmem>> -> memref<1280x64xbf16, #tpu.memory_space<vmem>>
    %dma_start3A_485 = arith.constant 0 : i32
    %dma_start3A_486 = tpu.memref_slice %arg8[%dma_start3A_479, %dma_start3A_485] : memref<8x1280xi32, #tpu.memory_space<vmem>> -> memref<1x1280xi32, #tpu.memory_space<vmem>>
    %dma_start3A_487 = tpu.memref_squeeze %dma_start3A_486 : memref<1x1280xi32, #tpu.memory_space<vmem>> -> memref<1280xi32, #tpu.memory_space<vmem>>
    %dma_start3A_488 = arith.constant 0 : i32
    %dma_start3A_489 = arith.constant 0 : i32
    %dma_start3A_490 = tpu.memref_slice %arg10[%dma_start3A_488, %dma_start3A_489] : memref<10240x64xbf16, #tpu.memory_space<vmem_shared>> -> memref<10240x64xbf16, #tpu.memory_space<vmem_shared>>
    %dma_start3A_491 = tpu.memref_slice %arg12[%dma_start3A_480] : memref<2x!tpu.dma_semaphore, #tpu.memory_space<semaphore_mem>> -> memref<1x!tpu.dma_semaphore, #tpu.memory_space<semaphore_mem>>
    %dma_start3A_492 = tpu.memref_squeeze %dma_start3A_491 : memref<1x!tpu.dma_semaphore, #tpu.memory_space<semaphore_mem>> -> memref<!tpu.dma_semaphore, #tpu.memory_space<semaphore_mem>>
    tpu.enqueue_indirect_dma source(%dma_start3A_484 : memref<1280x64xbf16, #tpu.memory_space<vmem>>) target(%dma_start3A_490 : memref<10240x64xbf16, #tpu.memory_space<vmem_shared>>) offsets(%dma_start3A_487 : memref<1280xi32, #tpu.memory_space<vmem>>) semaphore(%dma_start3A_492 : memref<!tpu.dma_semaphore, #tpu.memory_space<semaphore_mem>>) {add = true}
    %dma_wait3A_493 = arith.constant 0 : i32
    %dma_wait3A_494 = arith.constant 0 : i32
    %dma_wait3A_495 = arith.constant 0 : i32
    %dma_wait3A_496 = arith.constant 0 : i32
    %dma_wait3A_497 = tpu.memref_slice %arg9[%dma_wait3A_493, %dma_wait3A_495, %dma_wait3A_496] : memref<2x1280x64xbf16, #tpu.memory_space<vmem>> -> memref<1x1280x64xbf16, #tpu.memory_space<vmem>>
    %dma_wait3A_498 = tpu.memref_squeeze %dma_wait3A_497 : memref<1x1280x64xbf16, #tpu.memory_space<vmem>> -> memref<1280x64xbf16, #tpu.memory_space<vmem>>
    %dma_wait3A_499 = arith.constant 0 : i32
    %dma_wait3A_500 = arith.constant 0 : i32
    %dma_wait3A_501 = tpu.memref_slice %arg10[%dma_wait3A_499, %dma_wait3A_500] : memref<10240x64xbf16, #tpu.memory_space<vmem_shared>> -> memref<1280x64xbf16, #tpu.memory_space<vmem_shared>>
    %dma_wait3A_502 = tpu.memref_slice %arg12[%dma_wait3A_494] : memref<2x!tpu.dma_semaphore, #tpu.memory_space<semaphore_mem>> -> memref<1x!tpu.dma_semaphore, #tpu.memory_space<semaphore_mem>>
    %dma_wait3A_503 = tpu.memref_squeeze %dma_wait3A_502 : memref<1x!tpu.dma_semaphore, #tpu.memory_space<semaphore_mem>> -> memref<!tpu.dma_semaphore, #tpu.memory_space<semaphore_mem>>
    %dma_wait3A_504 = arith.constant 0 : i32
    %dma_wait3A_505 = arith.constant 0 : i32
    %dma_wait3A_506 = tpu.memref_slice %arg10[%dma_wait3A_504, %dma_wait3A_505] : memref<10240x64xbf16, #tpu.memory_space<vmem_shared>> -> memref<1280x64xbf16, #tpu.memory_space<vmem_shared>>
    %dma_wait3A_507 = arith.constant 0 : i32
    %dma_wait3A_508 = arith.constant 0 : i32
    %dma_wait3A_509 = tpu.memref_slice %arg9[%dma_wait3A_493, %dma_wait3A_507, %dma_wait3A_508] : memref<2x1280x64xbf16, #tpu.memory_space<vmem>> -> memref<1x1280x64xbf16, #tpu.memory_space<vmem>>
    %dma_wait3A_510 = tpu.memref_squeeze %dma_wait3A_509 : memref<1x1280x64xbf16, #tpu.memory_space<vmem>> -> memref<1280x64xbf16, #tpu.memory_space<vmem>>
    tpu.wait_dma2 semaphore(%dma_wait3A_503 : memref<!tpu.dma_semaphore, #tpu.memory_space<semaphore_mem>>) src(%dma_wait3A_510 : memref<1280x64xbf16, #tpu.memory_space<vmem>>) dst(%dma_wait3A_506 : memref<1280x64xbf16, #tpu.memory_space<vmem_shared>>)
    %dma_wait3A_511 = arith.constant 1 : i32
    %dma_wait3A_512 = arith.constant 1 : i32
    %dma_wait3A_513 = arith.constant 0 : i32
    %dma_wait3A_514 = arith.constant 0 : i32
    %dma_wait3A_515 = tpu.memref_slice %arg9[%dma_wait3A_511, %dma_wait3A_513, %dma_wait3A_514] : memref<2x1280x64xbf16, #tpu.memory_space<vmem>> -> memref<1x1280x64xbf16, #tpu.memory_space<vmem>>
    %dma_wait3A_516 = tpu.memref_squeeze %dma_wait3A_515 : memref<1x1280x64xbf16, #tpu.memory_space<vmem>> -> memref<1280x64xbf16, #tpu.memory_space<vmem>>
    %dma_wait3A_517 = arith.constant 0 : i32
    %dma_wait3A_518 = arith.constant 0 : i32
    %dma_wait3A_519 = tpu.memref_slice %arg10[%dma_wait3A_517, %dma_wait3A_518] : memref<10240x64xbf16, #tpu.memory_space<vmem_shared>> -> memref<1280x64xbf16, #tpu.memory_space<vmem_shared>>
    %dma_wait3A_520 = tpu.memref_slice %arg12[%dma_wait3A_512] : memref<2x!tpu.dma_semaphore, #tpu.memory_space<semaphore_mem>> -> memref<1x!tpu.dma_semaphore, #tpu.memory_space<semaphore_mem>>
    %dma_wait3A_521 = tpu.memref_squeeze %dma_wait3A_520 : memref<1x!tpu.dma_semaphore, #tpu.memory_space<semaphore_mem>> -> memref<!tpu.dma_semaphore, #tpu.memory_space<semaphore_mem>>
    %dma_wait3A_522 = arith.constant 0 : i32
    %dma_wait3A_523 = arith.constant 0 : i32
    %dma_wait3A_524 = tpu.memref_slice %arg10[%dma_wait3A_522, %dma_wait3A_523] : memref<10240x64xbf16, #tpu.memory_space<vmem_shared>> -> memref<1280x64xbf16, #tpu.memory_space<vmem_shared>>
    %dma_wait3A_525 = arith.constant 0 : i32
    %dma_wait3A_526 = arith.constant 0 : i32
    %dma_wait3A_527 = tpu.memref_slice %arg9[%dma_wait3A_511, %dma_wait3A_525, %dma_wait3A_526] : memref<2x1280x64xbf16, #tpu.memory_space<vmem>> -> memref<1x1280x64xbf16, #tpu.memory_space<vmem>>
    %dma_wait3A_528 = tpu.memref_squeeze %dma_wait3A_527 : memref<1x1280x64xbf16, #tpu.memory_space<vmem>> -> memref<1280x64xbf16, #tpu.memory_space<vmem>>
    tpu.wait_dma2 semaphore(%dma_wait3A_521 : memref<!tpu.dma_semaphore, #tpu.memory_space<semaphore_mem>>) src(%dma_wait3A_528 : memref<1280x64xbf16, #tpu.memory_space<vmem>>) dst(%dma_wait3A_524 : memref<1280x64xbf16, #tpu.memory_space<vmem_shared>>)
    %barrier3A_529 = arith.constant 0 : index
    tpu.barrier barrier_id(%barrier3A_529)
    %mul3A_530 = arith.constant 640 : i32
    %mul3A_531 = arith.muli %arg1, %mul3A_530 : i32
    %mul3A_532 = arith.constant 640 : i32
    %mul3A_533 = arith.muli %arg1, %mul3A_532 : i32
    "tpu.region"() ({
      %run_scoped3A = tpu.sem_alloc : memref<!tpu.dma_semaphore, #tpu.memory_space<semaphore_mem>>
      %dma_start3A_534 = arith.constant 0 : i32
      %dma_start3A_535 = tpu.memref_slice %arg6[%arg0, %mul3A_533, %dma_start3A_534] : memref<2x10240x64xbf16, #tpu.memory_space<hbm>> -> memref<1x640x64xbf16, #tpu.memory_space<hbm>>
      %dma_start3A_536 = tpu.memref_squeeze %dma_start3A_535 : memref<1x640x64xbf16, #tpu.memory_space<hbm>> -> memref<640x64xbf16, #tpu.memory_space<hbm>>
      %dma_start3A_537 = arith.constant 0 : i32
      %dma_start3A_538 = tpu.memref_slice %arg10[%mul3A_531, %dma_start3A_537] : memref<10240x64xbf16, #tpu.memory_space<vmem_shared>> -> memref<640x64xbf16, #tpu.memory_space<vmem_shared>>
      tpu.enqueue_dma source(%dma_start3A_538 : memref<640x64xbf16, #tpu.memory_space<vmem_shared>>) target(%dma_start3A_536 : memref<640x64xbf16, #tpu.memory_space<hbm>>) target_semaphore(%run_scoped3A : memref<!tpu.dma_semaphore, #tpu.memory_space<semaphore_mem>>)
      %dma_wait3A_539 = arith.constant 0 : i32
      %dma_wait3A_540 = tpu.memref_slice %arg6[%arg0, %mul3A_533, %dma_wait3A_539] : memref<2x10240x64xbf16, #tpu.memory_space<hbm>> -> memref<1x640x64xbf16, #tpu.memory_space<hbm>>
      %dma_wait3A_541 = tpu.memref_squeeze %dma_wait3A_540 : memref<1x640x64xbf16, #tpu.memory_space<hbm>> -> memref<640x64xbf16, #tpu.memory_space<hbm>>
      %dma_wait3A_542 = arith.constant 0 : i32
      %dma_wait3A_543 = tpu.memref_slice %arg10[%mul3A_531, %dma_wait3A_542] : memref<10240x64xbf16, #tpu.memory_space<vmem_shared>> -> memref<640x64xbf16, #tpu.memory_space<vmem_shared>>
      tpu.wait_dma2 semaphore(%run_scoped3A : memref<!tpu.dma_semaphore, #tpu.memory_space<semaphore_mem>>) src(%dma_wait3A_543 : memref<640x64xbf16, #tpu.memory_space<vmem_shared>>) dst(%dma_wait3A_541 : memref<640x64xbf16, #tpu.memory_space<hbm>>)
      tpu.yield
    }) : () -> ()
    return
  }
}

module attributes {stable_mosaic.version = 14 : i64} {
  func.func @_tc_pre_body(%arg0: i32, %arg1: memref<1000x128xf32, #tpu.memory_space<vmem>>, %arg2: memref<128x64xf32, #tpu.memory_space<vmem>>, %arg3: memref<1x1000x16xf32, #tpu.memory_space<vmem>>, %arg4: memref<1x1000x16xf32, #tpu.memory_space<vmem>>, %arg5: memref<1000x64xf32, #tpu.memory_space<vmem>>, %arg6: memref<1000x64xbf16, #tpu.memory_space<vmem>>, %arg7: memref<1000x1xf32, #tpu.memory_space<vmem>>) attributes {dimension_semantics = [#tpu.dimension_semantics<arbitrary>], iteration_bounds = array<i64: 10>, scalar_prefetch = 0 : i64, scratch_operands = 0 : i64, tpu.core_type = #tpu.core_type<tc>, window_params = [{transform_indices = @transform_0, window_bounds = array<i64: 1000, 128>}, {pipeline_mode = #tpu.pipeline_mode<synchronous>, transform_indices = @transform_1, window_bounds = array<i64: 128, 64>}, {transform_indices = @transform_2, window_bounds = array<i64: 1, 1000, 16>}, {transform_indices = @transform_3, window_bounds = array<i64: 1, 1000, 16>}, {transform_indices = @transform_4, window_bounds = array<i64: 1000, 64>}, {transform_indices = @transform_5, window_bounds = array<i64: 1000, 64>}, {transform_indices = @transform_6, window_bounds = array<i64: 1000, 1>}]} {
    %get3A = arith.constant 0 : index
    %get3A_0 = arith.constant 0 : index
    %get3A_1 = arith.constant 0 : index
    %get3A_2 = vector.load %arg3[%get3A, %get3A_0, %get3A_1] : memref<1x1000x16xf32, #tpu.memory_space<vmem>>, vector<1x1000x1xf32>
    %get3A_3 = vector.shape_cast %get3A_2 : vector<1x1000x1xf32> to vector<1000xf32>
    %get3A_4 = arith.constant 0 : index
    %get3A_5 = arith.constant 0 : index
    %get3A_6 = arith.constant 0 : index
    %get3A_7 = vector.load %arg4[%get3A_4, %get3A_5, %get3A_6] : memref<1x1000x16xf32, #tpu.memory_space<vmem>>, vector<1x1000x1xf32>
    %get3A_8 = vector.shape_cast %get3A_7 : vector<1x1000x1xf32> to vector<1000xf32>
    %add3A = arith.addf %get3A_3, %get3A_8 : vector<1000xf32>
    %add3A_9 = arith.constant 1.000000e+00 : f32
    %add3A_10 = vector.broadcast %add3A_9 : f32 to vector<1000xf32>
    %add3A_11 = arith.addf %add3A, %add3A_10 : vector<1000xf32>
    %rsqrt3A = math.rsqrt %add3A_11 : vector<1000xf32>
    %get3A_12 = arith.constant 0 : index
    %get3A_13 = arith.constant 0 : index
    %get3A_14 = vector.load %arg1[%get3A_12, %get3A_13] : memref<1000x128xf32, #tpu.memory_space<vmem>>, vector<1000x128xf32>
    %get3A_15 = arith.constant 0 : index
    %get3A_16 = arith.constant 0 : index
    %get3A_17 = vector.load %arg2[%get3A_15, %get3A_16] : memref<128x64xf32, #tpu.memory_space<vmem>>, vector<128x64xf32>
    %dot_general3A = arith.constant dense<0.000000e+00> : vector<1000x64xf32>
    %dot_general3A_18 = tpu.matmul %get3A_14, %get3A_17, %dot_general3A {dimension_numbers = #tpu.dot_dimension_numbers<[1], [0], [0], [1], [0, 0, 1, 1], [], []>, transpose_lhs_hint = false} : vector<1000x128xf32>, vector<128x64xf32>, vector<1000x64xf32> -> vector<1000x64xf32>
    %broadcast_in_dim3A = vector.shape_cast %rsqrt3A : vector<1000xf32> to vector<1000x1xf32>
    %mul3A = vector.broadcast %broadcast_in_dim3A : vector<1000x1xf32> to vector<1000x64xf32>
    %mul3A_19 = arith.mulf %dot_general3A_18, %mul3A : vector<1000x64xf32>
    %swap3A = arith.constant 0 : index
    %swap3A_20 = arith.constant 0 : index
    %swap3A_21 = vector.load %arg5[%swap3A, %swap3A_20] : memref<1000x64xf32, #tpu.memory_space<vmem>>, vector<1000x64xf32>
    tpu.vector_store %arg5[%swap3A, %swap3A_20], %mul3A_19 {strides = array<i32>} : memref<1000x64xf32, #tpu.memory_space<vmem>>, vector<1000x64xf32>,
    %convert_element_type3A = arith.truncf %mul3A_19 : vector<1000x64xf32> to vector<1000x64xbf16>
    %swap3A_22 = arith.constant 0 : index
    %swap3A_23 = arith.constant 0 : index
    %swap3A_24 = vector.load %arg6[%swap3A_22, %swap3A_23] : memref<1000x64xbf16, #tpu.memory_space<vmem>>, vector<1000x64xbf16>
    tpu.vector_store %arg6[%swap3A_22, %swap3A_23], %convert_element_type3A {strides = array<i32>} : memref<1000x64xbf16, #tpu.memory_space<vmem>>, vector<1000x64xbf16>,
    %broadcast_in_dim3A_25 = vector.shape_cast %rsqrt3A : vector<1000xf32> to vector<1000x1xf32>
    %swap3A_26 = arith.constant 0 : index
    %swap3A_27 = arith.constant 0 : index
    %swap3A_28 = vector.load %arg7[%swap3A_26, %swap3A_27] : memref<1000x1xf32, #tpu.memory_space<vmem>>, vector<1000x1xf32>
    tpu.vector_store %arg7[%swap3A_26, %swap3A_27], %broadcast_in_dim3A_25 {strides = array<i32>} : memref<1000x1xf32, #tpu.memory_space<vmem>>, vector<1000x1xf32>,
    return
  }
  func.func @transform_0(%arg0: i32) -> (i32, i32) {
    %c0_i32 = arith.constant 0 : i32
    %c0_i32_0 = arith.constant 0 : i32
    return %arg0, %c0_i32 : i32, i32
  }
  func.func @transform_1(%arg0: i32) -> (i32, i32) {
    %c0_i32 = arith.constant 0 : i32
    %c0_i32_0 = arith.constant 0 : i32
    %c0_i32_1 = arith.constant 0 : i32
    return %c0_i32, %c0_i32_0 : i32, i32
  }
  func.func @transform_2(%arg0: i32) -> (i32, i32, i32) {
    %c0_i32 = arith.constant 0 : i32
    %c0_i32_0 = arith.constant 0 : i32
    %c0_i32_1 = arith.constant 0 : i32
    return %c0_i32, %arg0, %c0_i32_0 : i32, i32, i32
  }
  func.func @transform_3(%arg0: i32) -> (i32, i32, i32) {
    %c1_i32 = arith.constant 1 : i32
    %c0_i32 = arith.constant 0 : i32
    %c0_i32_0 = arith.constant 0 : i32
    return %c1_i32, %arg0, %c0_i32 : i32, i32, i32
  }
  func.func @transform_4(%arg0: i32) -> (i32, i32) {
    %c0_i32 = arith.constant 0 : i32
    %c0_i32_0 = arith.constant 0 : i32
    return %arg0, %c0_i32 : i32, i32
  }
  func.func @transform_5(%arg0: i32) -> (i32, i32) {
    %c0_i32 = arith.constant 0 : i32
    %c0_i32_0 = arith.constant 0 : i32
    return %arg0, %c0_i32 : i32, i32
  }
  func.func @transform_6(%arg0: i32) -> (i32, i32) {
    %c0_i32 = arith.constant 0 : i32
    %c0_i32_0 = arith.constant 0 : i32
    return %arg0, %c0_i32 : i32, i32
  }
}

module attributes {stable_mosaic.version = 14 : i64} {
  func.func @_tc_epi_body(%arg0: i32, %arg1: memref<1x1000x64xbf16, #tpu.memory_space<vmem>>, %arg2: memref<1x1000x64xbf16, #tpu.memory_space<vmem>>, %arg3: memref<1000x64xf32, #tpu.memory_space<vmem>>, %arg4: memref<1000x1xf32, #tpu.memory_space<vmem>>, %arg5: memref<1x64xf32, #tpu.memory_space<vmem>>, %arg6: memref<1000x64xf32, #tpu.memory_space<vmem>>, %arg7: memref<64x64xf32, #tpu.memory_space<vmem>>, %arg8: memref<1000x64xf32, #tpu.memory_space<vmem>>, %arg9: memref<1000x64xbf16, #tpu.memory_space<vmem>>) attributes {dimension_semantics = [#tpu.dimension_semantics<arbitrary>], iteration_bounds = array<i64: 10>, scalar_prefetch = 0 : i64, scratch_operands = 0 : i64, tpu.core_type = #tpu.core_type<tc>, window_params = [{transform_indices = @transform_0, window_bounds = array<i64: 1, 1000, 64>}, {transform_indices = @transform_1, window_bounds = array<i64: 1, 1000, 64>}, {transform_indices = @transform_2, window_bounds = array<i64: 1000, 64>}, {transform_indices = @transform_3, window_bounds = array<i64: 1000, 1>}, {pipeline_mode = #tpu.pipeline_mode<synchronous>, transform_indices = @transform_4, window_bounds = array<i64: 1, 64>}, {transform_indices = @transform_5, window_bounds = array<i64: 1000, 64>}, {pipeline_mode = #tpu.pipeline_mode<synchronous>, transform_indices = @transform_6, window_bounds = array<i64: 64, 64>}, {transform_indices = @transform_7, window_bounds = array<i64: 1000, 64>}, {transform_indices = @transform_8, window_bounds = array<i64: 1000, 64>}]} {
    %get3A = arith.constant 0 : index
    %get3A_0 = arith.constant 0 : index
    %get3A_1 = vector.load %arg4[%get3A, %get3A_0] : memref<1000x1xf32, #tpu.memory_space<vmem>>, vector<1000x1xf32>
    %get3A_2 = arith.constant 0 : index
    %get3A_3 = arith.constant 0 : index
    %get3A_4 = arith.constant 0 : index
    %get3A_5 = vector.load %arg1[%get3A_2, %get3A_3, %get3A_4] : memref<1x1000x64xbf16, #tpu.memory_space<vmem>>, vector<1x1000x64xbf16>
    %get3A_6 = vector.shape_cast %get3A_5 : vector<1x1000x64xbf16> to vector<1000x64xbf16>
    %convert_element_type3A = arith.extf %get3A_6 : vector<1000x64xbf16> to vector<1000x64xf32>
    %get3A_7 = arith.constant 0 : index
    %get3A_8 = arith.constant 0 : index
    %get3A_9 = arith.constant 0 : index
    %get3A_10 = vector.load %arg2[%get3A_7, %get3A_8, %get3A_9] : memref<1x1000x64xbf16, #tpu.memory_space<vmem>>, vector<1x1000x64xbf16>
    %get3A_11 = vector.shape_cast %get3A_10 : vector<1x1000x64xbf16> to vector<1000x64xbf16>
    %convert_element_type3A_12 = arith.extf %get3A_11 : vector<1000x64xbf16> to vector<1000x64xf32>
    %add3A = arith.addf %convert_element_type3A, %convert_element_type3A_12 : vector<1000x64xf32>
    %get3A_13 = arith.constant 0 : index
    %get3A_14 = arith.constant 0 : index
    %get3A_15 = vector.load %arg3[%get3A_13, %get3A_14] : memref<1000x64xf32, #tpu.memory_space<vmem>>, vector<1000x64xf32>
    %add3A_16 = arith.addf %add3A, %get3A_15 : vector<1000x64xf32>
    %mul3A = vector.broadcast %get3A_1 : vector<1000x1xf32> to vector<1000x64xf32>
    %mul3A_17 = arith.mulf %add3A_16, %mul3A : vector<1000x64xf32>
    %get3A_18 = arith.constant 0 : index
    %get3A_19 = arith.constant 0 : index
    %get3A_20 = vector.load %arg5[%get3A_18, %get3A_19] : memref<1x64xf32, #tpu.memory_space<vmem>>, vector<1x64xf32>
    %add3A_21 = vector.broadcast %get3A_20 : vector<1x64xf32> to vector<1000x64xf32>
    %add3A_22 = arith.addf %mul3A_17, %add3A_21 : vector<1000x64xf32>
    %max3A = arith.constant 0.000000e+00 : f32
    %max3A_23 = vector.broadcast %max3A : f32 to vector<1000x64xf32>
    %max3A_24 = arith.maximumf %add3A_22, %max3A_23 : vector<1000x64xf32>
    %get3A_25 = arith.constant 0 : index
    %get3A_26 = arith.constant 0 : index
    %get3A_27 = vector.load %arg6[%get3A_25, %get3A_26] : memref<1000x64xf32, #tpu.memory_space<vmem>>, vector<1000x64xf32>
    %mul3A_28 = arith.mulf %max3A_24, %get3A_27 : vector<1000x64xf32>
    %get3A_29 = arith.constant 0 : index
    %get3A_30 = arith.constant 0 : index
    %get3A_31 = vector.load %arg7[%get3A_29, %get3A_30] : memref<64x64xf32, #tpu.memory_space<vmem>>, vector<64x64xf32>
    %dot_general3A = arith.constant dense<0.000000e+00> : vector<1000x64xf32>
    %dot_general3A_32 = tpu.matmul %mul3A_28, %get3A_31, %dot_general3A {dimension_numbers = #tpu.dot_dimension_numbers<[1], [0], [0], [1], [0, 0, 1, 1], [], []>, transpose_lhs_hint = false} : vector<1000x64xf32>, vector<64x64xf32>, vector<1000x64xf32> -> vector<1000x64xf32>
    %mul3A_33 = vector.broadcast %get3A_1 : vector<1000x1xf32> to vector<1000x64xf32>
    %mul3A_34 = arith.mulf %dot_general3A_32, %mul3A_33 : vector<1000x64xf32>
    %swap3A = arith.constant 0 : index
    %swap3A_35 = arith.constant 0 : index
    %swap3A_36 = vector.load %arg8[%swap3A, %swap3A_35] : memref<1000x64xf32, #tpu.memory_space<vmem>>, vector<1000x64xf32>
    tpu.vector_store %arg8[%swap3A, %swap3A_35], %mul3A_34 {strides = array<i32>} : memref<1000x64xf32, #tpu.memory_space<vmem>>, vector<1000x64xf32>,
    %convert_element_type3A_37 = arith.truncf %mul3A_34 : vector<1000x64xf32> to vector<1000x64xbf16>
    %swap3A_38 = arith.constant 0 : index
    %swap3A_39 = arith.constant 0 : index
    %swap3A_40 = vector.load %arg9[%swap3A_38, %swap3A_39] : memref<1000x64xbf16, #tpu.memory_space<vmem>>, vector<1000x64xbf16>
    tpu.vector_store %arg9[%swap3A_38, %swap3A_39], %convert_element_type3A_37 {strides = array<i32>} : memref<1000x64xbf16, #tpu.memory_space<vmem>>, vector<1000x64xbf16>,
    return
  }
  func.func @transform_0(%arg0: i32) -> (i32, i32, i32) {
    %c0_i32 = arith.constant 0 : i32
    %c0_i32_0 = arith.constant 0 : i32
    %c0_i32_1 = arith.constant 0 : i32
    return %c0_i32, %arg0, %c0_i32_0 : i32, i32, i32
  }
  func.func @transform_1(%arg0: i32) -> (i32, i32, i32) {
    %c1_i32 = arith.constant 1 : i32
    %c0_i32 = arith.constant 0 : i32
    %c0_i32_0 = arith.constant 0 : i32
    return %c1_i32, %arg0, %c0_i32 : i32, i32, i32
  }
  func.func @transform_2(%arg0: i32) -> (i32, i32) {
    %c0_i32 = arith.constant 0 : i32
    %c0_i32_0 = arith.constant 0 : i32
    return %arg0, %c0_i32 : i32, i32
  }
  func.func @transform_3(%arg0: i32) -> (i32, i32) {
    %c0_i32 = arith.constant 0 : i32
    %c0_i32_0 = arith.constant 0 : i32
    return %arg0, %c0_i32 : i32, i32
  }
  func.func @transform_4(%arg0: i32) -> (i32, i32) {
    %c0_i32 = arith.constant 0 : i32
    %c0_i32_0 = arith.constant 0 : i32
    %c0_i32_1 = arith.constant 0 : i32
    return %c0_i32, %c0_i32_0 : i32, i32
  }
  func.func @transform_5(%arg0: i32) -> (i32, i32) {
    %c0_i32 = arith.constant 0 : i32
    %c0_i32_0 = arith.constant 0 : i32
    return %arg0, %c0_i32 : i32, i32
  }
  func.func @transform_6(%arg0: i32) -> (i32, i32) {
    %c0_i32 = arith.constant 0 : i32
    %c0_i32_0 = arith.constant 0 : i32
    %c0_i32_1 = arith.constant 0 : i32
    return %c0_i32, %c0_i32_0 : i32, i32
  }
  func.func @transform_7(%arg0: i32) -> (i32, i32) {
    %c0_i32 = arith.constant 0 : i32
    %c0_i32_0 = arith.constant 0 : i32
    return %arg0, %c0_i32 : i32, i32
  }
  func.func @transform_8(%arg0: i32) -> (i32, i32) {
    %c0_i32 = arith.constant 0 : i32
    %c0_i32_0 = arith.constant 0 : i32
    return %arg0, %c0_i32 : i32, i32
  }
}

module attributes {stable_mosaic.version = 14 : i64} {
  func.func @_tc_tail_body(%arg0: i32, %arg1: memref<1x1000x64xbf16, #tpu.memory_space<vmem>>, %arg2: memref<1x1000x64xbf16, #tpu.memory_space<vmem>>, %arg3: memref<1000x64xf32, #tpu.memory_space<vmem>>, %arg4: memref<1000x1xf32, #tpu.memory_space<vmem>>, %arg5: memref<1x64xf32, #tpu.memory_space<vmem>>, %arg6: memref<1000x64xf32, #tpu.memory_space<vmem>>, %arg7: memref<1000x1xi32, #tpu.memory_space<vmem>>, %arg8: memref<64x64xf32, #tpu.memory_space<vmem>>, %arg9: memref<1x64xf32, #tpu.memory_space<vmem>>, %arg10: memref<1x64xf32, #tpu.memory_space<vmem>>, %arg11: memref<1x1xf32, #tpu.memory_space<vmem>>, %arg12: memref<64x64xf32, #tpu.memory_space<vmem>>, %arg13: memref<64x1xf32, #tpu.memory_space<vmem>>, %arg14: memref<64x64xf32, #tpu.memory_space<vmem>>, %arg15: memref<64x128xf32, #tpu.memory_space<vmem>>) attributes {dimension_semantics = [#tpu.dimension_semantics<arbitrary>], iteration_bounds = array<i64: 10>, scalar_prefetch = 0 : i64, scratch_operands = 2 : i64, tpu.core_type = #tpu.core_type<tc>, window_params = [{transform_indices = @transform_0, window_bounds = array<i64: 1, 1000, 64>}, {transform_indices = @transform_1, window_bounds = array<i64: 1, 1000, 64>}, {transform_indices = @transform_2, window_bounds = array<i64: 1000, 64>}, {transform_indices = @transform_3, window_bounds = array<i64: 1000, 1>}, {pipeline_mode = #tpu.pipeline_mode<synchronous>, transform_indices = @transform_4, window_bounds = array<i64: 1, 64>}, {transform_indices = @transform_5, window_bounds = array<i64: 1000, 64>}, {transform_indices = @transform_6, window_bounds = array<i64: 1000, 1>}, {pipeline_mode = #tpu.pipeline_mode<synchronous>, transform_indices = @transform_7, window_bounds = array<i64: 64, 64>}, {pipeline_mode = #tpu.pipeline_mode<synchronous>, transform_indices = @transform_8, window_bounds = array<i64: 1, 64>}, {pipeline_mode = #tpu.pipeline_mode<synchronous>, transform_indices = @transform_9, window_bounds = array<i64: 1, 64>}, {pipeline_mode = #tpu.pipeline_mode<synchronous>, transform_indices = @transform_10, window_bounds = array<i64: 1, 1>}, {pipeline_mode = #tpu.pipeline_mode<synchronous>, transform_indices = @transform_11, window_bounds = array<i64: 64, 64>}, {pipeline_mode = #tpu.pipeline_mode<synchronous>, transform_indices = @transform_12, window_bounds = array<i64: 64, 1>}]} {
    %get3A = arith.constant 0 : index
    %get3A_0 = arith.constant 0 : index
    %get3A_1 = vector.load %arg4[%get3A, %get3A_0] : memref<1000x1xf32, #tpu.memory_space<vmem>>, vector<1000x1xf32>
    %get3A_2 = arith.constant 0 : index
    %get3A_3 = arith.constant 0 : index
    %get3A_4 = arith.constant 0 : index
    %get3A_5 = vector.load %arg1[%get3A_2, %get3A_3, %get3A_4] : memref<1x1000x64xbf16, #tpu.memory_space<vmem>>, vector<1x1000x64xbf16>
    %get3A_6 = vector.shape_cast %get3A_5 : vector<1x1000x64xbf16> to vector<1000x64xbf16>
    %convert_element_type3A = arith.extf %get3A_6 : vector<1000x64xbf16> to vector<1000x64xf32>
    %get3A_7 = arith.constant 0 : index
    %get3A_8 = arith.constant 0 : index
    %get3A_9 = arith.constant 0 : index
    %get3A_10 = vector.load %arg2[%get3A_7, %get3A_8, %get3A_9] : memref<1x1000x64xbf16, #tpu.memory_space<vmem>>, vector<1x1000x64xbf16>
    %get3A_11 = vector.shape_cast %get3A_10 : vector<1x1000x64xbf16> to vector<1000x64xbf16>
    %convert_element_type3A_12 = arith.extf %get3A_11 : vector<1000x64xbf16> to vector<1000x64xf32>
    %add3A = arith.addf %convert_element_type3A, %convert_element_type3A_12 : vector<1000x64xf32>
    %get3A_13 = arith.constant 0 : index
    %get3A_14 = arith.constant 0 : index
    %get3A_15 = vector.load %arg3[%get3A_13, %get3A_14] : memref<1000x64xf32, #tpu.memory_space<vmem>>, vector<1000x64xf32>
    %add3A_16 = arith.addf %add3A, %get3A_15 : vector<1000x64xf32>
    %mul3A = vector.broadcast %get3A_1 : vector<1000x1xf32> to vector<1000x64xf32>
    %mul3A_17 = arith.mulf %add3A_16, %mul3A : vector<1000x64xf32>
    %get3A_18 = arith.constant 0 : index
    %get3A_19 = arith.constant 0 : index
    %get3A_20 = vector.load %arg5[%get3A_18, %get3A_19] : memref<1x64xf32, #tpu.memory_space<vmem>>, vector<1x64xf32>
    %add3A_21 = vector.broadcast %get3A_20 : vector<1x64xf32> to vector<1000x64xf32>
    %add3A_22 = arith.addf %mul3A_17, %add3A_21 : vector<1000x64xf32>
    %max3A = arith.constant 0.000000e+00 : f32
    %max3A_23 = vector.broadcast %max3A : f32 to vector<1000x64xf32>
    %max3A_24 = arith.maximumf %add3A_22, %max3A_23 : vector<1000x64xf32>
    %get3A_25 = arith.constant 0 : index
    %get3A_26 = arith.constant 0 : index
    %get3A_27 = vector.load %arg6[%get3A_25, %get3A_26] : memref<1000x64xf32, #tpu.memory_space<vmem>>, vector<1000x64xf32>
    %mul3A_28 = arith.mulf %max3A_24, %get3A_27 : vector<1000x64xf32>
    %iota3A = tpu.iota {dimensions = array<i32: 1>} : vector<1000x64xi32>
    %get3A_29 = arith.constant 0 : index
    %get3A_30 = arith.constant 0 : index
    %get3A_31 = vector.load %arg7[%get3A_29, %get3A_30] : memref<1000x1xi32, #tpu.memory_space<vmem>>, vector<1000x1xi32>
    %eq3A = vector.broadcast %get3A_31 : vector<1000x1xi32> to vector<1000x64xi32>
    %eq3A_32 = arith.cmpi eq, %iota3A, %eq3A : vector<1000x64xi32>
    %convert_element_type3A_33 = arith.extui %eq3A_32 : vector<1000x64xi1> to vector<1000x64xi32>
    %convert_element_type3A_34 = arith.sitofp %convert_element_type3A_33 : vector<1000x64xi32> to vector<1000x64xf32>
    %eq3A_35 = arith.constant 0 : i32
    %eq3A_36 = arith.cmpi eq, %arg0, %eq3A_35 : i32
    %convert_element_type3A_37 = arith.extui %eq3A_36 : i1 to i32
    %cond3A = arith.constant 0 : i32
    %cond3A_38 = arith.cmpi ne, %convert_element_type3A_37, %cond3A : i32
    scf.if %cond3A_38 {
      %broadcast_in_dim3A_60 = arith.constant 0.000000e+00 : f32
      %broadcast_in_dim3A_61 = vector.broadcast %broadcast_in_dim3A_60 : f32 to vector<64x64xf32>
      %swap3A_62 = arith.constant 0 : index
      %swap3A_63 = arith.constant 0 : index
      %swap3A_64 = vector.load %arg14[%swap3A_62, %swap3A_63] : memref<64x64xf32, #tpu.memory_space<vmem>>, vector<64x64xf32>
      tpu.vector_store %arg14[%swap3A_62, %swap3A_63], %broadcast_in_dim3A_61 {strides = array<i32>} : memref<64x64xf32, #tpu.memory_space<vmem>>, vector<64x64xf32>,
      %broadcast_in_dim3A_65 = arith.constant 0.000000e+00 : f32
      %broadcast_in_dim3A_66 = vector.broadcast %broadcast_in_dim3A_65 : f32 to vector<64x128xf32>
      %swap3A_67 = arith.constant 0 : index
      %swap3A_68 = arith.constant 0 : index
      %swap3A_69 = vector.load %arg15[%swap3A_67, %swap3A_68] : memref<64x128xf32, #tpu.memory_space<vmem>>, vector<64x128xf32>
      tpu.vector_store %arg15[%swap3A_67, %swap3A_68], %broadcast_in_dim3A_66 {strides = array<i32>} : memref<64x128xf32, #tpu.memory_space<vmem>>, vector<64x128xf32>,
    } else {
    }
    %get3A_39 = arith.constant 0 : index
    %get3A_40 = arith.constant 0 : index
    %get3A_41 = vector.load %arg14[%get3A_39, %get3A_40] : memref<64x64xf32, #tpu.memory_space<vmem>>, vector<64x64xf32>
    %dot_general3A = arith.constant dense<0.000000e+00> : vector<64x64xf32>
    %dot_general3A_42 = tpu.matmul %convert_element_type3A_34, %mul3A_28, %dot_general3A {dimension_numbers = #tpu.dot_dimension_numbers<[0], [0], [1], [1], [0, 1, 1, 1], [], []>, transpose_lhs_hint = false} : vector<1000x64xf32>, vector<1000x64xf32>, vector<64x64xf32> -> vector<64x64xf32>
    %add3A_43 = arith.addf %get3A_41, %dot_general3A_42 : vector<64x64xf32>
    %swap3A = arith.constant 0 : index
    %swap3A_44 = arith.constant 0 : index
    %swap3A_45 = vector.load %arg14[%swap3A, %swap3A_44] : memref<64x64xf32, #tpu.memory_space<vmem>>, vector<64x64xf32>
    tpu.vector_store %arg14[%swap3A, %swap3A_44], %add3A_43 {strides = array<i32>} : memref<64x64xf32, #tpu.memory_space<vmem>>, vector<64x64xf32>,
    %get3A_46 = arith.constant 0 : index
    %get3A_47 = arith.constant 0 : index
    %get3A_48 = vector.load %arg15[%get3A_46, %get3A_47] : memref<64x128xf32, #tpu.memory_space<vmem>>, vector<64x128xf32>
    %reduce_sum3A = arith.constant dense<0.000000e+00> : vector<64xf32>
    %reduce_sum3A_49 = vector.multi_reduction <add>, %convert_element_type3A_34, %reduce_sum3A [0] : vector<1000x64xf32> to vector<64xf32>
    %broadcast_in_dim3A = vector.shape_cast %reduce_sum3A_49 : vector<64xf32> to vector<64x1xf32>
    %add3A_50 = vector.broadcast %broadcast_in_dim3A : vector<64x1xf32> to vector<64x128xf32>
    %add3A_51 = arith.addf %get3A_48, %add3A_50 : vector<64x128xf32>
    %swap3A_52 = arith.constant 0 : index
    %swap3A_53 = arith.constant 0 : index
    %swap3A_54 = vector.load %arg15[%swap3A_52, %swap3A_53] : memref<64x128xf32, #tpu.memory_space<vmem>>, vector<64x128xf32>
    tpu.vector_store %arg15[%swap3A_52, %swap3A_53], %add3A_51 {strides = array<i32>} : memref<64x128xf32, #tpu.memory_space<vmem>>, vector<64x128xf32>,
    %eq3A_55 = arith.constant 9 : i32
    %eq3A_56 = arith.cmpi eq, %arg0, %eq3A_55 : i32
    %convert_element_type3A_57 = arith.extui %eq3A_56 : i1 to i32
    %cond3A_58 = arith.constant 0 : i32
    %cond3A_59 = arith.cmpi ne, %convert_element_type3A_57, %cond3A_58 : i32
    scf.if %cond3A_59 {
      %get3A_60 = arith.constant 0 : index
      %get3A_61 = arith.constant 0 : index
      %get3A_62 = vector.load %arg14[%get3A_60, %get3A_61] : memref<64x64xf32, #tpu.memory_space<vmem>>, vector<64x64xf32>
      %get3A_63 = arith.constant 0 : index
      %get3A_64 = arith.constant 0 : index
      %get3A_65 = vector.load %arg15[%get3A_63, %get3A_64] : memref<64x128xf32, #tpu.memory_space<vmem>>, vector<64x1xf32>
      %max3A_66 = arith.constant 1.000000e+00 : f32
      %max3A_67 = vector.broadcast %max3A_66 : f32 to vector<64x1xf32>
      %max3A_68 = arith.maximumf %get3A_65, %max3A_67 : vector<64x1xf32>
      %div3A = vector.broadcast %max3A_68 : vector<64x1xf32> to vector<64x64xf32>
      %div3A_69 = arith.divf %get3A_62, %div3A : vector<64x64xf32>
      %get3A_70 = arith.constant 0 : index
      %get3A_71 = arith.constant 0 : index
      %get3A_72 = vector.load %arg8[%get3A_70, %get3A_71] : memref<64x64xf32, #tpu.memory_space<vmem>>, vector<64x64xf32>
      %dot_general3A_73 = arith.constant dense<0.000000e+00> : vector<64x64xf32>
      %dot_general3A_74 = tpu.matmul %div3A_69, %get3A_72, %dot_general3A_73 {dimension_numbers = #tpu.dot_dimension_numbers<[1], [0], [0], [1], [0, 0, 1, 1], [], []>, transpose_lhs_hint = false} : vector<64x64xf32>, vector<64x64xf32>, vector<64x64xf32> -> vector<64x64xf32>
      %get3A_75 = arith.constant 0 : index
      %get3A_76 = arith.constant 0 : index
      %get3A_77 = vector.load %arg9[%get3A_75, %get3A_76] : memref<1x64xf32, #tpu.memory_space<vmem>>, vector<1x64xf32>
      %add3A_78 = vector.broadcast %get3A_77 : vector<1x64xf32> to vector<64x64xf32>
      %add3A_79 = arith.addf %dot_general3A_74, %add3A_78 : vector<64x64xf32>
      %max3A_80 = arith.constant 0.000000e+00 : f32
      %max3A_81 = vector.broadcast %max3A_80 : f32 to vector<64x64xf32>
      %max3A_82 = arith.maximumf %add3A_79, %max3A_81 : vector<64x64xf32>
      %get3A_83 = arith.constant 0 : index
      %get3A_84 = arith.constant 0 : index
      %get3A_85 = vector.load %arg12[%get3A_83, %get3A_84] : memref<64x64xf32, #tpu.memory_space<vmem>>, vector<64x64xf32>
      %mul3A_86 = arith.mulf %max3A_82, %get3A_85 : vector<64x64xf32>
      %get3A_87 = arith.constant 0 : index
      %get3A_88 = arith.constant 0 : index
      %get3A_89 = vector.load %arg10[%get3A_87, %get3A_88] : memref<1x64xf32, #tpu.memory_space<vmem>>, vector<1x64xf32>
      %mul3A_90 = vector.broadcast %get3A_89 : vector<1x64xf32> to vector<64x64xf32>
      %mul3A_91 = arith.mulf %mul3A_86, %mul3A_90 : vector<64x64xf32>
      %reduce_sum3A_92 = arith.constant dense<0.000000e+00> : vector<64xf32>
      %reduce_sum3A_93 = vector.multi_reduction <add>, %mul3A_91, %reduce_sum3A_92 [1] : vector<64x64xf32> to vector<64xf32>
      %broadcast_in_dim3A_94 = vector.shape_cast %reduce_sum3A_93 : vector<64xf32> to vector<64x1xf32>
      %get3A_95 = arith.constant 0 : index
      %get3A_96 = arith.constant 0 : index
      %get3A_97 = vector.load %arg11[%get3A_95, %get3A_96] : memref<1x1xf32, #tpu.memory_space<vmem>>, vector<1x1xf32>
      %add3A_98 = vector.broadcast %get3A_97 : vector<1x1xf32> to vector<64x1xf32>
      %add3A_99 = arith.addf %broadcast_in_dim3A_94, %add3A_98 : vector<64x1xf32>
      %swap3A_100 = arith.constant 0 : index
      %swap3A_101 = arith.constant 0 : index
      %swap3A_102 = vector.load %arg13[%swap3A_100, %swap3A_101] : memref<64x1xf32, #tpu.memory_space<vmem>>, vector<64x1xf32>
      tpu.vector_store %arg13[%swap3A_100, %swap3A_101], %add3A_99 {strides = array<i32>} : memref<64x1xf32, #tpu.memory_space<vmem>>, vector<64x1xf32>,
    } else {
    }
    return
  }
  func.func @transform_0(%arg0: i32) -> (i32, i32, i32) {
    %c0_i32 = arith.constant 0 : i32
    %c0_i32_0 = arith.constant 0 : i32
    %c0_i32_1 = arith.constant 0 : i32
    return %c0_i32, %arg0, %c0_i32_0 : i32, i32, i32
  }
  func.func @transform_1(%arg0: i32) -> (i32, i32, i32) {
    %c1_i32 = arith.constant 1 : i32
    %c0_i32 = arith.constant 0 : i32
    %c0_i32_0 = arith.constant 0 : i32
    return %c1_i32, %arg0, %c0_i32 : i32, i32, i32
  }
  func.func @transform_2(%arg0: i32) -> (i32, i32) {
    %c0_i32 = arith.constant 0 : i32
    %c0_i32_0 = arith.constant 0 : i32
    return %arg0, %c0_i32 : i32, i32
  }
  func.func @transform_3(%arg0: i32) -> (i32, i32) {
    %c0_i32 = arith.constant 0 : i32
    %c0_i32_0 = arith.constant 0 : i32
    return %arg0, %c0_i32 : i32, i32
  }
  func.func @transform_4(%arg0: i32) -> (i32, i32) {
    %c0_i32 = arith.constant 0 : i32
    %c0_i32_0 = arith.constant 0 : i32
    %c0_i32_1 = arith.constant 0 : i32
    return %c0_i32, %c0_i32_0 : i32, i32
  }
  func.func @transform_5(%arg0: i32) -> (i32, i32) {
    %c0_i32 = arith.constant 0 : i32
    %c0_i32_0 = arith.constant 0 : i32
    return %arg0, %c0_i32 : i32, i32
  }
  func.func @transform_6(%arg0: i32) -> (i32, i32) {
    %c0_i32 = arith.constant 0 : i32
    %c0_i32_0 = arith.constant 0 : i32
    return %arg0, %c0_i32 : i32, i32
  }
  func.func @transform_7(%arg0: i32) -> (i32, i32) {
    %c0_i32 = arith.constant 0 : i32
    %c0_i32_0 = arith.constant 0 : i32
    %c0_i32_1 = arith.constant 0 : i32
    return %c0_i32, %c0_i32_0 : i32, i32
  }
  func.func @transform_8(%arg0: i32) -> (i32, i32) {
    %c0_i32 = arith.constant 0 : i32
    %c0_i32_0 = arith.constant 0 : i32
    %c0_i32_1 = arith.constant 0 : i32
    return %c0_i32, %c0_i32_0 : i32, i32
  }
  func.func @transform_9(%arg0: i32) -> (i32, i32) {
    %c0_i32 = arith.constant 0 : i32
    %c0_i32_0 = arith.constant 0 : i32
    %c0_i32_1 = arith.constant 0 : i32
    return %c0_i32, %c0_i32_0 : i32, i32
  }
  func.func @transform_10(%arg0: i32) -> (i32, i32) {
    %c0_i32 = arith.constant 0 : i32
    %c0_i32_0 = arith.constant 0 : i32
    %c0_i32_1 = arith.constant 0 : i32
    return %c0_i32, %c0_i32_0 : i32, i32
  }
  func.func @transform_11(%arg0: i32) -> (i32, i32) {
    %c0_i32 = arith.constant 0 : i32
    %c0_i32_0 = arith.constant 0 : i32
    %c0_i32_1 = arith.constant 0 : i32
    return %c0_i32, %c0_i32_0 : i32, i32
  }
  func.func @transform_12(%arg0: i32) -> (i32, i32) {
    %c0_i32 = arith.constant 0 : i32
    %c0_i32_0 = arith.constant 0 : i32
    %c0_i32_1 = arith.constant 0 : i32
    return %c0_i32, %c0_i32_0 : i32, i32
  }
}

</mosaic_0001>

<sc_bundles>
// kernel: kernel.12.cloned.1.call-start
scs
__scs_entry_jumppad:
0x0: {  	(pc) =	sbr.rel $0x88, $3  }
0x1: {  	(tag) =	ssettag $0x0;
	lr =	simm.s32 $0x1  }
0x2: {  	[smem:$0x3F94] =	sst lr;
	_ =	strace $0xD0000000  }
0x3: {  	_ = 	snop  }
0x4: {  	_ = 	snop  }
0x5: {  	_ = 	snop  }
0x6: {  	_ = 	snop  }
0x7: {  	_ = 	snop  }
__scs_overlays_trampoline_lowered:
0x8: {  	[smem:$0x3FA3] =	sst s0  }
0x9: {  	[smem:$0x3FA4] =	sst s1  }
0xa: {  	[smem:$0x3FA5] =	sst s2  }
0xb: {  	[smem:$0x3FA6] =	sst s3  }
0xc: {  	[smem:$0x3FA7] =	sst s4  }
0xd: {  	[smem:$0x3FA8] =	sst s5  }
0xe: {  	[smem:$0x3FA9] =	sst s6  }
0xf: {  	[smem:$0x3FAA] =	sst s7  }
0x10: {  	[smem:$0x3FAB] =	sst s8  }
0x11: {  	[smem:$0x3FAC] =	sst s9;
	s0 =	simm.s32 @!p0 $0x0  }
0x12: {  	s1 =	sld [smem:$0x3F92];
	s0 =	simm.s32 @p0 $0x1  }
0x13: {  	[smem:$0x3FAD] =	sst s0;
	s0 =	simm.s32 @!p1 $0x0  }
0x14: {  	s2 =	sld [smem:$0x3F91];
	s0 =	simm.s32 @p1 $0x1  }
0x15: {  	[smem:$0x3FAE] =	sst s0;
	s0 =	simm.s32 @!p2 $0x0  }
0x16: {  	s3 =	sld [smem:$0x3FDB];
	s0 =	simm.s32 @p2 $0x1  }
0x17: {  	s4 =	simm.s32 $0x1BF5;
	[smem:$0x3FB0] =	sst s0  }
0x18: {  	s0 =	sld [smem:$0x3F93];
	_ =	swait.ge [sflag:s4], $0x0  }
0x19: {  	s7 =	sld [smem:$0x3F94]  }
0x1a: {  	s8 =	sadd.s32 $0xFFFFE003, lr  }
0x1b: {  	s9 =	sadd.s32 $0xFFFFFEF7, lr;
	s5 =	simm.s32 $0xFFFFFFFF;
	p2 =	slt.u32 s8, $0xFFFFF086  }
0x1c: {  	p1 =	slt.u32 s9, $0xF7A;
	s5 =	simm.s32 @!p2 $0x0  }
0x1d: {  	s5 =	simm.s32 @p1 $0x1;
	p0 =	seq.s32 s7, s2  }
0x1e: {  	s7 =	smul.u32 @!p0 $0xF7A, s2;
	p2 =	seq.s32 @!p0 s5, $0x0  }
0x1f: {  	s9 =	smul.u32 $0xF7A, s1;
	s8 =	simm.s32 @!p0 $0x1BF5;
	p2 =	por !p2, p0  }
0x20: {  	[sflag:s8] =	ssyncset.s32 @!p0 $0xFFFFF086;
	s6 =	sadd.s32 @!p0 s3, s7;
	s7 =	simm.s32 @!p0 $0x108  }
0x21: {  	s3 =	sadd.s32 s3, s9;
	s6 =	sadd.s32 @!p0 $0x88, s6;
	s7 =	simm.s32 @p2 $0x1082  }
0x22: {  	[simem:s7], [sflag:s8] =	dma.local @!p0 [hbm:s6], $0xF7A  }
0x23: {  	s9 =	sor.u32 $0xD0000000, s2;
	s6 =	simm.s32 $0x108;
	_ =	swait.ge @!p0 [sflag:s8], $0x0  }
0x24: {  	s3 =	sadd.s32 $0x88, s3;
	s6 =	simm.s32 @!p1 $0x1082;
	[sflag:s4] =	ssyncset.s32 $0xFFFFF086  }
0x25: {  	[simem:s6], [sflag:s4] =	dma.local [hbm:s3], $0xF7A  }
0x26: {  	[smem:$0x3F94] =	sst s1;
	(tag) =	ssettag s2;
	_ =	strace s9  }
0x27: {  	s1 =	sld [smem:$0x3FA4]  }
0x28: {  	s2 =	sld [smem:$0x3FA5]  }
0x29: {  	s4 =	sld [smem:$0x3FA7]  }
0x2a: {  	p0 =	seq.s32 s5, $0x0;
	s5 =	sld [smem:$0x3FA8]  }
0x2b: {  	s6 =	sld [smem:$0x3FA9]  }
0x2c: {  	s7 =	sld [smem:$0x3FAA]  }
0x2d: {  	s3 =	simm.s32 $0x108;
	s8 =	sld [smem:$0x3FAB]  }
0x2e: {  	s3 =	simm.s32 @!p0 $0x1082;
	s9 =	sld [smem:$0x3FAC]  }
0x2f: {  	lr =	sadd.s32 s0, s3;
	s0 =	sld [smem:$0x3FA3]  }
0x30: {  	s3 =	sld [smem:$0x3FA6]  }
0x31: {  	[smem:$0x3FAF] =	sst s10  }
0x32: {  	s10 =	sld [smem:$0x3FAD];
	_ =	sdelay $0x3  }
0x33: {  	p0 =	seq.s32 s10, $0x1;
	s10 =	sld [smem:$0x3FAF];
	_ =	sdelay $0x3  }
0x34: {  	[smem:$0x3FAF] =	sst s10  }
0x35: {  	s10 =	sld [smem:$0x3FAE];
	_ =	sdelay $0x3  }
0x36: {  	p1 =	seq.s32 s10, $0x1;
	s10 =	sld [smem:$0x3FAF];
	_ =	sdelay $0x3  }
0x37: {  	[smem:$0x3FAF] =	sst s10  }
0x38: {  	s10 =	sld [smem:$0x3FB0]  }
0x39: {  	_ = 	snop;
	(pc) =	sbr.ind lr, $3  }
0x3a: {  	_ = 	snop  }
0x3b: {  	_ = 	snop  }
0x3c: {  	p2 =	seq.s32 s10, $0x1;
	s10 =	sld [smem:$0x3FAF]  }
0x3d: {  	_ =	shalt  }
0x3e: {  	_ =	shalt  }
0x3f: {  	_ =	shalt  }
0x40: {  	_ =	shalt  }
0x41: {  	_ =	shalt  }
0x42: {  	_ =	shalt  }
0x43: {  	_ =	shalt  }
0x44: {  	_ =	shalt  }
0x45: {  	_ =	shalt  }
0x46: {  	_ =	shalt  }
0x47: {  	_ =	shalt  }
0x48: {  	_ =	shalt  }
0x49: {  	_ =	shalt  }
0x4a: {  	_ =	shalt  }
0x4b: {  	_ =	shalt  }
0x4c: {  	_ =	shalt  }
0x4d: {  	_ =	shalt  }
0x4e: {  	_ =	shalt  }
0x4f: {  	_ =	shalt  }
0x50: {  	_ =	shalt  }
0x51: {  	_ =	shalt  }
0x52: {  	_ =	shalt  }
0x53: {  	_ =	shalt  }
0x54: {  	_ =	shalt  }
0x55: {  	_ =	shalt  }
0x56: {  	_ =	shalt  }
0x57: {  	_ =	shalt  }
0x58: {  	_ =	shalt  }
0x59: {  	_ =	shalt  }
0x5a: {  	_ =	shalt  }
0x5b: {  	_ =	shalt  }
0x5c: {  	_ =	shalt  }
0x5d: {  	_ =	shalt  }
0x5e: {  	_ =	shalt  }
0x5f: {  	_ =	shalt  }
0x60: {  	_ =	shalt  }
0x61: {  	_ =	shalt  }
0x62: {  	_ =	shalt  }
0x63: {  	_ =	shalt  }
0x64: {  	_ =	shalt  }
0x65: {  	_ =	shalt  }
0x66: {  	_ =	shalt  }
0x67: {  	_ =	shalt  }
0x68: {  	_ =	shalt  }
0x69: {  	_ =	shalt  }
0x6a: {  	_ =	shalt  }
0x6b: {  	_ =	shalt  }
0x6c: {  	_ =	shalt  }
0x6d: {  	_ =	shalt  }
0x6e: {  	_ =	shalt  }
0x6f: {  	_ =	shalt  }
0x70: {  	_ =	shalt  }
0x71: {  	_ =	shalt  }
0x72: {  	_ =	shalt  }
0x73: {  	_ =	shalt  }
0x74: {  	_ =	shalt  }
0x75: {  	_ =	shalt  }
0x76: {  	_ =	shalt  }
0x77: {  	_ =	shalt  }
0x78: {  	_ =	shalt  }
0x79: {  	_ =	shalt  }
0x7a: {  	_ =	shalt  }
0x7b: {  	_ =	shalt  }
0x7c: {  	_ =	shalt  }
0x7d: {  	_ =	shalt  }
0x7e: {  	_ =	shalt  }
0x7f: {  	_ =	shalt  }
0x80: {  	_ =	shalt  }
0x81: {  	_ =	shalt  }
0x82: {  	_ =	shalt  }
0x83: {  	_ =	shalt  }
0x84: {  	_ =	shalt  }
0x85: {  	_ =	shalt  }
0x86: {  	_ =	shalt  }
0x87: {  	_ =	shalt  }
.Lfunc_end0:
.L_simem_size_0:
called_computation_lowered:
.L_overlay_start_0:
0x88: {  	s2 =	sld [smem:$0x3FD9]  }
0x89: {  	s3 =	sld [smem:$0x3FFE];
	_ =	sdelay $0x1  }
0x8a: {  	s1 =	srdreg.scid  }
0x8b: {  	s0 =	sand.u32 $0x1, s1  }
0x8c: {  	s16 =	sshll.u32 s0, $0xA;
	s2 =	sadd.s32 s3, s2  }
0x8d: {  	s2 =	sadd.s32 s2, s16  }
0x8e: {  	[smem:$0x3FBB] =	sst s2  }
0x8f: {  	_ = 	snop  }
0x90: {  	(tm) =	ssettm $0x1  }
0x91: {  	s17 =	sld [smem:$0x3FFB];
	_ =	sdelay $0x3  }
0x92: {  	_ =	strace s17  }
0x93: {  	s2 =	sld [smem:$0x3FFC];
	_ =	sdelay $0x3  }
0x94: {  	_ =	strace s2  }
0x95: {  	s2 =	sld [smem:$0x3FFD];
	_ =	sdelay $0x3  }
0x96: {  	_ =	strace s2  }
0x97: {  	_ =	strace $0x8FFFFFFF  }
0x98: {  	s18 =	sld [smem:$0x3FDB];
	_ =	sdelay $0x1  }
0x99: {  	s19 =	simm.s32 $_scs_section_size  }
0x9a: {  	s4 =	simm.s32 $_size__tile_overlayer_lowered;
	s5 =	simm.s32 $_tile_overlayer_lowered  }
0x9b: {  	s22 =	simm.s32 $0x1BFF;
	s21 =	sshll.u32 s5, $0x1;
	s2 =	sadd.s32 s19, s18  }
0x9c: {  	s6 =	simm.s32 $0x0;
	s20 =	sshll.u32 s4, $0x1;
	s4 =	sadd.s32 s21, s2  }
0x9d: {  	[timem:s6], [sflag:s22] =	dma.local [hbm:s4], s20  }
0x9e: {  	_ =	swait.ge [sflag:s22], s20  }
0x9f: {  	s3 =	ssub.s32 $0x0, s20;
	[sflag:s22] =	ssyncset.done $0x0  }
0xa0: {  	[sflag:s22] =	ssyncadd.s32 s3;
	_ =	sdelay $0x1  }
0xa1: {  	s23 =	simm.s32 $0x1B8B  }
0xa2: {  	_ =	swait.ge [sflag:s23], $0x1  }
0xa3: {  	[sflag:s23] =	ssyncset.done $0x0  }
0xa4: {  	s25 =	simm.s32 $0x1B8E;
	s24 =	sld [smem:$0x3FFE];
	[sflag:s23] =	ssyncadd.s32 $0xFFFFFFFF  }
0xa5: {  	s26 =	simm.s32 $execute0_lowered;
	[smem:$0x3FD2] =	sst s25  }
0xa6: {  	s4 =	sshll.u32 s26, $0x1;
	_ =	strace $0x80000046;
	[dreg:$0x1] =	wrdreg $0xFFFFFFFF  }
0xa7: {  	s28 =	simm.s32 $_size_execute0_lowered;
	s2 =	sadd.s32 s2, s4;
	[dreg:$0x0] =	wrdreg $0x0  }
0xa8: {  	s4 =	sshll.u32 s28, $0x1;
	[dreg:$0x2] =	wrdreg s2  }
0xa9: {  	[dreg:$0x3] =	wrdreg s4  }
0xaa: {  	[dreg:$0x4] =	wrdreg $0xC0  }
0xab: {  	_ =	task [dreg:s6], $0x5FFFF  }
0xac: {  	[dreg:$0x1] =	wrdreg $0xFFFFFFFF  }
0xad: {  	[dreg:$0x0] =	wrdreg $0x60  }
0xae: {  	[dreg:$0x2] =	wrdreg s24  }
0xaf: {  	[dreg:$0x3] =	wrdreg $0x78000  }
0xb0: {  	[dreg:$0x4] =	wrdreg $0x9  }
0xb1: {  	_ =	task.clear_ibuf [dreg:s6], $0x5FFFF;
	_ =	strace $0x90000046  }
0xb2: {  	s29 =	simm.s32 $0x9;
	_ =	strace $0x80000048  }
0xb3: {  	_ =	swait.ge [sflag:s29], $0x1  }
0xb4: {  	[sflag:s29] =	ssyncadd.s32 $0xFFFFFFFF  }
0xb5: {  	_ =	strace $0x90000048  }
0xb6: {  	_ =	sfence  }
0xb7: {  	s30 =	sld [smem:$0x0];
	_ =	sdelay $0x2  }
0xb8: {  	s31 =	sshll.u32 s1, $0xD;
	s1 =	sshrl.u32 s1, $0x2  }
0xb9: {  	s3 =	sand.u32 $0x4000, s31;
	s1 =	sadd.s32 s1, s30  }
0xba: {  	s0 =	sor.u32 s3, s0;
	s1 =	sshll.u32 s1, $0x11  }
0xbb: {  	s0 =	sor.u32 s1, s0  }
0xbc: {  	s0 =	sadd.s32 $0x8F2B, s0  }
0xbd: {  	[sflag:s0] =	ssyncadd.remote.s32 $0x1  }
0xbe: {  	_ =	sfence.sel $0xFFFF  }
0xbf: {  	[dreg:$0x0] =	wrdreg $0xFFFFFFFF;
	(pc) =	sbr.abs _section_cstart, $3  }
0xc0: {  	[dreg:$0x1] =	wrdreg $0xFFFFFFFF  }
0xc1: {  	_ =	task.clear_ibuf [dreg:s6], $0x2FFFF;
	_ =	strace $0x9FFFFFFF  }
0xc2: {  	(tm) =	ssettm $0x7FFFFFFF  }
0xc3: {  	_ =	shalt  }
tec
execute0_lowered:
.L_overlay_start_1:
0x0: {  	(tag) =	ssettag $0x1  }
0x1: {  	s18 =	rddreg [dreg:$0x0]  }
0x2: {  	s2 =	rddreg [dreg:$0x1]  }
0x3: {  	s0 =	rddreg [dreg:$0x2];
	s1 =	stileid.u32  }
0x4: {  	s3 =	simm.s32 $0x0;
	s4 =	srdreg.scid;
	s20 =	smul.u32 $0x2800, s1  }
0x5: {  	[smem:$0x7FF] =	sst s3;
	s19 =	sand.u32 $0x1, s4;
	s4 =	sadd.s32 $0xEE00, s18  }
0x6: {  	s5 =	sshll.u32 s1, $0x6;
	_ =	strace $0x80000047;
	s6 =	sadd.s32 s20, s2  }
0x7: {  	s5 =	sor.u32 $0x1C01, s5;
	s7 =	sshrl.u32 s6, $0x3;
	s6 =	simm.s32 $0x1  }
0x8: {  	[spmem:s7], [sflag:s5] =	dma.local [hbm:s4], $0x500  }
0x9: {  	s8 =	sshll.u32 s19, $0x4;
	_ =	swait.ge [sflag:s6], $0x500  }
0xa: {  	s9 =	simm.s32 $0x2800;
	s8 =	sor.u32 s1, s8;
	[sflag:s6] =	ssyncset.done $0x0  }
0xb: {  	s10 =	smul.u32 $0x500, s8;
	s8 =	sadd.s32 $0xE400, s18;
	[sflag:s6] =	ssyncadd.s32 $0xFFFFFB00  }
0xc: {  	[tilespmem:s9], [sflag:$0x1] =	stream.linear.gather [hbm4b:s8+s3], $0x5000, $0x38;
	[tilespmem:$0xA000] =	vst v63  }
0xd: {  	_ =	swait.ge [sflag:s6], $0x5000  }
0xe: {  	s10 =	sadd.s32 s10, s18;
	[sflag:s6] =	ssyncset.done $0x0  }
0xf: {  	s10 =	sadd.s32 $0x4400, s10;
	[sflag:s6] =	ssyncadd.s32 $0xFFFFB000  }
0x10: {  	[tilespmem:s3], [sflag:$0x1] =	stream.linear.gather [hbm4b:s10+s3], $0x2800, $0x38;
	[tilespmem:$0xA000] =	vst v63  }
0x11: {  	_ =	swait.ge [sflag:s6], $0x2800  }
0x12: {  	[sflag:s6] =	ssyncset.done $0x0  }
0x13: {  	[sflag:s6] =	ssyncadd.s32 $0xFFFFD800  }
0x14: {  	s11 =	simm.s32 $0x500;
	[bflag:$0x0] =	sbarrier.arrive $0xFFFF  }
0x15: {  	[spmem:s2] =	stream.indirect.scatter.add.f32 [tilespmem:s9], [sflag:$0x1], $0x10, s3, s11, $0xb8;
	[tilespmem:$0xA000] =	vst v63  }
0x16: {  	_ =	swait.ge [sflag:s6], $0x5000  }
0x17: {  	[sflag:s6] =	ssyncset.done $0x0  }
0x18: {  	[sflag:s6] =	ssyncadd.s32 $0xFFFFB000  }
0x19: {  	[spmem:s2] =	stream.indirect.scatter.add.f32 [tilespmem:s9], [sflag:$0x1], $0x10, s11, s11, $0xb8;
	[tilespmem:$0xA000] =	vst v63  }
0x1a: {  	_ =	swait.ge [sflag:s6], $0x5000  }
0x1b: {  	[sflag:s6] =	ssyncset.done $0x0  }
0x1c: {  	s12 =	simm.s32 $0xA00;
	[sflag:s6] =	ssyncadd.s32 $0xFFFFB000  }
0x1d: {  	[spmem:s2] =	stream.indirect.scatter.add.f32 [tilespmem:s9], [sflag:$0x1], $0x10, s12, s11, $0xb8;
	[tilespmem:$0xA000] =	vst v63  }
0x1e: {  	_ =	swait.ge [sflag:s6], $0x5000  }
0x1f: {  	[sflag:s6] =	ssyncset.done $0x0  }
0x20: {  	s13 =	simm.s32 $0xF00;
	[sflag:s6] =	ssyncadd.s32 $0xFFFFB000  }
0x21: {  	[spmem:s2] =	stream.indirect.scatter.add.f32 [tilespmem:s9], [sflag:$0x1], $0x10, s13, s11, $0xb8;
	[tilespmem:$0xA000] =	vst v63  }
0x22: {  	_ =	swait.ge [sflag:s6], $0x5000  }
0x23: {  	[sflag:s6] =	ssyncset.done $0x0  }
0x24: {  	s14 =	simm.s32 $0x1400;
	[sflag:s6] =	ssyncadd.s32 $0xFFFFB000  }
0x25: {  	[spmem:s2] =	stream.indirect.scatter.add.f32 [tilespmem:s9], [sflag:$0x1], $0x10, s14, s11, $0xb8;
	[tilespmem:$0xA000] =	vst v63  }
0x26: {  	_ =	swait.ge [sflag:s6], $0x5000  }
0x27: {  	[sflag:s6] =	ssyncset.done $0x0  }
0x28: {  	s15 =	simm.s32 $0x1900;
	[sflag:s6] =	ssyncadd.s32 $0xFFFFB000  }
0x29: {  	[spmem:s2] =	stream.indirect.scatter.add.f32 [tilespmem:s9], [sflag:$0x1], $0x10, s15, s11, $0xb8;
	[tilespmem:$0xA000] =	vst v63  }
0x2a: {  	_ =	swait.ge [sflag:s6], $0x5000  }
0x2b: {  	[sflag:s6] =	ssyncset.done $0x0  }
0x2c: {  	s16 =	simm.s32 $0x1E00;
	[sflag:s6] =	ssyncadd.s32 $0xFFFFB000  }
0x2d: {  	[spmem:s2] =	stream.indirect.scatter.add.f32 [tilespmem:s9], [sflag:$0x1], $0x10, s16, s11, $0xb8;
	[tilespmem:$0xA000] =	vst v63  }
0x2e: {  	s21 =	smul.u32 $0x28000, s19;
	s19 =	ssub.s32 $0x2, s19;
	_ =	swait.ge [sflag:s6], $0x5000  }
0x2f: {  	s31 =	sshrl.u32 s19, $0x1;
	[sflag:s6] =	ssyncset.done $0x0  }
0x30: {  	s17 =	simm.s32 $0x2300;
	s19 =	ssub.s32 s19, s31;
	[sflag:s6] =	ssyncadd.s32 $0xFFFFB000  }
0x31: {  	[spmem:s2] =	stream.indirect.scatter.add.f32 [tilespmem:s9], [sflag:$0x1], $0x10, s17, s11, $0xb8;
	[tilespmem:$0xA000] =	vst v63  }
0x32: {  	s20 =	sadd.s32 s20, s21;
	s19 =	smax.u32 s19, $0x1;
	_ =	swait.ge [sflag:s6], $0x5000  }
0x33: {  	s20 =	sshrl.u32 s20, $0x3;
	p0 =	sne.s32 s19, $0x1;
	[sflag:s6] =	ssyncset.done $0x0  }
.Ltmp0:
0x34: {  	s18 =	sadd.s32 s20, s18;
	[sflag:s6] =	ssyncadd.s32 $0xFFFFB000;
	(pc) =	sbr.rel @!p0 .LBB2_2-.Ltmp0, $4  }
0x35: {  	s18 =	sadd.s32 $0xF400, s18;
	[bflag:$0x0] =	sbarrier.arrive $0xFFFF  }
0x36: {  	[hbm:s18], [sflag:s5] =	dma.local [spmem:s7], $0x500  }
0x37: {  	_ =	swait.ge [sflag:s6], $0x500  }
0x38: {  	s19 =	sadd.s32 $0xFFFFFFFF, s19;
	[sflag:s6] =	ssyncset.done $0x0  }
.LBB2_1:
0x39: {  	p0 =	sne.s32 s19, $0x1;
	s19 =	sadd.s32 $0xFFFFFFFF, s19;
	[sflag:s6] =	ssyncadd.s32 $0xFFFFFB00  }
0x3a: {  	[spmem:s7], [sflag:s5] =	dma.local [hbm:s4], $0x500  }
0x3b: {  	_ =	swait.ge [sflag:s6], $0x500  }
0x3c: {  	[sflag:s6] =	ssyncset.done $0x0  }
0x3d: {  	[sflag:s6] =	ssyncadd.s32 $0xFFFFFB00  }
0x3e: {  	[tilespmem:s9], [sflag:$0x1] =	stream.linear.gather [hbm4b:s8+s3], $0x5000, $0x38;
	[tilespmem:$0xA000] =	vst v63  }
0x3f: {  	_ =	swait.ge [sflag:s6], $0x5000  }
0x40: {  	[sflag:s6] =	ssyncset.done $0x0  }
0x41: {  	[sflag:s6] =	ssyncadd.s32 $0xFFFFB000  }
0x42: {  	[tilespmem:s3], [sflag:$0x1] =	stream.linear.gather [hbm4b:s10+s3], $0x2800, $0x38;
	[tilespmem:$0xA000] =	vst v63  }
0x43: {  	_ =	swait.ge [sflag:s6], $0x2800  }
0x44: {  	[sflag:s6] =	ssyncset.done $0x0  }
0x45: {  	[sflag:s6] =	ssyncadd.s32 $0xFFFFD800  }
0x46: {  	[bflag:$0x0] =	sbarrier.arrive $0xFFFF  }
0x47: {  	[spmem:s2] =	stream.indirect.scatter.add.f32 [tilespmem:s9], [sflag:$0x1], $0x10, s3, s11, $0xb8;
	[tilespmem:$0xA000] =	vst v63  }
0x48: {  	_ =	swait.ge [sflag:s6], $0x5000  }
0x49: {  	[sflag:s6] =	ssyncset.done $0x0  }
0x4a: {  	[sflag:s6] =	ssyncadd.s32 $0xFFFFB000  }
0x4b: {  	[spmem:s2] =	stream.indirect.scatter.add.f32 [tilespmem:s9], [sflag:$0x1], $0x10, s11, s11, $0xb8;
	[tilespmem:$0xA000] =	vst v63  }
0x4c: {  	_ =	swait.ge [sflag:s6], $0x5000  }
0x4d: {  	[sflag:s6] =	ssyncset.done $0x0  }
0x4e: {  	[sflag:s6] =	ssyncadd.s32 $0xFFFFB000  }
0x4f: {  	[spmem:s2] =	stream.indirect.scatter.add.f32 [tilespmem:s9], [sflag:$0x1], $0x10, s12, s11, $0xb8;
	[tilespmem:$0xA000] =	vst v63  }
0x50: {  	_ =	swait.ge [sflag:s6], $0x5000  }
0x51: {  	[sflag:s6] =	ssyncset.done $0x0  }
0x52: {  	[sflag:s6] =	ssyncadd.s32 $0xFFFFB000  }
0x53: {  	[spmem:s2] =	stream.indirect.scatter.add.f32 [tilespmem:s9], [sflag:$0x1], $0x10, s13, s11, $0xb8;
	[tilespmem:$0xA000] =	vst v63  }
0x54: {  	_ =	swait.ge [sflag:s6], $0x5000  }
0x55: {  	[sflag:s6] =	ssyncset.done $0x0  }
0x56: {  	[sflag:s6] =	ssyncadd.s32 $0xFFFFB000  }
0x57: {  	[spmem:s2] =	stream.indirect.scatter.add.f32 [tilespmem:s9], [sflag:$0x1], $0x10, s14, s11, $0xb8;
	[tilespmem:$0xA000] =	vst v63  }
0x58: {  	_ =	swait.ge [sflag:s6], $0x5000  }
0x59: {  	[sflag:s6] =	ssyncset.done $0x0  }
0x5a: {  	[sflag:s6] =	ssyncadd.s32 $0xFFFFB000  }
0x5b: {  	[spmem:s2] =	stream.indirect.scatter.add.f32 [tilespmem:s9], [sflag:$0x1], $0x10, s15, s11, $0xb8;
	[tilespmem:$0xA000] =	vst v63  }
0x5c: {  	_ =	swait.ge [sflag:s6], $0x5000  }
0x5d: {  	[sflag:s6] =	ssyncset.done $0x0  }
0x5e: {  	[sflag:s6] =	ssyncadd.s32 $0xFFFFB000  }
0x5f: {  	[spmem:s2] =	stream.indirect.scatter.add.f32 [tilespmem:s9], [sflag:$0x1], $0x10, s16, s11, $0xb8;
	[tilespmem:$0xA000] =	vst v63  }
0x60: {  	_ =	swait.ge [sflag:s6], $0x5000  }
0x61: {  	[sflag:s6] =	ssyncset.done $0x0  }
0x62: {  	[sflag:s6] =	ssyncadd.s32 $0xFFFFB000  }
0x63: {  	[spmem:s2] =	stream.indirect.scatter.add.f32 [tilespmem:s9], [sflag:$0x1], $0x10, s17, s11, $0xb8;
	[tilespmem:$0xA000] =	vst v63  }
0x64: {  	_ =	swait.ge [sflag:s6], $0x5000  }
0x65: {  	[sflag:s6] =	ssyncset.done $0x0  }
.Ltmp1:
0x66: {  	[sflag:s6] =	ssyncadd.s32 $0xFFFFB000;
	(pc) =	sbr.rel @p0 .LBB2_1-.Ltmp1, $4  }
0x67: {  	[bflag:$0x0] =	sbarrier.arrive $0xFFFF  }
0x68: {  	[hbm:s18], [sflag:s5] =	dma.local [spmem:s7], $0x500  }
0x69: {  	_ =	swait.ge [sflag:s6], $0x500  }
0x6a: {  	[sflag:s6] =	ssyncset.done $0x0  }
.LBB2_2:
0x6b: {  	[sflag:s6] =	ssyncadd.s32 $0xFFFFFB00  }
0x6c: {  	_ =	sfence.sel $0x180000  }
0x6d: {  	[bflag:$0x0] =	sbarrier.arrive $0xFFFF  }
0x6e: {  	p0 =	sne.s32 s1, $0x0;
	_ =	strace $0x90000047  }
0x6f: {  	s0 =	sadd.s32 @!p0 $0x100000, s0;
	[bflag:$0x2] =	sbarrier.arrive $0xFFFF  }
0x70: {  	[sflag:s0] =	ssyncadd.tile.s32 @!p0 $0x1;
	_ =	shalt  }
.Lfunc_end2:
_tile_overlayer_lowered:
.L_overlay_start_2:
0x71: {  	(tag) =	ssettag $0x2  }
0x72: {  	s0 =	rddreg [dreg:$0x0];
	s2 =	stileid.u32  }
0x73: {  	s1 =	rddreg [dreg:$0x1];
	p0 =	sne.s32 s2, $0x0  }
0x74: {  	s3 =	rddreg [dreg:$0x2];
	[bflag:$0x3] =	sbarrier.arrive $0xFFFF;
	s2 =	simm.s32 @!p0 $0x1C01  }
0x75: {  	[timem:s3], [sflag:s2] =	dma.local @!p0 [hbm:s0], s1  }
0x76: {  	s0 =	simm.s32 @!p0 $0x1  }
0x77: {  	_ =	swait.ge @!p0 [sflag:s0], s1  }
0x78: {  	s1 =	ssub.s32 @!p0 $0x0, s1;
	[sflag:s0] =	ssyncset.done @!p0 $0x0  }
0x79: {  	[sflag:s0] =	ssyncadd.s32 @!p0 s1  }
0x7a: {  	[bflag:$0x3] =	sbarrier.arrive $0xFFFF  }
0x7b: {  	_ =	shalt  }

// kernel: kernel.15.cloned.1.call-start
scs
__scs_entry_jumppad:
0x0: {  	(pc) =	sbr.rel $0x88, $3  }
0x1: {  	(tag) =	ssettag $0x0;
	lr =	simm.s32 $0x1  }
0x2: {  	[smem:$0x3F94] =	sst lr;
	_ =	strace $0xD0000000  }
0x3: {  	_ = 	snop  }
0x4: {  	_ = 	snop  }
0x5: {  	_ = 	snop  }
0x6: {  	_ = 	snop  }
0x7: {  	_ = 	snop  }
__scs_overlays_trampoline_lowered:
0x8: {  	[smem:$0x3FA3] =	sst s0  }
0x9: {  	[smem:$0x3FA4] =	sst s1  }
0xa: {  	[smem:$0x3FA5] =	sst s2  }
0xb: {  	[smem:$0x3FA6] =	sst s3  }
0xc: {  	[smem:$0x3FA7] =	sst s4  }
0xd: {  	[smem:$0x3FA8] =	sst s5  }
0xe: {  	[smem:$0x3FA9] =	sst s6  }
0xf: {  	[smem:$0x3FAA] =	sst s7  }
0x10: {  	[smem:$0x3FAB] =	sst s8  }
0x11: {  	[smem:$0x3FAC] =	sst s9;
	s0 =	simm.s32 @!p0 $0x0  }
0x12: {  	s1 =	sld [smem:$0x3F92];
	s0 =	simm.s32 @p0 $0x1  }
0x13: {  	[smem:$0x3FAD] =	sst s0;
	s0 =	simm.s32 @!p1 $0x0  }
0x14: {  	s2 =	sld [smem:$0x3F91];
	s0 =	simm.s32 @p1 $0x1  }
0x15: {  	[smem:$0x3FAE] =	sst s0;
	s0 =	simm.s32 @!p2 $0x0  }
0x16: {  	s3 =	sld [smem:$0x3FDB];
	s0 =	simm.s32 @p2 $0x1  }
0x17: {  	s4 =	simm.s32 $0x1BF5;
	[smem:$0x3FB0] =	sst s0  }
0x18: {  	s0 =	sld [smem:$0x3F93];
	_ =	swait.ge [sflag:s4], $0x0  }
0x19: {  	s7 =	sld [smem:$0x3F94]  }
0x1a: {  	s8 =	sadd.s32 $0xFFFFE003, lr  }
0x1b: {  	s9 =	sadd.s32 $0xFFFFFEF7, lr;
	s5 =	simm.s32 $0xFFFFFFFF;
	p2 =	slt.u32 s8, $0xFFFFF086  }
0x1c: {  	p1 =	slt.u32 s9, $0xF7A;
	s5 =	simm.s32 @!p2 $0x0  }
0x1d: {  	s5 =	simm.s32 @p1 $0x1;
	p0 =	seq.s32 s7, s2  }
0x1e: {  	s7 =	smul.u32 @!p0 $0xF7A, s2;
	p2 =	seq.s32 @!p0 s5, $0x0  }
0x1f: {  	s9 =	smul.u32 $0xF7A, s1;
	s8 =	simm.s32 @!p0 $0x1BF5;
	p2 =	por !p2, p0  }
0x20: {  	[sflag:s8] =	ssyncset.s32 @!p0 $0xFFFFF086;
	s6 =	sadd.s32 @!p0 s3, s7;
	s7 =	simm.s32 @!p0 $0x108  }
0x21: {  	s3 =	sadd.s32 s3, s9;
	s6 =	sadd.s32 @!p0 $0x88, s6;
	s7 =	simm.s32 @p2 $0x1082  }
0x22: {  	[simem:s7], [sflag:s8] =	dma.local @!p0 [hbm:s6], $0xF7A  }
0x23: {  	s9 =	sor.u32 $0xD0000000, s2;
	s6 =	simm.s32 $0x108;
	_ =	swait.ge @!p0 [sflag:s8], $0x0  }
0x24: {  	s3 =	sadd.s32 $0x88, s3;
	s6 =	simm.s32 @!p1 $0x1082;
	[sflag:s4] =	ssyncset.s32 $0xFFFFF086  }
0x25: {  	[simem:s6], [sflag:s4] =	dma.local [hbm:s3], $0xF7A  }
0x26: {  	[smem:$0x3F94] =	sst s1;
	(tag) =	ssettag s2;
	_ =	strace s9  }
0x27: {  	s1 =	sld [smem:$0x3FA4]  }
0x28: {  	s2 =	sld [smem:$0x3FA5]  }
0x29: {  	s4 =	sld [smem:$0x3FA7]  }
0x2a: {  	p0 =	seq.s32 s5, $0x0;
	s5 =	sld [smem:$0x3FA8]  }
0x2b: {  	s6 =	sld [smem:$0x3FA9]  }
0x2c: {  	s7 =	sld [smem:$0x3FAA]  }
0x2d: {  	s3 =	simm.s32 $0x108;
	s8 =	sld [smem:$0x3FAB]  }
0x2e: {  	s3 =	simm.s32 @!p0 $0x1082;
	s9 =	sld [smem:$0x3FAC]  }
0x2f: {  	lr =	sadd.s32 s0, s3;
	s0 =	sld [smem:$0x3FA3]  }
0x30: {  	s3 =	sld [smem:$0x3FA6]  }
0x31: {  	[smem:$0x3FAF] =	sst s10  }
0x32: {  	s10 =	sld [smem:$0x3FAD];
	_ =	sdelay $0x3  }
0x33: {  	p0 =	seq.s32 s10, $0x1;
	s10 =	sld [smem:$0x3FAF];
	_ =	sdelay $0x3  }
0x34: {  	[smem:$0x3FAF] =	sst s10  }
0x35: {  	s10 =	sld [smem:$0x3FAE];
	_ =	sdelay $0x3  }
0x36: {  	p1 =	seq.s32 s10, $0x1;
	s10 =	sld [smem:$0x3FAF];
	_ =	sdelay $0x3  }
0x37: {  	[smem:$0x3FAF] =	sst s10  }
0x38: {  	s10 =	sld [smem:$0x3FB0]  }
0x39: {  	_ = 	snop;
	(pc) =	sbr.ind lr, $3  }
0x3a: {  	_ = 	snop  }
0x3b: {  	_ = 	snop  }
0x3c: {  	p2 =	seq.s32 s10, $0x1;
	s10 =	sld [smem:$0x3FAF]  }
0x3d: {  	_ =	shalt  }
0x3e: {  	_ =	shalt  }
0x3f: {  	_ =	shalt  }
0x40: {  	_ =	shalt  }
0x41: {  	_ =	shalt  }
0x42: {  	_ =	shalt  }
0x43: {  	_ =	shalt  }
0x44: {  	_ =	shalt  }
0x45: {  	_ =	shalt  }
0x46: {  	_ =	shalt  }
0x47: {  	_ =	shalt  }
0x48: {  	_ =	shalt  }
0x49: {  	_ =	shalt  }
0x4a: {  	_ =	shalt  }
0x4b: {  	_ =	shalt  }
0x4c: {  	_ =	shalt  }
0x4d: {  	_ =	shalt  }
0x4e: {  	_ =	shalt  }
0x4f: {  	_ =	shalt  }
0x50: {  	_ =	shalt  }
0x51: {  	_ =	shalt  }
0x52: {  	_ =	shalt  }
0x53: {  	_ =	shalt  }
0x54: {  	_ =	shalt  }
0x55: {  	_ =	shalt  }
0x56: {  	_ =	shalt  }
0x57: {  	_ =	shalt  }
0x58: {  	_ =	shalt  }
0x59: {  	_ =	shalt  }
0x5a: {  	_ =	shalt  }
0x5b: {  	_ =	shalt  }
0x5c: {  	_ =	shalt  }
0x5d: {  	_ =	shalt  }
0x5e: {  	_ =	shalt  }
0x5f: {  	_ =	shalt  }
0x60: {  	_ =	shalt  }
0x61: {  	_ =	shalt  }
0x62: {  	_ =	shalt  }
0x63: {  	_ =	shalt  }
0x64: {  	_ =	shalt  }
0x65: {  	_ =	shalt  }
0x66: {  	_ =	shalt  }
0x67: {  	_ =	shalt  }
0x68: {  	_ =	shalt  }
0x69: {  	_ =	shalt  }
0x6a: {  	_ =	shalt  }
0x6b: {  	_ =	shalt  }
0x6c: {  	_ =	shalt  }
0x6d: {  	_ =	shalt  }
0x6e: {  	_ =	shalt  }
0x6f: {  	_ =	shalt  }
0x70: {  	_ =	shalt  }
0x71: {  	_ =	shalt  }
0x72: {  	_ =	shalt  }
0x73: {  	_ =	shalt  }
0x74: {  	_ =	shalt  }
0x75: {  	_ =	shalt  }
0x76: {  	_ =	shalt  }
0x77: {  	_ =	shalt  }
0x78: {  	_ =	shalt  }
0x79: {  	_ =	shalt  }
0x7a: {  	_ =	shalt  }
0x7b: {  	_ =	shalt  }
0x7c: {  	_ =	shalt  }
0x7d: {  	_ =	shalt  }
0x7e: {  	_ =	shalt  }
0x7f: {  	_ =	shalt  }
0x80: {  	_ =	shalt  }
0x81: {  	_ =	shalt  }
0x82: {  	_ =	shalt  }
0x83: {  	_ =	shalt  }
0x84: {  	_ =	shalt  }
0x85: {  	_ =	shalt  }
0x86: {  	_ =	shalt  }
0x87: {  	_ =	shalt  }
.Lfunc_end0:
.L_simem_size_0:
called_computation.1_lowered:
.L_overlay_start_0:
0x88: {  	s2 =	sld [smem:$0x3FD9]  }
0x89: {  	s3 =	sld [smem:$0x3FFE];
	_ =	sdelay $0x1  }
0x8a: {  	s1 =	srdreg.scid  }
0x8b: {  	s0 =	sand.u32 $0x1, s1  }
0x8c: {  	s16 =	sshll.u32 s0, $0xA;
	s2 =	sadd.s32 s3, s2  }
0x8d: {  	s2 =	sadd.s32 s2, s16  }
0x8e: {  	[smem:$0x3FBB] =	sst s2  }
0x8f: {  	_ = 	snop  }
0x90: {  	(tm) =	ssettm $0x1  }
0x91: {  	s17 =	sld [smem:$0x3FFB];
	_ =	sdelay $0x3  }
0x92: {  	_ =	strace s17  }
0x93: {  	s2 =	sld [smem:$0x3FFC];
	_ =	sdelay $0x3  }
0x94: {  	_ =	strace s2  }
0x95: {  	s2 =	sld [smem:$0x3FFD];
	_ =	sdelay $0x3  }
0x96: {  	_ =	strace s2  }
0x97: {  	_ =	strace $0x8FFFFFFF  }
0x98: {  	s18 =	sld [smem:$0x3FDB];
	_ =	sdelay $0x1  }
0x99: {  	s19 =	simm.s32 $_scs_section_size  }
0x9a: {  	s4 =	simm.s32 $_size__tile_overlayer_lowered;
	s5 =	simm.s32 $_tile_overlayer_lowered  }
0x9b: {  	s22 =	simm.s32 $0x1BFF;
	s21 =	sshll.u32 s5, $0x1;
	s2 =	sadd.s32 s19, s18  }
0x9c: {  	s6 =	simm.s32 $0x0;
	s20 =	sshll.u32 s4, $0x1;
	s4 =	sadd.s32 s21, s2  }
0x9d: {  	[timem:s6], [sflag:s22] =	dma.local [hbm:s4], s20  }
0x9e: {  	_ =	swait.ge [sflag:s22], s20  }
0x9f: {  	s3 =	ssub.s32 $0x0, s20;
	[sflag:s22] =	ssyncset.done $0x0  }
0xa0: {  	[sflag:s22] =	ssyncadd.s32 s3;
	_ =	sdelay $0x1  }
0xa1: {  	s23 =	simm.s32 $0x1B8B  }
0xa2: {  	_ =	swait.ge [sflag:s23], $0x1  }
0xa3: {  	[sflag:s23] =	ssyncset.done $0x0  }
0xa4: {  	s25 =	simm.s32 $0x1B8E;
	s24 =	sld [smem:$0x3FFE];
	[sflag:s23] =	ssyncadd.s32 $0xFFFFFFFF  }
0xa5: {  	s26 =	simm.s32 $execute0_lowered;
	[smem:$0x3FD2] =	sst s25  }
0xa6: {  	s4 =	sshll.u32 s26, $0x1;
	_ =	strace $0x80000049;
	[dreg:$0x1] =	wrdreg $0xFFFFFFFF  }
0xa7: {  	s28 =	simm.s32 $_size_execute0_lowered;
	s2 =	sadd.s32 s2, s4;
	[dreg:$0x0] =	wrdreg $0x0  }
0xa8: {  	s4 =	sshll.u32 s28, $0x1;
	[dreg:$0x2] =	wrdreg s2  }
0xa9: {  	[dreg:$0x3] =	wrdreg s4  }
0xaa: {  	[dreg:$0x4] =	wrdreg $0xC0  }
0xab: {  	_ =	task [dreg:s6], $0x5FFFF  }
0xac: {  	[dreg:$0x1] =	wrdreg $0xFFFFFFFF  }
0xad: {  	[dreg:$0x0] =	wrdreg $0x60  }
0xae: {  	[dreg:$0x2] =	wrdreg s24  }
0xaf: {  	[dreg:$0x3] =	wrdreg $0x190000  }
0xb0: {  	[dreg:$0x4] =	wrdreg $0x9  }
0xb1: {  	_ =	task.clear_ibuf [dreg:s6], $0x5FFFF;
	_ =	strace $0x90000049  }
0xb2: {  	s29 =	simm.s32 $0x9;
	_ =	strace $0x8000004B  }
0xb3: {  	_ =	swait.ge [sflag:s29], $0x1  }
0xb4: {  	[sflag:s29] =	ssyncadd.s32 $0xFFFFFFFF  }
0xb5: {  	_ =	strace $0x9000004B  }
0xb6: {  	_ =	sfence  }
0xb7: {  	s30 =	sld [smem:$0x0];
	_ =	sdelay $0x2  }
0xb8: {  	s31 =	sshll.u32 s1, $0xD;
	s1 =	sshrl.u32 s1, $0x2  }
0xb9: {  	s3 =	sand.u32 $0x4000, s31;
	s1 =	sadd.s32 s1, s30  }
0xba: {  	s0 =	sor.u32 s3, s0;
	s1 =	sshll.u32 s1, $0x11  }
0xbb: {  	s0 =	sor.u32 s1, s0  }
0xbc: {  	s0 =	sadd.s32 $0x8F2B, s0  }
0xbd: {  	[sflag:s0] =	ssyncadd.remote.s32 $0x1  }
0xbe: {  	_ =	sfence.sel $0xFFFF  }
0xbf: {  	[dreg:$0x0] =	wrdreg $0xFFFFFFFF;
	(pc) =	sbr.abs _section_cstart, $3  }
0xc0: {  	[dreg:$0x1] =	wrdreg $0xFFFFFFFF  }
0xc1: {  	_ =	task.clear_ibuf [dreg:s6], $0x2FFFF;
	_ =	strace $0x9FFFFFFF  }
0xc2: {  	(tm) =	ssettm $0x7FFFFFFF  }
0xc3: {  	_ =	shalt  }
tec
execute0_lowered:
.L_overlay_start_1:
0x0: {  	(tag) =	ssettag $0x1  }
0x1: {  	s1 =	srdreg.scid  }
0x2: {  	s31 =	sand.u32 $0x1, s1  }
0x3: {  	s0 =	stileid.u32;
	s1 =	sshll.u32 s31, $0x4  }
0x4: {  	s9 =	rddreg [dreg:$0x0];
	s1 =	sor.u32 s0, s1  }
0x5: {  	s2 =	rddreg [dreg:$0x1];
	s3 =	simm.s32 $0x0;
	s4 =	smul.u32 $0x500, s1  }
0x6: {  	[smem:$0x7FF] =	sst s3;
	s5 =	sadd.s32 $0x23400, s9;
	s1 =	smul.u32 $0xA000, s0  }
0x7: {  	s25 =	sshll.u32 s0, $0x6;
	_ =	strace $0x8000004A;
	[dreg:$0x3] =	wrdreg s5  }
0x8: {  	s5 =	simm.s32 $0x5;
	s7 =	sadd.s32 s4, s9;
	s24 =	sshrl.u32 s1, $0x1  }
0x9: {  	s8 =	rddreg [dreg:$0x3];
	s6 =	sadd.s32 s24, s2;
	s26 =	sadd.s32 $0x19400, s7  }
0xa: {  	s4 =	sor.u32 $0x1C05, s25;
	[dreg:$0x4] =	wrdreg s26;
	s6 =	sshrl.u32 s6, $0x3  }
0xb: {  	[spmem:s6], [sflag:s4] =	dma.local [hbm:s8], $0xA00  }
0xc: {  	_ =	swait.ge [sflag:s5], $0xA00  }
0xd: {  	[sflag:s5] =	ssyncset.done $0x0  }
0xe: {  	s0 =	rddreg [dreg:$0x4];
	[sflag:s5] =	ssyncadd.s32 $0xFFFFF600  }
0xf: {  	[tilespmem:s3], [sflag:$0x5] =	stream.linear.gather [hbm4b:s0+s3], $0x2800, $0x38;
	[tilespmem:$0x1E000] =	vst v63  }
0x10: {  	_ =	swait.ge [sflag:s5], $0x2800  }
0x11: {  	[sflag:s5] =	ssyncset.done $0x0  }
0x12: {  	s7 =	sadd.s32 $0x4400, s7;
	s8 =	simm.s32 $0x2800;
	[sflag:s5] =	ssyncadd.s32 $0xFFFFD800  }
0x13: {  	[tilespmem:s8], [sflag:$0x5] =	stream.linear.gather [hbm4b:s7+s3], $0x2800, $0x38;
	[tilespmem:$0x1E000] =	vst v63  }
0x14: {  	_ =	swait.ge [sflag:s5], $0x2800  }
0x15: {  	[sflag:s5] =	ssyncset.done $0x0  }
0x16: {  	s10 =	simm.s32 $0x500;
	s11 =	simm.s32 $0x5000;
	[sflag:s5] =	ssyncadd.s32 $0xFFFFD800  }
0x17: {  	s12 =	simm.s32 $0x1;
	s9 =	sadd.s32 $0xE400, s9;
	[bflag:$0x0] =	sbarrier.arrive $0xFFFF  }
0x18: {  	[tilespmem:s11], [sflag:$0x1] =	stream.indirect.gather [hbm4b:s9+s10], $0x20, s3, s10, $0xb8;
	[tilespmem:$0x1E000] =	vst v63  }
0x19: {  	_ =	swait.ge [sflag:s12], $0xA000  }
0x1a: {  	[sflag:s12] =	ssyncset.done $0x0  }
0x1b: {  	s13 =	simm.s32 $0xF000;
	[sflag:s12] =	ssyncadd.s32 $0xFFFF6000  }
0x1c: {  	[tilespmem:s13], [sflag:$0x2] =	stream.indirect.gather [hbm4b:s9+s10], $0x20, s10, s10, $0xb8;
	[tilespmem:$0x1E000] =	vst v63  }
0x1d: {  	s14 =	simm.s32 $0x2  }
0x1e: {  	[spmem:s2] =	stream.indirect.scatter.add.bf16 [tilespmem:s11], [sflag:$0x3], $0x20, s8, s10, $0xb8;
	[tilespmem:$0x1E000] =	vst v63  }
0x1f: {  	_ =	swait.ge [sflag:s14], $0xA000  }
0x20: {  	[sflag:s14] =	ssyncset.done $0x0  }
0x21: {  	s15 =	simm.s32 $0x3;
	[sflag:s14] =	ssyncadd.s32 $0xFFFF6000  }
0x22: {  	_ =	swait.ge [sflag:s15], $0xA000  }
0x23: {  	[sflag:s15] =	ssyncset.done $0x0  }
0x24: {  	s16 =	simm.s32 $0xA00;
	[sflag:s15] =	ssyncadd.s32 $0xFFFF6000  }
0x25: {  	[tilespmem:s11], [sflag:$0x1] =	stream.indirect.gather [hbm4b:s9+s10], $0x20, s16, s10, $0xb8;
	[tilespmem:$0x1E000] =	vst v63  }
0x26: {  	s17 =	simm.s32 $0x2D00  }
0x27: {  	[spmem:s2] =	stream.indirect.scatter.add.bf16 [tilespmem:s13], [sflag:$0x4], $0x20, s17, s10, $0xb8;
	[tilespmem:$0x1E000] =	vst v63  }
0x28: {  	_ =	swait.ge [sflag:s12], $0xA000  }
0x29: {  	[sflag:s12] =	ssyncset.done $0x0  }
0x2a: {  	s18 =	simm.s32 $0x4;
	[sflag:s12] =	ssyncadd.s32 $0xFFFF6000  }
0x2b: {  	_ =	swait.ge [sflag:s18], $0xA000  }
0x2c: {  	[sflag:s18] =	ssyncset.done $0x0  }
0x2d: {  	s19 =	simm.s32 $0xF00;
	[sflag:s18] =	ssyncadd.s32 $0xFFFF6000  }
0x2e: {  	[tilespmem:s13], [sflag:$0x2] =	stream.indirect.gather [hbm4b:s9+s10], $0x20, s19, s10, $0xb8;
	[tilespmem:$0x1E000] =	vst v63  }
0x2f: {  	s20 =	simm.s32 $0x3200  }
0x30: {  	[spmem:s2] =	stream.indirect.scatter.add.bf16 [tilespmem:s11], [sflag:$0x3], $0x20, s20, s10, $0xb8;
	[tilespmem:$0x1E000] =	vst v63  }
0x31: {  	_ =	swait.ge [sflag:s14], $0xA000  }
0x32: {  	[sflag:s14] =	ssyncset.done $0x0  }
0x33: {  	[sflag:s14] =	ssyncadd.s32 $0xFFFF6000  }
0x34: {  	_ =	swait.ge [sflag:s15], $0xA000  }
0x35: {  	[sflag:s15] =	ssyncset.done $0x0  }
0x36: {  	s21 =	simm.s32 $0x1400;
	[sflag:s15] =	ssyncadd.s32 $0xFFFF6000  }
0x37: {  	[tilespmem:s11], [sflag:$0x1] =	stream.indirect.gather [hbm4b:s9+s10], $0x20, s21, s10, $0xb8;
	[tilespmem:$0x1E000] =	vst v63  }
0x38: {  	s22 =	simm.s32 $0x3700  }
0x39: {  	[spmem:s2] =	stream.indirect.scatter.add.bf16 [tilespmem:s13], [sflag:$0x4], $0x20, s22, s10, $0xb8;
	[tilespmem:$0x1E000] =	vst v63  }
0x3a: {  	_ =	swait.ge [sflag:s12], $0xA000  }
0x3b: {  	[sflag:s12] =	ssyncset.done $0x0  }
0x3c: {  	[sflag:s12] =	ssyncadd.s32 $0xFFFF6000  }
0x3d: {  	_ =	swait.ge [sflag:s18], $0xA000  }
0x3e: {  	[sflag:s18] =	ssyncset.done $0x0  }
0x3f: {  	s23 =	simm.s32 $0x1900;
	[sflag:s18] =	ssyncadd.s32 $0xFFFF6000  }
0x40: {  	[tilespmem:s13], [sflag:$0x2] =	stream.indirect.gather [hbm4b:s9+s10], $0x20, s23, s10, $0xb8;
	[tilespmem:$0x1E000] =	vst v63  }
0x41: {  	s24 =	simm.s32 $0x3C00  }
0x42: {  	[spmem:s2] =	stream.indirect.scatter.add.bf16 [tilespmem:s11], [sflag:$0x3], $0x20, s24, s10, $0xb8;
	[tilespmem:$0x1E000] =	vst v63  }
0x43: {  	_ =	swait.ge [sflag:s14], $0xA000  }
0x44: {  	[sflag:s14] =	ssyncset.done $0x0  }
0x45: {  	[sflag:s14] =	ssyncadd.s32 $0xFFFF6000  }
0x46: {  	_ =	swait.ge [sflag:s15], $0xA000  }
0x47: {  	[sflag:s15] =	ssyncset.done $0x0  }
0x48: {  	s25 =	simm.s32 $0x1E00;
	[sflag:s15] =	ssyncadd.s32 $0xFFFF6000  }
0x49: {  	[tilespmem:s11], [sflag:$0x1] =	stream.indirect.gather [hbm4b:s9+s10], $0x20, s25, s10, $0xb8;
	[tilespmem:$0x1E000] =	vst v63  }
0x4a: {  	s26 =	simm.s32 $0x4100  }
0x4b: {  	[spmem:s2] =	stream.indirect.scatter.add.bf16 [tilespmem:s13], [sflag:$0x4], $0x20, s26, s10, $0xb8;
	[tilespmem:$0x1E000] =	vst v63  }
0x4c: {  	_ =	swait.ge [sflag:s12], $0xA000  }
0x4d: {  	[sflag:s12] =	ssyncset.done $0x0  }
0x4e: {  	[sflag:s12] =	ssyncadd.s32 $0xFFFF6000  }
0x4f: {  	_ =	swait.ge [sflag:s18], $0xA000  }
0x50: {  	[sflag:s18] =	ssyncset.done $0x0  }
0x51: {  	s28 =	simm.s32 $0x2300;
	[sflag:s18] =	ssyncadd.s32 $0xFFFF6000  }
0x52: {  	[tilespmem:s13], [sflag:$0x2] =	stream.indirect.gather [hbm4b:s9+s10], $0x20, s28, s10, $0xb8;
	[tilespmem:$0x1E000] =	vst v63  }
0x53: {  	s29 =	simm.s32 $0x4600  }
0x54: {  	[spmem:s2] =	stream.indirect.scatter.add.bf16 [tilespmem:s11], [sflag:$0x3], $0x20, s29, s10, $0xb8;
	[tilespmem:$0x1E000] =	vst v63  }
0x55: {  	_ =	swait.ge [sflag:s14], $0xA000  }
0x56: {  	[sflag:s14] =	ssyncset.done $0x0  }
0x57: {  	s30 =	simm.s32 $0x4B00;
	s0 =	smul.u32 $0xA0000, s31;
	[sflag:s14] =	ssyncadd.s32 $0xFFFF6000  }
0x58: {  	[spmem:s2] =	stream.indirect.scatter.add.bf16 [tilespmem:s13], [sflag:$0x4], $0x20, s30, s10, $0xb8;
	[tilespmem:$0x1E000] =	vst v63  }
0x59: {  	_ =	swait.ge [sflag:s15], $0xA000  }
0x5a: {  	s0 =	sadd.s32 s1, s0;
	[sflag:s15] =	ssyncset.done $0x0  }
0x5b: {  	s1 =	ssub.s32 $0x2, s31;
	s0 =	sshrl.u32 s0, $0x4;
	[sflag:s15] =	ssyncadd.s32 $0xFFFF6000  }
0x5c: {  	_ =	swait.ge [sflag:s18], $0xA000;
	[dreg:$0x5] =	wrdreg s0;
	s0 =	sshrl.u32 s1, $0x1  }
0x5d: {  	[dreg:$0x6] =	wrdreg s0  }
0x5e: {  	[sflag:s18] =	ssyncset.done $0x0;
	s31 =	rddreg [dreg:$0x5]  }
0x5f: {  	s0 =	rddreg [dreg:$0x0]  }
0x60: {  	s0 =	sadd.s32 s31, s0;
	s31 =	rddreg [dreg:$0x6]  }
0x61: {  	s1 =	ssub.s32 s1, s31  }
0x62: {  	s1 =	smax.u32 s1, $0x1  }
0x63: {  	p0 =	sne.s32 s1, $0x1  }
.Ltmp0:
0x64: {  	_ = 	snop;
	(pc) =	sbr.rel @!p0 .LBB2_2-.Ltmp0, $4  }
0x65: {  	[sflag:s18] =	ssyncadd.s32 $0xFFFF6000  }
0x66: {  	[bflag:$0x0] =	sbarrier.arrive $0xFFFF;
	s31 =	sadd.s32 $0x4B000, s0  }
0x67: {  	[hbm:s31], [sflag:s4] =	dma.local [spmem:s6], $0xA00  }
0x68: {  	s0 =	sadd.s32 $0xFFFFFFFF, s1;
	_ =	swait.ge [sflag:s5], $0xA00  }
.LBB2_1:
0x69: {  	[sflag:s5] =	ssyncset.done $0x0  }
0x6a: {  	s1 =	rddreg [dreg:$0x3];
	[sflag:s5] =	ssyncadd.s32 $0xFFFFF600  }
0x6b: {  	[spmem:s6], [sflag:s4] =	dma.local [hbm:s1], $0xA00  }
0x6c: {  	_ =	swait.ge [sflag:s5], $0xA00  }
0x6d: {  	[sflag:s5] =	ssyncset.done $0x0  }
0x6e: {  	s1 =	rddreg [dreg:$0x4];
	[sflag:s5] =	ssyncadd.s32 $0xFFFFF600  }
0x6f: {  	[tilespmem:s3], [sflag:$0x5] =	stream.linear.gather [hbm4b:s1+s3], $0x2800, $0x38;
	[tilespmem:$0x1E000] =	vst v63  }
0x70: {  	_ =	swait.ge [sflag:s5], $0x2800  }
0x71: {  	[sflag:s5] =	ssyncset.done $0x0  }
0x72: {  	[sflag:s5] =	ssyncadd.s32 $0xFFFFD800  }
0x73: {  	[tilespmem:s8], [sflag:$0x5] =	stream.linear.gather [hbm4b:s7+s3], $0x2800, $0x38;
	[tilespmem:$0x1E000] =	vst v63  }
0x74: {  	_ =	swait.ge [sflag:s5], $0x2800  }
0x75: {  	[sflag:s5] =	ssyncset.done $0x0  }
0x76: {  	[sflag:s5] =	ssyncadd.s32 $0xFFFFD800  }
0x77: {  	[bflag:$0x0] =	sbarrier.arrive $0xFFFF  }
0x78: {  	[tilespmem:s11], [sflag:$0x1] =	stream.indirect.gather [hbm4b:s9+s10], $0x20, s3, s10, $0xb8;
	[tilespmem:$0x1E000] =	vst v63  }
0x79: {  	_ =	swait.ge [sflag:s12], $0xA000  }
0x7a: {  	[sflag:s12] =	ssyncset.done $0x0  }
0x7b: {  	[sflag:s12] =	ssyncadd.s32 $0xFFFF6000  }
0x7c: {  	[tilespmem:s13], [sflag:$0x2] =	stream.indirect.gather [hbm4b:s9+s10], $0x20, s10, s10, $0xb8;
	[tilespmem:$0x1E000] =	vst v63  }
0x7d: {  	_ = 	snop  }
0x7e: {  	[spmem:s2] =	stream.indirect.scatter.add.bf16 [tilespmem:s11], [sflag:$0x3], $0x20, s8, s10, $0xb8;
	[tilespmem:$0x1E000] =	vst v63  }
0x7f: {  	_ =	swait.ge [sflag:s14], $0xA000  }
0x80: {  	[sflag:s14] =	ssyncset.done $0x0  }
0x81: {  	[sflag:s14] =	ssyncadd.s32 $0xFFFF6000  }
0x82: {  	_ =	swait.ge [sflag:s15], $0xA000  }
0x83: {  	[sflag:s15] =	ssyncset.done $0x0  }
0x84: {  	[sflag:s15] =	ssyncadd.s32 $0xFFFF6000  }
0x85: {  	[tilespmem:s11], [sflag:$0x1] =	stream.indirect.gather [hbm4b:s9+s10], $0x20, s16, s10, $0xb8;
	[tilespmem:$0x1E000] =	vst v63  }
0x86: {  	_ = 	snop  }
0x87: {  	[spmem:s2] =	stream.indirect.scatter.add.bf16 [tilespmem:s13], [sflag:$0x4], $0x20, s17, s10, $0xb8;
	[tilespmem:$0x1E000] =	vst v63  }
0x88: {  	_ =	swait.ge [sflag:s12], $0xA000  }
0x89: {  	[sflag:s12] =	ssyncset.done $0x0  }
0x8a: {  	[sflag:s12] =	ssyncadd.s32 $0xFFFF6000  }
0x8b: {  	_ =	swait.ge [sflag:s18], $0xA000  }
0x8c: {  	[sflag:s18] =	ssyncset.done $0x0  }
0x8d: {  	[sflag:s18] =	ssyncadd.s32 $0xFFFF6000  }
0x8e: {  	[tilespmem:s13], [sflag:$0x2] =	stream.indirect.gather [hbm4b:s9+s10], $0x20, s19, s10, $0xb8;
	[tilespmem:$0x1E000] =	vst v63  }
0x8f: {  	_ = 	snop  }
0x90: {  	[spmem:s2] =	stream.indirect.scatter.add.bf16 [tilespmem:s11], [sflag:$0x3], $0x20, s20, s10, $0xb8;
	[tilespmem:$0x1E000] =	vst v63  }
0x91: {  	_ =	swait.ge [sflag:s14], $0xA000  }
0x92: {  	[sflag:s14] =	ssyncset.done $0x0  }
0x93: {  	[sflag:s14] =	ssyncadd.s32 $0xFFFF6000  }
0x94: {  	_ =	swait.ge [sflag:s15], $0xA000  }
0x95: {  	[sflag:s15] =	ssyncset.done $0x0  }
0x96: {  	[sflag:s15] =	ssyncadd.s32 $0xFFFF6000  }
0x97: {  	[tilespmem:s11], [sflag:$0x1] =	stream.indirect.gather [hbm4b:s9+s10], $0x20, s21, s10, $0xb8;
	[tilespmem:$0x1E000] =	vst v63  }
0x98: {  	_ = 	snop  }
0x99: {  	[spmem:s2] =	stream.indirect.scatter.add.bf16 [tilespmem:s13], [sflag:$0x4], $0x20, s22, s10, $0xb8;
	[tilespmem:$0x1E000] =	vst v63  }
0x9a: {  	_ =	swait.ge [sflag:s12], $0xA000  }
0x9b: {  	[sflag:s12] =	ssyncset.done $0x0  }
0x9c: {  	[sflag:s12] =	ssyncadd.s32 $0xFFFF6000  }
0x9d: {  	_ =	swait.ge [sflag:s18], $0xA000  }
0x9e: {  	[sflag:s18] =	ssyncset.done $0x0  }
0x9f: {  	[sflag:s18] =	ssyncadd.s32 $0xFFFF6000  }
0xa0: {  	[tilespmem:s13], [sflag:$0x2] =	stream.indirect.gather [hbm4b:s9+s10], $0x20, s23, s10, $0xb8;
	[tilespmem:$0x1E000] =	vst v63  }
0xa1: {  	_ = 	snop  }
0xa2: {  	[spmem:s2] =	stream.indirect.scatter.add.bf16 [tilespmem:s11], [sflag:$0x3], $0x20, s24, s10, $0xb8;
	[tilespmem:$0x1E000] =	vst v63  }
0xa3: {  	_ =	swait.ge [sflag:s14], $0xA000  }
0xa4: {  	[sflag:s14] =	ssyncset.done $0x0  }
0xa5: {  	[sflag:s14] =	ssyncadd.s32 $0xFFFF6000  }
0xa6: {  	_ =	swait.ge [sflag:s15], $0xA000  }
0xa7: {  	[sflag:s15] =	ssyncset.done $0x0  }
0xa8: {  	[sflag:s15] =	ssyncadd.s32 $0xFFFF6000  }
0xa9: {  	[tilespmem:s11], [sflag:$0x1] =	stream.indirect.gather [hbm4b:s9+s10], $0x20, s25, s10, $0xb8;
	[tilespmem:$0x1E000] =	vst v63  }
0xaa: {  	_ = 	snop  }
0xab: {  	[spmem:s2] =	stream.indirect.scatter.add.bf16 [tilespmem:s13], [sflag:$0x4], $0x20, s26, s10, $0xb8;
	[tilespmem:$0x1E000] =	vst v63  }
0xac: {  	_ =	swait.ge [sflag:s12], $0xA000  }
0xad: {  	[sflag:s12] =	ssyncset.done $0x0  }
0xae: {  	[sflag:s12] =	ssyncadd.s32 $0xFFFF6000  }
0xaf: {  	_ =	swait.ge [sflag:s18], $0xA000  }
0xb0: {  	[sflag:s18] =	ssyncset.done $0x0  }
0xb1: {  	[sflag:s18] =	ssyncadd.s32 $0xFFFF6000  }
0xb2: {  	[tilespmem:s13], [sflag:$0x2] =	stream.indirect.gather [hbm4b:s9+s10], $0x20, s28, s10, $0xb8;
	[tilespmem:$0x1E000] =	vst v63  }
0xb3: {  	_ = 	snop  }
0xb4: {  	[spmem:s2] =	stream.indirect.scatter.add.bf16 [tilespmem:s11], [sflag:$0x3], $0x20, s29, s10, $0xb8;
	[tilespmem:$0x1E000] =	vst v63  }
0xb5: {  	_ =	swait.ge [sflag:s14], $0xA000  }
0xb6: {  	[sflag:s14] =	ssyncset.done $0x0  }
0xb7: {  	[sflag:s14] =	ssyncadd.s32 $0xFFFF6000  }
0xb8: {  	[spmem:s2] =	stream.indirect.scatter.add.bf16 [tilespmem:s13], [sflag:$0x4], $0x20, s30, s10, $0xb8;
	[tilespmem:$0x1E000] =	vst v63  }
0xb9: {  	_ =	swait.ge [sflag:s15], $0xA000  }
0xba: {  	[sflag:s15] =	ssyncset.done $0x0  }
0xbb: {  	[sflag:s15] =	ssyncadd.s32 $0xFFFF6000  }
0xbc: {  	p0 =	sne.s32 s0, $0x1;
	_ =	swait.ge [sflag:s18], $0xA000  }
.Ltmp1:
0xbd: {  	[sflag:s18] =	ssyncset.done $0x0;
	(pc) =	sbr.rel @p0 .LBB2_1-.Ltmp1, $4  }
0xbe: {  	[sflag:s18] =	ssyncadd.s32 $0xFFFF6000  }
0xbf: {  	[bflag:$0x0] =	sbarrier.arrive $0xFFFF  }
0xc0: {  	[hbm:s31], [sflag:s4] =	dma.local [spmem:s6], $0xA00  }
0xc1: {  	s0 =	sadd.s32 $0xFFFFFFFF, s0;
	_ =	swait.ge [sflag:s5], $0xA00  }
.LBB2_2:
0xc2: {  	[sflag:s5] =	ssyncset.done $0x0  }
0xc3: {  	[sflag:s5] =	ssyncadd.s32 $0xFFFFF600  }
0xc4: {  	_ =	sfence.sel $0x180000  }
0xc5: {  	[bflag:$0x0] =	sbarrier.arrive $0xFFFF  }
0xc6: {  	_ =	strace $0x9000004A  }
0xc7: {  	s0 =	stileid.u32;
	[bflag:$0x2] =	sbarrier.arrive $0xFFFF  }
0xc8: {  	p0 =	sne.s32 s0, $0x0;
	s0 =	rddreg [dreg:$0x2]  }
0xc9: {  	s0 =	sadd.s32 @!p0 $0x100000, s0  }
0xca: {  	[sflag:s0] =	ssyncadd.tile.s32 @!p0 $0x1;
	_ =	shalt  }
.Lfunc_end2:
_tile_overlayer_lowered:
.L_overlay_start_2:
0xcb: {  	(tag) =	ssettag $0x2  }
0xcc: {  	s0 =	rddreg [dreg:$0x0];
	s2 =	stileid.u32  }
0xcd: {  	s1 =	rddreg [dreg:$0x1];
	p0 =	sne.s32 s2, $0x0  }
0xce: {  	s3 =	rddreg [dreg:$0x2];
	[bflag:$0x3] =	sbarrier.arrive $0xFFFF;
	s2 =	simm.s32 @!p0 $0x1C05  }
0xcf: {  	[timem:s3], [sflag:s2] =	dma.local @!p0 [hbm:s0], s1  }
0xd0: {  	s0 =	simm.s32 @!p0 $0x5  }
0xd1: {  	_ =	swait.ge @!p0 [sflag:s0], s1  }
0xd2: {  	s1 =	ssub.s32 @!p0 $0x0, s1;
	[sflag:s0] =	ssyncset.done @!p0 $0x0  }
0xd3: {  	[sflag:s0] =	ssyncadd.s32 @!p0 s1  }
0xd4: {  	[bflag:$0x3] =	sbarrier.arrive $0xFFFF  }
0xd5: {  	_ =	shalt  }

// kernel: kernel.18.cloned.1.call-start
scs
__scs_entry_jumppad:
0x0: {  	(pc) =	sbr.rel $0x88, $3  }
0x1: {  	(tag) =	ssettag $0x0;
	lr =	simm.s32 $0x1  }
0x2: {  	[smem:$0x3F94] =	sst lr;
	_ =	strace $0xD0000000  }
0x3: {  	_ = 	snop  }
0x4: {  	_ = 	snop  }
0x5: {  	_ = 	snop  }
0x6: {  	_ = 	snop  }
0x7: {  	_ = 	snop  }
__scs_overlays_trampoline_lowered:
0x8: {  	[smem:$0x3FA3] =	sst s0  }
0x9: {  	[smem:$0x3FA4] =	sst s1  }
0xa: {  	[smem:$0x3FA5] =	sst s2  }
0xb: {  	[smem:$0x3FA6] =	sst s3  }
0xc: {  	[smem:$0x3FA7] =	sst s4  }
0xd: {  	[smem:$0x3FA8] =	sst s5  }
0xe: {  	[smem:$0x3FA9] =	sst s6  }
0xf: {  	[smem:$0x3FAA] =	sst s7  }
0x10: {  	[smem:$0x3FAB] =	sst s8  }
0x11: {  	[smem:$0x3FAC] =	sst s9;
	s0 =	simm.s32 @!p0 $0x0  }
0x12: {  	s1 =	sld [smem:$0x3F92];
	s0 =	simm.s32 @p0 $0x1  }
0x13: {  	[smem:$0x3FAD] =	sst s0;
	s0 =	simm.s32 @!p1 $0x0  }
0x14: {  	s2 =	sld [smem:$0x3F91];
	s0 =	simm.s32 @p1 $0x1  }
0x15: {  	[smem:$0x3FAE] =	sst s0;
	s0 =	simm.s32 @!p2 $0x0  }
0x16: {  	s3 =	sld [smem:$0x3FDB];
	s0 =	simm.s32 @p2 $0x1  }
0x17: {  	s4 =	simm.s32 $0x1BF5;
	[smem:$0x3FB0] =	sst s0  }
0x18: {  	s0 =	sld [smem:$0x3F93];
	_ =	swait.ge [sflag:s4], $0x0  }
0x19: {  	s7 =	sld [smem:$0x3F94]  }
0x1a: {  	s8 =	sadd.s32 $0xFFFFE003, lr  }
0x1b: {  	s9 =	sadd.s32 $0xFFFFFEF7, lr;
	s5 =	simm.s32 $0xFFFFFFFF;
	p2 =	slt.u32 s8, $0xFFFFF086  }
0x1c: {  	p1 =	slt.u32 s9, $0xF7A;
	s5 =	simm.s32 @!p2 $0x0  }
0x1d: {  	s5 =	simm.s32 @p1 $0x1;
	p0 =	seq.s32 s7, s2  }
0x1e: {  	s7 =	smul.u32 @!p0 $0xF7A, s2;
	p2 =	seq.s32 @!p0 s5, $0x0  }
0x1f: {  	s9 =	smul.u32 $0xF7A, s1;
	s8 =	simm.s32 @!p0 $0x1BF5;
	p2 =	por !p2, p0  }
0x20: {  	[sflag:s8] =	ssyncset.s32 @!p0 $0xFFFFF086;
	s6 =	sadd.s32 @!p0 s3, s7;
	s7 =	simm.s32 @!p0 $0x108  }
0x21: {  	s3 =	sadd.s32 s3, s9;
	s6 =	sadd.s32 @!p0 $0x88, s6;
	s7 =	simm.s32 @p2 $0x1082  }
0x22: {  	[simem:s7], [sflag:s8] =	dma.local @!p0 [hbm:s6], $0xF7A  }
0x23: {  	s9 =	sor.u32 $0xD0000000, s2;
	s6 =	simm.s32 $0x108;
	_ =	swait.ge @!p0 [sflag:s8], $0x0  }
0x24: {  	s3 =	sadd.s32 $0x88, s3;
	s6 =	simm.s32 @!p1 $0x1082;
	[sflag:s4] =	ssyncset.s32 $0xFFFFF086  }
0x25: {  	[simem:s6], [sflag:s4] =	dma.local [hbm:s3], $0xF7A  }
0x26: {  	[smem:$0x3F94] =	sst s1;
	(tag) =	ssettag s2;
	_ =	strace s9  }
0x27: {  	s1 =	sld [smem:$0x3FA4]  }
0x28: {  	s2 =	sld [smem:$0x3FA5]  }
0x29: {  	s4 =	sld [smem:$0x3FA7]  }
0x2a: {  	p0 =	seq.s32 s5, $0x0;
	s5 =	sld [smem:$0x3FA8]  }
0x2b: {  	s6 =	sld [smem:$0x3FA9]  }
0x2c: {  	s7 =	sld [smem:$0x3FAA]  }
0x2d: {  	s3 =	simm.s32 $0x108;
	s8 =	sld [smem:$0x3FAB]  }
0x2e: {  	s3 =	simm.s32 @!p0 $0x1082;
	s9 =	sld [smem:$0x3FAC]  }
0x2f: {  	lr =	sadd.s32 s0, s3;
	s0 =	sld [smem:$0x3FA3]  }
0x30: {  	s3 =	sld [smem:$0x3FA6]  }
0x31: {  	[smem:$0x3FAF] =	sst s10  }
0x32: {  	s10 =	sld [smem:$0x3FAD];
	_ =	sdelay $0x3  }
0x33: {  	p0 =	seq.s32 s10, $0x1;
	s10 =	sld [smem:$0x3FAF];
	_ =	sdelay $0x3  }
0x34: {  	[smem:$0x3FAF] =	sst s10  }
0x35: {  	s10 =	sld [smem:$0x3FAE];
	_ =	sdelay $0x3  }
0x36: {  	p1 =	seq.s32 s10, $0x1;
	s10 =	sld [smem:$0x3FAF];
	_ =	sdelay $0x3  }
0x37: {  	[smem:$0x3FAF] =	sst s10  }
0x38: {  	s10 =	sld [smem:$0x3FB0]  }
0x39: {  	_ = 	snop;
	(pc) =	sbr.ind lr, $3  }
0x3a: {  	_ = 	snop  }
0x3b: {  	_ = 	snop  }
0x3c: {  	p2 =	seq.s32 s10, $0x1;
	s10 =	sld [smem:$0x3FAF]  }
0x3d: {  	_ =	shalt  }
0x3e: {  	_ =	shalt  }
0x3f: {  	_ =	shalt  }
0x40: {  	_ =	shalt  }
0x41: {  	_ =	shalt  }
0x42: {  	_ =	shalt  }
0x43: {  	_ =	shalt  }
0x44: {  	_ =	shalt  }
0x45: {  	_ =	shalt  }
0x46: {  	_ =	shalt  }
0x47: {  	_ =	shalt  }
0x48: {  	_ =	shalt  }
0x49: {  	_ =	shalt  }
0x4a: {  	_ =	shalt  }
0x4b: {  	_ =	shalt  }
0x4c: {  	_ =	shalt  }
0x4d: {  	_ =	shalt  }
0x4e: {  	_ =	shalt  }
0x4f: {  	_ =	shalt  }
0x50: {  	_ =	shalt  }
0x51: {  	_ =	shalt  }
0x52: {  	_ =	shalt  }
0x53: {  	_ =	shalt  }
0x54: {  	_ =	shalt  }
0x55: {  	_ =	shalt  }
0x56: {  	_ =	shalt  }
0x57: {  	_ =	shalt  }
0x58: {  	_ =	shalt  }
0x59: {  	_ =	shalt  }
0x5a: {  	_ =	shalt  }
0x5b: {  	_ =	shalt  }
0x5c: {  	_ =	shalt  }
0x5d: {  	_ =	shalt  }
0x5e: {  	_ =	shalt  }
0x5f: {  	_ =	shalt  }
0x60: {  	_ =	shalt  }
0x61: {  	_ =	shalt  }
0x62: {  	_ =	shalt  }
0x63: {  	_ =	shalt  }
0x64: {  	_ =	shalt  }
0x65: {  	_ =	shalt  }
0x66: {  	_ =	shalt  }
0x67: {  	_ =	shalt  }
0x68: {  	_ =	shalt  }
0x69: {  	_ =	shalt  }
0x6a: {  	_ =	shalt  }
0x6b: {  	_ =	shalt  }
0x6c: {  	_ =	shalt  }
0x6d: {  	_ =	shalt  }
0x6e: {  	_ =	shalt  }
0x6f: {  	_ =	shalt  }
0x70: {  	_ =	shalt  }
0x71: {  	_ =	shalt  }
0x72: {  	_ =	shalt  }
0x73: {  	_ =	shalt  }
0x74: {  	_ =	shalt  }
0x75: {  	_ =	shalt  }
0x76: {  	_ =	shalt  }
0x77: {  	_ =	shalt  }
0x78: {  	_ =	shalt  }
0x79: {  	_ =	shalt  }
0x7a: {  	_ =	shalt  }
0x7b: {  	_ =	shalt  }
0x7c: {  	_ =	shalt  }
0x7d: {  	_ =	shalt  }
0x7e: {  	_ =	shalt  }
0x7f: {  	_ =	shalt  }
0x80: {  	_ =	shalt  }
0x81: {  	_ =	shalt  }
0x82: {  	_ =	shalt  }
0x83: {  	_ =	shalt  }
0x84: {  	_ =	shalt  }
0x85: {  	_ =	shalt  }
0x86: {  	_ =	shalt  }
0x87: {  	_ =	shalt  }
.Lfunc_end0:
.L_simem_size_0:
called_computation.2_lowered:
.L_overlay_start_0:
0x88: {  	s2 =	sld [smem:$0x3FD9]  }
0x89: {  	s3 =	sld [smem:$0x3FFE];
	_ =	sdelay $0x1  }
0x8a: {  	s1 =	srdreg.scid  }
0x8b: {  	s0 =	sand.u32 $0x1, s1  }
0x8c: {  	s16 =	sshll.u32 s0, $0xA;
	s2 =	sadd.s32 s3, s2  }
0x8d: {  	s2 =	sadd.s32 s2, s16  }
0x8e: {  	[smem:$0x3FBB] =	sst s2  }
0x8f: {  	_ = 	snop  }
0x90: {  	(tm) =	ssettm $0x1  }
0x91: {  	s17 =	sld [smem:$0x3FFB];
	_ =	sdelay $0x3  }
0x92: {  	_ =	strace s17  }
0x93: {  	s2 =	sld [smem:$0x3FFC];
	_ =	sdelay $0x3  }
0x94: {  	_ =	strace s2  }
0x95: {  	s2 =	sld [smem:$0x3FFD];
	_ =	sdelay $0x3  }
0x96: {  	_ =	strace s2  }
0x97: {  	_ =	strace $0x8FFFFFFF  }
0x98: {  	s18 =	sld [smem:$0x3FDB];
	_ =	sdelay $0x1  }
0x99: {  	s19 =	simm.s32 $_scs_section_size  }
0x9a: {  	s4 =	simm.s32 $_size__tile_overlayer_lowered;
	s5 =	simm.s32 $_tile_overlayer_lowered  }
0x9b: {  	s22 =	simm.s32 $0x1BFF;
	s21 =	sshll.u32 s5, $0x1;
	s2 =	sadd.s32 s19, s18  }
0x9c: {  	s6 =	simm.s32 $0x0;
	s20 =	sshll.u32 s4, $0x1;
	s4 =	sadd.s32 s21, s2  }
0x9d: {  	[timem:s6], [sflag:s22] =	dma.local [hbm:s4], s20  }
0x9e: {  	_ =	swait.ge [sflag:s22], s20  }
0x9f: {  	s3 =	ssub.s32 $0x0, s20;
	[sflag:s22] =	ssyncset.done $0x0  }
0xa0: {  	[sflag:s22] =	ssyncadd.s32 s3;
	_ =	sdelay $0x1  }
0xa1: {  	s23 =	simm.s32 $0x1B8B  }
0xa2: {  	_ =	swait.ge [sflag:s23], $0x1  }
0xa3: {  	[sflag:s23] =	ssyncset.done $0x0  }
0xa4: {  	s25 =	simm.s32 $0x1B8E;
	s24 =	sld [smem:$0x3FFE];
	[sflag:s23] =	ssyncadd.s32 $0xFFFFFFFF  }
0xa5: {  	s26 =	simm.s32 $execute0_lowered;
	[smem:$0x3FD2] =	sst s25  }
0xa6: {  	s4 =	sshll.u32 s26, $0x1;
	_ =	strace $0x8000004C;
	[dreg:$0x1] =	wrdreg $0xFFFFFFFF  }
0xa7: {  	s28 =	simm.s32 $_size_execute0_lowered;
	s2 =	sadd.s32 s2, s4;
	[dreg:$0x0] =	wrdreg $0x0  }
0xa8: {  	s4 =	sshll.u32 s28, $0x1;
	[dreg:$0x2] =	wrdreg s2  }
0xa9: {  	[dreg:$0x3] =	wrdreg s4  }
0xaa: {  	[dreg:$0x4] =	wrdreg $0xC0  }
0xab: {  	_ =	task [dreg:s6], $0x5FFFF  }
0xac: {  	[dreg:$0x1] =	wrdreg $0xFFFFFFFF  }
0xad: {  	[dreg:$0x0] =	wrdreg $0x60  }
0xae: {  	[dreg:$0x2] =	wrdreg s24  }
0xaf: {  	[dreg:$0x3] =	wrdreg $0x190000  }
0xb0: {  	[dreg:$0x4] =	wrdreg $0x9  }
0xb1: {  	_ =	task.clear_ibuf [dreg:s6], $0x5FFFF;
	_ =	strace $0x9000004C  }
0xb2: {  	s29 =	simm.s32 $0x9;
	_ =	strace $0x8000004E  }
0xb3: {  	_ =	swait.ge [sflag:s29], $0x1  }
0xb4: {  	[sflag:s29] =	ssyncadd.s32 $0xFFFFFFFF  }
0xb5: {  	_ =	strace $0x9000004E  }
0xb6: {  	_ =	sfence  }
0xb7: {  	s30 =	sld [smem:$0x0];
	_ =	sdelay $0x2  }
0xb8: {  	s31 =	sshll.u32 s1, $0xD;
	s1 =	sshrl.u32 s1, $0x2  }
0xb9: {  	s3 =	sand.u32 $0x4000, s31;
	s1 =	sadd.s32 s1, s30  }
0xba: {  	s0 =	sor.u32 s3, s0;
	s1 =	sshll.u32 s1, $0x11  }
0xbb: {  	s0 =	sor.u32 s1, s0  }
0xbc: {  	s0 =	sadd.s32 $0x8F2B, s0  }
0xbd: {  	[sflag:s0] =	ssyncadd.remote.s32 $0x1  }
0xbe: {  	_ =	sfence.sel $0xFFFF  }
0xbf: {  	[dreg:$0x0] =	wrdreg $0xFFFFFFFF;
	(pc) =	sbr.abs _section_cstart, $3  }
0xc0: {  	[dreg:$0x1] =	wrdreg $0xFFFFFFFF  }
0xc1: {  	_ =	task.clear_ibuf [dreg:s6], $0x2FFFF;
	_ =	strace $0x9FFFFFFF  }
0xc2: {  	(tm) =	ssettm $0x7FFFFFFF  }
0xc3: {  	_ =	shalt  }
tec
execute0_lowered:
.L_overlay_start_1:
0x0: {  	(tag) =	ssettag $0x1  }
0x1: {  	s1 =	srdreg.scid  }
0x2: {  	s31 =	sand.u32 $0x1, s1  }
0x3: {  	s0 =	stileid.u32;
	s1 =	sshll.u32 s31, $0x4  }
0x4: {  	s9 =	rddreg [dreg:$0x0];
	s1 =	sor.u32 s0, s1  }
0x5: {  	s2 =	rddreg [dreg:$0x1];
	s3 =	simm.s32 $0x0;
	s4 =	smul.u32 $0x500, s1  }
0x6: {  	[smem:$0x7FF] =	sst s3;
	s5 =	sadd.s32 $0x23400, s9;
	s1 =	smul.u32 $0xA000, s0  }
0x7: {  	s25 =	sshll.u32 s0, $0x6;
	_ =	strace $0x8000004D;
	[dreg:$0x3] =	wrdreg s5  }
0x8: {  	s5 =	simm.s32 $0x5;
	s7 =	sadd.s32 s4, s9;
	s24 =	sshrl.u32 s1, $0x1  }
0x9: {  	s8 =	rddreg [dreg:$0x3];
	s6 =	sadd.s32 s24, s2;
	s26 =	sadd.s32 $0x19400, s7  }
0xa: {  	s4 =	sor.u32 $0x1C05, s25;
	[dreg:$0x4] =	wrdreg s26;
	s6 =	sshrl.u32 s6, $0x3  }
0xb: {  	[spmem:s6], [sflag:s4] =	dma.local [hbm:s8], $0xA00  }
0xc: {  	_ =	swait.ge [sflag:s5], $0xA00  }
0xd: {  	[sflag:s5] =	ssyncset.done $0x0  }
0xe: {  	s0 =	rddreg [dreg:$0x4];
	[sflag:s5] =	ssyncadd.s32 $0xFFFFF600  }
0xf: {  	[tilespmem:s3], [sflag:$0x5] =	stream.linear.gather [hbm4b:s0+s3], $0x2800, $0x38;
	[tilespmem:$0x1E000] =	vst v63  }
0x10: {  	_ =	swait.ge [sflag:s5], $0x2800  }
0x11: {  	[sflag:s5] =	ssyncset.done $0x0  }
0x12: {  	s7 =	sadd.s32 $0x4400, s7;
	s8 =	simm.s32 $0x2800;
	[sflag:s5] =	ssyncadd.s32 $0xFFFFD800  }
0x13: {  	[tilespmem:s8], [sflag:$0x5] =	stream.linear.gather [hbm4b:s7+s3], $0x2800, $0x38;
	[tilespmem:$0x1E000] =	vst v63  }
0x14: {  	_ =	swait.ge [sflag:s5], $0x2800  }
0x15: {  	[sflag:s5] =	ssyncset.done $0x0  }
0x16: {  	s10 =	simm.s32 $0x500;
	s11 =	simm.s32 $0x5000;
	[sflag:s5] =	ssyncadd.s32 $0xFFFFD800  }
0x17: {  	s12 =	simm.s32 $0x1;
	s9 =	sadd.s32 $0xE400, s9;
	[bflag:$0x0] =	sbarrier.arrive $0xFFFF  }
0x18: {  	[tilespmem:s11], [sflag:$0x1] =	stream.indirect.gather [hbm4b:s9+s10], $0x20, s3, s10, $0xb8;
	[tilespmem:$0x1E000] =	vst v63  }
0x19: {  	_ =	swait.ge [sflag:s12], $0xA000  }
0x1a: {  	[sflag:s12] =	ssyncset.done $0x0  }
0x1b: {  	s13 =	simm.s32 $0xF000;
	[sflag:s12] =	ssyncadd.s32 $0xFFFF6000  }
0x1c: {  	[tilespmem:s13], [sflag:$0x2] =	stream.indirect.gather [hbm4b:s9+s10], $0x20, s10, s10, $0xb8;
	[tilespmem:$0x1E000] =	vst v63  }
0x1d: {  	s14 =	simm.s32 $0x2  }
0x1e: {  	[spmem:s2] =	stream.indirect.scatter.add.bf16 [tilespmem:s11], [sflag:$0x3], $0x20, s8, s10, $0xb8;
	[tilespmem:$0x1E000] =	vst v63  }
0x1f: {  	_ =	swait.ge [sflag:s14], $0xA000  }
0x20: {  	[sflag:s14] =	ssyncset.done $0x0  }
0x21: {  	s15 =	simm.s32 $0x3;
	[sflag:s14] =	ssyncadd.s32 $0xFFFF6000  }
0x22: {  	_ =	swait.ge [sflag:s15], $0xA000  }
0x23: {  	[sflag:s15] =	ssyncset.done $0x0  }
0x24: {  	s16 =	simm.s32 $0xA00;
	[sflag:s15] =	ssyncadd.s32 $0xFFFF6000  }
0x25: {  	[tilespmem:s11], [sflag:$0x1] =	stream.indirect.gather [hbm4b:s9+s10], $0x20, s16, s10, $0xb8;
	[tilespmem:$0x1E000] =	vst v63  }
0x26: {  	s17 =	simm.s32 $0x2D00  }
0x27: {  	[spmem:s2] =	stream.indirect.scatter.add.bf16 [tilespmem:s13], [sflag:$0x4], $0x20, s17, s10, $0xb8;
	[tilespmem:$0x1E000] =	vst v63  }
0x28: {  	_ =	swait.ge [sflag:s12], $0xA000  }
0x29: {  	[sflag:s12] =	ssyncset.done $0x0  }
0x2a: {  	s18 =	simm.s32 $0x4;
	[sflag:s12] =	ssyncadd.s32 $0xFFFF6000  }
0x2b: {  	_ =	swait.ge [sflag:s18], $0xA000  }
0x2c: {  	[sflag:s18] =	ssyncset.done $0x0  }
0x2d: {  	s19 =	simm.s32 $0xF00;
	[sflag:s18] =	ssyncadd.s32 $0xFFFF6000  }
0x2e: {  	[tilespmem:s13], [sflag:$0x2] =	stream.indirect.gather [hbm4b:s9+s10], $0x20, s19, s10, $0xb8;
	[tilespmem:$0x1E000] =	vst v63  }
0x2f: {  	s20 =	simm.s32 $0x3200  }
0x30: {  	[spmem:s2] =	stream.indirect.scatter.add.bf16 [tilespmem:s11], [sflag:$0x3], $0x20, s20, s10, $0xb8;
	[tilespmem:$0x1E000] =	vst v63  }
0x31: {  	_ =	swait.ge [sflag:s14], $0xA000  }
0x32: {  	[sflag:s14] =	ssyncset.done $0x0  }
0x33: {  	[sflag:s14] =	ssyncadd.s32 $0xFFFF6000  }
0x34: {  	_ =	swait.ge [sflag:s15], $0xA000  }
0x35: {  	[sflag:s15] =	ssyncset.done $0x0  }
0x36: {  	s21 =	simm.s32 $0x1400;
	[sflag:s15] =	ssyncadd.s32 $0xFFFF6000  }
0x37: {  	[tilespmem:s11], [sflag:$0x1] =	stream.indirect.gather [hbm4b:s9+s10], $0x20, s21, s10, $0xb8;
	[tilespmem:$0x1E000] =	vst v63  }
0x38: {  	s22 =	simm.s32 $0x3700  }
0x39: {  	[spmem:s2] =	stream.indirect.scatter.add.bf16 [tilespmem:s13], [sflag:$0x4], $0x20, s22, s10, $0xb8;
	[tilespmem:$0x1E000] =	vst v63  }
0x3a: {  	_ =	swait.ge [sflag:s12], $0xA000  }
0x3b: {  	[sflag:s12] =	ssyncset.done $0x0  }
0x3c: {  	[sflag:s12] =	ssyncadd.s32 $0xFFFF6000  }
0x3d: {  	_ =	swait.ge [sflag:s18], $0xA000  }
0x3e: {  	[sflag:s18] =	ssyncset.done $0x0  }
0x3f: {  	s23 =	simm.s32 $0x1900;
	[sflag:s18] =	ssyncadd.s32 $0xFFFF6000  }
0x40: {  	[tilespmem:s13], [sflag:$0x2] =	stream.indirect.gather [hbm4b:s9+s10], $0x20, s23, s10, $0xb8;
	[tilespmem:$0x1E000] =	vst v63  }
0x41: {  	s24 =	simm.s32 $0x3C00  }
0x42: {  	[spmem:s2] =	stream.indirect.scatter.add.bf16 [tilespmem:s11], [sflag:$0x3], $0x20, s24, s10, $0xb8;
	[tilespmem:$0x1E000] =	vst v63  }
0x43: {  	_ =	swait.ge [sflag:s14], $0xA000  }
0x44: {  	[sflag:s14] =	ssyncset.done $0x0  }
0x45: {  	[sflag:s14] =	ssyncadd.s32 $0xFFFF6000  }
0x46: {  	_ =	swait.ge [sflag:s15], $0xA000  }
0x47: {  	[sflag:s15] =	ssyncset.done $0x0  }
0x48: {  	s25 =	simm.s32 $0x1E00;
	[sflag:s15] =	ssyncadd.s32 $0xFFFF6000  }
0x49: {  	[tilespmem:s11], [sflag:$0x1] =	stream.indirect.gather [hbm4b:s9+s10], $0x20, s25, s10, $0xb8;
	[tilespmem:$0x1E000] =	vst v63  }
0x4a: {  	s26 =	simm.s32 $0x4100  }
0x4b: {  	[spmem:s2] =	stream.indirect.scatter.add.bf16 [tilespmem:s13], [sflag:$0x4], $0x20, s26, s10, $0xb8;
	[tilespmem:$0x1E000] =	vst v63  }
0x4c: {  	_ =	swait.ge [sflag:s12], $0xA000  }
0x4d: {  	[sflag:s12] =	ssyncset.done $0x0  }
0x4e: {  	[sflag:s12] =	ssyncadd.s32 $0xFFFF6000  }
0x4f: {  	_ =	swait.ge [sflag:s18], $0xA000  }
0x50: {  	[sflag:s18] =	ssyncset.done $0x0  }
0x51: {  	s28 =	simm.s32 $0x2300;
	[sflag:s18] =	ssyncadd.s32 $0xFFFF6000  }
0x52: {  	[tilespmem:s13], [sflag:$0x2] =	stream.indirect.gather [hbm4b:s9+s10], $0x20, s28, s10, $0xb8;
	[tilespmem:$0x1E000] =	vst v63  }
0x53: {  	s29 =	simm.s32 $0x4600  }
0x54: {  	[spmem:s2] =	stream.indirect.scatter.add.bf16 [tilespmem:s11], [sflag:$0x3], $0x20, s29, s10, $0xb8;
	[tilespmem:$0x1E000] =	vst v63  }
0x55: {  	_ =	swait.ge [sflag:s14], $0xA000  }
0x56: {  	[sflag:s14] =	ssyncset.done $0x0  }
0x57: {  	s30 =	simm.s32 $0x4B00;
	s0 =	smul.u32 $0xA0000, s31;
	[sflag:s14] =	ssyncadd.s32 $0xFFFF6000  }
0x58: {  	[spmem:s2] =	stream.indirect.scatter.add.bf16 [tilespmem:s13], [sflag:$0x4], $0x20, s30, s10, $0xb8;
	[tilespmem:$0x1E000] =	vst v63  }
0x59: {  	_ =	swait.ge [sflag:s15], $0xA000  }
0x5a: {  	s0 =	sadd.s32 s1, s0;
	[sflag:s15] =	ssyncset.done $0x0  }
0x5b: {  	s1 =	ssub.s32 $0x2, s31;
	s0 =	sshrl.u32 s0, $0x4;
	[sflag:s15] =	ssyncadd.s32 $0xFFFF6000  }
0x5c: {  	_ =	swait.ge [sflag:s18], $0xA000;
	[dreg:$0x5] =	wrdreg s0;
	s0 =	sshrl.u32 s1, $0x1  }
0x5d: {  	[dreg:$0x6] =	wrdreg s0  }
0x5e: {  	[sflag:s18] =	ssyncset.done $0x0;
	s31 =	rddreg [dreg:$0x5]  }
0x5f: {  	s0 =	rddreg [dreg:$0x0]  }
0x60: {  	s0 =	sadd.s32 s31, s0;
	s31 =	rddreg [dreg:$0x6]  }
0x61: {  	s1 =	ssub.s32 s1, s31  }
0x62: {  	s1 =	smax.u32 s1, $0x1  }
0x63: {  	p0 =	sne.s32 s1, $0x1  }
.Ltmp0:
0x64: {  	_ = 	snop;
	(pc) =	sbr.rel @!p0 .LBB2_2-.Ltmp0, $4  }
0x65: {  	[sflag:s18] =	ssyncadd.s32 $0xFFFF6000  }
0x66: {  	[bflag:$0x0] =	sbarrier.arrive $0xFFFF;
	s31 =	sadd.s32 $0x23E00, s0  }
0x67: {  	[hbm:s31], [sflag:s4] =	dma.local [spmem:s6], $0xA00  }
0x68: {  	s0 =	sadd.s32 $0xFFFFFFFF, s1;
	_ =	swait.ge [sflag:s5], $0xA00  }
.LBB2_1:
0x69: {  	[sflag:s5] =	ssyncset.done $0x0  }
0x6a: {  	s1 =	rddreg [dreg:$0x3];
	[sflag:s5] =	ssyncadd.s32 $0xFFFFF600  }
0x6b: {  	[spmem:s6], [sflag:s4] =	dma.local [hbm:s1], $0xA00  }
0x6c: {  	_ =	swait.ge [sflag:s5], $0xA00  }
0x6d: {  	[sflag:s5] =	ssyncset.done $0x0  }
0x6e: {  	s1 =	rddreg [dreg:$0x4];
	[sflag:s5] =	ssyncadd.s32 $0xFFFFF600  }
0x6f: {  	[tilespmem:s3], [sflag:$0x5] =	stream.linear.gather [hbm4b:s1+s3], $0x2800, $0x38;
	[tilespmem:$0x1E000] =	vst v63  }
0x70: {  	_ =	swait.ge [sflag:s5], $0x2800  }
0x71: {  	[sflag:s5] =	ssyncset.done $0x0  }
0x72: {  	[sflag:s5] =	ssyncadd.s32 $0xFFFFD800  }
0x73: {  	[tilespmem:s8], [sflag:$0x5] =	stream.linear.gather [hbm4b:s7+s3], $0x2800, $0x38;
	[tilespmem:$0x1E000] =	vst v63  }
0x74: {  	_ =	swait.ge [sflag:s5], $0x2800  }
0x75: {  	[sflag:s5] =	ssyncset.done $0x0  }
0x76: {  	[sflag:s5] =	ssyncadd.s32 $0xFFFFD800  }
0x77: {  	[bflag:$0x0] =	sbarrier.arrive $0xFFFF  }
0x78: {  	[tilespmem:s11], [sflag:$0x1] =	stream.indirect.gather [hbm4b:s9+s10], $0x20, s3, s10, $0xb8;
	[tilespmem:$0x1E000] =	vst v63  }
0x79: {  	_ =	swait.ge [sflag:s12], $0xA000  }
0x7a: {  	[sflag:s12] =	ssyncset.done $0x0  }
0x7b: {  	[sflag:s12] =	ssyncadd.s32 $0xFFFF6000  }
0x7c: {  	[tilespmem:s13], [sflag:$0x2] =	stream.indirect.gather [hbm4b:s9+s10], $0x20, s10, s10, $0xb8;
	[tilespmem:$0x1E000] =	vst v63  }
0x7d: {  	_ = 	snop  }
0x7e: {  	[spmem:s2] =	stream.indirect.scatter.add.bf16 [tilespmem:s11], [sflag:$0x3], $0x20, s8, s10, $0xb8;
	[tilespmem:$0x1E000] =	vst v63  }
0x7f: {  	_ =	swait.ge [sflag:s14], $0xA000  }
0x80: {  	[sflag:s14] =	ssyncset.done $0x0  }
0x81: {  	[sflag:s14] =	ssyncadd.s32 $0xFFFF6000  }
0x82: {  	_ =	swait.ge [sflag:s15], $0xA000  }
0x83: {  	[sflag:s15] =	ssyncset.done $0x0  }
0x84: {  	[sflag:s15] =	ssyncadd.s32 $0xFFFF6000  }
0x85: {  	[tilespmem:s11], [sflag:$0x1] =	stream.indirect.gather [hbm4b:s9+s10], $0x20, s16, s10, $0xb8;
	[tilespmem:$0x1E000] =	vst v63  }
0x86: {  	_ = 	snop  }
0x87: {  	[spmem:s2] =	stream.indirect.scatter.add.bf16 [tilespmem:s13], [sflag:$0x4], $0x20, s17, s10, $0xb8;
	[tilespmem:$0x1E000] =	vst v63  }
0x88: {  	_ =	swait.ge [sflag:s12], $0xA000  }
0x89: {  	[sflag:s12] =	ssyncset.done $0x0  }
0x8a: {  	[sflag:s12] =	ssyncadd.s32 $0xFFFF6000  }
0x8b: {  	_ =	swait.ge [sflag:s18], $0xA000  }
0x8c: {  	[sflag:s18] =	ssyncset.done $0x0  }
0x8d: {  	[sflag:s18] =	ssyncadd.s32 $0xFFFF6000  }
0x8e: {  	[tilespmem:s13], [sflag:$0x2] =	stream.indirect.gather [hbm4b:s9+s10], $0x20, s19, s10, $0xb8;
	[tilespmem:$0x1E000] =	vst v63  }
0x8f: {  	_ = 	snop  }
0x90: {  	[spmem:s2] =	stream.indirect.scatter.add.bf16 [tilespmem:s11], [sflag:$0x3], $0x20, s20, s10, $0xb8;
	[tilespmem:$0x1E000] =	vst v63  }
0x91: {  	_ =	swait.ge [sflag:s14], $0xA000  }
0x92: {  	[sflag:s14] =	ssyncset.done $0x0  }
0x93: {  	[sflag:s14] =	ssyncadd.s32 $0xFFFF6000  }
0x94: {  	_ =	swait.ge [sflag:s15], $0xA000  }
0x95: {  	[sflag:s15] =	ssyncset.done $0x0  }
0x96: {  	[sflag:s15] =	ssyncadd.s32 $0xFFFF6000  }
0x97: {  	[tilespmem:s11], [sflag:$0x1] =	stream.indirect.gather [hbm4b:s9+s10], $0x20, s21, s10, $0xb8;
	[tilespmem:$0x1E000] =	vst v63  }
0x98: {  	_ = 	snop  }
0x99: {  	[spmem:s2] =	stream.indirect.scatter.add.bf16 [tilespmem:s13], [sflag:$0x4], $0x20, s22, s10, $0xb8;
	[tilespmem:$0x1E000] =	vst v63  }
0x9a: {  	_ =	swait.ge [sflag:s12], $0xA000  }
0x9b: {  	[sflag:s12] =	ssyncset.done $0x0  }
0x9c: {  	[sflag:s12] =	ssyncadd.s32 $0xFFFF6000  }
0x9d: {  	_ =	swait.ge [sflag:s18], $0xA000  }
0x9e: {  	[sflag:s18] =	ssyncset.done $0x0  }
0x9f: {  	[sflag:s18] =	ssyncadd.s32 $0xFFFF6000  }
0xa0: {  	[tilespmem:s13], [sflag:$0x2] =	stream.indirect.gather [hbm4b:s9+s10], $0x20, s23, s10, $0xb8;
	[tilespmem:$0x1E000] =	vst v63  }
0xa1: {  	_ = 	snop  }
0xa2: {  	[spmem:s2] =	stream.indirect.scatter.add.bf16 [tilespmem:s11], [sflag:$0x3], $0x20, s24, s10, $0xb8;
	[tilespmem:$0x1E000] =	vst v63  }
0xa3: {  	_ =	swait.ge [sflag:s14], $0xA000  }
0xa4: {  	[sflag:s14] =	ssyncset.done $0x0  }
0xa5: {  	[sflag:s14] =	ssyncadd.s32 $0xFFFF6000  }
0xa6: {  	_ =	swait.ge [sflag:s15], $0xA000  }
0xa7: {  	[sflag:s15] =	ssyncset.done $0x0  }
0xa8: {  	[sflag:s15] =	ssyncadd.s32 $0xFFFF6000  }
0xa9: {  	[tilespmem:s11], [sflag:$0x1] =	stream.indirect.gather [hbm4b:s9+s10], $0x20, s25, s10, $0xb8;
	[tilespmem:$0x1E000] =	vst v63  }
0xaa: {  	_ = 	snop  }
0xab: {  	[spmem:s2] =	stream.indirect.scatter.add.bf16 [tilespmem:s13], [sflag:$0x4], $0x20, s26, s10, $0xb8;
	[tilespmem:$0x1E000] =	vst v63  }
0xac: {  	_ =	swait.ge [sflag:s12], $0xA000  }
0xad: {  	[sflag:s12] =	ssyncset.done $0x0  }
0xae: {  	[sflag:s12] =	ssyncadd.s32 $0xFFFF6000  }
0xaf: {  	_ =	swait.ge [sflag:s18], $0xA000  }
0xb0: {  	[sflag:s18] =	ssyncset.done $0x0  }
0xb1: {  	[sflag:s18] =	ssyncadd.s32 $0xFFFF6000  }
0xb2: {  	[tilespmem:s13], [sflag:$0x2] =	stream.indirect.gather [hbm4b:s9+s10], $0x20, s28, s10, $0xb8;
	[tilespmem:$0x1E000] =	vst v63  }
0xb3: {  	_ = 	snop  }
0xb4: {  	[spmem:s2] =	stream.indirect.scatter.add.bf16 [tilespmem:s11], [sflag:$0x3], $0x20, s29, s10, $0xb8;
	[tilespmem:$0x1E000] =	vst v63  }
0xb5: {  	_ =	swait.ge [sflag:s14], $0xA000  }
0xb6: {  	[sflag:s14] =	ssyncset.done $0x0  }
0xb7: {  	[sflag:s14] =	ssyncadd.s32 $0xFFFF6000  }
0xb8: {  	[spmem:s2] =	stream.indirect.scatter.add.bf16 [tilespmem:s13], [sflag:$0x4], $0x20, s30, s10, $0xb8;
	[tilespmem:$0x1E000] =	vst v63  }
0xb9: {  	_ =	swait.ge [sflag:s15], $0xA000  }
0xba: {  	[sflag:s15] =	ssyncset.done $0x0  }
0xbb: {  	[sflag:s15] =	ssyncadd.s32 $0xFFFF6000  }
0xbc: {  	p0 =	sne.s32 s0, $0x1;
	_ =	swait.ge [sflag:s18], $0xA000  }
.Ltmp1:
0xbd: {  	[sflag:s18] =	ssyncset.done $0x0;
	(pc) =	sbr.rel @p0 .LBB2_1-.Ltmp1, $4  }
0xbe: {  	[sflag:s18] =	ssyncadd.s32 $0xFFFF6000  }
0xbf: {  	[bflag:$0x0] =	sbarrier.arrive $0xFFFF  }
0xc0: {  	[hbm:s31], [sflag:s4] =	dma.local [spmem:s6], $0xA00  }
0xc1: {  	s0 =	sadd.s32 $0xFFFFFFFF, s0;
	_ =	swait.ge [sflag:s5], $0xA00  }
.LBB2_2:
0xc2: {  	[sflag:s5] =	ssyncset.done $0x0  }
0xc3: {  	[sflag:s5] =	ssyncadd.s32 $0xFFFFF600  }
0xc4: {  	_ =	sfence.sel $0x180000  }
0xc5: {  	[bflag:$0x0] =	sbarrier.arrive $0xFFFF  }
0xc6: {  	_ =	strace $0x9000004D  }
0xc7: {  	s0 =	stileid.u32;
	[bflag:$0x2] =	sbarrier.arrive $0xFFFF  }
0xc8: {  	p0 =	sne.s32 s0, $0x0;
	s0 =	rddreg [dreg:$0x2]  }
0xc9: {  	s0 =	sadd.s32 @!p0 $0x100000, s0  }
0xca: {  	[sflag:s0] =	ssyncadd.tile.s32 @!p0 $0x1;
	_ =	shalt  }
.Lfunc_end2:
_tile_overlayer_lowered:
.L_overlay_start_2:
0xcb: {  	(tag) =	ssettag $0x2  }
0xcc: {  	s0 =	rddreg [dreg:$0x0];
	s2 =	stileid.u32  }
0xcd: {  	s1 =	rddreg [dreg:$0x1];
	p0 =	sne.s32 s2, $0x0  }
0xce: {  	s3 =	rddreg [dreg:$0x2];
	[bflag:$0x3] =	sbarrier.arrive $0xFFFF;
	s2 =	simm.s32 @!p0 $0x1C05  }
0xcf: {  	[timem:s3], [sflag:s2] =	dma.local @!p0 [hbm:s0], s1  }
0xd0: {  	s0 =	simm.s32 @!p0 $0x5  }
0xd1: {  	_ =	swait.ge @!p0 [sflag:s0], s1  }
0xd2: {  	s1 =	ssub.s32 @!p0 $0x0, s1;
	[sflag:s0] =	ssyncset.done @!p0 $0x0  }
0xd3: {  	[sflag:s0] =	ssyncadd.s32 @!p0 s1  }
0xd4: {  	[bflag:$0x3] =	sbarrier.arrive $0xFFFF  }
0xd5: {  	_ =	shalt  }

// kernel: kernel.21.cloned.1.call-start
scs
__scs_entry_jumppad:
0x0: {  	(pc) =	sbr.rel $0x88, $3  }
0x1: {  	(tag) =	ssettag $0x0;
	lr =	simm.s32 $0x1  }
0x2: {  	[smem:$0x3F94] =	sst lr;
	_ =	strace $0xD0000000  }
0x3: {  	_ = 	snop  }
0x4: {  	_ = 	snop  }
0x5: {  	_ = 	snop  }
0x6: {  	_ = 	snop  }
0x7: {  	_ = 	snop  }
__scs_overlays_trampoline_lowered:
0x8: {  	[smem:$0x3FA3] =	sst s0  }
0x9: {  	[smem:$0x3FA4] =	sst s1  }
0xa: {  	[smem:$0x3FA5] =	sst s2  }
0xb: {  	[smem:$0x3FA6] =	sst s3  }
0xc: {  	[smem:$0x3FA7] =	sst s4  }
0xd: {  	[smem:$0x3FA8] =	sst s5  }
0xe: {  	[smem:$0x3FA9] =	sst s6  }
0xf: {  	[smem:$0x3FAA] =	sst s7  }
0x10: {  	[smem:$0x3FAB] =	sst s8  }
0x11: {  	[smem:$0x3FAC] =	sst s9;
	s0 =	simm.s32 @!p0 $0x0  }
0x12: {  	s1 =	sld [smem:$0x3F92];
	s0 =	simm.s32 @p0 $0x1  }
0x13: {  	[smem:$0x3FAD] =	sst s0;
	s0 =	simm.s32 @!p1 $0x0  }
0x14: {  	s2 =	sld [smem:$0x3F91];
	s0 =	simm.s32 @p1 $0x1  }
0x15: {  	[smem:$0x3FAE] =	sst s0;
	s0 =	simm.s32 @!p2 $0x0  }
0x16: {  	s3 =	sld [smem:$0x3FDB];
	s0 =	simm.s32 @p2 $0x1  }
0x17: {  	s4 =	simm.s32 $0x1BF5;
	[smem:$0x3FB0] =	sst s0  }
0x18: {  	s0 =	sld [smem:$0x3F93];
	_ =	swait.ge [sflag:s4], $0x0  }
0x19: {  	s7 =	sld [smem:$0x3F94]  }
0x1a: {  	s8 =	sadd.s32 $0xFFFFE003, lr  }
0x1b: {  	s9 =	sadd.s32 $0xFFFFFEF7, lr;
	s5 =	simm.s32 $0xFFFFFFFF;
	p2 =	slt.u32 s8, $0xFFFFF086  }
0x1c: {  	p1 =	slt.u32 s9, $0xF7A;
	s5 =	simm.s32 @!p2 $0x0  }
0x1d: {  	s5 =	simm.s32 @p1 $0x1;
	p0 =	seq.s32 s7, s2  }
0x1e: {  	s7 =	smul.u32 @!p0 $0xF7A, s2;
	p2 =	seq.s32 @!p0 s5, $0x0  }
0x1f: {  	s9 =	smul.u32 $0xF7A, s1;
	s8 =	simm.s32 @!p0 $0x1BF5;
	p2 =	por !p2, p0  }
0x20: {  	[sflag:s8] =	ssyncset.s32 @!p0 $0xFFFFF086;
	s6 =	sadd.s32 @!p0 s3, s7;
	s7 =	simm.s32 @!p0 $0x108  }
0x21: {  	s3 =	sadd.s32 s3, s9;
	s6 =	sadd.s32 @!p0 $0x88, s6;
	s7 =	simm.s32 @p2 $0x1082  }
0x22: {  	[simem:s7], [sflag:s8] =	dma.local @!p0 [hbm:s6], $0xF7A  }
0x23: {  	s9 =	sor.u32 $0xD0000000, s2;
	s6 =	simm.s32 $0x108;
	_ =	swait.ge @!p0 [sflag:s8], $0x0  }
0x24: {  	s3 =	sadd.s32 $0x88, s3;
	s6 =	simm.s32 @!p1 $0x1082;
	[sflag:s4] =	ssyncset.s32 $0xFFFFF086  }
0x25: {  	[simem:s6], [sflag:s4] =	dma.local [hbm:s3], $0xF7A  }
0x26: {  	[smem:$0x3F94] =	sst s1;
	(tag) =	ssettag s2;
	_ =	strace s9  }
0x27: {  	s1 =	sld [smem:$0x3FA4]  }
0x28: {  	s2 =	sld [smem:$0x3FA5]  }
0x29: {  	s4 =	sld [smem:$0x3FA7]  }
0x2a: {  	p0 =	seq.s32 s5, $0x0;
	s5 =	sld [smem:$0x3FA8]  }
0x2b: {  	s6 =	sld [smem:$0x3FA9]  }
0x2c: {  	s7 =	sld [smem:$0x3FAA]  }
0x2d: {  	s3 =	simm.s32 $0x108;
	s8 =	sld [smem:$0x3FAB]  }
0x2e: {  	s3 =	simm.s32 @!p0 $0x1082;
	s9 =	sld [smem:$0x3FAC]  }
0x2f: {  	lr =	sadd.s32 s0, s3;
	s0 =	sld [smem:$0x3FA3]  }
0x30: {  	s3 =	sld [smem:$0x3FA6]  }
0x31: {  	[smem:$0x3FAF] =	sst s10  }
0x32: {  	s10 =	sld [smem:$0x3FAD];
	_ =	sdelay $0x3  }
0x33: {  	p0 =	seq.s32 s10, $0x1;
	s10 =	sld [smem:$0x3FAF];
	_ =	sdelay $0x3  }
0x34: {  	[smem:$0x3FAF] =	sst s10  }
0x35: {  	s10 =	sld [smem:$0x3FAE];
	_ =	sdelay $0x3  }
0x36: {  	p1 =	seq.s32 s10, $0x1;
	s10 =	sld [smem:$0x3FAF];
	_ =	sdelay $0x3  }
0x37: {  	[smem:$0x3FAF] =	sst s10  }
0x38: {  	s10 =	sld [smem:$0x3FB0]  }
0x39: {  	_ = 	snop;
	(pc) =	sbr.ind lr, $3  }
0x3a: {  	_ = 	snop  }
0x3b: {  	_ = 	snop  }
0x3c: {  	p2 =	seq.s32 s10, $0x1;
	s10 =	sld [smem:$0x3FAF]  }
0x3d: {  	_ =	shalt  }
0x3e: {  	_ =	shalt  }
0x3f: {  	_ =	shalt  }
0x40: {  	_ =	shalt  }
0x41: {  	_ =	shalt  }
0x42: {  	_ =	shalt  }
0x43: {  	_ =	shalt  }
0x44: {  	_ =	shalt  }
0x45: {  	_ =	shalt  }
0x46: {  	_ =	shalt  }
0x47: {  	_ =	shalt  }
0x48: {  	_ =	shalt  }
0x49: {  	_ =	shalt  }
0x4a: {  	_ =	shalt  }
0x4b: {  	_ =	shalt  }
0x4c: {  	_ =	shalt  }
0x4d: {  	_ =	shalt  }
0x4e: {  	_ =	shalt  }
0x4f: {  	_ =	shalt  }
0x50: {  	_ =	shalt  }
0x51: {  	_ =	shalt  }
0x52: {  	_ =	shalt  }
0x53: {  	_ =	shalt  }
0x54: {  	_ =	shalt  }
0x55: {  	_ =	shalt  }
0x56: {  	_ =	shalt  }
0x57: {  	_ =	shalt  }
0x58: {  	_ =	shalt  }
0x59: {  	_ =	shalt  }
0x5a: {  	_ =	shalt  }
0x5b: {  	_ =	shalt  }
0x5c: {  	_ =	shalt  }
0x5d: {  	_ =	shalt  }
0x5e: {  	_ =	shalt  }
0x5f: {  	_ =	shalt  }
0x60: {  	_ =	shalt  }
0x61: {  	_ =	shalt  }
0x62: {  	_ =	shalt  }
0x63: {  	_ =	shalt  }
0x64: {  	_ =	shalt  }
0x65: {  	_ =	shalt  }
0x66: {  	_ =	shalt  }
0x67: {  	_ =	shalt  }
0x68: {  	_ =	shalt  }
0x69: {  	_ =	shalt  }
0x6a: {  	_ =	shalt  }
0x6b: {  	_ =	shalt  }
0x6c: {  	_ =	shalt  }
0x6d: {  	_ =	shalt  }
0x6e: {  	_ =	shalt  }
0x6f: {  	_ =	shalt  }
0x70: {  	_ =	shalt  }
0x71: {  	_ =	shalt  }
0x72: {  	_ =	shalt  }
0x73: {  	_ =	shalt  }
0x74: {  	_ =	shalt  }
0x75: {  	_ =	shalt  }
0x76: {  	_ =	shalt  }
0x77: {  	_ =	shalt  }
0x78: {  	_ =	shalt  }
0x79: {  	_ =	shalt  }
0x7a: {  	_ =	shalt  }
0x7b: {  	_ =	shalt  }
0x7c: {  	_ =	shalt  }
0x7d: {  	_ =	shalt  }
0x7e: {  	_ =	shalt  }
0x7f: {  	_ =	shalt  }
0x80: {  	_ =	shalt  }
0x81: {  	_ =	shalt  }
0x82: {  	_ =	shalt  }
0x83: {  	_ =	shalt  }
0x84: {  	_ =	shalt  }
0x85: {  	_ =	shalt  }
0x86: {  	_ =	shalt  }
0x87: {  	_ =	shalt  }
.Lfunc_end0:
.L_simem_size_0:
called_computation.3_lowered:
.L_overlay_start_0:
0x88: {  	s2 =	sld [smem:$0x3FD9]  }
0x89: {  	s3 =	sld [smem:$0x3FFE];
	_ =	sdelay $0x1  }
0x8a: {  	s1 =	srdreg.scid  }
0x8b: {  	s0 =	sand.u32 $0x1, s1  }
0x8c: {  	s16 =	sshll.u32 s0, $0xA;
	s2 =	sadd.s32 s3, s2  }
0x8d: {  	s2 =	sadd.s32 s2, s16  }
0x8e: {  	[smem:$0x3FBB] =	sst s2  }
0x8f: {  	_ = 	snop  }
0x90: {  	(tm) =	ssettm $0x1  }
0x91: {  	s17 =	sld [smem:$0x3FFB];
	_ =	sdelay $0x3  }
0x92: {  	_ =	strace s17  }
0x93: {  	s2 =	sld [smem:$0x3FFC];
	_ =	sdelay $0x3  }
0x94: {  	_ =	strace s2  }
0x95: {  	s2 =	sld [smem:$0x3FFD];
	_ =	sdelay $0x3  }
0x96: {  	_ =	strace s2  }
0x97: {  	_ =	strace $0x8FFFFFFF  }
0x98: {  	s18 =	sld [smem:$0x3FDB];
	_ =	sdelay $0x1  }
0x99: {  	s19 =	simm.s32 $_scs_section_size  }
0x9a: {  	s4 =	simm.s32 $_size__tile_overlayer_lowered;
	s5 =	simm.s32 $_tile_overlayer_lowered  }
0x9b: {  	s22 =	simm.s32 $0x1BFF;
	s21 =	sshll.u32 s5, $0x1;
	s2 =	sadd.s32 s19, s18  }
0x9c: {  	s6 =	simm.s32 $0x0;
	s20 =	sshll.u32 s4, $0x1;
	s4 =	sadd.s32 s21, s2  }
0x9d: {  	[timem:s6], [sflag:s22] =	dma.local [hbm:s4], s20  }
0x9e: {  	_ =	swait.ge [sflag:s22], s20  }
0x9f: {  	s3 =	ssub.s32 $0x0, s20;
	[sflag:s22] =	ssyncset.done $0x0  }
0xa0: {  	[sflag:s22] =	ssyncadd.s32 s3;
	_ =	sdelay $0x1  }
0xa1: {  	s23 =	simm.s32 $0x1B8B  }
0xa2: {  	_ =	swait.ge [sflag:s23], $0x1  }
0xa3: {  	[sflag:s23] =	ssyncset.done $0x0  }
0xa4: {  	s25 =	simm.s32 $0x1B8E;
	s24 =	sld [smem:$0x3FFE];
	[sflag:s23] =	ssyncadd.s32 $0xFFFFFFFF  }
0xa5: {  	s26 =	simm.s32 $execute0_lowered;
	[smem:$0x3FD2] =	sst s25  }
0xa6: {  	s4 =	sshll.u32 s26, $0x1;
	_ =	strace $0x8000004F;
	[dreg:$0x1] =	wrdreg $0xFFFFFFFF  }
0xa7: {  	s28 =	simm.s32 $_size_execute0_lowered;
	s2 =	sadd.s32 s2, s4;
	[dreg:$0x0] =	wrdreg $0x0  }
0xa8: {  	s4 =	sshll.u32 s28, $0x1;
	[dreg:$0x2] =	wrdreg s2  }
0xa9: {  	[dreg:$0x3] =	wrdreg s4  }
0xaa: {  	[dreg:$0x4] =	wrdreg $0xC0  }
0xab: {  	_ =	task [dreg:s6], $0x5FFFF  }
0xac: {  	[dreg:$0x1] =	wrdreg $0xFFFFFFFF  }
0xad: {  	[dreg:$0x0] =	wrdreg $0x60  }
0xae: {  	[dreg:$0x2] =	wrdreg s24  }
0xaf: {  	[dreg:$0x3] =	wrdreg $0x190000  }
0xb0: {  	[dreg:$0x4] =	wrdreg $0x9  }
0xb1: {  	_ =	task.clear_ibuf [dreg:s6], $0x5FFFF;
	_ =	strace $0x9000004F  }
0xb2: {  	s29 =	simm.s32 $0x9;
	_ =	strace $0x80000051  }
0xb3: {  	_ =	swait.ge [sflag:s29], $0x1  }
0xb4: {  	[sflag:s29] =	ssyncadd.s32 $0xFFFFFFFF  }
0xb5: {  	_ =	strace $0x90000051  }
0xb6: {  	_ =	sfence  }
0xb7: {  	s30 =	sld [smem:$0x0];
	_ =	sdelay $0x2  }
0xb8: {  	s31 =	sshll.u32 s1, $0xD;
	s1 =	sshrl.u32 s1, $0x2  }
0xb9: {  	s3 =	sand.u32 $0x4000, s31;
	s1 =	sadd.s32 s1, s30  }
0xba: {  	s0 =	sor.u32 s3, s0;
	s1 =	sshll.u32 s1, $0x11  }
0xbb: {  	s0 =	sor.u32 s1, s0  }
0xbc: {  	s0 =	sadd.s32 $0x8F2B, s0  }
0xbd: {  	[sflag:s0] =	ssyncadd.remote.s32 $0x1  }
0xbe: {  	_ =	sfence.sel $0xFFFF  }
0xbf: {  	[dreg:$0x0] =	wrdreg $0xFFFFFFFF;
	(pc) =	sbr.abs _section_cstart, $3  }
0xc0: {  	[dreg:$0x1] =	wrdreg $0xFFFFFFFF  }
0xc1: {  	_ =	task.clear_ibuf [dreg:s6], $0x2FFFF;
	_ =	strace $0x9FFFFFFF  }
0xc2: {  	(tm) =	ssettm $0x7FFFFFFF  }
0xc3: {  	_ =	shalt  }
tec
execute0_lowered:
.L_overlay_start_1:
0x0: {  	(tag) =	ssettag $0x1  }
0x1: {  	s1 =	srdreg.scid  }
0x2: {  	s31 =	sand.u32 $0x1, s1  }
0x3: {  	s0 =	stileid.u32;
	s1 =	sshll.u32 s31, $0x4  }
0x4: {  	s9 =	rddreg [dreg:$0x0];
	s1 =	sor.u32 s0, s1  }
0x5: {  	s2 =	rddreg [dreg:$0x1];
	s3 =	simm.s32 $0x0;
	s4 =	smul.u32 $0x500, s1  }
0x6: {  	[smem:$0x7FF] =	sst s3;
	s5 =	sadd.s32 $0x23400, s9;
	s1 =	smul.u32 $0xA000, s0  }
0x7: {  	s25 =	sshll.u32 s0, $0x6;
	_ =	strace $0x80000050;
	[dreg:$0x3] =	wrdreg s5  }
0x8: {  	s5 =	simm.s32 $0x5;
	s7 =	sadd.s32 s4, s9;
	s24 =	sshrl.u32 s1, $0x1  }
0x9: {  	s8 =	rddreg [dreg:$0x3];
	s6 =	sadd.s32 s24, s2;
	s26 =	sadd.s32 $0x19400, s7  }
0xa: {  	s4 =	sor.u32 $0x1C05, s25;
	[dreg:$0x4] =	wrdreg s26;
	s6 =	sshrl.u32 s6, $0x3  }
0xb: {  	[spmem:s6], [sflag:s4] =	dma.local [hbm:s8], $0xA00  }
0xc: {  	_ =	swait.ge [sflag:s5], $0xA00  }
0xd: {  	[sflag:s5] =	ssyncset.done $0x0  }
0xe: {  	s0 =	rddreg [dreg:$0x4];
	[sflag:s5] =	ssyncadd.s32 $0xFFFFF600  }
0xf: {  	[tilespmem:s3], [sflag:$0x5] =	stream.linear.gather [hbm4b:s0+s3], $0x2800, $0x38;
	[tilespmem:$0x1E000] =	vst v63  }
0x10: {  	_ =	swait.ge [sflag:s5], $0x2800  }
0x11: {  	[sflag:s5] =	ssyncset.done $0x0  }
0x12: {  	s7 =	sadd.s32 $0x4400, s7;
	s8 =	simm.s32 $0x2800;
	[sflag:s5] =	ssyncadd.s32 $0xFFFFD800  }
0x13: {  	[tilespmem:s8], [sflag:$0x5] =	stream.linear.gather [hbm4b:s7+s3], $0x2800, $0x38;
	[tilespmem:$0x1E000] =	vst v63  }
0x14: {  	_ =	swait.ge [sflag:s5], $0x2800  }
0x15: {  	[sflag:s5] =	ssyncset.done $0x0  }
0x16: {  	s10 =	simm.s32 $0x500;
	s11 =	simm.s32 $0x5000;
	[sflag:s5] =	ssyncadd.s32 $0xFFFFD800  }
0x17: {  	s12 =	simm.s32 $0x1;
	s9 =	sadd.s32 $0xE400, s9;
	[bflag:$0x0] =	sbarrier.arrive $0xFFFF  }
0x18: {  	[tilespmem:s11], [sflag:$0x1] =	stream.indirect.gather [hbm4b:s9+s10], $0x20, s3, s10, $0xb8;
	[tilespmem:$0x1E000] =	vst v63  }
0x19: {  	_ =	swait.ge [sflag:s12], $0xA000  }
0x1a: {  	[sflag:s12] =	ssyncset.done $0x0  }
0x1b: {  	s13 =	simm.s32 $0xF000;
	[sflag:s12] =	ssyncadd.s32 $0xFFFF6000  }
0x1c: {  	[tilespmem:s13], [sflag:$0x2] =	stream.indirect.gather [hbm4b:s9+s10], $0x20, s10, s10, $0xb8;
	[tilespmem:$0x1E000] =	vst v63  }
0x1d: {  	s14 =	simm.s32 $0x2  }
0x1e: {  	[spmem:s2] =	stream.indirect.scatter.add.bf16 [tilespmem:s11], [sflag:$0x3], $0x20, s8, s10, $0xb8;
	[tilespmem:$0x1E000] =	vst v63  }
0x1f: {  	_ =	swait.ge [sflag:s14], $0xA000  }
0x20: {  	[sflag:s14] =	ssyncset.done $0x0  }
0x21: {  	s15 =	simm.s32 $0x3;
	[sflag:s14] =	ssyncadd.s32 $0xFFFF6000  }
0x22: {  	_ =	swait.ge [sflag:s15], $0xA000  }
0x23: {  	[sflag:s15] =	ssyncset.done $0x0  }
0x24: {  	s16 =	simm.s32 $0xA00;
	[sflag:s15] =	ssyncadd.s32 $0xFFFF6000  }
0x25: {  	[tilespmem:s11], [sflag:$0x1] =	stream.indirect.gather [hbm4b:s9+s10], $0x20, s16, s10, $0xb8;
	[tilespmem:$0x1E000] =	vst v63  }
0x26: {  	s17 =	simm.s32 $0x2D00  }
0x27: {  	[spmem:s2] =	stream.indirect.scatter.add.bf16 [tilespmem:s13], [sflag:$0x4], $0x20, s17, s10, $0xb8;
	[tilespmem:$0x1E000] =	vst v63  }
0x28: {  	_ =	swait.ge [sflag:s12], $0xA000  }
0x29: {  	[sflag:s12] =	ssyncset.done $0x0  }
0x2a: {  	s18 =	simm.s32 $0x4;
	[sflag:s12] =	ssyncadd.s32 $0xFFFF6000  }
0x2b: {  	_ =	swait.ge [sflag:s18], $0xA000  }
0x2c: {  	[sflag:s18] =	ssyncset.done $0x0  }
0x2d: {  	s19 =	simm.s32 $0xF00;
	[sflag:s18] =	ssyncadd.s32 $0xFFFF6000  }
0x2e: {  	[tilespmem:s13], [sflag:$0x2] =	stream.indirect.gather [hbm4b:s9+s10], $0x20, s19, s10, $0xb8;
	[tilespmem:$0x1E000] =	vst v63  }
0x2f: {  	s20 =	simm.s32 $0x3200  }
0x30: {  	[spmem:s2] =	stream.indirect.scatter.add.bf16 [tilespmem:s11], [sflag:$0x3], $0x20, s20, s10, $0xb8;
	[tilespmem:$0x1E000] =	vst v63  }
0x31: {  	_ =	swait.ge [sflag:s14], $0xA000  }
0x32: {  	[sflag:s14] =	ssyncset.done $0x0  }
0x33: {  	[sflag:s14] =	ssyncadd.s32 $0xFFFF6000  }
0x34: {  	_ =	swait.ge [sflag:s15], $0xA000  }
0x35: {  	[sflag:s15] =	ssyncset.done $0x0  }
0x36: {  	s21 =	simm.s32 $0x1400;
	[sflag:s15] =	ssyncadd.s32 $0xFFFF6000  }
0x37: {  	[tilespmem:s11], [sflag:$0x1] =	stream.indirect.gather [hbm4b:s9+s10], $0x20, s21, s10, $0xb8;
	[tilespmem:$0x1E000] =	vst v63  }
0x38: {  	s22 =	simm.s32 $0x3700  }
0x39: {  	[spmem:s2] =	stream.indirect.scatter.add.bf16 [tilespmem:s13], [sflag:$0x4], $0x20, s22, s10, $0xb8;
	[tilespmem:$0x1E000] =	vst v63  }
0x3a: {  	_ =	swait.ge [sflag:s12], $0xA000  }
0x3b: {  	[sflag:s12] =	ssyncset.done $0x0  }
0x3c: {  	[sflag:s12] =	ssyncadd.s32 $0xFFFF6000  }
0x3d: {  	_ =	swait.ge [sflag:s18], $0xA000  }
0x3e: {  	[sflag:s18] =	ssyncset.done $0x0  }
0x3f: {  	s23 =	simm.s32 $0x1900;
	[sflag:s18] =	ssyncadd.s32 $0xFFFF6000  }
0x40: {  	[tilespmem:s13], [sflag:$0x2] =	stream.indirect.gather [hbm4b:s9+s10], $0x20, s23, s10, $0xb8;
	[tilespmem:$0x1E000] =	vst v63  }
0x41: {  	s24 =	simm.s32 $0x3C00  }
0x42: {  	[spmem:s2] =	stream.indirect.scatter.add.bf16 [tilespmem:s11], [sflag:$0x3], $0x20, s24, s10, $0xb8;
	[tilespmem:$0x1E000] =	vst v63  }
0x43: {  	_ =	swait.ge [sflag:s14], $0xA000  }
0x44: {  	[sflag:s14] =	ssyncset.done $0x0  }
0x45: {  	[sflag:s14] =	ssyncadd.s32 $0xFFFF6000  }
0x46: {  	_ =	swait.ge [sflag:s15], $0xA000  }
0x47: {  	[sflag:s15] =	ssyncset.done $0x0  }
0x48: {  	s25 =	simm.s32 $0x1E00;
	[sflag:s15] =	ssyncadd.s32 $0xFFFF6000  }
0x49: {  	[tilespmem:s11], [sflag:$0x1] =	stream.indirect.gather [hbm4b:s9+s10], $0x20, s25, s10, $0xb8;
	[tilespmem:$0x1E000] =	vst v63  }
0x4a: {  	s26 =	simm.s32 $0x4100  }
0x4b: {  	[spmem:s2] =	stream.indirect.scatter.add.bf16 [tilespmem:s13], [sflag:$0x4], $0x20, s26, s10, $0xb8;
	[tilespmem:$0x1E000] =	vst v63  }
0x4c: {  	_ =	swait.ge [sflag:s12], $0xA000  }
0x4d: {  	[sflag:s12] =	ssyncset.done $0x0  }
0x4e: {  	[sflag:s12] =	ssyncadd.s32 $0xFFFF6000  }
0x4f: {  	_ =	swait.ge [sflag:s18], $0xA000  }
0x50: {  	[sflag:s18] =	ssyncset.done $0x0  }
0x51: {  	s28 =	simm.s32 $0x2300;
	[sflag:s18] =	ssyncadd.s32 $0xFFFF6000  }
0x52: {  	[tilespmem:s13], [sflag:$0x2] =	stream.indirect.gather [hbm4b:s9+s10], $0x20, s28, s10, $0xb8;
	[tilespmem:$0x1E000] =	vst v63  }
0x53: {  	s29 =	simm.s32 $0x4600  }
0x54: {  	[spmem:s2] =	stream.indirect.scatter.add.bf16 [tilespmem:s11], [sflag:$0x3], $0x20, s29, s10, $0xb8;
	[tilespmem:$0x1E000] =	vst v63  }
0x55: {  	_ =	swait.ge [sflag:s14], $0xA000  }
0x56: {  	[sflag:s14] =	ssyncset.done $0x0  }
0x57: {  	s30 =	simm.s32 $0x4B00;
	s0 =	smul.u32 $0xA0000, s31;
	[sflag:s14] =	ssyncadd.s32 $0xFFFF6000  }
0x58: {  	[spmem:s2] =	stream.indirect.scatter.add.bf16 [tilespmem:s13], [sflag:$0x4], $0x20, s30, s10, $0xb8;
	[tilespmem:$0x1E000] =	vst v63  }
0x59: {  	_ =	swait.ge [sflag:s15], $0xA000  }
0x5a: {  	s0 =	sadd.s32 s1, s0;
	[sflag:s15] =	ssyncset.done $0x0  }
0x5b: {  	s1 =	ssub.s32 $0x2, s31;
	s0 =	sshrl.u32 s0, $0x4;
	[sflag:s15] =	ssyncadd.s32 $0xFFFF6000  }
0x5c: {  	_ =	swait.ge [sflag:s18], $0xA000;
	[dreg:$0x5] =	wrdreg s0;
	s0 =	sshrl.u32 s1, $0x1  }
0x5d: {  	[dreg:$0x6] =	wrdreg s0  }
0x5e: {  	[sflag:s18] =	ssyncset.done $0x0;
	s31 =	rddreg [dreg:$0x5]  }
0x5f: {  	s0 =	rddreg [dreg:$0x0]  }
0x60: {  	s0 =	sadd.s32 s31, s0;
	s31 =	rddreg [dreg:$0x6]  }
0x61: {  	s1 =	ssub.s32 s1, s31  }
0x62: {  	s1 =	smax.u32 s1, $0x1  }
0x63: {  	p0 =	sne.s32 s1, $0x1  }
.Ltmp0:
0x64: {  	_ = 	snop;
	(pc) =	sbr.rel @!p0 .LBB2_2-.Ltmp0, $4  }
0x65: {  	[sflag:s18] =	ssyncadd.s32 $0xFFFF6000  }
0x66: {  	[bflag:$0x0] =	sbarrier.arrive $0xFFFF;
	s31 =	sadd.s32 $0x23E00, s0  }
0x67: {  	[hbm:s31], [sflag:s4] =	dma.local [spmem:s6], $0xA00  }
0x68: {  	s0 =	sadd.s32 $0xFFFFFFFF, s1;
	_ =	swait.ge [sflag:s5], $0xA00  }
.LBB2_1:
0x69: {  	[sflag:s5] =	ssyncset.done $0x0  }
0x6a: {  	s1 =	rddreg [dreg:$0x3];
	[sflag:s5] =	ssyncadd.s32 $0xFFFFF600  }
0x6b: {  	[spmem:s6], [sflag:s4] =	dma.local [hbm:s1], $0xA00  }
0x6c: {  	_ =	swait.ge [sflag:s5], $0xA00  }
0x6d: {  	[sflag:s5] =	ssyncset.done $0x0  }
0x6e: {  	s1 =	rddreg [dreg:$0x4];
	[sflag:s5] =	ssyncadd.s32 $0xFFFFF600  }
0x6f: {  	[tilespmem:s3], [sflag:$0x5] =	stream.linear.gather [hbm4b:s1+s3], $0x2800, $0x38;
	[tilespmem:$0x1E000] =	vst v63  }
0x70: {  	_ =	swait.ge [sflag:s5], $0x2800  }
0x71: {  	[sflag:s5] =	ssyncset.done $0x0  }
0x72: {  	[sflag:s5] =	ssyncadd.s32 $0xFFFFD800  }
0x73: {  	[tilespmem:s8], [sflag:$0x5] =	stream.linear.gather [hbm4b:s7+s3], $0x2800, $0x38;
	[tilespmem:$0x1E000] =	vst v63  }
0x74: {  	_ =	swait.ge [sflag:s5], $0x2800  }
0x75: {  	[sflag:s5] =	ssyncset.done $0x0  }
0x76: {  	[sflag:s5] =	ssyncadd.s32 $0xFFFFD800  }
0x77: {  	[bflag:$0x0] =	sbarrier.arrive $0xFFFF  }
0x78: {  	[tilespmem:s11], [sflag:$0x1] =	stream.indirect.gather [hbm4b:s9+s10], $0x20, s3, s10, $0xb8;
	[tilespmem:$0x1E000] =	vst v63  }
0x79: {  	_ =	swait.ge [sflag:s12], $0xA000  }
0x7a: {  	[sflag:s12] =	ssyncset.done $0x0  }
0x7b: {  	[sflag:s12] =	ssyncadd.s32 $0xFFFF6000  }
0x7c: {  	[tilespmem:s13], [sflag:$0x2] =	stream.indirect.gather [hbm4b:s9+s10], $0x20, s10, s10, $0xb8;
	[tilespmem:$0x1E000] =	vst v63  }
0x7d: {  	_ = 	snop  }
0x7e: {  	[spmem:s2] =	stream.indirect.scatter.add.bf16 [tilespmem:s11], [sflag:$0x3], $0x20, s8, s10, $0xb8;
	[tilespmem:$0x1E000] =	vst v63  }
0x7f: {  	_ =	swait.ge [sflag:s14], $0xA000  }
0x80: {  	[sflag:s14] =	ssyncset.done $0x0  }
0x81: {  	[sflag:s14] =	ssyncadd.s32 $0xFFFF6000  }
0x82: {  	_ =	swait.ge [sflag:s15], $0xA000  }
0x83: {  	[sflag:s15] =	ssyncset.done $0x0  }
0x84: {  	[sflag:s15] =	ssyncadd.s32 $0xFFFF6000  }
0x85: {  	[tilespmem:s11], [sflag:$0x1] =	stream.indirect.gather [hbm4b:s9+s10], $0x20, s16, s10, $0xb8;
	[tilespmem:$0x1E000] =	vst v63  }
0x86: {  	_ = 	snop  }
0x87: {  	[spmem:s2] =	stream.indirect.scatter.add.bf16 [tilespmem:s13], [sflag:$0x4], $0x20, s17, s10, $0xb8;
	[tilespmem:$0x1E000] =	vst v63  }
0x88: {  	_ =	swait.ge [sflag:s12], $0xA000  }
0x89: {  	[sflag:s12] =	ssyncset.done $0x0  }
0x8a: {  	[sflag:s12] =	ssyncadd.s32 $0xFFFF6000  }
0x8b: {  	_ =	swait.ge [sflag:s18], $0xA000  }
0x8c: {  	[sflag:s18] =	ssyncset.done $0x0  }
0x8d: {  	[sflag:s18] =	ssyncadd.s32 $0xFFFF6000  }
0x8e: {  	[tilespmem:s13], [sflag:$0x2] =	stream.indirect.gather [hbm4b:s9+s10], $0x20, s19, s10, $0xb8;
	[tilespmem:$0x1E000] =	vst v63  }
0x8f: {  	_ = 	snop  }
0x90: {  	[spmem:s2] =	stream.indirect.scatter.add.bf16 [tilespmem:s11], [sflag:$0x3], $0x20, s20, s10, $0xb8;
	[tilespmem:$0x1E000] =	vst v63  }
0x91: {  	_ =	swait.ge [sflag:s14], $0xA000  }
0x92: {  	[sflag:s14] =	ssyncset.done $0x0  }
0x93: {  	[sflag:s14] =	ssyncadd.s32 $0xFFFF6000  }
0x94: {  	_ =	swait.ge [sflag:s15], $0xA000  }
0x95: {  	[sflag:s15] =	ssyncset.done $0x0  }
0x96: {  	[sflag:s15] =	ssyncadd.s32 $0xFFFF6000  }
0x97: {  	[tilespmem:s11], [sflag:$0x1] =	stream.indirect.gather [hbm4b:s9+s10], $0x20, s21, s10, $0xb8;
	[tilespmem:$0x1E000] =	vst v63  }
0x98: {  	_ = 	snop  }
0x99: {  	[spmem:s2] =	stream.indirect.scatter.add.bf16 [tilespmem:s13], [sflag:$0x4], $0x20, s22, s10, $0xb8;
	[tilespmem:$0x1E000] =	vst v63  }
0x9a: {  	_ =	swait.ge [sflag:s12], $0xA000  }
0x9b: {  	[sflag:s12] =	ssyncset.done $0x0  }
0x9c: {  	[sflag:s12] =	ssyncadd.s32 $0xFFFF6000  }
0x9d: {  	_ =	swait.ge [sflag:s18], $0xA000  }
0x9e: {  	[sflag:s18] =	ssyncset.done $0x0  }
0x9f: {  	[sflag:s18] =	ssyncadd.s32 $0xFFFF6000  }
0xa0: {  	[tilespmem:s13], [sflag:$0x2] =	stream.indirect.gather [hbm4b:s9+s10], $0x20, s23, s10, $0xb8;
	[tilespmem:$0x1E000] =	vst v63  }
0xa1: {  	_ = 	snop  }
0xa2: {  	[spmem:s2] =	stream.indirect.scatter.add.bf16 [tilespmem:s11], [sflag:$0x3], $0x20, s24, s10, $0xb8;
	[tilespmem:$0x1E000] =	vst v63  }
0xa3: {  	_ =	swait.ge [sflag:s14], $0xA000  }
0xa4: {  	[sflag:s14] =	ssyncset.done $0x0  }
0xa5: {  	[sflag:s14] =	ssyncadd.s32 $0xFFFF6000  }
0xa6: {  	_ =	swait.ge [sflag:s15], $0xA000  }
0xa7: {  	[sflag:s15] =	ssyncset.done $0x0  }
0xa8: {  	[sflag:s15] =	ssyncadd.s32 $0xFFFF6000  }
0xa9: {  	[tilespmem:s11], [sflag:$0x1] =	stream.indirect.gather [hbm4b:s9+s10], $0x20, s25, s10, $0xb8;
	[tilespmem:$0x1E000] =	vst v63  }
0xaa: {  	_ = 	snop  }
0xab: {  	[spmem:s2] =	stream.indirect.scatter.add.bf16 [tilespmem:s13], [sflag:$0x4], $0x20, s26, s10, $0xb8;
	[tilespmem:$0x1E000] =	vst v63  }
0xac: {  	_ =	swait.ge [sflag:s12], $0xA000  }
0xad: {  	[sflag:s12] =	ssyncset.done $0x0  }
0xae: {  	[sflag:s12] =	ssyncadd.s32 $0xFFFF6000  }
0xaf: {  	_ =	swait.ge [sflag:s18], $0xA000  }
0xb0: {  	[sflag:s18] =	ssyncset.done $0x0  }
0xb1: {  	[sflag:s18] =	ssyncadd.s32 $0xFFFF6000  }
0xb2: {  	[tilespmem:s13], [sflag:$0x2] =	stream.indirect.gather [hbm4b:s9+s10], $0x20, s28, s10, $0xb8;
	[tilespmem:$0x1E000] =	vst v63  }
0xb3: {  	_ = 	snop  }
0xb4: {  	[spmem:s2] =	stream.indirect.scatter.add.bf16 [tilespmem:s11], [sflag:$0x3], $0x20, s29, s10, $0xb8;
	[tilespmem:$0x1E000] =	vst v63  }
0xb5: {  	_ =	swait.ge [sflag:s14], $0xA000  }
0xb6: {  	[sflag:s14] =	ssyncset.done $0x0  }
0xb7: {  	[sflag:s14] =	ssyncadd.s32 $0xFFFF6000  }
0xb8: {  	[spmem:s2] =	stream.indirect.scatter.add.bf16 [tilespmem:s13], [sflag:$0x4], $0x20, s30, s10, $0xb8;
	[tilespmem:$0x1E000] =	vst v63  }
0xb9: {  	_ =	swait.ge [sflag:s15], $0xA000  }
0xba: {  	[sflag:s15] =	ssyncset.done $0x0  }
0xbb: {  	[sflag:s15] =	ssyncadd.s32 $0xFFFF6000  }
0xbc: {  	p0 =	sne.s32 s0, $0x1;
	_ =	swait.ge [sflag:s18], $0xA000  }
.Ltmp1:
0xbd: {  	[sflag:s18] =	ssyncset.done $0x0;
	(pc) =	sbr.rel @p0 .LBB2_1-.Ltmp1, $4  }
0xbe: {  	[sflag:s18] =	ssyncadd.s32 $0xFFFF6000  }
0xbf: {  	[bflag:$0x0] =	sbarrier.arrive $0xFFFF  }
0xc0: {  	[hbm:s31], [sflag:s4] =	dma.local [spmem:s6], $0xA00  }
0xc1: {  	s0 =	sadd.s32 $0xFFFFFFFF, s0;
	_ =	swait.ge [sflag:s5], $0xA00  }
.LBB2_2:
0xc2: {  	[sflag:s5] =	ssyncset.done $0x0  }
0xc3: {  	[sflag:s5] =	ssyncadd.s32 $0xFFFFF600  }
0xc4: {  	_ =	sfence.sel $0x180000  }
0xc5: {  	[bflag:$0x0] =	sbarrier.arrive $0xFFFF  }
0xc6: {  	_ =	strace $0x90000050  }
0xc7: {  	s0 =	stileid.u32;
	[bflag:$0x2] =	sbarrier.arrive $0xFFFF  }
0xc8: {  	p0 =	sne.s32 s0, $0x0;
	s0 =	rddreg [dreg:$0x2]  }
0xc9: {  	s0 =	sadd.s32 @!p0 $0x100000, s0  }
0xca: {  	[sflag:s0] =	ssyncadd.tile.s32 @!p0 $0x1;
	_ =	shalt  }
.Lfunc_end2:
_tile_overlayer_lowered:
.L_overlay_start_2:
0xcb: {  	(tag) =	ssettag $0x2  }
0xcc: {  	s0 =	rddreg [dreg:$0x0];
	s2 =	stileid.u32  }
0xcd: {  	s1 =	rddreg [dreg:$0x1];
	p0 =	sne.s32 s2, $0x0  }
0xce: {  	s3 =	rddreg [dreg:$0x2];
	[bflag:$0x3] =	sbarrier.arrive $0xFFFF;
	s2 =	simm.s32 @!p0 $0x1C05  }
0xcf: {  	[timem:s3], [sflag:s2] =	dma.local @!p0 [hbm:s0], s1  }
0xd0: {  	s0 =	simm.s32 @!p0 $0x5  }
0xd1: {  	_ =	swait.ge @!p0 [sflag:s0], s1  }
0xd2: {  	s1 =	ssub.s32 @!p0 $0x0, s1;
	[sflag:s0] =	ssyncset.done @!p0 $0x0  }
0xd3: {  	[sflag:s0] =	ssyncadd.s32 @!p0 s1  }
0xd4: {  	[bflag:$0x3] =	sbarrier.arrive $0xFFFF  }
0xd5: {  	_ =	shalt  }

</sc_bundles>
